<compile_context>
chip_gen: v7x
topology: tpu7x:2x2x1
jax: 0.10.2.dev20260603
libtpu: 0.0.44.dev20260713+nightly
codegen_flags: <defaults>
</compile_context>

<pallas_src>
import jax
import jax.numpy as jnp
from jax import lax
from jax.experimental import pallas as pl
from jax.experimental.pallas import tpu as pltpu
from jax.experimental.pallas import tpu_sc as plsc

N_SRC = 10000
N_DST = 10000
E = 160000
SRC_DIMS = 256
DST_DIMS = 256
HID = 128
HEADS = 4
HH = HEADS * HID

NW = 32
W = 120
NWIN = 44
EPW = W * NWIN
EPAD = NW * EPW
NTILES = 16
NPAD = 10240
STRIPE = NPAD // NTILES
ZW = 80
EB = 960
RB = 1000

_MESH = plsc.VectorSubcoreMesh(core_axis_name="c", subcore_axis_name="s",
                               num_cores=2, num_subcores=16)


def _pack(x):
    lo = lax.bitcast_convert_type(x[:, :HH // 2], jnp.int32)
    hi = lax.bitcast_convert_type(x[:, HH // 2:], jnp.int32)
    plo = (lo + 0x8000) & jnp.int32(-65536)
    phi = lax.shift_right_logical(hi + 0x8000, 16)
    return plo | phi


def _unpack(p):
    lo = lax.bitcast_convert_type(p & jnp.int32(-65536), jnp.float32)
    hi = lax.bitcast_convert_type(lax.shift_left(p, 16), jnp.float32)
    return jnp.concatenate([lo, hi], axis=1)


def _dense_body(sx, dx, ws, bs, wd, bd, wl, bl, wr, br, de_o, xl_o, xr_o):
    se = jax.nn.relu(jnp.dot(sx[...], ws[...], preferred_element_type=jnp.float32) + bs[...])
    de = jax.nn.relu(jnp.dot(dx[...], wd[...], preferred_element_type=jnp.float32) + bd[...])
    de_o[...] = de
    xl = jnp.dot(se, wl[...], preferred_element_type=jnp.float32) + bl[...]
    xr = jnp.dot(de, wr[...], preferred_element_type=jnp.float32) + br[...]
    xl_o[...] = _pack(xl)
    xr_o[...] = _pack(xr)


def _dense(src_x, dst_x, W_src, b_src, W_dst, b_dst, W_l, b_l, W_r, b_r):
    full = lambda shape: pl.BlockSpec(shape, lambda i: (0,) * len(shape))
    return pl.pallas_call(
        _dense_body,
        grid=(N_SRC // RB,),
        in_specs=[
            pl.BlockSpec((RB, SRC_DIMS), lambda i: (i, 0)),
            pl.BlockSpec((RB, DST_DIMS), lambda i: (i, 0)),
            full((SRC_DIMS, HID)), full((1, HID)),
            full((DST_DIMS, HID)), full((1, HID)),
            full((HID, HH)), full((1, HH)),
            full((HID, HH)), full((1, HH)),
        ],
        out_specs=[
            pl.BlockSpec((RB, HID), lambda i: (i, 0)),
            pl.BlockSpec((RB, HH // 2), lambda i: (i, 0)),
            pl.BlockSpec((RB, HH // 2), lambda i: (i, 0)),
        ],
        out_shape=[
            jax.ShapeDtypeStruct((N_DST, HID), jnp.float32),
            jax.ShapeDtypeStruct((N_SRC, HH // 2), jnp.int32),
            jax.ShapeDtypeStruct((N_DST, HH // 2), jnp.int32),
        ],
    )(src_x, dst_x, W_src, b_src.reshape(1, HID), W_dst, b_dst.reshape(1, HID),
      W_l, b_l.reshape(1, HH), W_r, b_r.reshape(1, HH))


def _sc_gather_body(xl_hbm, xr_hbm, si_hbm, di_hbm, xls_hbm, xrs_hbm,
                    idx0, idx1, buf0, buf1, gsem0, gsem1, wsem0, wsem1):
    c = lax.axis_index("c")
    s = lax.axis_index("s")
    wid = s * 2 + c
    ebase = pl.multiple_of(wid * EPW, 8)
    pltpu.sync_copy(si_hbm.at[pl.ds(ebase, EPW)], idx0)
    pltpu.sync_copy(di_hbm.at[pl.ds(ebase, EPW)], idx1)

    def win(w, carry):
        base = pl.multiple_of(ebase + w * W, 8)
        dst0 = xls_hbm.at[pl.ds(base, W), :]
        dst1 = xrs_hbm.at[pl.ds(base, W), :]

        @pl.when(w > 0)
        def _():
            pltpu.make_async_copy(buf0, dst0, wsem0).wait()
            pltpu.make_async_copy(buf1, dst1, wsem1).wait()

        g0 = pltpu.async_copy(xl_hbm.at[idx0.at[pl.ds(w * W, W)]], buf0, gsem0)
        g1 = pltpu.async_copy(xr_hbm.at[idx1.at[pl.ds(w * W, W)]], buf1, gsem1)
        g0.wait()
        pltpu.async_copy(buf0, dst0, wsem0)
        g1.wait()
        pltpu.async_copy(buf1, dst1, wsem1)
        return carry

    lax.fori_loop(0, NWIN, win, 0)
    last = pl.multiple_of(wid * EPW + (NWIN - 1) * W, 8)
    pltpu.make_async_copy(buf0, xls_hbm.at[pl.ds(last, W), :], wsem0).wait()
    pltpu.make_async_copy(buf1, xrs_hbm.at[pl.ds(last, W), :], wsem1).wait()


_sc_gather = pl.kernel(
    _sc_gather_body,
    out_type=[
        jax.ShapeDtypeStruct((EPAD, HH // 2), jnp.int32),
        jax.ShapeDtypeStruct((EPAD, HH // 2), jnp.int32),
    ],
    mesh=_MESH,
    scratch_types=[
        pltpu.VMEM((EPW,), jnp.int32),
        pltpu.VMEM((EPW,), jnp.int32),
        pltpu.VMEM((W, HH // 2), jnp.int32),
        pltpu.VMEM((W, HH // 2), jnp.int32),
        pltpu.SemaphoreType.DMA,
        pltpu.SemaphoreType.DMA,
        pltpu.SemaphoreType.DMA,
        pltpu.SemaphoreType.DMA,
    ],
)


def _alpha_body(xls, xrs, att, ex_o, msg_o):
    pid = pl.program_id(0)
    xlv = _unpack(xls[...])
    xrv = _unpack(xrs[...])
    eid = pid * EB + lax.broadcasted_iota(jnp.int32, (EB, 1), 0)
    live = eid < E
    cols = []
    pieces = []
    for h in range(HEADS):
        xlh = xlv[:, h * HID:(h + 1) * HID]
        x = xlh + xrv[:, h * HID:(h + 1) * HID]
        x = jnp.where(x > 0, x, 0.2 * x)
        a = jnp.sum(x * att[h, :][None, :], axis=1, keepdims=True)
        ex = jnp.where(live, jnp.exp(a), 0.0)
        cols.append(ex)
        pieces.append(xlh * ex)
    ex_o[...] = jnp.concatenate(cols + [jnp.zeros((EB, HID - HEADS), jnp.float32)], axis=1)
    msg_o[...] = jnp.concatenate(pieces, axis=1)


def _alpha(xls, xrs, att):
    return pl.pallas_call(
        _alpha_body,
        grid=(EPAD // EB,),
        in_specs=[
            pl.BlockSpec((EB, HH // 2), lambda i: (i, 0)),
            pl.BlockSpec((EB, HH // 2), lambda i: (i, 0)),
            pl.BlockSpec((HEADS, HID), lambda i: (0, 0)),
        ],
        out_specs=[
            pl.BlockSpec((EB, HID), lambda i: (i, 0)),
            pl.BlockSpec((EB, HH), lambda i: (i, 0)),
        ],
        out_shape=[
            jax.ShapeDtypeStruct((EPAD, HID), jnp.float32),
            jax.ShapeDtypeStruct((EPAD, HH), jnp.float32),
        ],
    )(xls, xrs, att)


def _sc_denom_body(exa_hbm, di_hbm, den_hbm, den_sp,
                   ex0, ex1, ix0, ix1, ssem0, ssem1):
    c = lax.axis_index("c")
    s = lax.axis_index("s")
    wid2 = c * NTILES + s
    z = jnp.zeros((16,), jnp.float32)

    def zrow(i, carry):
        for j in range(HID // 16):
            ex0[i, pl.ds(j * 16, 16)] = z
        return carry

    lax.fori_loop(0, ZW, zrow, 0)
    for k in range(STRIPE // ZW):
        pltpu.sync_copy(ex0.at[pl.ds(0, ZW)], den_sp.at[pl.ds(s * STRIPE + k * ZW, ZW)])
    plsc.subcore_barrier()

    def win(w2, carry):
        for j, (exb, ixb, ssem) in ((0, (ex0, ix0, ssem0)), (1, (ex1, ix1, ssem1))):
            base = pl.multiple_of(wid2 * EPW + (w2 * 2 + j) * W, 8)

            @pl.when(w2 > 0)
            def _():
                pltpu.make_async_copy(exb, den_sp.at[ixb], ssem).wait()

            pltpu.sync_copy(exa_hbm.at[pl.ds(base, W), :], exb)
            pltpu.sync_copy(di_hbm.at[pl.ds(base, W)], ixb)
            pltpu.async_copy(exb, den_sp.at[ixb], ssem, add=True)
        return carry

    lax.fori_loop(0, NWIN // 2, win, 0)
    pltpu.make_async_copy(ex0, den_sp.at[ix0], ssem0).wait()
    pltpu.make_async_copy(ex1, den_sp.at[ix1], ssem1).wait()
    plsc.subcore_barrier()
    pltpu.sync_copy(den_sp.at[pl.ds(s * STRIPE, STRIPE)],
                    den_hbm.at[c, pl.ds(s * STRIPE, STRIPE), :])


_sc_denom = pl.kernel(
    _sc_denom_body,
    out_type=jax.ShapeDtypeStruct((2, NPAD, HID), jnp.float32),
    mesh=_MESH,
    scratch_types=[
        pltpu.VMEM_SHARED((NPAD, HID), jnp.float32),
        pltpu.VMEM((W, HID), jnp.float32),
        pltpu.VMEM((W, HID), jnp.float32),
        pltpu.VMEM((W,), jnp.int32),
        pltpu.VMEM((W,), jnp.int32),
        pltpu.SemaphoreType.DMA,
        pltpu.SemaphoreType.DMA,
    ],
)


def _sc_scatter_body(msg_hbm, di_hbm, op_hbm, out_sp,
                     zbuf, mb0, mb1, ix0, ix1, ssem0, ssem1):
    c = lax.axis_index("c")
    s = lax.axis_index("s")
    wid = s * 2 + c
    z = jnp.zeros((16,), jnp.float32)

    def zrow(i, carry):
        for j in range(HID // 16):
            zbuf[i, pl.ds(j * 16, 16)] = z
        return carry

    lax.fori_loop(0, ZW, zrow, 0)

    for h in range(HEADS):
        for k in range(STRIPE // ZW):
            pltpu.sync_copy(zbuf, out_sp.at[pl.ds(s * STRIPE + k * ZW, ZW)])
        plsc.subcore_barrier()

        def win(w2, carry):
            for j, (mb, ixb, ssem) in ((0, (mb0, ix0, ssem0)), (1, (mb1, ix1, ssem1))):
                base = pl.multiple_of(wid * EPW + (w2 * 2 + j) * W, 8)

                @pl.when(w2 > 0)
                def _():
                    pltpu.make_async_copy(mb, out_sp.at[ixb], ssem).wait()

                pltpu.sync_copy(msg_hbm.at[pl.ds(base, W), pl.ds(h * HID, HID)], mb)
                pltpu.sync_copy(di_hbm.at[pl.ds(base, W)], ixb)
                pltpu.async_copy(mb, out_sp.at[ixb], ssem, add=True)
            return carry

        lax.fori_loop(0, NWIN // 2, win, 0)
        pltpu.make_async_copy(mb0, out_sp.at[ix0], ssem0).wait()
        pltpu.make_async_copy(mb1, out_sp.at[ix1], ssem1).wait()
        plsc.subcore_barrier()
        pltpu.sync_copy(out_sp.at[pl.ds(s * STRIPE, STRIPE)],
                        op_hbm.at[c * HEADS + h, pl.ds(s * STRIPE, STRIPE), :])


_sc_scatter = pl.kernel(
    _sc_scatter_body,
    out_type=jax.ShapeDtypeStruct((2 * HEADS, NPAD, HID), jnp.float32),
    mesh=_MESH,
    scratch_types=[
        pltpu.VMEM_SHARED((NPAD, HID), jnp.float32),
        pltpu.VMEM((ZW, HID), jnp.float32),
        pltpu.VMEM((W, HID), jnp.float32),
        pltpu.VMEM((W, HID), jnp.float32),
        pltpu.VMEM((W,), jnp.int32),
        pltpu.VMEM((W,), jnp.int32),
        pltpu.SemaphoreType.DMA,
        pltpu.SemaphoreType.DMA,
    ],
)


def _final_body(de, op, den, bo, out_o):
    pieces = [de[...]]
    for h in range(HEADS):
        num = op[h] + op[HEADS + h]
        dh = den[0, :, h:h + 1] + den[1, :, h:h + 1] + 1e-16
        v = num / dh + bo[:, h * HID:(h + 1) * HID]
        pieces.append(jax.nn.relu(v))
    out_o[...] = jnp.concatenate(pieces, axis=1)


def _final(de, op, den, bias_out):
    return pl.pallas_call(
        _final_body,
        grid=(N_DST // RB,),
        in_specs=[
            pl.BlockSpec((RB, HID), lambda i: (i, 0)),
            pl.BlockSpec((2 * HEADS, RB, HID), lambda i: (0, i, 0)),
            pl.BlockSpec((2, RB, HID), lambda i: (0, i, 0)),
            pl.BlockSpec((1, HH), lambda i: (0, 0)),
        ],
        out_specs=pl.BlockSpec((RB, HID + HH), lambda i: (i, 0)),
        out_shape=jax.ShapeDtypeStruct((N_DST, HID + HH), jnp.float32),
    )(de, op, den, bias_out.reshape(1, HH))


def kernel(src_x, dst_x, edge_index, W_src, b_src, W_dst, b_dst,
           W_l, b_l, W_r, b_r, att, bias_out):
    ei = jnp.pad(edge_index, ((0, 0), (0, EPAD - E)))
    si = ei[0]
    di = ei[1]
    de, xl, xr = _dense(src_x, dst_x, W_src, b_src, W_dst, b_dst, W_l, b_l, W_r, b_r)
    xls, xrs = _sc_gather(xl, xr, si, di)
    exa, msg = _alpha(xls, xrs, att)
    den = _sc_denom(exa, di)
    op = _sc_scatter(msg, di)
    return _final(de, op, den, bias_out)

# --- scband reference (transcript-rebuilt; emitter-appended) ---
"""Pipeline reference for scband-step-three-module-30863634989652 (READ-ONLY COPY).

The authoritative reference and input builder live on the scoring server;
editing this copy changes nothing except your own understanding.
"""

import jax, jax.numpy as jnp
import numpy as np

N_SRC, N_DST, E = 10000, 10000, 160000
SRC_DIMS, DST_DIMS, HID, HEADS = 256, 256, 128, 4


def setup_inputs(seed: int = 0) -> dict:
    key = jax.random.key(seed)
    ks = jax.random.split(key, 14)
    inp = {}
    inp['src_x'] = jax.random.normal(ks[0], (N_SRC, SRC_DIMS), dtype=jnp.float32)
    inp['dst_x'] = jax.random.normal(ks[1], (N_DST, DST_DIMS), dtype=jnp.float32)
    inp['edge_index'] = jax.random.randint(ks[2], (2, E), 0, N_DST, dtype=jnp.int32)
    s = 0.05
    inp['W_src'] = jax.random.normal(ks[3], (SRC_DIMS, HID), dtype=jnp.float32) * s
    inp['b_src'] = jnp.zeros((HID,), dtype=jnp.float32)
    inp['W_dst'] = jax.random.normal(ks[4], (DST_DIMS, HID), dtype=jnp.float32) * s
    inp['b_dst'] = jnp.zeros((HID,), dtype=jnp.float32)
    inp['W_l'] = jax.random.normal(ks[5], (HID, HEADS * HID), dtype=jnp.float32) * s
    inp['b_l'] = jnp.zeros((HEADS * HID,), dtype=jnp.float32)
    inp['W_r'] = jax.random.normal(ks[6], (HID, HEADS * HID), dtype=jnp.float32) * s
    inp['b_r'] = jnp.zeros((HEADS * HID,), dtype=jnp.float32)
    inp['att'] = jax.random.normal(ks[7], (HEADS, HID), dtype=jnp.float32) * s
    inp['bias_out'] = jnp.zeros((HEADS * HID,), dtype=jnp.float32)
    return inp


def reference(src_x, dst_x, edge_index, W_src, b_src, W_dst, b_dst, W_l, b_l, W_r, b_r, att, bias_out):
    H, C = att.shape
    # node encoders: Linear + ReLU
    src_enc = jax.nn.relu(src_x @ W_src + b_src)
    dst_enc = jax.nn.relu(dst_x @ W_dst + b_dst)
    N_dst = dst_enc.shape[0]
    # GATv2Conv bipartite, add_self_loops=False, concat=True
    xl = (src_enc @ W_l + b_l).reshape(-1, H, C)
    xr = (dst_enc @ W_r + b_r).reshape(-1, H, C)
    src_idx = edge_index[0]
    dst_idx = edge_index[1]
    x_e = xl[src_idx] + xr[dst_idx]                 # [E, H, C]
    x_act = jax.nn.leaky_relu(x_e, 0.2)
    alpha = jnp.einsum('ehc,hc->eh', x_act, att)    # [E, H]
    amax = jax.ops.segment_max(alpha, dst_idx, num_segments=N_dst)
    amax = jnp.where(jnp.isfinite(amax), amax, 0.0)
    ex = jnp.exp(alpha - amax[dst_idx])
    denom = jax.ops.segment_sum(ex, dst_idx, num_segments=N_dst)
    coef = ex / (denom[dst_idx] + 1e-16)            # [E, H]
    msg = xl[src_idx] * coef[:, :, None]            # [E, H, C]
    out = jax.ops.segment_sum(msg, dst_idx, num_segments=N_dst)
    out = out.reshape(N_dst, H * C) + bias_out
    dst_convs = jax.nn.relu(out)
    return jnp.concatenate([dst_enc, dst_convs], axis=-1)

if __name__ == "__main__":
    import jax
    _d = setup_inputs()
    print(jax.jit(kernel)(*tuple(_d.values())))

</pallas_src>

<mosaic_0001>
#map = affine_map<(d0, d1) -> (0, 0)>
#map1 = affine_map<(d0, d1) -> (0)>
module attributes {stable_mosaic.version = 14 : i64} {
  func.func @_sc_gather_body(%arg0: i32, %arg1: i32, %arg2: memref<10000x256xi32, #tpu.memory_space<hbm>>, %arg3: memref<10000x256xi32, #tpu.memory_space<hbm>>, %arg4: memref<168960xi32, #tpu.memory_space<hbm>>, %arg5: memref<168960xi32, #tpu.memory_space<hbm>>, %arg6: memref<168960x256xi32, #tpu.memory_space<hbm>>, %arg7: memref<168960x256xi32, #tpu.memory_space<hbm>>, %arg8: memref<5280xi32, #tpu.memory_space<vmem>>, %arg9: memref<5280xi32, #tpu.memory_space<vmem>>, %arg10: memref<120x256xi32, #tpu.memory_space<vmem>>, %arg11: memref<120x256xi32, #tpu.memory_space<vmem>>, %arg12: memref<!tpu.dma_semaphore, #tpu.memory_space<semaphore_mem>>, %arg13: memref<!tpu.dma_semaphore, #tpu.memory_space<semaphore_mem>>, %arg14: memref<!tpu.dma_semaphore, #tpu.memory_space<semaphore_mem>>, %arg15: memref<!tpu.dma_semaphore, #tpu.memory_space<semaphore_mem>>) attributes {dimension_semantics = [#tpu.dimension_semantics<core_parallel>, #tpu.dimension_semantics<subcore_parallel>], iteration_bounds = array<i64: 2, 16>, scalar_prefetch = 0 : i64, scratch_operands = 8 : i64, tpu.core_type = #tpu.core_type<sc_vector_subcore>, window_params = [{transform_indices = #map}, {transform_indices = #map}, {transform_indices = #map1}, {transform_indices = #map1}, {transform_indices = #map}, {transform_indices = #map}]} {
    %mul3A = arith.constant 2 : i32
    %mul3A_0 = arith.muli %arg1, %mul3A : i32
    %add3A = arith.addi %mul3A_0, %arg0 : i32
    %mul3A_1 = arith.constant 5280 : i32
    %mul3A_2 = arith.muli %add3A, %mul3A_1 : i32
    %multiple_of3A = tpu.assume_multiple %mul3A_2, 8 : i32
    "tpu.region"() ({
      %run_scoped3A = tpu.sem_alloc : memref<!tpu.dma_semaphore, #tpu.memory_space<semaphore_mem>>
      %dma_start3A = tpu.memref_slice %arg4[%multiple_of3A] : memref<168960xi32, #tpu.memory_space<hbm>> -> memref<5280xi32, #tpu.memory_space<hbm>>
      %dma_start3A_20 = tpu.memref_slice %arg4[%multiple_of3A] : memref<168960xi32, #tpu.memory_space<hbm>> -> memref<5280xi32, #tpu.memory_space<hbm>>
      tpu.enqueue_dma source(%dma_start3A_20 : memref<5280xi32, #tpu.memory_space<hbm>>) target(%arg8 : memref<5280xi32, #tpu.memory_space<vmem>>) target_semaphore(%run_scoped3A : memref<!tpu.dma_semaphore, #tpu.memory_space<semaphore_mem>>)
      %dma_wait3A_21 = tpu.memref_slice %arg4[%multiple_of3A] : memref<168960xi32, #tpu.memory_space<hbm>> -> memref<5280xi32, #tpu.memory_space<hbm>>
      %dma_wait3A_22 = tpu.memref_slice %arg4[%multiple_of3A] : memref<168960xi32, #tpu.memory_space<hbm>> -> memref<5280xi32, #tpu.memory_space<hbm>>
      tpu.wait_dma2 semaphore(%run_scoped3A : memref<!tpu.dma_semaphore, #tpu.memory_space<semaphore_mem>>) src(%dma_wait3A_22 : memref<5280xi32, #tpu.memory_space<hbm>>) dst(%arg8 : memref<5280xi32, #tpu.memory_space<vmem>>)
      tpu.yield
    }) : () -> ()
    "tpu.region"() ({
      %run_scoped3A = tpu.sem_alloc : memref<!tpu.dma_semaphore, #tpu.memory_space<semaphore_mem>>
      %dma_start3A = tpu.memref_slice %arg5[%multiple_of3A] : memref<168960xi32, #tpu.memory_space<hbm>> -> memref<5280xi32, #tpu.memory_space<hbm>>
      %dma_start3A_20 = tpu.memref_slice %arg5[%multiple_of3A] : memref<168960xi32, #tpu.memory_space<hbm>> -> memref<5280xi32, #tpu.memory_space<hbm>>
      tpu.enqueue_dma source(%dma_start3A_20 : memref<5280xi32, #tpu.memory_space<hbm>>) target(%arg9 : memref<5280xi32, #tpu.memory_space<vmem>>) target_semaphore(%run_scoped3A : memref<!tpu.dma_semaphore, #tpu.memory_space<semaphore_mem>>)
      %dma_wait3A_21 = tpu.memref_slice %arg5[%multiple_of3A] : memref<168960xi32, #tpu.memory_space<hbm>> -> memref<5280xi32, #tpu.memory_space<hbm>>
      %dma_wait3A_22 = tpu.memref_slice %arg5[%multiple_of3A] : memref<168960xi32, #tpu.memory_space<hbm>> -> memref<5280xi32, #tpu.memory_space<hbm>>
      tpu.wait_dma2 semaphore(%run_scoped3A : memref<!tpu.dma_semaphore, #tpu.memory_space<semaphore_mem>>) src(%dma_wait3A_22 : memref<5280xi32, #tpu.memory_space<hbm>>) dst(%arg9 : memref<5280xi32, #tpu.memory_space<vmem>>)
      tpu.yield
    }) : () -> ()
    %scan3A = arith.constant 0 : i32
    %scan3A_3 = arith.constant 0 : i32
    %scan3A_4 = arith.constant 44 : i32
    %scan3A_5 = arith.addi %scan3A_3, %scan3A_4 : i32
    %scan3A_6 = arith.constant 1 : i32
    scf.for %scan3A_20 = %scan3A_3 to %scan3A_5 step %scan3A_6  : i32 {
      %mul3A_21 = arith.constant 120 : i32
      %mul3A_22 = arith.muli %scan3A_20, %mul3A_21 : i32
      %add3A_23 = arith.addi %multiple_of3A, %mul3A_22 : i32
      %multiple_of3A_24 = tpu.assume_multiple %add3A_23, 8 : i32
      %gt3A = arith.constant 0 : i32
      %gt3A_25 = arith.cmpi sgt, %scan3A_20, %gt3A : i32
      %convert_element_type3A = arith.extui %gt3A_25 : i1 to i32
      %cond3A = arith.constant 0 : i32
      %cond3A_26 = arith.cmpi ne, %convert_element_type3A, %cond3A : i32
      scf.if %cond3A_26 {
        %dma_wait3A_54 = arith.constant 0 : i32
        %dma_wait3A_55 = tpu.memref_slice %arg6[%multiple_of3A_24, %dma_wait3A_54] : memref<168960x256xi32, #tpu.memory_space<hbm>> -> memref<120x256xi32, #tpu.memory_space<hbm>>
        %dma_wait3A_56 = arith.constant 0 : i32
        %dma_wait3A_57 = tpu.memref_slice %arg6[%multiple_of3A_24, %dma_wait3A_56] : memref<168960x256xi32, #tpu.memory_space<hbm>> -> memref<120x256xi32, #tpu.memory_space<hbm>>
        tpu.wait_dma2 semaphore(%arg14 : memref<!tpu.dma_semaphore, #tpu.memory_space<semaphore_mem>>) src(%arg10 : memref<120x256xi32, #tpu.memory_space<vmem>>) dst(%dma_wait3A_57 : memref<120x256xi32, #tpu.memory_space<hbm>>)
        %dma_wait3A_58 = arith.constant 0 : i32
        %dma_wait3A_59 = tpu.memref_slice %arg7[%multiple_of3A_24, %dma_wait3A_58] : memref<168960x256xi32, #tpu.memory_space<hbm>> -> memref<120x256xi32, #tpu.memory_space<hbm>>
        %dma_wait3A_60 = arith.constant 0 : i32
        %dma_wait3A_61 = tpu.memref_slice %arg7[%multiple_of3A_24, %dma_wait3A_60] : memref<168960x256xi32, #tpu.memory_space<hbm>> -> memref<120x256xi32, #tpu.memory_space<hbm>>
        tpu.wait_dma2 semaphore(%arg15 : memref<!tpu.dma_semaphore, #tpu.memory_space<semaphore_mem>>) src(%arg11 : memref<120x256xi32, #tpu.memory_space<vmem>>) dst(%dma_wait3A_61 : memref<120x256xi32, #tpu.memory_space<hbm>>)
      } else {
      }
      %mul3A_27 = arith.constant 120 : i32
      %mul3A_28 = arith.muli %scan3A_20, %mul3A_27 : i32
      %dma_start3A = tpu.memref_slice %arg8[%mul3A_28] : memref<5280xi32, #tpu.memory_space<vmem>> -> memref<120xi32, #tpu.memory_space<vmem>>
      %dma_start3A_29 = arith.constant 0 : i32
      %dma_start3A_30 = arith.constant 0 : i32
      %dma_start3A_31 = tpu.memref_slice %arg2[%dma_start3A_29, %dma_start3A_30] : memref<10000x256xi32, #tpu.memory_space<hbm>> -> memref<10000x256xi32, #tpu.memory_space<hbm>>
      tpu.enqueue_indirect_dma source(%dma_start3A_31 : memref<10000x256xi32, #tpu.memory_space<hbm>>) target(%arg10 : memref<120x256xi32, #tpu.memory_space<vmem>>) offsets(%dma_start3A : memref<120xi32, #tpu.memory_space<vmem>>) semaphore(%arg12 : memref<!tpu.dma_semaphore, #tpu.memory_space<semaphore_mem>>)
      %mul3A_32 = arith.constant 120 : i32
      %mul3A_33 = arith.muli %scan3A_20, %mul3A_32 : i32
      %dma_start3A_34 = tpu.memref_slice %arg9[%mul3A_33] : memref<5280xi32, #tpu.memory_space<vmem>> -> memref<120xi32, #tpu.memory_space<vmem>>
      %dma_start3A_35 = arith.constant 0 : i32
      %dma_start3A_36 = arith.constant 0 : i32
      %dma_start3A_37 = tpu.memref_slice %arg3[%dma_start3A_35, %dma_start3A_36] : memref<10000x256xi32, #tpu.memory_space<hbm>> -> memref<10000x256xi32, #tpu.memory_space<hbm>>
      tpu.enqueue_indirect_dma source(%dma_start3A_37 : memref<10000x256xi32, #tpu.memory_space<hbm>>) target(%arg11 : memref<120x256xi32, #tpu.memory_space<vmem>>) offsets(%dma_start3A_34 : memref<120xi32, #tpu.memory_space<vmem>>) semaphore(%arg13 : memref<!tpu.dma_semaphore, #tpu.memory_space<semaphore_mem>>)
      %dma_wait3A_38 = tpu.memref_slice %arg8[%mul3A_28] : memref<5280xi32, #tpu.memory_space<vmem>> -> memref<120xi32, #tpu.memory_space<vmem>>
      %dma_wait3A_39 = arith.constant 0 : i32
      %dma_wait3A_40 = arith.constant 0 : i32
      %dma_wait3A_41 = tpu.memref_slice %arg2[%dma_wait3A_39, %dma_wait3A_40] : memref<10000x256xi32, #tpu.memory_space<hbm>> -> memref<10000x256xi32, #tpu.memory_space<hbm>>
      tpu.wait_indirect_dma semaphore(%arg12 : memref<!tpu.dma_semaphore, #tpu.memory_space<semaphore_mem>>) src(%dma_wait3A_41 : memref<10000x256xi32, #tpu.memory_space<hbm>>) dst(%arg10 : memref<120x256xi32, #tpu.memory_space<vmem>>)
      %dma_start3A_42 = arith.constant 0 : i32
      %dma_start3A_43 = tpu.memref_slice %arg6[%multiple_of3A_24, %dma_start3A_42] : memref<168960x256xi32, #tpu.memory_space<hbm>> -> memref<120x256xi32, #tpu.memory_space<hbm>>
      %dma_start3A_44 = arith.constant 0 : i32
      %dma_start3A_45 = tpu.memref_slice %arg6[%multiple_of3A_24, %dma_start3A_44] : memref<168960x256xi32, #tpu.memory_space<hbm>> -> memref<120x256xi32, #tpu.memory_space<hbm>>
      tpu.enqueue_dma source(%arg10 : memref<120x256xi32, #tpu.memory_space<vmem>>) target(%dma_start3A_45 : memref<120x256xi32, #tpu.memory_space<hbm>>) target_semaphore(%arg14 : memref<!tpu.dma_semaphore, #tpu.memory_space<semaphore_mem>>)
      %dma_wait3A_46 = tpu.memref_slice %arg9[%mul3A_33] : memref<5280xi32, #tpu.memory_space<vmem>> -> memref<120xi32, #tpu.memory_space<vmem>>
      %dma_wait3A_47 = arith.constant 0 : i32
      %dma_wait3A_48 = arith.constant 0 : i32
      %dma_wait3A_49 = tpu.memref_slice %arg3[%dma_wait3A_47, %dma_wait3A_48] : memref<10000x256xi32, #tpu.memory_space<hbm>> -> memref<10000x256xi32, #tpu.memory_space<hbm>>
      tpu.wait_indirect_dma semaphore(%arg13 : memref<!tpu.dma_semaphore, #tpu.memory_space<semaphore_mem>>) src(%dma_wait3A_49 : memref<10000x256xi32, #tpu.memory_space<hbm>>) dst(%arg11 : memref<120x256xi32, #tpu.memory_space<vmem>>)
      %dma_start3A_50 = arith.constant 0 : i32
      %dma_start3A_51 = tpu.memref_slice %arg7[%multiple_of3A_24, %dma_start3A_50] : memref<168960x256xi32, #tpu.memory_space<hbm>> -> memref<120x256xi32, #tpu.memory_space<hbm>>
      %dma_start3A_52 = arith.constant 0 : i32
      %dma_start3A_53 = tpu.memref_slice %arg7[%multiple_of3A_24, %dma_start3A_52] : memref<168960x256xi32, #tpu.memory_space<hbm>> -> memref<120x256xi32, #tpu.memory_space<hbm>>
      tpu.enqueue_dma source(%arg11 : memref<120x256xi32, #tpu.memory_space<vmem>>) target(%dma_start3A_53 : memref<120x256xi32, #tpu.memory_space<hbm>>) target_semaphore(%arg15 : memref<!tpu.dma_semaphore, #tpu.memory_space<semaphore_mem>>)
    }
    %scan3A_7 = arith.constant 44 : i32
    %mul3A_8 = arith.constant 5280 : i32
    %mul3A_9 = arith.muli %add3A, %mul3A_8 : i32
    %add3A_10 = arith.constant 5160 : i32
    %add3A_11 = arith.addi %mul3A_9, %add3A_10 : i32
    %multiple_of3A_12 = tpu.assume_multiple %add3A_11, 8 : i32
    %dma_wait3A = arith.constant 0 : i32
    %dma_wait3A_13 = tpu.memref_slice %arg6[%multiple_of3A_12, %dma_wait3A] : memref<168960x256xi32, #tpu.memory_space<hbm>> -> memref<120x256xi32, #tpu.memory_space<hbm>>
    %dma_wait3A_14 = arith.constant 0 : i32
    %dma_wait3A_15 = tpu.memref_slice %arg6[%multiple_of3A_12, %dma_wait3A_14] : memref<168960x256xi32, #tpu.memory_space<hbm>> -> memref<120x256xi32, #tpu.memory_space<hbm>>
    tpu.wait_dma2 semaphore(%arg14 : memref<!tpu.dma_semaphore, #tpu.memory_space<semaphore_mem>>) src(%arg10 : memref<120x256xi32, #tpu.memory_space<vmem>>) dst(%dma_wait3A_15 : memref<120x256xi32, #tpu.memory_space<hbm>>)
    %dma_wait3A_16 = arith.constant 0 : i32
    %dma_wait3A_17 = tpu.memref_slice %arg7[%multiple_of3A_12, %dma_wait3A_16] : memref<168960x256xi32, #tpu.memory_space<hbm>> -> memref<120x256xi32, #tpu.memory_space<hbm>>
    %dma_wait3A_18 = arith.constant 0 : i32
    %dma_wait3A_19 = tpu.memref_slice %arg7[%multiple_of3A_12, %dma_wait3A_18] : memref<168960x256xi32, #tpu.memory_space<hbm>> -> memref<120x256xi32, #tpu.memory_space<hbm>>
    tpu.wait_dma2 semaphore(%arg15 : memref<!tpu.dma_semaphore, #tpu.memory_space<semaphore_mem>>) src(%arg11 : memref<120x256xi32, #tpu.memory_space<vmem>>) dst(%dma_wait3A_19 : memref<120x256xi32, #tpu.memory_space<hbm>>)
    return
  }
}

#map = affine_map<(d0, d1) -> (0, 0)>
#map1 = affine_map<(d0, d1) -> (0)>
#map2 = affine_map<(d0, d1) -> (0, 0, 0)>
module attributes {stable_mosaic.version = 14 : i64} {
  func.func @_sc_scatter_body(%arg0: i32, %arg1: i32, %arg2: memref<168960x512xf32, #tpu.memory_space<hbm>>, %arg3: memref<168960xi32, #tpu.memory_space<hbm>>, %arg4: memref<8x10240x128xf32, #tpu.memory_space<hbm>>, %arg5: memref<10240x128xf32, #tpu.memory_space<vmem_shared>>, %arg6: memref<80x128xf32, #tpu.memory_space<vmem>>, %arg7: memref<120x128xf32, #tpu.memory_space<vmem>>, %arg8: memref<120x128xf32, #tpu.memory_space<vmem>>, %arg9: memref<120xi32, #tpu.memory_space<vmem>>, %arg10: memref<120xi32, #tpu.memory_space<vmem>>, %arg11: memref<!tpu.dma_semaphore, #tpu.memory_space<semaphore_mem>>, %arg12: memref<!tpu.dma_semaphore, #tpu.memory_space<semaphore_mem>>) attributes {dimension_semantics = [#tpu.dimension_semantics<core_parallel>, #tpu.dimension_semantics<subcore_parallel>], iteration_bounds = array<i64: 2, 16>, scalar_prefetch = 0 : i64, scratch_operands = 8 : i64, tpu.core_type = #tpu.core_type<sc_vector_subcore>, window_params = [{transform_indices = #map}, {transform_indices = #map1}, {transform_indices = #map2}]} {
    %mul3A = arith.constant 2 : i32
    %mul3A_0 = arith.muli %arg1, %mul3A : i32
    %add3A = arith.addi %mul3A_0, %arg0 : i32
    %broadcast_in_dim3A = arith.constant 0.000000e+00 : f32
    %broadcast_in_dim3A_1 = vector.broadcast %broadcast_in_dim3A : f32 to vector<16xf32>
    %scan3A = arith.constant 0 : i32
    %scan3A_2 = arith.constant 0 : i32
    %scan3A_3 = arith.constant 80 : i32
    %scan3A_4 = arith.addi %scan3A_2, %scan3A_3 : i32
    %scan3A_5 = arith.constant 1 : i32
    scf.for %scan3A_221 = %scan3A_2 to %scan3A_4 step %scan3A_5  : i32 {
      %swap3A = arith.index_cast %scan3A_221 : i32 to index
      %swap3A_222 = arith.constant 0 : index
      %swap3A_223 = tpu.vector_load %arg6[%swap3A, %swap3A_222] {strides = array<i32>} : memref<80x128xf32, #tpu.memory_space<vmem>>, vector<1x16xf32>,
      %swap3A_224 = vector.shape_cast %swap3A_223 : vector<1x16xf32> to vector<16xf32>
      %swap3A_225 = vector.shape_cast %broadcast_in_dim3A_1 : vector<16xf32> to vector<1x16xf32>
      tpu.vector_store %arg6[%swap3A, %swap3A_222], %swap3A_225 {strides = array<i32>} : memref<80x128xf32, #tpu.memory_space<vmem>>, vector<1x16xf32>,
      %swap3A_226 = arith.index_cast %scan3A_221 : i32 to index
      %swap3A_227 = arith.constant 16 : index
      %swap3A_228 = tpu.vector_load %arg6[%swap3A_226, %swap3A_227] {strides = array<i32>} : memref<80x128xf32, #tpu.memory_space<vmem>>, vector<1x16xf32>,
      %swap3A_229 = vector.shape_cast %swap3A_228 : vector<1x16xf32> to vector<16xf32>
      %swap3A_230 = vector.shape_cast %broadcast_in_dim3A_1 : vector<16xf32> to vector<1x16xf32>
      tpu.vector_store %arg6[%swap3A_226, %swap3A_227], %swap3A_230 {strides = array<i32>} : memref<80x128xf32, #tpu.memory_space<vmem>>, vector<1x16xf32>,
      %swap3A_231 = arith.index_cast %scan3A_221 : i32 to index
      %swap3A_232 = arith.constant 32 : index
      %swap3A_233 = tpu.vector_load %arg6[%swap3A_231, %swap3A_232] {strides = array<i32>} : memref<80x128xf32, #tpu.memory_space<vmem>>, vector<1x16xf32>,
      %swap3A_234 = vector.shape_cast %swap3A_233 : vector<1x16xf32> to vector<16xf32>
      %swap3A_235 = vector.shape_cast %broadcast_in_dim3A_1 : vector<16xf32> to vector<1x16xf32>
      tpu.vector_store %arg6[%swap3A_231, %swap3A_232], %swap3A_235 {strides = array<i32>} : memref<80x128xf32, #tpu.memory_space<vmem>>, vector<1x16xf32>,
      %swap3A_236 = arith.index_cast %scan3A_221 : i32 to index
      %swap3A_237 = arith.constant 48 : index
      %swap3A_238 = tpu.vector_load %arg6[%swap3A_236, %swap3A_237] {strides = array<i32>} : memref<80x128xf32, #tpu.memory_space<vmem>>, vector<1x16xf32>,
      %swap3A_239 = vector.shape_cast %swap3A_238 : vector<1x16xf32> to vector<16xf32>
      %swap3A_240 = vector.shape_cast %broadcast_in_dim3A_1 : vector<16xf32> to vector<1x16xf32>
      tpu.vector_store %arg6[%swap3A_236, %swap3A_237], %swap3A_240 {strides = array<i32>} : memref<80x128xf32, #tpu.memory_space<vmem>>, vector<1x16xf32>,
      %swap3A_241 = arith.index_cast %scan3A_221 : i32 to index
      %swap3A_242 = arith.constant 64 : index
      %swap3A_243 = tpu.vector_load %arg6[%swap3A_241, %swap3A_242] {strides = array<i32>} : memref<80x128xf32, #tpu.memory_space<vmem>>, vector<1x16xf32>,
      %swap3A_244 = vector.shape_cast %swap3A_243 : vector<1x16xf32> to vector<16xf32>
      %swap3A_245 = vector.shape_cast %broadcast_in_dim3A_1 : vector<16xf32> to vector<1x16xf32>
      tpu.vector_store %arg6[%swap3A_241, %swap3A_242], %swap3A_245 {strides = array<i32>} : memref<80x128xf32, #tpu.memory_space<vmem>>, vector<1x16xf32>,
      %swap3A_246 = arith.index_cast %scan3A_221 : i32 to index
      %swap3A_247 = arith.constant 80 : index
      %swap3A_248 = tpu.vector_load %arg6[%swap3A_246, %swap3A_247] {strides = array<i32>} : memref<80x128xf32, #tpu.memory_space<vmem>>, vector<1x16xf32>,
      %swap3A_249 = vector.shape_cast %swap3A_248 : vector<1x16xf32> to vector<16xf32>
      %swap3A_250 = vector.shape_cast %broadcast_in_dim3A_1 : vector<16xf32> to vector<1x16xf32>
      tpu.vector_store %arg6[%swap3A_246, %swap3A_247], %swap3A_250 {strides = array<i32>} : memref<80x128xf32, #tpu.memory_space<vmem>>, vector<1x16xf32>,
      %swap3A_251 = arith.index_cast %scan3A_221 : i32 to index
      %swap3A_252 = arith.constant 96 : index
      %swap3A_253 = tpu.vector_load %arg6[%swap3A_251, %swap3A_252] {strides = array<i32>} : memref<80x128xf32, #tpu.memory_space<vmem>>, vector<1x16xf32>,
      %swap3A_254 = vector.shape_cast %swap3A_253 : vector<1x16xf32> to vector<16xf32>
      %swap3A_255 = vector.shape_cast %broadcast_in_dim3A_1 : vector<16xf32> to vector<1x16xf32>
      tpu.vector_store %arg6[%swap3A_251, %swap3A_252], %swap3A_255 {strides = array<i32>} : memref<80x128xf32, #tpu.memory_space<vmem>>, vector<1x16xf32>,
      %swap3A_256 = arith.index_cast %scan3A_221 : i32 to index
      %swap3A_257 = arith.constant 112 : index
      %swap3A_258 = tpu.vector_load %arg6[%swap3A_256, %swap3A_257] {strides = array<i32>} : memref<80x128xf32, #tpu.memory_space<vmem>>, vector<1x16xf32>,
      %swap3A_259 = vector.shape_cast %swap3A_258 : vector<1x16xf32> to vector<16xf32>
      %swap3A_260 = vector.shape_cast %broadcast_in_dim3A_1 : vector<16xf32> to vector<1x16xf32>
      tpu.vector_store %arg6[%swap3A_256, %swap3A_257], %swap3A_260 {strides = array<i32>} : memref<80x128xf32, #tpu.memory_space<vmem>>, vector<1x16xf32>,
    }
    %scan3A_6 = arith.constant 80 : i32
    %mul3A_7 = arith.constant 640 : i32
    %mul3A_8 = arith.muli %arg1, %mul3A_7 : i32
    %add3A_9 = arith.constant 0 : i32
    %add3A_10 = arith.addi %mul3A_8, %add3A_9 : i32
    "tpu.region"() ({
      %run_scoped3A = tpu.sem_alloc : memref<!tpu.dma_semaphore, #tpu.memory_space<semaphore_mem>>
      %dma_start3A = arith.constant 0 : i32
      %dma_start3A_221 = tpu.memref_slice %arg5[%add3A_10, %dma_start3A] : memref<10240x128xf32, #tpu.memory_space<vmem_shared>> -> memref<80x128xf32, #tpu.memory_space<vmem_shared>>
      %dma_start3A_222 = arith.constant 0 : i32
      %dma_start3A_223 = tpu.memref_slice %arg5[%add3A_10, %dma_start3A_222] : memref<10240x128xf32, #tpu.memory_space<vmem_shared>> -> memref<80x128xf32, #tpu.memory_space<vmem_shared>>
      tpu.enqueue_dma source(%arg6 : memref<80x128xf32, #tpu.memory_space<vmem>>) target(%dma_start3A_223 : memref<80x128xf32, #tpu.memory_space<vmem_shared>>) target_semaphore(%run_scoped3A : memref<!tpu.dma_semaphore, #tpu.memory_space<semaphore_mem>>)
      %dma_wait3A_224 = arith.constant 0 : i32
      %dma_wait3A_225 = tpu.memref_slice %arg5[%add3A_10, %dma_wait3A_224] : memref<10240x128xf32, #tpu.memory_space<vmem_shared>> -> memref<80x128xf32, #tpu.memory_space<vmem_shared>>
      %dma_wait3A_226 = arith.constant 0 : i32
      %dma_wait3A_227 = tpu.memref_slice %arg5[%add3A_10, %dma_wait3A_226] : memref<10240x128xf32, #tpu.memory_space<vmem_shared>> -> memref<80x128xf32, #tpu.memory_space<vmem_shared>>
      tpu.wait_dma2 semaphore(%run_scoped3A : memref<!tpu.dma_semaphore, #tpu.memory_space<semaphore_mem>>) src(%arg6 : memref<80x128xf32, #tpu.memory_space<vmem>>) dst(%dma_wait3A_227 : memref<80x128xf32, #tpu.memory_space<vmem_shared>>)
      tpu.yield
    }) : () -> ()
    %mul3A_11 = arith.constant 640 : i32
    %mul3A_12 = arith.muli %arg1, %mul3A_11 : i32
    %add3A_13 = arith.constant 80 : i32
    %add3A_14 = arith.addi %mul3A_12, %add3A_13 : i32
    "tpu.region"() ({
      %run_scoped3A = tpu.sem_alloc : memref<!tpu.dma_semaphore, #tpu.memory_space<semaphore_mem>>
      %dma_start3A = arith.constant 0 : i32
      %dma_start3A_221 = tpu.memref_slice %arg5[%add3A_14, %dma_start3A] : memref<10240x128xf32, #tpu.memory_space<vmem_shared>> -> memref<80x128xf32, #tpu.memory_space<vmem_shared>>
      %dma_start3A_222 = arith.constant 0 : i32
      %dma_start3A_223 = tpu.memref_slice %arg5[%add3A_14, %dma_start3A_222] : memref<10240x128xf32, #tpu.memory_space<vmem_shared>> -> memref<80x128xf32, #tpu.memory_space<vmem_shared>>
      tpu.enqueue_dma source(%arg6 : memref<80x128xf32, #tpu.memory_space<vmem>>) target(%dma_start3A_223 : memref<80x128xf32, #tpu.memory_space<vmem_shared>>) target_semaphore(%run_scoped3A : memref<!tpu.dma_semaphore, #tpu.memory_space<semaphore_mem>>)
      %dma_wait3A_224 = arith.constant 0 : i32
      %dma_wait3A_225 = tpu.memref_slice %arg5[%add3A_14, %dma_wait3A_224] : memref<10240x128xf32, #tpu.memory_space<vmem_shared>> -> memref<80x128xf32, #tpu.memory_space<vmem_shared>>
      %dma_wait3A_226 = arith.constant 0 : i32
      %dma_wait3A_227 = tpu.memref_slice %arg5[%add3A_14, %dma_wait3A_226] : memref<10240x128xf32, #tpu.memory_space<vmem_shared>> -> memref<80x128xf32, #tpu.memory_space<vmem_shared>>
      tpu.wait_dma2 semaphore(%run_scoped3A : memref<!tpu.dma_semaphore, #tpu.memory_space<semaphore_mem>>) src(%arg6 : memref<80x128xf32, #tpu.memory_space<vmem>>) dst(%dma_wait3A_227 : memref<80x128xf32, #tpu.memory_space<vmem_shared>>)
      tpu.yield
    }) : () -> ()
    %mul3A_15 = arith.constant 640 : i32
    %mul3A_16 = arith.muli %arg1, %mul3A_15 : i32
    %add3A_17 = arith.constant 160 : i32
    %add3A_18 = arith.addi %mul3A_16, %add3A_17 : i32
    "tpu.region"() ({
      %run_scoped3A = tpu.sem_alloc : memref<!tpu.dma_semaphore, #tpu.memory_space<semaphore_mem>>
      %dma_start3A = arith.constant 0 : i32
      %dma_start3A_221 = tpu.memref_slice %arg5[%add3A_18, %dma_start3A] : memref<10240x128xf32, #tpu.memory_space<vmem_shared>> -> memref<80x128xf32, #tpu.memory_space<vmem_shared>>
      %dma_start3A_222 = arith.constant 0 : i32
      %dma_start3A_223 = tpu.memref_slice %arg5[%add3A_18, %dma_start3A_222] : memref<10240x128xf32, #tpu.memory_space<vmem_shared>> -> memref<80x128xf32, #tpu.memory_space<vmem_shared>>
      tpu.enqueue_dma source(%arg6 : memref<80x128xf32, #tpu.memory_space<vmem>>) target(%dma_start3A_223 : memref<80x128xf32, #tpu.memory_space<vmem_shared>>) target_semaphore(%run_scoped3A : memref<!tpu.dma_semaphore, #tpu.memory_space<semaphore_mem>>)
      %dma_wait3A_224 = arith.constant 0 : i32
      %dma_wait3A_225 = tpu.memref_slice %arg5[%add3A_18, %dma_wait3A_224] : memref<10240x128xf32, #tpu.memory_space<vmem_shared>> -> memref<80x128xf32, #tpu.memory_space<vmem_shared>>
      %dma_wait3A_226 = arith.constant 0 : i32
      %dma_wait3A_227 = tpu.memref_slice %arg5[%add3A_18, %dma_wait3A_226] : memref<10240x128xf32, #tpu.memory_space<vmem_shared>> -> memref<80x128xf32, #tpu.memory_space<vmem_shared>>
      tpu.wait_dma2 semaphore(%run_scoped3A : memref<!tpu.dma_semaphore, #tpu.memory_space<semaphore_mem>>) src(%arg6 : memref<80x128xf32, #tpu.memory_space<vmem>>) dst(%dma_wait3A_227 : memref<80x128xf32, #tpu.memory_space<vmem_shared>>)
      tpu.yield
    }) : () -> ()
    %mul3A_19 = arith.constant 640 : i32
    %mul3A_20 = arith.muli %arg1, %mul3A_19 : i32
    %add3A_21 = arith.constant 240 : i32
    %add3A_22 = arith.addi %mul3A_20, %add3A_21 : i32
    "tpu.region"() ({
      %run_scoped3A = tpu.sem_alloc : memref<!tpu.dma_semaphore, #tpu.memory_space<semaphore_mem>>
      %dma_start3A = arith.constant 0 : i32
      %dma_start3A_221 = tpu.memref_slice %arg5[%add3A_22, %dma_start3A] : memref<10240x128xf32, #tpu.memory_space<vmem_shared>> -> memref<80x128xf32, #tpu.memory_space<vmem_shared>>
      %dma_start3A_222 = arith.constant 0 : i32
      %dma_start3A_223 = tpu.memref_slice %arg5[%add3A_22, %dma_start3A_222] : memref<10240x128xf32, #tpu.memory_space<vmem_shared>> -> memref<80x128xf32, #tpu.memory_space<vmem_shared>>
      tpu.enqueue_dma source(%arg6 : memref<80x128xf32, #tpu.memory_space<vmem>>) target(%dma_start3A_223 : memref<80x128xf32, #tpu.memory_space<vmem_shared>>) target_semaphore(%run_scoped3A : memref<!tpu.dma_semaphore, #tpu.memory_space<semaphore_mem>>)
      %dma_wait3A_224 = arith.constant 0 : i32
      %dma_wait3A_225 = tpu.memref_slice %arg5[%add3A_22, %dma_wait3A_224] : memref<10240x128xf32, #tpu.memory_space<vmem_shared>> -> memref<80x128xf32, #tpu.memory_space<vmem_shared>>
      %dma_wait3A_226 = arith.constant 0 : i32
      %dma_wait3A_227 = tpu.memref_slice %arg5[%add3A_22, %dma_wait3A_226] : memref<10240x128xf32, #tpu.memory_space<vmem_shared>> -> memref<80x128xf32, #tpu.memory_space<vmem_shared>>
      tpu.wait_dma2 semaphore(%run_scoped3A : memref<!tpu.dma_semaphore, #tpu.memory_space<semaphore_mem>>) src(%arg6 : memref<80x128xf32, #tpu.memory_space<vmem>>) dst(%dma_wait3A_227 : memref<80x128xf32, #tpu.memory_space<vmem_shared>>)
      tpu.yield
    }) : () -> ()
    %mul3A_23 = arith.constant 640 : i32
    %mul3A_24 = arith.muli %arg1, %mul3A_23 : i32
    %add3A_25 = arith.constant 320 : i32
    %add3A_26 = arith.addi %mul3A_24, %add3A_25 : i32
    "tpu.region"() ({
      %run_scoped3A = tpu.sem_alloc : memref<!tpu.dma_semaphore, #tpu.memory_space<semaphore_mem>>
      %dma_start3A = arith.constant 0 : i32
      %dma_start3A_221 = tpu.memref_slice %arg5[%add3A_26, %dma_start3A] : memref<10240x128xf32, #tpu.memory_space<vmem_shared>> -> memref<80x128xf32, #tpu.memory_space<vmem_shared>>
      %dma_start3A_222 = arith.constant 0 : i32
      %dma_start3A_223 = tpu.memref_slice %arg5[%add3A_26, %dma_start3A_222] : memref<10240x128xf32, #tpu.memory_space<vmem_shared>> -> memref<80x128xf32, #tpu.memory_space<vmem_shared>>
      tpu.enqueue_dma source(%arg6 : memref<80x128xf32, #tpu.memory_space<vmem>>) target(%dma_start3A_223 : memref<80x128xf32, #tpu.memory_space<vmem_shared>>) target_semaphore(%run_scoped3A : memref<!tpu.dma_semaphore, #tpu.memory_space<semaphore_mem>>)
      %dma_wait3A_224 = arith.constant 0 : i32
      %dma_wait3A_225 = tpu.memref_slice %arg5[%add3A_26, %dma_wait3A_224] : memref<10240x128xf32, #tpu.memory_space<vmem_shared>> -> memref<80x128xf32, #tpu.memory_space<vmem_shared>>
      %dma_wait3A_226 = arith.constant 0 : i32
      %dma_wait3A_227 = tpu.memref_slice %arg5[%add3A_26, %dma_wait3A_226] : memref<10240x128xf32, #tpu.memory_space<vmem_shared>> -> memref<80x128xf32, #tpu.memory_space<vmem_shared>>
      tpu.wait_dma2 semaphore(%run_scoped3A : memref<!tpu.dma_semaphore, #tpu.memory_space<semaphore_mem>>) src(%arg6 : memref<80x128xf32, #tpu.memory_space<vmem>>) dst(%dma_wait3A_227 : memref<80x128xf32, #tpu.memory_space<vmem_shared>>)
      tpu.yield
    }) : () -> ()
    %mul3A_27 = arith.constant 640 : i32
    %mul3A_28 = arith.muli %arg1, %mul3A_27 : i32
    %add3A_29 = arith.constant 400 : i32
    %add3A_30 = arith.addi %mul3A_28, %add3A_29 : i32
    "tpu.region"() ({
      %run_scoped3A = tpu.sem_alloc : memref<!tpu.dma_semaphore, #tpu.memory_space<semaphore_mem>>
      %dma_start3A = arith.constant 0 : i32
      %dma_start3A_221 = tpu.memref_slice %arg5[%add3A_30, %dma_start3A] : memref<10240x128xf32, #tpu.memory_space<vmem_shared>> -> memref<80x128xf32, #tpu.memory_space<vmem_shared>>
      %dma_start3A_222 = arith.constant 0 : i32
      %dma_start3A_223 = tpu.memref_slice %arg5[%add3A_30, %dma_start3A_222] : memref<10240x128xf32, #tpu.memory_space<vmem_shared>> -> memref<80x128xf32, #tpu.memory_space<vmem_shared>>
      tpu.enqueue_dma source(%arg6 : memref<80x128xf32, #tpu.memory_space<vmem>>) target(%dma_start3A_223 : memref<80x128xf32, #tpu.memory_space<vmem_shared>>) target_semaphore(%run_scoped3A : memref<!tpu.dma_semaphore, #tpu.memory_space<semaphore_mem>>)
      %dma_wait3A_224 = arith.constant 0 : i32
      %dma_wait3A_225 = tpu.memref_slice %arg5[%add3A_30, %dma_wait3A_224] : memref<10240x128xf32, #tpu.memory_space<vmem_shared>> -> memref<80x128xf32, #tpu.memory_space<vmem_shared>>
      %dma_wait3A_226 = arith.constant 0 : i32
      %dma_wait3A_227 = tpu.memref_slice %arg5[%add3A_30, %dma_wait3A_226] : memref<10240x128xf32, #tpu.memory_space<vmem_shared>> -> memref<80x128xf32, #tpu.memory_space<vmem_shared>>
      tpu.wait_dma2 semaphore(%run_scoped3A : memref<!tpu.dma_semaphore, #tpu.memory_space<semaphore_mem>>) src(%arg6 : memref<80x128xf32, #tpu.memory_space<vmem>>) dst(%dma_wait3A_227 : memref<80x128xf32, #tpu.memory_space<vmem_shared>>)
      tpu.yield
    }) : () -> ()
    %mul3A_31 = arith.constant 640 : i32
    %mul3A_32 = arith.muli %arg1, %mul3A_31 : i32
    %add3A_33 = arith.constant 480 : i32
    %add3A_34 = arith.addi %mul3A_32, %add3A_33 : i32
    "tpu.region"() ({
      %run_scoped3A = tpu.sem_alloc : memref<!tpu.dma_semaphore, #tpu.memory_space<semaphore_mem>>
      %dma_start3A = arith.constant 0 : i32
      %dma_start3A_221 = tpu.memref_slice %arg5[%add3A_34, %dma_start3A] : memref<10240x128xf32, #tpu.memory_space<vmem_shared>> -> memref<80x128xf32, #tpu.memory_space<vmem_shared>>
      %dma_start3A_222 = arith.constant 0 : i32
      %dma_start3A_223 = tpu.memref_slice %arg5[%add3A_34, %dma_start3A_222] : memref<10240x128xf32, #tpu.memory_space<vmem_shared>> -> memref<80x128xf32, #tpu.memory_space<vmem_shared>>
      tpu.enqueue_dma source(%arg6 : memref<80x128xf32, #tpu.memory_space<vmem>>) target(%dma_start3A_223 : memref<80x128xf32, #tpu.memory_space<vmem_shared>>) target_semaphore(%run_scoped3A : memref<!tpu.dma_semaphore, #tpu.memory_space<semaphore_mem>>)
      %dma_wait3A_224 = arith.constant 0 : i32
      %dma_wait3A_225 = tpu.memref_slice %arg5[%add3A_34, %dma_wait3A_224] : memref<10240x128xf32, #tpu.memory_space<vmem_shared>> -> memref<80x128xf32, #tpu.memory_space<vmem_shared>>
      %dma_wait3A_226 = arith.constant 0 : i32
      %dma_wait3A_227 = tpu.memref_slice %arg5[%add3A_34, %dma_wait3A_226] : memref<10240x128xf32, #tpu.memory_space<vmem_shared>> -> memref<80x128xf32, #tpu.memory_space<vmem_shared>>
      tpu.wait_dma2 semaphore(%run_scoped3A : memref<!tpu.dma_semaphore, #tpu.memory_space<semaphore_mem>>) src(%arg6 : memref<80x128xf32, #tpu.memory_space<vmem>>) dst(%dma_wait3A_227 : memref<80x128xf32, #tpu.memory_space<vmem_shared>>)
      tpu.yield
    }) : () -> ()
    %mul3A_35 = arith.constant 640 : i32
    %mul3A_36 = arith.muli %arg1, %mul3A_35 : i32
    %add3A_37 = arith.constant 560 : i32
    %add3A_38 = arith.addi %mul3A_36, %add3A_37 : i32
    "tpu.region"() ({
      %run_scoped3A = tpu.sem_alloc : memref<!tpu.dma_semaphore, #tpu.memory_space<semaphore_mem>>
      %dma_start3A = arith.constant 0 : i32
      %dma_start3A_221 = tpu.memref_slice %arg5[%add3A_38, %dma_start3A] : memref<10240x128xf32, #tpu.memory_space<vmem_shared>> -> memref<80x128xf32, #tpu.memory_space<vmem_shared>>
      %dma_start3A_222 = arith.constant 0 : i32
      %dma_start3A_223 = tpu.memref_slice %arg5[%add3A_38, %dma_start3A_222] : memref<10240x128xf32, #tpu.memory_space<vmem_shared>> -> memref<80x128xf32, #tpu.memory_space<vmem_shared>>
      tpu.enqueue_dma source(%arg6 : memref<80x128xf32, #tpu.memory_space<vmem>>) target(%dma_start3A_223 : memref<80x128xf32, #tpu.memory_space<vmem_shared>>) target_semaphore(%run_scoped3A : memref<!tpu.dma_semaphore, #tpu.memory_space<semaphore_mem>>)
      %dma_wait3A_224 = arith.constant 0 : i32
      %dma_wait3A_225 = tpu.memref_slice %arg5[%add3A_38, %dma_wait3A_224] : memref<10240x128xf32, #tpu.memory_space<vmem_shared>> -> memref<80x128xf32, #tpu.memory_space<vmem_shared>>
      %dma_wait3A_226 = arith.constant 0 : i32
      %dma_wait3A_227 = tpu.memref_slice %arg5[%add3A_38, %dma_wait3A_226] : memref<10240x128xf32, #tpu.memory_space<vmem_shared>> -> memref<80x128xf32, #tpu.memory_space<vmem_shared>>
      tpu.wait_dma2 semaphore(%run_scoped3A : memref<!tpu.dma_semaphore, #tpu.memory_space<semaphore_mem>>) src(%arg6 : memref<80x128xf32, #tpu.memory_space<vmem>>) dst(%dma_wait3A_227 : memref<80x128xf32, #tpu.memory_space<vmem_shared>>)
      tpu.yield
    }) : () -> ()
    %barrier3A = arith.constant 0 : index
    tpu.barrier barrier_id(%barrier3A)
    %scan3A_39 = arith.constant 0 : i32
    %scan3A_40 = arith.constant 0 : i32
    %scan3A_41 = arith.constant 22 : i32
    %scan3A_42 = arith.addi %scan3A_40, %scan3A_41 : i32
    %scan3A_43 = arith.constant 1 : i32
    scf.for %scan3A_221 = %scan3A_40 to %scan3A_42 step %scan3A_43  : i32 {
      %mul3A_222 = arith.constant 5280 : i32
      %mul3A_223 = arith.muli %add3A, %mul3A_222 : i32
      %mul3A_224 = arith.constant 2 : i32
      %mul3A_225 = arith.muli %scan3A_221, %mul3A_224 : i32
      %add3A_226 = arith.constant 0 : i32
      %add3A_227 = arith.addi %mul3A_225, %add3A_226 : i32
      %mul3A_228 = arith.constant 120 : i32
      %mul3A_229 = arith.muli %add3A_227, %mul3A_228 : i32
      %add3A_230 = arith.addi %mul3A_223, %mul3A_229 : i32
      %multiple_of3A = tpu.assume_multiple %add3A_230, 8 : i32
      %gt3A = arith.constant 0 : i32
      %gt3A_231 = arith.cmpi sgt, %scan3A_221, %gt3A : i32
      %convert_element_type3A = arith.extui %gt3A_231 : i1 to i32
      %cond3A = arith.constant 0 : i32
      %cond3A_232 = arith.cmpi ne, %convert_element_type3A, %cond3A : i32
      scf.if %cond3A_232 {
        %dma_wait3A_253 = arith.constant 0 : i32
        %dma_wait3A_254 = arith.constant 0 : i32
        %dma_wait3A_255 = tpu.memref_slice %arg5[%dma_wait3A_253, %dma_wait3A_254] : memref<10240x128xf32, #tpu.memory_space<vmem_shared>> -> memref<10240x128xf32, #tpu.memory_space<vmem_shared>>
        tpu.wait_indirect_dma semaphore(%arg11 : memref<!tpu.dma_semaphore, #tpu.memory_space<semaphore_mem>>) src(%arg7 : memref<120x128xf32, #tpu.memory_space<vmem>>) dst(%dma_wait3A_255 : memref<10240x128xf32, #tpu.memory_space<vmem_shared>>)
      } else {
      }
      "tpu.region"() ({
        %run_scoped3A = tpu.sem_alloc : memref<!tpu.dma_semaphore, #tpu.memory_space<semaphore_mem>>
        %dma_start3A_253 = arith.constant 0 : i32
        %dma_start3A_254 = tpu.memref_slice %arg2[%multiple_of3A, %dma_start3A_253] : memref<168960x512xf32, #tpu.memory_space<hbm>> -> memref<120x128xf32, #tpu.memory_space<hbm>>
        %dma_start3A_255 = arith.constant 0 : i32
        %dma_start3A_256 = tpu.memref_slice %arg2[%multiple_of3A, %dma_start3A_255] : memref<168960x512xf32, #tpu.memory_space<hbm>> -> memref<120x128xf32, #tpu.memory_space<hbm>>
        tpu.enqueue_dma source(%dma_start3A_256 : memref<120x128xf32, #tpu.memory_space<hbm>>) target(%arg7 : memref<120x128xf32, #tpu.memory_space<vmem>>) target_semaphore(%run_scoped3A : memref<!tpu.dma_semaphore, #tpu.memory_space<semaphore_mem>>)
        %dma_wait3A_257 = arith.constant 0 : i32
        %dma_wait3A_258 = tpu.memref_slice %arg2[%multiple_of3A, %dma_wait3A_257] : memref<168960x512xf32, #tpu.memory_space<hbm>> -> memref<120x128xf32, #tpu.memory_space<hbm>>
        %dma_wait3A_259 = arith.constant 0 : i32
        %dma_wait3A_260 = tpu.memref_slice %arg2[%multiple_of3A, %dma_wait3A_259] : memref<168960x512xf32, #tpu.memory_space<hbm>> -> memref<120x128xf32, #tpu.memory_space<hbm>>
        tpu.wait_dma2 semaphore(%run_scoped3A : memref<!tpu.dma_semaphore, #tpu.memory_space<semaphore_mem>>) src(%dma_wait3A_260 : memref<120x128xf32, #tpu.memory_space<hbm>>) dst(%arg7 : memref<120x128xf32, #tpu.memory_space<vmem>>)
        tpu.yield
      }) : () -> ()
      "tpu.region"() ({
        %run_scoped3A = tpu.sem_alloc : memref<!tpu.dma_semaphore, #tpu.memory_space<semaphore_mem>>
        %dma_start3A_253 = tpu.memref_slice %arg3[%multiple_of3A] : memref<168960xi32, #tpu.memory_space<hbm>> -> memref<120xi32, #tpu.memory_space<hbm>>
        %dma_start3A_254 = tpu.memref_slice %arg3[%multiple_of3A] : memref<168960xi32, #tpu.memory_space<hbm>> -> memref<120xi32, #tpu.memory_space<hbm>>
        tpu.enqueue_dma source(%dma_start3A_254 : memref<120xi32, #tpu.memory_space<hbm>>) target(%arg9 : memref<120xi32, #tpu.memory_space<vmem>>) target_semaphore(%run_scoped3A : memref<!tpu.dma_semaphore, #tpu.memory_space<semaphore_mem>>)
        %dma_wait3A_255 = tpu.memref_slice %arg3[%multiple_of3A] : memref<168960xi32, #tpu.memory_space<hbm>> -> memref<120xi32, #tpu.memory_space<hbm>>
        %dma_wait3A_256 = tpu.memref_slice %arg3[%multiple_of3A] : memref<168960xi32, #tpu.memory_space<hbm>> -> memref<120xi32, #tpu.memory_space<hbm>>
        tpu.wait_dma2 semaphore(%run_scoped3A : memref<!tpu.dma_semaphore, #tpu.memory_space<semaphore_mem>>) src(%dma_wait3A_256 : memref<120xi32, #tpu.memory_space<hbm>>) dst(%arg9 : memref<120xi32, #tpu.memory_space<vmem>>)
        tpu.yield
      }) : () -> ()
      %dma_start3A = arith.constant 0 : i32
      %dma_start3A_233 = arith.constant 0 : i32
      %dma_start3A_234 = tpu.memref_slice %arg5[%dma_start3A, %dma_start3A_233] : memref<10240x128xf32, #tpu.memory_space<vmem_shared>> -> memref<10240x128xf32, #tpu.memory_space<vmem_shared>>
      tpu.enqueue_indirect_dma source(%arg7 : memref<120x128xf32, #tpu.memory_space<vmem>>) target(%dma_start3A_234 : memref<10240x128xf32, #tpu.memory_space<vmem_shared>>) offsets(%arg9 : memref<120xi32, #tpu.memory_space<vmem>>) semaphore(%arg11 : memref<!tpu.dma_semaphore, #tpu.memory_space<semaphore_mem>>) {add = true}
      %mul3A_235 = arith.constant 5280 : i32
      %mul3A_236 = arith.muli %add3A, %mul3A_235 : i32
      %mul3A_237 = arith.constant 2 : i32
      %mul3A_238 = arith.muli %scan3A_221, %mul3A_237 : i32
      %add3A_239 = arith.constant 1 : i32
      %add3A_240 = arith.addi %mul3A_238, %add3A_239 : i32
      %mul3A_241 = arith.constant 120 : i32
      %mul3A_242 = arith.muli %add3A_240, %mul3A_241 : i32
      %add3A_243 = arith.addi %mul3A_236, %mul3A_242 : i32
      %multiple_of3A_244 = tpu.assume_multiple %add3A_243, 8 : i32
      %gt3A_245 = arith.constant 0 : i32
      %gt3A_246 = arith.cmpi sgt, %scan3A_221, %gt3A_245 : i32
      %convert_element_type3A_247 = arith.extui %gt3A_246 : i1 to i32
      %cond3A_248 = arith.constant 0 : i32
      %cond3A_249 = arith.cmpi ne, %convert_element_type3A_247, %cond3A_248 : i32
      scf.if %cond3A_249 {
        %dma_wait3A_253 = arith.constant 0 : i32
        %dma_wait3A_254 = arith.constant 0 : i32
        %dma_wait3A_255 = tpu.memref_slice %arg5[%dma_wait3A_253, %dma_wait3A_254] : memref<10240x128xf32, #tpu.memory_space<vmem_shared>> -> memref<10240x128xf32, #tpu.memory_space<vmem_shared>>
        tpu.wait_indirect_dma semaphore(%arg12 : memref<!tpu.dma_semaphore, #tpu.memory_space<semaphore_mem>>) src(%arg8 : memref<120x128xf32, #tpu.memory_space<vmem>>) dst(%dma_wait3A_255 : memref<10240x128xf32, #tpu.memory_space<vmem_shared>>)
      } else {
      }
      "tpu.region"() ({
        %run_scoped3A = tpu.sem_alloc : memref<!tpu.dma_semaphore, #tpu.memory_space<semaphore_mem>>
        %dma_start3A_253 = arith.constant 0 : i32
        %dma_start3A_254 = tpu.memref_slice %arg2[%multiple_of3A_244, %dma_start3A_253] : memref<168960x512xf32, #tpu.memory_space<hbm>> -> memref<120x128xf32, #tpu.memory_space<hbm>>
        %dma_start3A_255 = arith.constant 0 : i32
        %dma_start3A_256 = tpu.memref_slice %arg2[%multiple_of3A_244, %dma_start3A_255] : memref<168960x512xf32, #tpu.memory_space<hbm>> -> memref<120x128xf32, #tpu.memory_space<hbm>>
        tpu.enqueue_dma source(%dma_start3A_256 : memref<120x128xf32, #tpu.memory_space<hbm>>) target(%arg8 : memref<120x128xf32, #tpu.memory_space<vmem>>) target_semaphore(%run_scoped3A : memref<!tpu.dma_semaphore, #tpu.memory_space<semaphore_mem>>)
        %dma_wait3A_257 = arith.constant 0 : i32
        %dma_wait3A_258 = tpu.memref_slice %arg2[%multiple_of3A_244, %dma_wait3A_257] : memref<168960x512xf32, #tpu.memory_space<hbm>> -> memref<120x128xf32, #tpu.memory_space<hbm>>
        %dma_wait3A_259 = arith.constant 0 : i32
        %dma_wait3A_260 = tpu.memref_slice %arg2[%multiple_of3A_244, %dma_wait3A_259] : memref<168960x512xf32, #tpu.memory_space<hbm>> -> memref<120x128xf32, #tpu.memory_space<hbm>>
        tpu.wait_dma2 semaphore(%run_scoped3A : memref<!tpu.dma_semaphore, #tpu.memory_space<semaphore_mem>>) src(%dma_wait3A_260 : memref<120x128xf32, #tpu.memory_space<hbm>>) dst(%arg8 : memref<120x128xf32, #tpu.memory_space<vmem>>)
        tpu.yield
      }) : () -> ()
      "tpu.region"() ({
        %run_scoped3A = tpu.sem_alloc : memref<!tpu.dma_semaphore, #tpu.memory_space<semaphore_mem>>
        %dma_start3A_253 = tpu.memref_slice %arg3[%multiple_of3A_244] : memref<168960xi32, #tpu.memory_space<hbm>> -> memref<120xi32, #tpu.memory_space<hbm>>
        %dma_start3A_254 = tpu.memref_slice %arg3[%multiple_of3A_244] : memref<168960xi32, #tpu.memory_space<hbm>> -> memref<120xi32, #tpu.memory_space<hbm>>
        tpu.enqueue_dma source(%dma_start3A_254 : memref<120xi32, #tpu.memory_space<hbm>>) target(%arg10 : memref<120xi32, #tpu.memory_space<vmem>>) target_semaphore(%run_scoped3A : memref<!tpu.dma_semaphore, #tpu.memory_space<semaphore_mem>>)
        %dma_wait3A_255 = tpu.memref_slice %arg3[%multiple_of3A_244] : memref<168960xi32, #tpu.memory_space<hbm>> -> memref<120xi32, #tpu.memory_space<hbm>>
        %dma_wait3A_256 = tpu.memref_slice %arg3[%multiple_of3A_244] : memref<168960xi32, #tpu.memory_space<hbm>> -> memref<120xi32, #tpu.memory_space<hbm>>
        tpu.wait_dma2 semaphore(%run_scoped3A : memref<!tpu.dma_semaphore, #tpu.memory_space<semaphore_mem>>) src(%dma_wait3A_256 : memref<120xi32, #tpu.memory_space<hbm>>) dst(%arg10 : memref<120xi32, #tpu.memory_space<vmem>>)
        tpu.yield
      }) : () -> ()
      %dma_start3A_250 = arith.constant 0 : i32
      %dma_start3A_251 = arith.constant 0 : i32
      %dma_start3A_252 = tpu.memref_slice %arg5[%dma_start3A_250, %dma_start3A_251] : memref<10240x128xf32, #tpu.memory_space<vmem_shared>> -> memref<10240x128xf32, #tpu.memory_space<vmem_shared>>
      tpu.enqueue_indirect_dma source(%arg8 : memref<120x128xf32, #tpu.memory_space<vmem>>) target(%dma_start3A_252 : memref<10240x128xf32, #tpu.memory_space<vmem_shared>>) offsets(%arg10 : memref<120xi32, #tpu.memory_space<vmem>>) semaphore(%arg12 : memref<!tpu.dma_semaphore, #tpu.memory_space<semaphore_mem>>) {add = true}
    }
    %scan3A_44 = arith.constant 22 : i32
    %dma_wait3A = arith.constant 0 : i32
    %dma_wait3A_45 = arith.constant 0 : i32
    %dma_wait3A_46 = tpu.memref_slice %arg5[%dma_wait3A, %dma_wait3A_45] : memref<10240x128xf32, #tpu.memory_space<vmem_shared>> -> memref<10240x128xf32, #tpu.memory_space<vmem_shared>>
    tpu.wait_indirect_dma semaphore(%arg11 : memref<!tpu.dma_semaphore, #tpu.memory_space<semaphore_mem>>) src(%arg7 : memref<120x128xf32, #tpu.memory_space<vmem>>) dst(%dma_wait3A_46 : memref<10240x128xf32, #tpu.memory_space<vmem_shared>>)
    %dma_wait3A_47 = arith.constant 0 : i32
    %dma_wait3A_48 = arith.constant 0 : i32
    %dma_wait3A_49 = tpu.memref_slice %arg5[%dma_wait3A_47, %dma_wait3A_48] : memref<10240x128xf32, #tpu.memory_space<vmem_shared>> -> memref<10240x128xf32, #tpu.memory_space<vmem_shared>>
    tpu.wait_indirect_dma semaphore(%arg12 : memref<!tpu.dma_semaphore, #tpu.memory_space<semaphore_mem>>) src(%arg8 : memref<120x128xf32, #tpu.memory_space<vmem>>) dst(%dma_wait3A_49 : memref<10240x128xf32, #tpu.memory_space<vmem_shared>>)
    %barrier3A_50 = arith.constant 0 : index
    tpu.barrier barrier_id(%barrier3A_50)
    %mul3A_51 = arith.constant 640 : i32
    %mul3A_52 = arith.muli %arg1, %mul3A_51 : i32
    %mul3A_53 = arith.constant 4 : i32
    %mul3A_54 = arith.muli %arg0, %mul3A_53 : i32
    %add3A_55 = arith.constant 0 : i32
    %add3A_56 = arith.addi %mul3A_54, %add3A_55 : i32
    %mul3A_57 = arith.constant 640 : i32
    %mul3A_58 = arith.muli %arg1, %mul3A_57 : i32
    "tpu.region"() ({
      %run_scoped3A = tpu.sem_alloc : memref<!tpu.dma_semaphore, #tpu.memory_space<semaphore_mem>>
      %dma_start3A = arith.constant 0 : i32
      %dma_start3A_221 = tpu.memref_slice %arg4[%add3A_56, %mul3A_58, %dma_start3A] : memref<8x10240x128xf32, #tpu.memory_space<hbm>> -> memref<1x640x128xf32, #tpu.memory_space<hbm>>
      %dma_start3A_222 = tpu.memref_squeeze %dma_start3A_221 : memref<1x640x128xf32, #tpu.memory_space<hbm>> -> memref<640x128xf32, #tpu.memory_space<hbm>>
      %dma_start3A_223 = arith.constant 0 : i32
      %dma_start3A_224 = tpu.memref_slice %arg5[%mul3A_52, %dma_start3A_223] : memref<10240x128xf32, #tpu.memory_space<vmem_shared>> -> memref<640x128xf32, #tpu.memory_space<vmem_shared>>
      tpu.enqueue_dma source(%dma_start3A_224 : memref<640x128xf32, #tpu.memory_space<vmem_shared>>) target(%dma_start3A_222 : memref<640x128xf32, #tpu.memory_space<hbm>>) target_semaphore(%run_scoped3A : memref<!tpu.dma_semaphore, #tpu.memory_space<semaphore_mem>>)
      %dma_wait3A_225 = arith.constant 0 : i32
      %dma_wait3A_226 = tpu.memref_slice %arg4[%add3A_56, %mul3A_58, %dma_wait3A_225] : memref<8x10240x128xf32, #tpu.memory_space<hbm>> -> memref<1x640x128xf32, #tpu.memory_space<hbm>>
      %dma_wait3A_227 = tpu.memref_squeeze %dma_wait3A_226 : memref<1x640x128xf32, #tpu.memory_space<hbm>> -> memref<640x128xf32, #tpu.memory_space<hbm>>
      %dma_wait3A_228 = arith.constant 0 : i32
      %dma_wait3A_229 = tpu.memref_slice %arg5[%mul3A_52, %dma_wait3A_228] : memref<10240x128xf32, #tpu.memory_space<vmem_shared>> -> memref<640x128xf32, #tpu.memory_space<vmem_shared>>
      tpu.wait_dma2 semaphore(%run_scoped3A : memref<!tpu.dma_semaphore, #tpu.memory_space<semaphore_mem>>) src(%dma_wait3A_229 : memref<640x128xf32, #tpu.memory_space<vmem_shared>>) dst(%dma_wait3A_227 : memref<640x128xf32, #tpu.memory_space<hbm>>)
      tpu.yield
    }) : () -> ()
    %mul3A_59 = arith.constant 640 : i32
    %mul3A_60 = arith.muli %arg1, %mul3A_59 : i32
    %add3A_61 = arith.constant 0 : i32
    %add3A_62 = arith.addi %mul3A_60, %add3A_61 : i32
    "tpu.region"() ({
      %run_scoped3A = tpu.sem_alloc : memref<!tpu.dma_semaphore, #tpu.memory_space<semaphore_mem>>
      %dma_start3A = arith.constant 0 : i32
      %dma_start3A_221 = tpu.memref_slice %arg5[%add3A_62, %dma_start3A] : memref<10240x128xf32, #tpu.memory_space<vmem_shared>> -> memref<80x128xf32, #tpu.memory_space<vmem_shared>>
      %dma_start3A_222 = arith.constant 0 : i32
      %dma_start3A_223 = tpu.memref_slice %arg5[%add3A_62, %dma_start3A_222] : memref<10240x128xf32, #tpu.memory_space<vmem_shared>> -> memref<80x128xf32, #tpu.memory_space<vmem_shared>>
      tpu.enqueue_dma source(%arg6 : memref<80x128xf32, #tpu.memory_space<vmem>>) target(%dma_start3A_223 : memref<80x128xf32, #tpu.memory_space<vmem_shared>>) target_semaphore(%run_scoped3A : memref<!tpu.dma_semaphore, #tpu.memory_space<semaphore_mem>>)
      %dma_wait3A_224 = arith.constant 0 : i32
      %dma_wait3A_225 = tpu.memref_slice %arg5[%add3A_62, %dma_wait3A_224] : memref<10240x128xf32, #tpu.memory_space<vmem_shared>> -> memref<80x128xf32, #tpu.memory_space<vmem_shared>>
      %dma_wait3A_226 = arith.constant 0 : i32
      %dma_wait3A_227 = tpu.memref_slice %arg5[%add3A_62, %dma_wait3A_226] : memref<10240x128xf32, #tpu.memory_space<vmem_shared>> -> memref<80x128xf32, #tpu.memory_space<vmem_shared>>
      tpu.wait_dma2 semaphore(%run_scoped3A : memref<!tpu.dma_semaphore, #tpu.memory_space<semaphore_mem>>) src(%arg6 : memref<80x128xf32, #tpu.memory_space<vmem>>) dst(%dma_wait3A_227 : memref<80x128xf32, #tpu.memory_space<vmem_shared>>)
      tpu.yield
    }) : () -> ()
    %mul3A_63 = arith.constant 640 : i32
    %mul3A_64 = arith.muli %arg1, %mul3A_63 : i32
    %add3A_65 = arith.constant 80 : i32
    %add3A_66 = arith.addi %mul3A_64, %add3A_65 : i32
    "tpu.region"() ({
      %run_scoped3A = tpu.sem_alloc : memref<!tpu.dma_semaphore, #tpu.memory_space<semaphore_mem>>
      %dma_start3A = arith.constant 0 : i32
      %dma_start3A_221 = tpu.memref_slice %arg5[%add3A_66, %dma_start3A] : memref<10240x128xf32, #tpu.memory_space<vmem_shared>> -> memref<80x128xf32, #tpu.memory_space<vmem_shared>>
      %dma_start3A_222 = arith.constant 0 : i32
      %dma_start3A_223 = tpu.memref_slice %arg5[%add3A_66, %dma_start3A_222] : memref<10240x128xf32, #tpu.memory_space<vmem_shared>> -> memref<80x128xf32, #tpu.memory_space<vmem_shared>>
      tpu.enqueue_dma source(%arg6 : memref<80x128xf32, #tpu.memory_space<vmem>>) target(%dma_start3A_223 : memref<80x128xf32, #tpu.memory_space<vmem_shared>>) target_semaphore(%run_scoped3A : memref<!tpu.dma_semaphore, #tpu.memory_space<semaphore_mem>>)
      %dma_wait3A_224 = arith.constant 0 : i32
      %dma_wait3A_225 = tpu.memref_slice %arg5[%add3A_66, %dma_wait3A_224] : memref<10240x128xf32, #tpu.memory_space<vmem_shared>> -> memref<80x128xf32, #tpu.memory_space<vmem_shared>>
      %dma_wait3A_226 = arith.constant 0 : i32
      %dma_wait3A_227 = tpu.memref_slice %arg5[%add3A_66, %dma_wait3A_226] : memref<10240x128xf32, #tpu.memory_space<vmem_shared>> -> memref<80x128xf32, #tpu.memory_space<vmem_shared>>
      tpu.wait_dma2 semaphore(%run_scoped3A : memref<!tpu.dma_semaphore, #tpu.memory_space<semaphore_mem>>) src(%arg6 : memref<80x128xf32, #tpu.memory_space<vmem>>) dst(%dma_wait3A_227 : memref<80x128xf32, #tpu.memory_space<vmem_shared>>)
      tpu.yield
    }) : () -> ()
    %mul3A_67 = arith.constant 640 : i32
    %mul3A_68 = arith.muli %arg1, %mul3A_67 : i32
    %add3A_69 = arith.constant 160 : i32
    %add3A_70 = arith.addi %mul3A_68, %add3A_69 : i32
    "tpu.region"() ({
      %run_scoped3A = tpu.sem_alloc : memref<!tpu.dma_semaphore, #tpu.memory_space<semaphore_mem>>
      %dma_start3A = arith.constant 0 : i32
      %dma_start3A_221 = tpu.memref_slice %arg5[%add3A_70, %dma_start3A] : memref<10240x128xf32, #tpu.memory_space<vmem_shared>> -> memref<80x128xf32, #tpu.memory_space<vmem_shared>>
      %dma_start3A_222 = arith.constant 0 : i32
      %dma_start3A_223 = tpu.memref_slice %arg5[%add3A_70, %dma_start3A_222] : memref<10240x128xf32, #tpu.memory_space<vmem_shared>> -> memref<80x128xf32, #tpu.memory_space<vmem_shared>>
      tpu.enqueue_dma source(%arg6 : memref<80x128xf32, #tpu.memory_space<vmem>>) target(%dma_start3A_223 : memref<80x128xf32, #tpu.memory_space<vmem_shared>>) target_semaphore(%run_scoped3A : memref<!tpu.dma_semaphore, #tpu.memory_space<semaphore_mem>>)
      %dma_wait3A_224 = arith.constant 0 : i32
      %dma_wait3A_225 = tpu.memref_slice %arg5[%add3A_70, %dma_wait3A_224] : memref<10240x128xf32, #tpu.memory_space<vmem_shared>> -> memref<80x128xf32, #tpu.memory_space<vmem_shared>>
      %dma_wait3A_226 = arith.constant 0 : i32
      %dma_wait3A_227 = tpu.memref_slice %arg5[%add3A_70, %dma_wait3A_226] : memref<10240x128xf32, #tpu.memory_space<vmem_shared>> -> memref<80x128xf32, #tpu.memory_space<vmem_shared>>
      tpu.wait_dma2 semaphore(%run_scoped3A : memref<!tpu.dma_semaphore, #tpu.memory_space<semaphore_mem>>) src(%arg6 : memref<80x128xf32, #tpu.memory_space<vmem>>) dst(%dma_wait3A_227 : memref<80x128xf32, #tpu.memory_space<vmem_shared>>)
      tpu.yield
    }) : () -> ()
    %mul3A_71 = arith.constant 640 : i32
    %mul3A_72 = arith.muli %arg1, %mul3A_71 : i32
    %add3A_73 = arith.constant 240 : i32
    %add3A_74 = arith.addi %mul3A_72, %add3A_73 : i32
    "tpu.region"() ({
      %run_scoped3A = tpu.sem_alloc : memref<!tpu.dma_semaphore, #tpu.memory_space<semaphore_mem>>
      %dma_start3A = arith.constant 0 : i32
      %dma_start3A_221 = tpu.memref_slice %arg5[%add3A_74, %dma_start3A] : memref<10240x128xf32, #tpu.memory_space<vmem_shared>> -> memref<80x128xf32, #tpu.memory_space<vmem_shared>>
      %dma_start3A_222 = arith.constant 0 : i32
      %dma_start3A_223 = tpu.memref_slice %arg5[%add3A_74, %dma_start3A_222] : memref<10240x128xf32, #tpu.memory_space<vmem_shared>> -> memref<80x128xf32, #tpu.memory_space<vmem_shared>>
      tpu.enqueue_dma source(%arg6 : memref<80x128xf32, #tpu.memory_space<vmem>>) target(%dma_start3A_223 : memref<80x128xf32, #tpu.memory_space<vmem_shared>>) target_semaphore(%run_scoped3A : memref<!tpu.dma_semaphore, #tpu.memory_space<semaphore_mem>>)
      %dma_wait3A_224 = arith.constant 0 : i32
      %dma_wait3A_225 = tpu.memref_slice %arg5[%add3A_74, %dma_wait3A_224] : memref<10240x128xf32, #tpu.memory_space<vmem_shared>> -> memref<80x128xf32, #tpu.memory_space<vmem_shared>>
      %dma_wait3A_226 = arith.constant 0 : i32
      %dma_wait3A_227 = tpu.memref_slice %arg5[%add3A_74, %dma_wait3A_226] : memref<10240x128xf32, #tpu.memory_space<vmem_shared>> -> memref<80x128xf32, #tpu.memory_space<vmem_shared>>
      tpu.wait_dma2 semaphore(%run_scoped3A : memref<!tpu.dma_semaphore, #tpu.memory_space<semaphore_mem>>) src(%arg6 : memref<80x128xf32, #tpu.memory_space<vmem>>) dst(%dma_wait3A_227 : memref<80x128xf32, #tpu.memory_space<vmem_shared>>)
      tpu.yield
    }) : () -> ()
    %mul3A_75 = arith.constant 640 : i32
    %mul3A_76 = arith.muli %arg1, %mul3A_75 : i32
    %add3A_77 = arith.constant 320 : i32
    %add3A_78 = arith.addi %mul3A_76, %add3A_77 : i32
    "tpu.region"() ({
      %run_scoped3A = tpu.sem_alloc : memref<!tpu.dma_semaphore, #tpu.memory_space<semaphore_mem>>
      %dma_start3A = arith.constant 0 : i32
      %dma_start3A_221 = tpu.memref_slice %arg5[%add3A_78, %dma_start3A] : memref<10240x128xf32, #tpu.memory_space<vmem_shared>> -> memref<80x128xf32, #tpu.memory_space<vmem_shared>>
      %dma_start3A_222 = arith.constant 0 : i32
      %dma_start3A_223 = tpu.memref_slice %arg5[%add3A_78, %dma_start3A_222] : memref<10240x128xf32, #tpu.memory_space<vmem_shared>> -> memref<80x128xf32, #tpu.memory_space<vmem_shared>>
      tpu.enqueue_dma source(%arg6 : memref<80x128xf32, #tpu.memory_space<vmem>>) target(%dma_start3A_223 : memref<80x128xf32, #tpu.memory_space<vmem_shared>>) target_semaphore(%run_scoped3A : memref<!tpu.dma_semaphore, #tpu.memory_space<semaphore_mem>>)
      %dma_wait3A_224 = arith.constant 0 : i32
      %dma_wait3A_225 = tpu.memref_slice %arg5[%add3A_78, %dma_wait3A_224] : memref<10240x128xf32, #tpu.memory_space<vmem_shared>> -> memref<80x128xf32, #tpu.memory_space<vmem_shared>>
      %dma_wait3A_226 = arith.constant 0 : i32
      %dma_wait3A_227 = tpu.memref_slice %arg5[%add3A_78, %dma_wait3A_226] : memref<10240x128xf32, #tpu.memory_space<vmem_shared>> -> memref<80x128xf32, #tpu.memory_space<vmem_shared>>
      tpu.wait_dma2 semaphore(%run_scoped3A : memref<!tpu.dma_semaphore, #tpu.memory_space<semaphore_mem>>) src(%arg6 : memref<80x128xf32, #tpu.memory_space<vmem>>) dst(%dma_wait3A_227 : memref<80x128xf32, #tpu.memory_space<vmem_shared>>)
      tpu.yield
    }) : () -> ()
    %mul3A_79 = arith.constant 640 : i32
    %mul3A_80 = arith.muli %arg1, %mul3A_79 : i32
    %add3A_81 = arith.constant 400 : i32
    %add3A_82 = arith.addi %mul3A_80, %add3A_81 : i32
    "tpu.region"() ({
      %run_scoped3A = tpu.sem_alloc : memref<!tpu.dma_semaphore, #tpu.memory_space<semaphore_mem>>
      %dma_start3A = arith.constant 0 : i32
      %dma_start3A_221 = tpu.memref_slice %arg5[%add3A_82, %dma_start3A] : memref<10240x128xf32, #tpu.memory_space<vmem_shared>> -> memref<80x128xf32, #tpu.memory_space<vmem_shared>>
      %dma_start3A_222 = arith.constant 0 : i32
      %dma_start3A_223 = tpu.memref_slice %arg5[%add3A_82, %dma_start3A_222] : memref<10240x128xf32, #tpu.memory_space<vmem_shared>> -> memref<80x128xf32, #tpu.memory_space<vmem_shared>>
      tpu.enqueue_dma source(%arg6 : memref<80x128xf32, #tpu.memory_space<vmem>>) target(%dma_start3A_223 : memref<80x128xf32, #tpu.memory_space<vmem_shared>>) target_semaphore(%run_scoped3A : memref<!tpu.dma_semaphore, #tpu.memory_space<semaphore_mem>>)
      %dma_wait3A_224 = arith.constant 0 : i32
      %dma_wait3A_225 = tpu.memref_slice %arg5[%add3A_82, %dma_wait3A_224] : memref<10240x128xf32, #tpu.memory_space<vmem_shared>> -> memref<80x128xf32, #tpu.memory_space<vmem_shared>>
      %dma_wait3A_226 = arith.constant 0 : i32
      %dma_wait3A_227 = tpu.memref_slice %arg5[%add3A_82, %dma_wait3A_226] : memref<10240x128xf32, #tpu.memory_space<vmem_shared>> -> memref<80x128xf32, #tpu.memory_space<vmem_shared>>
      tpu.wait_dma2 semaphore(%run_scoped3A : memref<!tpu.dma_semaphore, #tpu.memory_space<semaphore_mem>>) src(%arg6 : memref<80x128xf32, #tpu.memory_space<vmem>>) dst(%dma_wait3A_227 : memref<80x128xf32, #tpu.memory_space<vmem_shared>>)
      tpu.yield
    }) : () -> ()
    %mul3A_83 = arith.constant 640 : i32
    %mul3A_84 = arith.muli %arg1, %mul3A_83 : i32
    %add3A_85 = arith.constant 480 : i32
    %add3A_86 = arith.addi %mul3A_84, %add3A_85 : i32
    "tpu.region"() ({
      %run_scoped3A = tpu.sem_alloc : memref<!tpu.dma_semaphore, #tpu.memory_space<semaphore_mem>>
      %dma_start3A = arith.constant 0 : i32
      %dma_start3A_221 = tpu.memref_slice %arg5[%add3A_86, %dma_start3A] : memref<10240x128xf32, #tpu.memory_space<vmem_shared>> -> memref<80x128xf32, #tpu.memory_space<vmem_shared>>
      %dma_start3A_222 = arith.constant 0 : i32
      %dma_start3A_223 = tpu.memref_slice %arg5[%add3A_86, %dma_start3A_222] : memref<10240x128xf32, #tpu.memory_space<vmem_shared>> -> memref<80x128xf32, #tpu.memory_space<vmem_shared>>
      tpu.enqueue_dma source(%arg6 : memref<80x128xf32, #tpu.memory_space<vmem>>) target(%dma_start3A_223 : memref<80x128xf32, #tpu.memory_space<vmem_shared>>) target_semaphore(%run_scoped3A : memref<!tpu.dma_semaphore, #tpu.memory_space<semaphore_mem>>)
      %dma_wait3A_224 = arith.constant 0 : i32
      %dma_wait3A_225 = tpu.memref_slice %arg5[%add3A_86, %dma_wait3A_224] : memref<10240x128xf32, #tpu.memory_space<vmem_shared>> -> memref<80x128xf32, #tpu.memory_space<vmem_shared>>
      %dma_wait3A_226 = arith.constant 0 : i32
      %dma_wait3A_227 = tpu.memref_slice %arg5[%add3A_86, %dma_wait3A_226] : memref<10240x128xf32, #tpu.memory_space<vmem_shared>> -> memref<80x128xf32, #tpu.memory_space<vmem_shared>>
      tpu.wait_dma2 semaphore(%run_scoped3A : memref<!tpu.dma_semaphore, #tpu.memory_space<semaphore_mem>>) src(%arg6 : memref<80x128xf32, #tpu.memory_space<vmem>>) dst(%dma_wait3A_227 : memref<80x128xf32, #tpu.memory_space<vmem_shared>>)
      tpu.yield
    }) : () -> ()
    %mul3A_87 = arith.constant 640 : i32
    %mul3A_88 = arith.muli %arg1, %mul3A_87 : i32
    %add3A_89 = arith.constant 560 : i32
    %add3A_90 = arith.addi %mul3A_88, %add3A_89 : i32
    "tpu.region"() ({
      %run_scoped3A = tpu.sem_alloc : memref<!tpu.dma_semaphore, #tpu.memory_space<semaphore_mem>>
      %dma_start3A = arith.constant 0 : i32
      %dma_start3A_221 = tpu.memref_slice %arg5[%add3A_90, %dma_start3A] : memref<10240x128xf32, #tpu.memory_space<vmem_shared>> -> memref<80x128xf32, #tpu.memory_space<vmem_shared>>
      %dma_start3A_222 = arith.constant 0 : i32
      %dma_start3A_223 = tpu.memref_slice %arg5[%add3A_90, %dma_start3A_222] : memref<10240x128xf32, #tpu.memory_space<vmem_shared>> -> memref<80x128xf32, #tpu.memory_space<vmem_shared>>
      tpu.enqueue_dma source(%arg6 : memref<80x128xf32, #tpu.memory_space<vmem>>) target(%dma_start3A_223 : memref<80x128xf32, #tpu.memory_space<vmem_shared>>) target_semaphore(%run_scoped3A : memref<!tpu.dma_semaphore, #tpu.memory_space<semaphore_mem>>)
      %dma_wait3A_224 = arith.constant 0 : i32
      %dma_wait3A_225 = tpu.memref_slice %arg5[%add3A_90, %dma_wait3A_224] : memref<10240x128xf32, #tpu.memory_space<vmem_shared>> -> memref<80x128xf32, #tpu.memory_space<vmem_shared>>
      %dma_wait3A_226 = arith.constant 0 : i32
      %dma_wait3A_227 = tpu.memref_slice %arg5[%add3A_90, %dma_wait3A_226] : memref<10240x128xf32, #tpu.memory_space<vmem_shared>> -> memref<80x128xf32, #tpu.memory_space<vmem_shared>>
      tpu.wait_dma2 semaphore(%run_scoped3A : memref<!tpu.dma_semaphore, #tpu.memory_space<semaphore_mem>>) src(%arg6 : memref<80x128xf32, #tpu.memory_space<vmem>>) dst(%dma_wait3A_227 : memref<80x128xf32, #tpu.memory_space<vmem_shared>>)
      tpu.yield
    }) : () -> ()
    %barrier3A_91 = arith.constant 0 : index
    tpu.barrier barrier_id(%barrier3A_91)
    %scan3A_92 = arith.constant 0 : i32
    %scan3A_93 = arith.constant 0 : i32
    %scan3A_94 = arith.constant 22 : i32
    %scan3A_95 = arith.addi %scan3A_93, %scan3A_94 : i32
    %scan3A_96 = arith.constant 1 : i32
    scf.for %scan3A_221 = %scan3A_93 to %scan3A_95 step %scan3A_96  : i32 {
      %mul3A_222 = arith.constant 5280 : i32
      %mul3A_223 = arith.muli %add3A, %mul3A_222 : i32
      %mul3A_224 = arith.constant 2 : i32
      %mul3A_225 = arith.muli %scan3A_221, %mul3A_224 : i32
      %add3A_226 = arith.constant 0 : i32
      %add3A_227 = arith.addi %mul3A_225, %add3A_226 : i32
      %mul3A_228 = arith.constant 120 : i32
      %mul3A_229 = arith.muli %add3A_227, %mul3A_228 : i32
      %add3A_230 = arith.addi %mul3A_223, %mul3A_229 : i32
      %multiple_of3A = tpu.assume_multiple %add3A_230, 8 : i32
      %gt3A = arith.constant 0 : i32
      %gt3A_231 = arith.cmpi sgt, %scan3A_221, %gt3A : i32
      %convert_element_type3A = arith.extui %gt3A_231 : i1 to i32
      %cond3A = arith.constant 0 : i32
      %cond3A_232 = arith.cmpi ne, %convert_element_type3A, %cond3A : i32
      scf.if %cond3A_232 {
        %dma_wait3A_253 = arith.constant 0 : i32
        %dma_wait3A_254 = arith.constant 0 : i32
        %dma_wait3A_255 = tpu.memref_slice %arg5[%dma_wait3A_253, %dma_wait3A_254] : memref<10240x128xf32, #tpu.memory_space<vmem_shared>> -> memref<10240x128xf32, #tpu.memory_space<vmem_shared>>
        tpu.wait_indirect_dma semaphore(%arg11 : memref<!tpu.dma_semaphore, #tpu.memory_space<semaphore_mem>>) src(%arg7 : memref<120x128xf32, #tpu.memory_space<vmem>>) dst(%dma_wait3A_255 : memref<10240x128xf32, #tpu.memory_space<vmem_shared>>)
      } else {
      }
      "tpu.region"() ({
        %run_scoped3A = tpu.sem_alloc : memref<!tpu.dma_semaphore, #tpu.memory_space<semaphore_mem>>
        %dma_start3A_253 = arith.constant 128 : i32
        %dma_start3A_254 = tpu.memref_slice %arg2[%multiple_of3A, %dma_start3A_253] : memref<168960x512xf32, #tpu.memory_space<hbm>> -> memref<120x128xf32, #tpu.memory_space<hbm>>
        %dma_start3A_255 = arith.constant 128 : i32
        %dma_start3A_256 = tpu.memref_slice %arg2[%multiple_of3A, %dma_start3A_255] : memref<168960x512xf32, #tpu.memory_space<hbm>> -> memref<120x128xf32, #tpu.memory_space<hbm>>
        tpu.enqueue_dma source(%dma_start3A_256 : memref<120x128xf32, #tpu.memory_space<hbm>>) target(%arg7 : memref<120x128xf32, #tpu.memory_space<vmem>>) target_semaphore(%run_scoped3A : memref<!tpu.dma_semaphore, #tpu.memory_space<semaphore_mem>>)
        %dma_wait3A_257 = arith.constant 128 : i32
        %dma_wait3A_258 = tpu.memref_slice %arg2[%multiple_of3A, %dma_wait3A_257] : memref<168960x512xf32, #tpu.memory_space<hbm>> -> memref<120x128xf32, #tpu.memory_space<hbm>>
        %dma_wait3A_259 = arith.constant 128 : i32
        %dma_wait3A_260 = tpu.memref_slice %arg2[%multiple_of3A, %dma_wait3A_259] : memref<168960x512xf32, #tpu.memory_space<hbm>> -> memref<120x128xf32, #tpu.memory_space<hbm>>
        tpu.wait_dma2 semaphore(%run_scoped3A : memref<!tpu.dma_semaphore, #tpu.memory_space<semaphore_mem>>) src(%dma_wait3A_260 : memref<120x128xf32, #tpu.memory_space<hbm>>) dst(%arg7 : memref<120x128xf32, #tpu.memory_space<vmem>>)
        tpu.yield
      }) : () -> ()
      "tpu.region"() ({
        %run_scoped3A = tpu.sem_alloc : memref<!tpu.dma_semaphore, #tpu.memory_space<semaphore_mem>>
        %dma_start3A_253 = tpu.memref_slice %arg3[%multiple_of3A] : memref<168960xi32, #tpu.memory_space<hbm>> -> memref<120xi32, #tpu.memory_space<hbm>>
        %dma_start3A_254 = tpu.memref_slice %arg3[%multiple_of3A] : memref<168960xi32, #tpu.memory_space<hbm>> -> memref<120xi32, #tpu.memory_space<hbm>>
        tpu.enqueue_dma source(%dma_start3A_254 : memref<120xi32, #tpu.memory_space<hbm>>) target(%arg9 : memref<120xi32, #tpu.memory_space<vmem>>) target_semaphore(%run_scoped3A : memref<!tpu.dma_semaphore, #tpu.memory_space<semaphore_mem>>)
        %dma_wait3A_255 = tpu.memref_slice %arg3[%multiple_of3A] : memref<168960xi32, #tpu.memory_space<hbm>> -> memref<120xi32, #tpu.memory_space<hbm>>
        %dma_wait3A_256 = tpu.memref_slice %arg3[%multiple_of3A] : memref<168960xi32, #tpu.memory_space<hbm>> -> memref<120xi32, #tpu.memory_space<hbm>>
        tpu.wait_dma2 semaphore(%run_scoped3A : memref<!tpu.dma_semaphore, #tpu.memory_space<semaphore_mem>>) src(%dma_wait3A_256 : memref<120xi32, #tpu.memory_space<hbm>>) dst(%arg9 : memref<120xi32, #tpu.memory_space<vmem>>)
        tpu.yield
      }) : () -> ()
      %dma_start3A = arith.constant 0 : i32
      %dma_start3A_233 = arith.constant 0 : i32
      %dma_start3A_234 = tpu.memref_slice %arg5[%dma_start3A, %dma_start3A_233] : memref<10240x128xf32, #tpu.memory_space<vmem_shared>> -> memref<10240x128xf32, #tpu.memory_space<vmem_shared>>
      tpu.enqueue_indirect_dma source(%arg7 : memref<120x128xf32, #tpu.memory_space<vmem>>) target(%dma_start3A_234 : memref<10240x128xf32, #tpu.memory_space<vmem_shared>>) offsets(%arg9 : memref<120xi32, #tpu.memory_space<vmem>>) semaphore(%arg11 : memref<!tpu.dma_semaphore, #tpu.memory_space<semaphore_mem>>) {add = true}
      %mul3A_235 = arith.constant 5280 : i32
      %mul3A_236 = arith.muli %add3A, %mul3A_235 : i32
      %mul3A_237 = arith.constant 2 : i32
      %mul3A_238 = arith.muli %scan3A_221, %mul3A_237 : i32
      %add3A_239 = arith.constant 1 : i32
      %add3A_240 = arith.addi %mul3A_238, %add3A_239 : i32
      %mul3A_241 = arith.constant 120 : i32
      %mul3A_242 = arith.muli %add3A_240, %mul3A_241 : i32
      %add3A_243 = arith.addi %mul3A_236, %mul3A_242 : i32
      %multiple_of3A_244 = tpu.assume_multiple %add3A_243, 8 : i32
      %gt3A_245 = arith.constant 0 : i32
      %gt3A_246 = arith.cmpi sgt, %scan3A_221, %gt3A_245 : i32
      %convert_element_type3A_247 = arith.extui %gt3A_246 : i1 to i32
      %cond3A_248 = arith.constant 0 : i32
      %cond3A_249 = arith.cmpi ne, %convert_element_type3A_247, %cond3A_248 : i32
      scf.if %cond3A_249 {
        %dma_wait3A_253 = arith.constant 0 : i32
        %dma_wait3A_254 = arith.constant 0 : i32
        %dma_wait3A_255 = tpu.memref_slice %arg5[%dma_wait3A_253, %dma_wait3A_254] : memref<10240x128xf32, #tpu.memory_space<vmem_shared>> -> memref<10240x128xf32, #tpu.memory_space<vmem_shared>>
        tpu.wait_indirect_dma semaphore(%arg12 : memref<!tpu.dma_semaphore, #tpu.memory_space<semaphore_mem>>) src(%arg8 : memref<120x128xf32, #tpu.memory_space<vmem>>) dst(%dma_wait3A_255 : memref<10240x128xf32, #tpu.memory_space<vmem_shared>>)
      } else {
      }
      "tpu.region"() ({
        %run_scoped3A = tpu.sem_alloc : memref<!tpu.dma_semaphore, #tpu.memory_space<semaphore_mem>>
        %dma_start3A_253 = arith.constant 128 : i32
        %dma_start3A_254 = tpu.memref_slice %arg2[%multiple_of3A_244, %dma_start3A_253] : memref<168960x512xf32, #tpu.memory_space<hbm>> -> memref<120x128xf32, #tpu.memory_space<hbm>>
        %dma_start3A_255 = arith.constant 128 : i32
        %dma_start3A_256 = tpu.memref_slice %arg2[%multiple_of3A_244, %dma_start3A_255] : memref<168960x512xf32, #tpu.memory_space<hbm>> -> memref<120x128xf32, #tpu.memory_space<hbm>>
        tpu.enqueue_dma source(%dma_start3A_256 : memref<120x128xf32, #tpu.memory_space<hbm>>) target(%arg8 : memref<120x128xf32, #tpu.memory_space<vmem>>) target_semaphore(%run_scoped3A : memref<!tpu.dma_semaphore, #tpu.memory_space<semaphore_mem>>)
        %dma_wait3A_257 = arith.constant 128 : i32
        %dma_wait3A_258 = tpu.memref_slice %arg2[%multiple_of3A_244, %dma_wait3A_257] : memref<168960x512xf32, #tpu.memory_space<hbm>> -> memref<120x128xf32, #tpu.memory_space<hbm>>
        %dma_wait3A_259 = arith.constant 128 : i32
        %dma_wait3A_260 = tpu.memref_slice %arg2[%multiple_of3A_244, %dma_wait3A_259] : memref<168960x512xf32, #tpu.memory_space<hbm>> -> memref<120x128xf32, #tpu.memory_space<hbm>>
        tpu.wait_dma2 semaphore(%run_scoped3A : memref<!tpu.dma_semaphore, #tpu.memory_space<semaphore_mem>>) src(%dma_wait3A_260 : memref<120x128xf32, #tpu.memory_space<hbm>>) dst(%arg8 : memref<120x128xf32, #tpu.memory_space<vmem>>)
        tpu.yield
      }) : () -> ()
      "tpu.region"() ({
        %run_scoped3A = tpu.sem_alloc : memref<!tpu.dma_semaphore, #tpu.memory_space<semaphore_mem>>
        %dma_start3A_253 = tpu.memref_slice %arg3[%multiple_of3A_244] : memref<168960xi32, #tpu.memory_space<hbm>> -> memref<120xi32, #tpu.memory_space<hbm>>
        %dma_start3A_254 = tpu.memref_slice %arg3[%multiple_of3A_244] : memref<168960xi32, #tpu.memory_space<hbm>> -> memref<120xi32, #tpu.memory_space<hbm>>
        tpu.enqueue_dma source(%dma_start3A_254 : memref<120xi32, #tpu.memory_space<hbm>>) target(%arg10 : memref<120xi32, #tpu.memory_space<vmem>>) target_semaphore(%run_scoped3A : memref<!tpu.dma_semaphore, #tpu.memory_space<semaphore_mem>>)
        %dma_wait3A_255 = tpu.memref_slice %arg3[%multiple_of3A_244] : memref<168960xi32, #tpu.memory_space<hbm>> -> memref<120xi32, #tpu.memory_space<hbm>>
        %dma_wait3A_256 = tpu.memref_slice %arg3[%multiple_of3A_244] : memref<168960xi32, #tpu.memory_space<hbm>> -> memref<120xi32, #tpu.memory_space<hbm>>
        tpu.wait_dma2 semaphore(%run_scoped3A : memref<!tpu.dma_semaphore, #tpu.memory_space<semaphore_mem>>) src(%dma_wait3A_256 : memref<120xi32, #tpu.memory_space<hbm>>) dst(%arg10 : memref<120xi32, #tpu.memory_space<vmem>>)
        tpu.yield
      }) : () -> ()
      %dma_start3A_250 = arith.constant 0 : i32
      %dma_start3A_251 = arith.constant 0 : i32
      %dma_start3A_252 = tpu.memref_slice %arg5[%dma_start3A_250, %dma_start3A_251] : memref<10240x128xf32, #tpu.memory_space<vmem_shared>> -> memref<10240x128xf32, #tpu.memory_space<vmem_shared>>
      tpu.enqueue_indirect_dma source(%arg8 : memref<120x128xf32, #tpu.memory_space<vmem>>) target(%dma_start3A_252 : memref<10240x128xf32, #tpu.memory_space<vmem_shared>>) offsets(%arg10 : memref<120xi32, #tpu.memory_space<vmem>>) semaphore(%arg12 : memref<!tpu.dma_semaphore, #tpu.memory_space<semaphore_mem>>) {add = true}
    }
    %scan3A_97 = arith.constant 22 : i32
    %dma_wait3A_98 = arith.constant 0 : i32
    %dma_wait3A_99 = arith.constant 0 : i32
    %dma_wait3A_100 = tpu.memref_slice %arg5[%dma_wait3A_98, %dma_wait3A_99] : memref<10240x128xf32, #tpu.memory_space<vmem_shared>> -> memref<10240x128xf32, #tpu.memory_space<vmem_shared>>
    tpu.wait_indirect_dma semaphore(%arg11 : memref<!tpu.dma_semaphore, #tpu.memory_space<semaphore_mem>>) src(%arg7 : memref<120x128xf32, #tpu.memory_space<vmem>>) dst(%dma_wait3A_100 : memref<10240x128xf32, #tpu.memory_space<vmem_shared>>)
    %dma_wait3A_101 = arith.constant 0 : i32
    %dma_wait3A_102 = arith.constant 0 : i32
    %dma_wait3A_103 = tpu.memref_slice %arg5[%dma_wait3A_101, %dma_wait3A_102] : memref<10240x128xf32, #tpu.memory_space<vmem_shared>> -> memref<10240x128xf32, #tpu.memory_space<vmem_shared>>
    tpu.wait_indirect_dma semaphore(%arg12 : memref<!tpu.dma_semaphore, #tpu.memory_space<semaphore_mem>>) src(%arg8 : memref<120x128xf32, #tpu.memory_space<vmem>>) dst(%dma_wait3A_103 : memref<10240x128xf32, #tpu.memory_space<vmem_shared>>)
    %barrier3A_104 = arith.constant 0 : index
    tpu.barrier barrier_id(%barrier3A_104)
    %mul3A_105 = arith.constant 640 : i32
    %mul3A_106 = arith.muli %arg1, %mul3A_105 : i32
    %mul3A_107 = arith.constant 4 : i32
    %mul3A_108 = arith.muli %arg0, %mul3A_107 : i32
    %add3A_109 = arith.constant 1 : i32
    %add3A_110 = arith.addi %mul3A_108, %add3A_109 : i32
    %mul3A_111 = arith.constant 640 : i32
    %mul3A_112 = arith.muli %arg1, %mul3A_111 : i32
    "tpu.region"() ({
      %run_scoped3A = tpu.sem_alloc : memref<!tpu.dma_semaphore, #tpu.memory_space<semaphore_mem>>
      %dma_start3A = arith.constant 0 : i32
      %dma_start3A_221 = tpu.memref_slice %arg4[%add3A_110, %mul3A_112, %dma_start3A] : memref<8x10240x128xf32, #tpu.memory_space<hbm>> -> memref<1x640x128xf32, #tpu.memory_space<hbm>>
      %dma_start3A_222 = tpu.memref_squeeze %dma_start3A_221 : memref<1x640x128xf32, #tpu.memory_space<hbm>> -> memref<640x128xf32, #tpu.memory_space<hbm>>
      %dma_start3A_223 = arith.constant 0 : i32
      %dma_start3A_224 = tpu.memref_slice %arg5[%mul3A_106, %dma_start3A_223] : memref<10240x128xf32, #tpu.memory_space<vmem_shared>> -> memref<640x128xf32, #tpu.memory_space<vmem_shared>>
      tpu.enqueue_dma source(%dma_start3A_224 : memref<640x128xf32, #tpu.memory_space<vmem_shared>>) target(%dma_start3A_222 : memref<640x128xf32, #tpu.memory_space<hbm>>) target_semaphore(%run_scoped3A : memref<!tpu.dma_semaphore, #tpu.memory_space<semaphore_mem>>)
      %dma_wait3A_225 = arith.constant 0 : i32
      %dma_wait3A_226 = tpu.memref_slice %arg4[%add3A_110, %mul3A_112, %dma_wait3A_225] : memref<8x10240x128xf32, #tpu.memory_space<hbm>> -> memref<1x640x128xf32, #tpu.memory_space<hbm>>
      %dma_wait3A_227 = tpu.memref_squeeze %dma_wait3A_226 : memref<1x640x128xf32, #tpu.memory_space<hbm>> -> memref<640x128xf32, #tpu.memory_space<hbm>>
      %dma_wait3A_228 = arith.constant 0 : i32
      %dma_wait3A_229 = tpu.memref_slice %arg5[%mul3A_106, %dma_wait3A_228] : memref<10240x128xf32, #tpu.memory_space<vmem_shared>> -> memref<640x128xf32, #tpu.memory_space<vmem_shared>>
      tpu.wait_dma2 semaphore(%run_scoped3A : memref<!tpu.dma_semaphore, #tpu.memory_space<semaphore_mem>>) src(%dma_wait3A_229 : memref<640x128xf32, #tpu.memory_space<vmem_shared>>) dst(%dma_wait3A_227 : memref<640x128xf32, #tpu.memory_space<hbm>>)
      tpu.yield
    }) : () -> ()
    %mul3A_113 = arith.constant 640 : i32
    %mul3A_114 = arith.muli %arg1, %mul3A_113 : i32
    %add3A_115 = arith.constant 0 : i32
    %add3A_116 = arith.addi %mul3A_114, %add3A_115 : i32
    "tpu.region"() ({
      %run_scoped3A = tpu.sem_alloc : memref<!tpu.dma_semaphore, #tpu.memory_space<semaphore_mem>>
      %dma_start3A = arith.constant 0 : i32
      %dma_start3A_221 = tpu.memref_slice %arg5[%add3A_116, %dma_start3A] : memref<10240x128xf32, #tpu.memory_space<vmem_shared>> -> memref<80x128xf32, #tpu.memory_space<vmem_shared>>
      %dma_start3A_222 = arith.constant 0 : i32
      %dma_start3A_223 = tpu.memref_slice %arg5[%add3A_116, %dma_start3A_222] : memref<10240x128xf32, #tpu.memory_space<vmem_shared>> -> memref<80x128xf32, #tpu.memory_space<vmem_shared>>
      tpu.enqueue_dma source(%arg6 : memref<80x128xf32, #tpu.memory_space<vmem>>) target(%dma_start3A_223 : memref<80x128xf32, #tpu.memory_space<vmem_shared>>) target_semaphore(%run_scoped3A : memref<!tpu.dma_semaphore, #tpu.memory_space<semaphore_mem>>)
      %dma_wait3A_224 = arith.constant 0 : i32
      %dma_wait3A_225 = tpu.memref_slice %arg5[%add3A_116, %dma_wait3A_224] : memref<10240x128xf32, #tpu.memory_space<vmem_shared>> -> memref<80x128xf32, #tpu.memory_space<vmem_shared>>
      %dma_wait3A_226 = arith.constant 0 : i32
      %dma_wait3A_227 = tpu.memref_slice %arg5[%add3A_116, %dma_wait3A_226] : memref<10240x128xf32, #tpu.memory_space<vmem_shared>> -> memref<80x128xf32, #tpu.memory_space<vmem_shared>>
      tpu.wait_dma2 semaphore(%run_scoped3A : memref<!tpu.dma_semaphore, #tpu.memory_space<semaphore_mem>>) src(%arg6 : memref<80x128xf32, #tpu.memory_space<vmem>>) dst(%dma_wait3A_227 : memref<80x128xf32, #tpu.memory_space<vmem_shared>>)
      tpu.yield
    }) : () -> ()
    %mul3A_117 = arith.constant 640 : i32
    %mul3A_118 = arith.muli %arg1, %mul3A_117 : i32
    %add3A_119 = arith.constant 80 : i32
    %add3A_120 = arith.addi %mul3A_118, %add3A_119 : i32
    "tpu.region"() ({
      %run_scoped3A = tpu.sem_alloc : memref<!tpu.dma_semaphore, #tpu.memory_space<semaphore_mem>>
      %dma_start3A = arith.constant 0 : i32
      %dma_start3A_221 = tpu.memref_slice %arg5[%add3A_120, %dma_start3A] : memref<10240x128xf32, #tpu.memory_space<vmem_shared>> -> memref<80x128xf32, #tpu.memory_space<vmem_shared>>
      %dma_start3A_222 = arith.constant 0 : i32
      %dma_start3A_223 = tpu.memref_slice %arg5[%add3A_120, %dma_start3A_222] : memref<10240x128xf32, #tpu.memory_space<vmem_shared>> -> memref<80x128xf32, #tpu.memory_space<vmem_shared>>
      tpu.enqueue_dma source(%arg6 : memref<80x128xf32, #tpu.memory_space<vmem>>) target(%dma_start3A_223 : memref<80x128xf32, #tpu.memory_space<vmem_shared>>) target_semaphore(%run_scoped3A : memref<!tpu.dma_semaphore, #tpu.memory_space<semaphore_mem>>)
      %dma_wait3A_224 = arith.constant 0 : i32
      %dma_wait3A_225 = tpu.memref_slice %arg5[%add3A_120, %dma_wait3A_224] : memref<10240x128xf32, #tpu.memory_space<vmem_shared>> -> memref<80x128xf32, #tpu.memory_space<vmem_shared>>
      %dma_wait3A_226 = arith.constant 0 : i32
      %dma_wait3A_227 = tpu.memref_slice %arg5[%add3A_120, %dma_wait3A_226] : memref<10240x128xf32, #tpu.memory_space<vmem_shared>> -> memref<80x128xf32, #tpu.memory_space<vmem_shared>>
      tpu.wait_dma2 semaphore(%run_scoped3A : memref<!tpu.dma_semaphore, #tpu.memory_space<semaphore_mem>>) src(%arg6 : memref<80x128xf32, #tpu.memory_space<vmem>>) dst(%dma_wait3A_227 : memref<80x128xf32, #tpu.memory_space<vmem_shared>>)
      tpu.yield
    }) : () -> ()
    %mul3A_121 = arith.constant 640 : i32
    %mul3A_122 = arith.muli %arg1, %mul3A_121 : i32
    %add3A_123 = arith.constant 160 : i32
    %add3A_124 = arith.addi %mul3A_122, %add3A_123 : i32
    "tpu.region"() ({
      %run_scoped3A = tpu.sem_alloc : memref<!tpu.dma_semaphore, #tpu.memory_space<semaphore_mem>>
      %dma_start3A = arith.constant 0 : i32
      %dma_start3A_221 = tpu.memref_slice %arg5[%add3A_124, %dma_start3A] : memref<10240x128xf32, #tpu.memory_space<vmem_shared>> -> memref<80x128xf32, #tpu.memory_space<vmem_shared>>
      %dma_start3A_222 = arith.constant 0 : i32
      %dma_start3A_223 = tpu.memref_slice %arg5[%add3A_124, %dma_start3A_222] : memref<10240x128xf32, #tpu.memory_space<vmem_shared>> -> memref<80x128xf32, #tpu.memory_space<vmem_shared>>
      tpu.enqueue_dma source(%arg6 : memref<80x128xf32, #tpu.memory_space<vmem>>) target(%dma_start3A_223 : memref<80x128xf32, #tpu.memory_space<vmem_shared>>) target_semaphore(%run_scoped3A : memref<!tpu.dma_semaphore, #tpu.memory_space<semaphore_mem>>)
      %dma_wait3A_224 = arith.constant 0 : i32
      %dma_wait3A_225 = tpu.memref_slice %arg5[%add3A_124, %dma_wait3A_224] : memref<10240x128xf32, #tpu.memory_space<vmem_shared>> -> memref<80x128xf32, #tpu.memory_space<vmem_shared>>
      %dma_wait3A_226 = arith.constant 0 : i32
      %dma_wait3A_227 = tpu.memref_slice %arg5[%add3A_124, %dma_wait3A_226] : memref<10240x128xf32, #tpu.memory_space<vmem_shared>> -> memref<80x128xf32, #tpu.memory_space<vmem_shared>>
      tpu.wait_dma2 semaphore(%run_scoped3A : memref<!tpu.dma_semaphore, #tpu.memory_space<semaphore_mem>>) src(%arg6 : memref<80x128xf32, #tpu.memory_space<vmem>>) dst(%dma_wait3A_227 : memref<80x128xf32, #tpu.memory_space<vmem_shared>>)
      tpu.yield
    }) : () -> ()
    %mul3A_125 = arith.constant 640 : i32
    %mul3A_126 = arith.muli %arg1, %mul3A_125 : i32
    %add3A_127 = arith.constant 240 : i32
    %add3A_128 = arith.addi %mul3A_126, %add3A_127 : i32
    "tpu.region"() ({
      %run_scoped3A = tpu.sem_alloc : memref<!tpu.dma_semaphore, #tpu.memory_space<semaphore_mem>>
      %dma_start3A = arith.constant 0 : i32
      %dma_start3A_221 = tpu.memref_slice %arg5[%add3A_128, %dma_start3A] : memref<10240x128xf32, #tpu.memory_space<vmem_shared>> -> memref<80x128xf32, #tpu.memory_space<vmem_shared>>
      %dma_start3A_222 = arith.constant 0 : i32
      %dma_start3A_223 = tpu.memref_slice %arg5[%add3A_128, %dma_start3A_222] : memref<10240x128xf32, #tpu.memory_space<vmem_shared>> -> memref<80x128xf32, #tpu.memory_space<vmem_shared>>
      tpu.enqueue_dma source(%arg6 : memref<80x128xf32, #tpu.memory_space<vmem>>) target(%dma_start3A_223 : memref<80x128xf32, #tpu.memory_space<vmem_shared>>) target_semaphore(%run_scoped3A : memref<!tpu.dma_semaphore, #tpu.memory_space<semaphore_mem>>)
      %dma_wait3A_224 = arith.constant 0 : i32
      %dma_wait3A_225 = tpu.memref_slice %arg5[%add3A_128, %dma_wait3A_224] : memref<10240x128xf32, #tpu.memory_space<vmem_shared>> -> memref<80x128xf32, #tpu.memory_space<vmem_shared>>
      %dma_wait3A_226 = arith.constant 0 : i32
      %dma_wait3A_227 = tpu.memref_slice %arg5[%add3A_128, %dma_wait3A_226] : memref<10240x128xf32, #tpu.memory_space<vmem_shared>> -> memref<80x128xf32, #tpu.memory_space<vmem_shared>>
      tpu.wait_dma2 semaphore(%run_scoped3A : memref<!tpu.dma_semaphore, #tpu.memory_space<semaphore_mem>>) src(%arg6 : memref<80x128xf32, #tpu.memory_space<vmem>>) dst(%dma_wait3A_227 : memref<80x128xf32, #tpu.memory_space<vmem_shared>>)
      tpu.yield
    }) : () -> ()
    %mul3A_129 = arith.constant 640 : i32
    %mul3A_130 = arith.muli %arg1, %mul3A_129 : i32
    %add3A_131 = arith.constant 320 : i32
    %add3A_132 = arith.addi %mul3A_130, %add3A_131 : i32
    "tpu.region"() ({
      %run_scoped3A = tpu.sem_alloc : memref<!tpu.dma_semaphore, #tpu.memory_space<semaphore_mem>>
      %dma_start3A = arith.constant 0 : i32
      %dma_start3A_221 = tpu.memref_slice %arg5[%add3A_132, %dma_start3A] : memref<10240x128xf32, #tpu.memory_space<vmem_shared>> -> memref<80x128xf32, #tpu.memory_space<vmem_shared>>
      %dma_start3A_222 = arith.constant 0 : i32
      %dma_start3A_223 = tpu.memref_slice %arg5[%add3A_132, %dma_start3A_222] : memref<10240x128xf32, #tpu.memory_space<vmem_shared>> -> memref<80x128xf32, #tpu.memory_space<vmem_shared>>
      tpu.enqueue_dma source(%arg6 : memref<80x128xf32, #tpu.memory_space<vmem>>) target(%dma_start3A_223 : memref<80x128xf32, #tpu.memory_space<vmem_shared>>) target_semaphore(%run_scoped3A : memref<!tpu.dma_semaphore, #tpu.memory_space<semaphore_mem>>)
      %dma_wait3A_224 = arith.constant 0 : i32
      %dma_wait3A_225 = tpu.memref_slice %arg5[%add3A_132, %dma_wait3A_224] : memref<10240x128xf32, #tpu.memory_space<vmem_shared>> -> memref<80x128xf32, #tpu.memory_space<vmem_shared>>
      %dma_wait3A_226 = arith.constant 0 : i32
      %dma_wait3A_227 = tpu.memref_slice %arg5[%add3A_132, %dma_wait3A_226] : memref<10240x128xf32, #tpu.memory_space<vmem_shared>> -> memref<80x128xf32, #tpu.memory_space<vmem_shared>>
      tpu.wait_dma2 semaphore(%run_scoped3A : memref<!tpu.dma_semaphore, #tpu.memory_space<semaphore_mem>>) src(%arg6 : memref<80x128xf32, #tpu.memory_space<vmem>>) dst(%dma_wait3A_227 : memref<80x128xf32, #tpu.memory_space<vmem_shared>>)
      tpu.yield
    }) : () -> ()
    %mul3A_133 = arith.constant 640 : i32
    %mul3A_134 = arith.muli %arg1, %mul3A_133 : i32
    %add3A_135 = arith.constant 400 : i32
    %add3A_136 = arith.addi %mul3A_134, %add3A_135 : i32
    "tpu.region"() ({
      %run_scoped3A = tpu.sem_alloc : memref<!tpu.dma_semaphore, #tpu.memory_space<semaphore_mem>>
      %dma_start3A = arith.constant 0 : i32
      %dma_start3A_221 = tpu.memref_slice %arg5[%add3A_136, %dma_start3A] : memref<10240x128xf32, #tpu.memory_space<vmem_shared>> -> memref<80x128xf32, #tpu.memory_space<vmem_shared>>
      %dma_start3A_222 = arith.constant 0 : i32
      %dma_start3A_223 = tpu.memref_slice %arg5[%add3A_136, %dma_start3A_222] : memref<10240x128xf32, #tpu.memory_space<vmem_shared>> -> memref<80x128xf32, #tpu.memory_space<vmem_shared>>
      tpu.enqueue_dma source(%arg6 : memref<80x128xf32, #tpu.memory_space<vmem>>) target(%dma_start3A_223 : memref<80x128xf32, #tpu.memory_space<vmem_shared>>) target_semaphore(%run_scoped3A : memref<!tpu.dma_semaphore, #tpu.memory_space<semaphore_mem>>)
      %dma_wait3A_224 = arith.constant 0 : i32
      %dma_wait3A_225 = tpu.memref_slice %arg5[%add3A_136, %dma_wait3A_224] : memref<10240x128xf32, #tpu.memory_space<vmem_shared>> -> memref<80x128xf32, #tpu.memory_space<vmem_shared>>
      %dma_wait3A_226 = arith.constant 0 : i32
      %dma_wait3A_227 = tpu.memref_slice %arg5[%add3A_136, %dma_wait3A_226] : memref<10240x128xf32, #tpu.memory_space<vmem_shared>> -> memref<80x128xf32, #tpu.memory_space<vmem_shared>>
      tpu.wait_dma2 semaphore(%run_scoped3A : memref<!tpu.dma_semaphore, #tpu.memory_space<semaphore_mem>>) src(%arg6 : memref<80x128xf32, #tpu.memory_space<vmem>>) dst(%dma_wait3A_227 : memref<80x128xf32, #tpu.memory_space<vmem_shared>>)
      tpu.yield
    }) : () -> ()
    %mul3A_137 = arith.constant 640 : i32
    %mul3A_138 = arith.muli %arg1, %mul3A_137 : i32
    %add3A_139 = arith.constant 480 : i32
    %add3A_140 = arith.addi %mul3A_138, %add3A_139 : i32
    "tpu.region"() ({
      %run_scoped3A = tpu.sem_alloc : memref<!tpu.dma_semaphore, #tpu.memory_space<semaphore_mem>>
      %dma_start3A = arith.constant 0 : i32
      %dma_start3A_221 = tpu.memref_slice %arg5[%add3A_140, %dma_start3A] : memref<10240x128xf32, #tpu.memory_space<vmem_shared>> -> memref<80x128xf32, #tpu.memory_space<vmem_shared>>
      %dma_start3A_222 = arith.constant 0 : i32
      %dma_start3A_223 = tpu.memref_slice %arg5[%add3A_140, %dma_start3A_222] : memref<10240x128xf32, #tpu.memory_space<vmem_shared>> -> memref<80x128xf32, #tpu.memory_space<vmem_shared>>
      tpu.enqueue_dma source(%arg6 : memref<80x128xf32, #tpu.memory_space<vmem>>) target(%dma_start3A_223 : memref<80x128xf32, #tpu.memory_space<vmem_shared>>) target_semaphore(%run_scoped3A : memref<!tpu.dma_semaphore, #tpu.memory_space<semaphore_mem>>)
      %dma_wait3A_224 = arith.constant 0 : i32
      %dma_wait3A_225 = tpu.memref_slice %arg5[%add3A_140, %dma_wait3A_224] : memref<10240x128xf32, #tpu.memory_space<vmem_shared>> -> memref<80x128xf32, #tpu.memory_space<vmem_shared>>
      %dma_wait3A_226 = arith.constant 0 : i32
      %dma_wait3A_227 = tpu.memref_slice %arg5[%add3A_140, %dma_wait3A_226] : memref<10240x128xf32, #tpu.memory_space<vmem_shared>> -> memref<80x128xf32, #tpu.memory_space<vmem_shared>>
      tpu.wait_dma2 semaphore(%run_scoped3A : memref<!tpu.dma_semaphore, #tpu.memory_space<semaphore_mem>>) src(%arg6 : memref<80x128xf32, #tpu.memory_space<vmem>>) dst(%dma_wait3A_227 : memref<80x128xf32, #tpu.memory_space<vmem_shared>>)
      tpu.yield
    }) : () -> ()
    %mul3A_141 = arith.constant 640 : i32
    %mul3A_142 = arith.muli %arg1, %mul3A_141 : i32
    %add3A_143 = arith.constant 560 : i32
    %add3A_144 = arith.addi %mul3A_142, %add3A_143 : i32
    "tpu.region"() ({
      %run_scoped3A = tpu.sem_alloc : memref<!tpu.dma_semaphore, #tpu.memory_space<semaphore_mem>>
      %dma_start3A = arith.constant 0 : i32
      %dma_start3A_221 = tpu.memref_slice %arg5[%add3A_144, %dma_start3A] : memref<10240x128xf32, #tpu.memory_space<vmem_shared>> -> memref<80x128xf32, #tpu.memory_space<vmem_shared>>
      %dma_start3A_222 = arith.constant 0 : i32
      %dma_start3A_223 = tpu.memref_slice %arg5[%add3A_144, %dma_start3A_222] : memref<10240x128xf32, #tpu.memory_space<vmem_shared>> -> memref<80x128xf32, #tpu.memory_space<vmem_shared>>
      tpu.enqueue_dma source(%arg6 : memref<80x128xf32, #tpu.memory_space<vmem>>) target(%dma_start3A_223 : memref<80x128xf32, #tpu.memory_space<vmem_shared>>) target_semaphore(%run_scoped3A : memref<!tpu.dma_semaphore, #tpu.memory_space<semaphore_mem>>)
      %dma_wait3A_224 = arith.constant 0 : i32
      %dma_wait3A_225 = tpu.memref_slice %arg5[%add3A_144, %dma_wait3A_224] : memref<10240x128xf32, #tpu.memory_space<vmem_shared>> -> memref<80x128xf32, #tpu.memory_space<vmem_shared>>
      %dma_wait3A_226 = arith.constant 0 : i32
      %dma_wait3A_227 = tpu.memref_slice %arg5[%add3A_144, %dma_wait3A_226] : memref<10240x128xf32, #tpu.memory_space<vmem_shared>> -> memref<80x128xf32, #tpu.memory_space<vmem_shared>>
      tpu.wait_dma2 semaphore(%run_scoped3A : memref<!tpu.dma_semaphore, #tpu.memory_space<semaphore_mem>>) src(%arg6 : memref<80x128xf32, #tpu.memory_space<vmem>>) dst(%dma_wait3A_227 : memref<80x128xf32, #tpu.memory_space<vmem_shared>>)
      tpu.yield
    }) : () -> ()
    %barrier3A_145 = arith.constant 0 : index
    tpu.barrier barrier_id(%barrier3A_145)
    %scan3A_146 = arith.constant 0 : i32
    %scan3A_147 = arith.constant 0 : i32
    %scan3A_148 = arith.constant 22 : i32
    %scan3A_149 = arith.addi %scan3A_147, %scan3A_148 : i32
    %scan3A_150 = arith.constant 1 : i32
    scf.for %scan3A_221 = %scan3A_147 to %scan3A_149 step %scan3A_150  : i32 {
      %mul3A_222 = arith.constant 5280 : i32
      %mul3A_223 = arith.muli %add3A, %mul3A_222 : i32
      %mul3A_224 = arith.constant 2 : i32
      %mul3A_225 = arith.muli %scan3A_221, %mul3A_224 : i32
      %add3A_226 = arith.constant 0 : i32
      %add3A_227 = arith.addi %mul3A_225, %add3A_226 : i32
      %mul3A_228 = arith.constant 120 : i32
      %mul3A_229 = arith.muli %add3A_227, %mul3A_228 : i32
      %add3A_230 = arith.addi %mul3A_223, %mul3A_229 : i32
      %multiple_of3A = tpu.assume_multiple %add3A_230, 8 : i32
      %gt3A = arith.constant 0 : i32
      %gt3A_231 = arith.cmpi sgt, %scan3A_221, %gt3A : i32
      %convert_element_type3A = arith.extui %gt3A_231 : i1 to i32
      %cond3A = arith.constant 0 : i32
      %cond3A_232 = arith.cmpi ne, %convert_element_type3A, %cond3A : i32
      scf.if %cond3A_232 {
        %dma_wait3A_253 = arith.constant 0 : i32
        %dma_wait3A_254 = arith.constant 0 : i32
        %dma_wait3A_255 = tpu.memref_slice %arg5[%dma_wait3A_253, %dma_wait3A_254] : memref<10240x128xf32, #tpu.memory_space<vmem_shared>> -> memref<10240x128xf32, #tpu.memory_space<vmem_shared>>
        tpu.wait_indirect_dma semaphore(%arg11 : memref<!tpu.dma_semaphore, #tpu.memory_space<semaphore_mem>>) src(%arg7 : memref<120x128xf32, #tpu.memory_space<vmem>>) dst(%dma_wait3A_255 : memref<10240x128xf32, #tpu.memory_space<vmem_shared>>)
      } else {
      }
      "tpu.region"() ({
        %run_scoped3A = tpu.sem_alloc : memref<!tpu.dma_semaphore, #tpu.memory_space<semaphore_mem>>
        %dma_start3A_253 = arith.constant 256 : i32
        %dma_start3A_254 = tpu.memref_slice %arg2[%multiple_of3A, %dma_start3A_253] : memref<168960x512xf32, #tpu.memory_space<hbm>> -> memref<120x128xf32, #tpu.memory_space<hbm>>
        %dma_start3A_255 = arith.constant 256 : i32
        %dma_start3A_256 = tpu.memref_slice %arg2[%multiple_of3A, %dma_start3A_255] : memref<168960x512xf32, #tpu.memory_space<hbm>> -> memref<120x128xf32, #tpu.memory_space<hbm>>
        tpu.enqueue_dma source(%dma_start3A_256 : memref<120x128xf32, #tpu.memory_space<hbm>>) target(%arg7 : memref<120x128xf32, #tpu.memory_space<vmem>>) target_semaphore(%run_scoped3A : memref<!tpu.dma_semaphore, #tpu.memory_space<semaphore_mem>>)
        %dma_wait3A_257 = arith.constant 256 : i32
        %dma_wait3A_258 = tpu.memref_slice %arg2[%multiple_of3A, %dma_wait3A_257] : memref<168960x512xf32, #tpu.memory_space<hbm>> -> memref<120x128xf32, #tpu.memory_space<hbm>>
        %dma_wait3A_259 = arith.constant 256 : i32
        %dma_wait3A_260 = tpu.memref_slice %arg2[%multiple_of3A, %dma_wait3A_259] : memref<168960x512xf32, #tpu.memory_space<hbm>> -> memref<120x128xf32, #tpu.memory_space<hbm>>
        tpu.wait_dma2 semaphore(%run_scoped3A : memref<!tpu.dma_semaphore, #tpu.memory_space<semaphore_mem>>) src(%dma_wait3A_260 : memref<120x128xf32, #tpu.memory_space<hbm>>) dst(%arg7 : memref<120x128xf32, #tpu.memory_space<vmem>>)
        tpu.yield
      }) : () -> ()
      "tpu.region"() ({
        %run_scoped3A = tpu.sem_alloc : memref<!tpu.dma_semaphore, #tpu.memory_space<semaphore_mem>>
        %dma_start3A_253 = tpu.memref_slice %arg3[%multiple_of3A] : memref<168960xi32, #tpu.memory_space<hbm>> -> memref<120xi32, #tpu.memory_space<hbm>>
        %dma_start3A_254 = tpu.memref_slice %arg3[%multiple_of3A] : memref<168960xi32, #tpu.memory_space<hbm>> -> memref<120xi32, #tpu.memory_space<hbm>>
        tpu.enqueue_dma source(%dma_start3A_254 : memref<120xi32, #tpu.memory_space<hbm>>) target(%arg9 : memref<120xi32, #tpu.memory_space<vmem>>) target_semaphore(%run_scoped3A : memref<!tpu.dma_semaphore, #tpu.memory_space<semaphore_mem>>)
        %dma_wait3A_255 = tpu.memref_slice %arg3[%multiple_of3A] : memref<168960xi32, #tpu.memory_space<hbm>> -> memref<120xi32, #tpu.memory_space<hbm>>
        %dma_wait3A_256 = tpu.memref_slice %arg3[%multiple_of3A] : memref<168960xi32, #tpu.memory_space<hbm>> -> memref<120xi32, #tpu.memory_space<hbm>>
        tpu.wait_dma2 semaphore(%run_scoped3A : memref<!tpu.dma_semaphore, #tpu.memory_space<semaphore_mem>>) src(%dma_wait3A_256 : memref<120xi32, #tpu.memory_space<hbm>>) dst(%arg9 : memref<120xi32, #tpu.memory_space<vmem>>)
        tpu.yield
      }) : () -> ()
      %dma_start3A = arith.constant 0 : i32
      %dma_start3A_233 = arith.constant 0 : i32
      %dma_start3A_234 = tpu.memref_slice %arg5[%dma_start3A, %dma_start3A_233] : memref<10240x128xf32, #tpu.memory_space<vmem_shared>> -> memref<10240x128xf32, #tpu.memory_space<vmem_shared>>
      tpu.enqueue_indirect_dma source(%arg7 : memref<120x128xf32, #tpu.memory_space<vmem>>) target(%dma_start3A_234 : memref<10240x128xf32, #tpu.memory_space<vmem_shared>>) offsets(%arg9 : memref<120xi32, #tpu.memory_space<vmem>>) semaphore(%arg11 : memref<!tpu.dma_semaphore, #tpu.memory_space<semaphore_mem>>) {add = true}
      %mul3A_235 = arith.constant 5280 : i32
      %mul3A_236 = arith.muli %add3A, %mul3A_235 : i32
      %mul3A_237 = arith.constant 2 : i32
      %mul3A_238 = arith.muli %scan3A_221, %mul3A_237 : i32
      %add3A_239 = arith.constant 1 : i32
      %add3A_240 = arith.addi %mul3A_238, %add3A_239 : i32
      %mul3A_241 = arith.constant 120 : i32
      %mul3A_242 = arith.muli %add3A_240, %mul3A_241 : i32
      %add3A_243 = arith.addi %mul3A_236, %mul3A_242 : i32
      %multiple_of3A_244 = tpu.assume_multiple %add3A_243, 8 : i32
      %gt3A_245 = arith.constant 0 : i32
      %gt3A_246 = arith.cmpi sgt, %scan3A_221, %gt3A_245 : i32
      %convert_element_type3A_247 = arith.extui %gt3A_246 : i1 to i32
      %cond3A_248 = arith.constant 0 : i32
      %cond3A_249 = arith.cmpi ne, %convert_element_type3A_247, %cond3A_248 : i32
      scf.if %cond3A_249 {
        %dma_wait3A_253 = arith.constant 0 : i32
        %dma_wait3A_254 = arith.constant 0 : i32
        %dma_wait3A_255 = tpu.memref_slice %arg5[%dma_wait3A_253, %dma_wait3A_254] : memref<10240x128xf32, #tpu.memory_space<vmem_shared>> -> memref<10240x128xf32, #tpu.memory_space<vmem_shared>>
        tpu.wait_indirect_dma semaphore(%arg12 : memref<!tpu.dma_semaphore, #tpu.memory_space<semaphore_mem>>) src(%arg8 : memref<120x128xf32, #tpu.memory_space<vmem>>) dst(%dma_wait3A_255 : memref<10240x128xf32, #tpu.memory_space<vmem_shared>>)
      } else {
      }
      "tpu.region"() ({
        %run_scoped3A = tpu.sem_alloc : memref<!tpu.dma_semaphore, #tpu.memory_space<semaphore_mem>>
        %dma_start3A_253 = arith.constant 256 : i32
        %dma_start3A_254 = tpu.memref_slice %arg2[%multiple_of3A_244, %dma_start3A_253] : memref<168960x512xf32, #tpu.memory_space<hbm>> -> memref<120x128xf32, #tpu.memory_space<hbm>>
        %dma_start3A_255 = arith.constant 256 : i32
        %dma_start3A_256 = tpu.memref_slice %arg2[%multiple_of3A_244, %dma_start3A_255] : memref<168960x512xf32, #tpu.memory_space<hbm>> -> memref<120x128xf32, #tpu.memory_space<hbm>>
        tpu.enqueue_dma source(%dma_start3A_256 : memref<120x128xf32, #tpu.memory_space<hbm>>) target(%arg8 : memref<120x128xf32, #tpu.memory_space<vmem>>) target_semaphore(%run_scoped3A : memref<!tpu.dma_semaphore, #tpu.memory_space<semaphore_mem>>)
        %dma_wait3A_257 = arith.constant 256 : i32
        %dma_wait3A_258 = tpu.memref_slice %arg2[%multiple_of3A_244, %dma_wait3A_257] : memref<168960x512xf32, #tpu.memory_space<hbm>> -> memref<120x128xf32, #tpu.memory_space<hbm>>
        %dma_wait3A_259 = arith.constant 256 : i32
        %dma_wait3A_260 = tpu.memref_slice %arg2[%multiple_of3A_244, %dma_wait3A_259] : memref<168960x512xf32, #tpu.memory_space<hbm>> -> memref<120x128xf32, #tpu.memory_space<hbm>>
        tpu.wait_dma2 semaphore(%run_scoped3A : memref<!tpu.dma_semaphore, #tpu.memory_space<semaphore_mem>>) src(%dma_wait3A_260 : memref<120x128xf32, #tpu.memory_space<hbm>>) dst(%arg8 : memref<120x128xf32, #tpu.memory_space<vmem>>)
        tpu.yield
      }) : () -> ()
      "tpu.region"() ({
        %run_scoped3A = tpu.sem_alloc : memref<!tpu.dma_semaphore, #tpu.memory_space<semaphore_mem>>
        %dma_start3A_253 = tpu.memref_slice %arg3[%multiple_of3A_244] : memref<168960xi32, #tpu.memory_space<hbm>> -> memref<120xi32, #tpu.memory_space<hbm>>
        %dma_start3A_254 = tpu.memref_slice %arg3[%multiple_of3A_244] : memref<168960xi32, #tpu.memory_space<hbm>> -> memref<120xi32, #tpu.memory_space<hbm>>
        tpu.enqueue_dma source(%dma_start3A_254 : memref<120xi32, #tpu.memory_space<hbm>>) target(%arg10 : memref<120xi32, #tpu.memory_space<vmem>>) target_semaphore(%run_scoped3A : memref<!tpu.dma_semaphore, #tpu.memory_space<semaphore_mem>>)
        %dma_wait3A_255 = tpu.memref_slice %arg3[%multiple_of3A_244] : memref<168960xi32, #tpu.memory_space<hbm>> -> memref<120xi32, #tpu.memory_space<hbm>>
        %dma_wait3A_256 = tpu.memref_slice %arg3[%multiple_of3A_244] : memref<168960xi32, #tpu.memory_space<hbm>> -> memref<120xi32, #tpu.memory_space<hbm>>
        tpu.wait_dma2 semaphore(%run_scoped3A : memref<!tpu.dma_semaphore, #tpu.memory_space<semaphore_mem>>) src(%dma_wait3A_256 : memref<120xi32, #tpu.memory_space<hbm>>) dst(%arg10 : memref<120xi32, #tpu.memory_space<vmem>>)
        tpu.yield
      }) : () -> ()
      %dma_start3A_250 = arith.constant 0 : i32
      %dma_start3A_251 = arith.constant 0 : i32
      %dma_start3A_252 = tpu.memref_slice %arg5[%dma_start3A_250, %dma_start3A_251] : memref<10240x128xf32, #tpu.memory_space<vmem_shared>> -> memref<10240x128xf32, #tpu.memory_space<vmem_shared>>
      tpu.enqueue_indirect_dma source(%arg8 : memref<120x128xf32, #tpu.memory_space<vmem>>) target(%dma_start3A_252 : memref<10240x128xf32, #tpu.memory_space<vmem_shared>>) offsets(%arg10 : memref<120xi32, #tpu.memory_space<vmem>>) semaphore(%arg12 : memref<!tpu.dma_semaphore, #tpu.memory_space<semaphore_mem>>) {add = true}
    }
    %scan3A_151 = arith.constant 22 : i32
    %dma_wait3A_152 = arith.constant 0 : i32
    %dma_wait3A_153 = arith.constant 0 : i32
    %dma_wait3A_154 = tpu.memref_slice %arg5[%dma_wait3A_152, %dma_wait3A_153] : memref<10240x128xf32, #tpu.memory_space<vmem_shared>> -> memref<10240x128xf32, #tpu.memory_space<vmem_shared>>
    tpu.wait_indirect_dma semaphore(%arg11 : memref<!tpu.dma_semaphore, #tpu.memory_space<semaphore_mem>>) src(%arg7 : memref<120x128xf32, #tpu.memory_space<vmem>>) dst(%dma_wait3A_154 : memref<10240x128xf32, #tpu.memory_space<vmem_shared>>)
    %dma_wait3A_155 = arith.constant 0 : i32
    %dma_wait3A_156 = arith.constant 0 : i32
    %dma_wait3A_157 = tpu.memref_slice %arg5[%dma_wait3A_155, %dma_wait3A_156] : memref<10240x128xf32, #tpu.memory_space<vmem_shared>> -> memref<10240x128xf32, #tpu.memory_space<vmem_shared>>
    tpu.wait_indirect_dma semaphore(%arg12 : memref<!tpu.dma_semaphore, #tpu.memory_space<semaphore_mem>>) src(%arg8 : memref<120x128xf32, #tpu.memory_space<vmem>>) dst(%dma_wait3A_157 : memref<10240x128xf32, #tpu.memory_space<vmem_shared>>)
    %barrier3A_158 = arith.constant 0 : index
    tpu.barrier barrier_id(%barrier3A_158)
    %mul3A_159 = arith.constant 640 : i32
    %mul3A_160 = arith.muli %arg1, %mul3A_159 : i32
    %mul3A_161 = arith.constant 4 : i32
    %mul3A_162 = arith.muli %arg0, %mul3A_161 : i32
    %add3A_163 = arith.constant 2 : i32
    %add3A_164 = arith.addi %mul3A_162, %add3A_163 : i32
    %mul3A_165 = arith.constant 640 : i32
    %mul3A_166 = arith.muli %arg1, %mul3A_165 : i32
    "tpu.region"() ({
      %run_scoped3A = tpu.sem_alloc : memref<!tpu.dma_semaphore, #tpu.memory_space<semaphore_mem>>
      %dma_start3A = arith.constant 0 : i32
      %dma_start3A_221 = tpu.memref_slice %arg4[%add3A_164, %mul3A_166, %dma_start3A] : memref<8x10240x128xf32, #tpu.memory_space<hbm>> -> memref<1x640x128xf32, #tpu.memory_space<hbm>>
      %dma_start3A_222 = tpu.memref_squeeze %dma_start3A_221 : memref<1x640x128xf32, #tpu.memory_space<hbm>> -> memref<640x128xf32, #tpu.memory_space<hbm>>
      %dma_start3A_223 = arith.constant 0 : i32
      %dma_start3A_224 = tpu.memref_slice %arg5[%mul3A_160, %dma_start3A_223] : memref<10240x128xf32, #tpu.memory_space<vmem_shared>> -> memref<640x128xf32, #tpu.memory_space<vmem_shared>>
      tpu.enqueue_dma source(%dma_start3A_224 : memref<640x128xf32, #tpu.memory_space<vmem_shared>>) target(%dma_start3A_222 : memref<640x128xf32, #tpu.memory_space<hbm>>) target_semaphore(%run_scoped3A : memref<!tpu.dma_semaphore, #tpu.memory_space<semaphore_mem>>)
      %dma_wait3A_225 = arith.constant 0 : i32
      %dma_wait3A_226 = tpu.memref_slice %arg4[%add3A_164, %mul3A_166, %dma_wait3A_225] : memref<8x10240x128xf32, #tpu.memory_space<hbm>> -> memref<1x640x128xf32, #tpu.memory_space<hbm>>
      %dma_wait3A_227 = tpu.memref_squeeze %dma_wait3A_226 : memref<1x640x128xf32, #tpu.memory_space<hbm>> -> memref<640x128xf32, #tpu.memory_space<hbm>>
      %dma_wait3A_228 = arith.constant 0 : i32
      %dma_wait3A_229 = tpu.memref_slice %arg5[%mul3A_160, %dma_wait3A_228] : memref<10240x128xf32, #tpu.memory_space<vmem_shared>> -> memref<640x128xf32, #tpu.memory_space<vmem_shared>>
      tpu.wait_dma2 semaphore(%run_scoped3A : memref<!tpu.dma_semaphore, #tpu.memory_space<semaphore_mem>>) src(%dma_wait3A_229 : memref<640x128xf32, #tpu.memory_space<vmem_shared>>) dst(%dma_wait3A_227 : memref<640x128xf32, #tpu.memory_space<hbm>>)
      tpu.yield
    }) : () -> ()
    %mul3A_167 = arith.constant 640 : i32
    %mul3A_168 = arith.muli %arg1, %mul3A_167 : i32
    %add3A_169 = arith.constant 0 : i32
    %add3A_170 = arith.addi %mul3A_168, %add3A_169 : i32
    "tpu.region"() ({
      %run_scoped3A = tpu.sem_alloc : memref<!tpu.dma_semaphore, #tpu.memory_space<semaphore_mem>>
      %dma_start3A = arith.constant 0 : i32
      %dma_start3A_221 = tpu.memref_slice %arg5[%add3A_170, %dma_start3A] : memref<10240x128xf32, #tpu.memory_space<vmem_shared>> -> memref<80x128xf32, #tpu.memory_space<vmem_shared>>
      %dma_start3A_222 = arith.constant 0 : i32
      %dma_start3A_223 = tpu.memref_slice %arg5[%add3A_170, %dma_start3A_222] : memref<10240x128xf32, #tpu.memory_space<vmem_shared>> -> memref<80x128xf32, #tpu.memory_space<vmem_shared>>
      tpu.enqueue_dma source(%arg6 : memref<80x128xf32, #tpu.memory_space<vmem>>) target(%dma_start3A_223 : memref<80x128xf32, #tpu.memory_space<vmem_shared>>) target_semaphore(%run_scoped3A : memref<!tpu.dma_semaphore, #tpu.memory_space<semaphore_mem>>)
      %dma_wait3A_224 = arith.constant 0 : i32
      %dma_wait3A_225 = tpu.memref_slice %arg5[%add3A_170, %dma_wait3A_224] : memref<10240x128xf32, #tpu.memory_space<vmem_shared>> -> memref<80x128xf32, #tpu.memory_space<vmem_shared>>
      %dma_wait3A_226 = arith.constant 0 : i32
      %dma_wait3A_227 = tpu.memref_slice %arg5[%add3A_170, %dma_wait3A_226] : memref<10240x128xf32, #tpu.memory_space<vmem_shared>> -> memref<80x128xf32, #tpu.memory_space<vmem_shared>>
      tpu.wait_dma2 semaphore(%run_scoped3A : memref<!tpu.dma_semaphore, #tpu.memory_space<semaphore_mem>>) src(%arg6 : memref<80x128xf32, #tpu.memory_space<vmem>>) dst(%dma_wait3A_227 : memref<80x128xf32, #tpu.memory_space<vmem_shared>>)
      tpu.yield
    }) : () -> ()
    %mul3A_171 = arith.constant 640 : i32
    %mul3A_172 = arith.muli %arg1, %mul3A_171 : i32
    %add3A_173 = arith.constant 80 : i32
    %add3A_174 = arith.addi %mul3A_172, %add3A_173 : i32
    "tpu.region"() ({
      %run_scoped3A = tpu.sem_alloc : memref<!tpu.dma_semaphore, #tpu.memory_space<semaphore_mem>>
      %dma_start3A = arith.constant 0 : i32
      %dma_start3A_221 = tpu.memref_slice %arg5[%add3A_174, %dma_start3A] : memref<10240x128xf32, #tpu.memory_space<vmem_shared>> -> memref<80x128xf32, #tpu.memory_space<vmem_shared>>
      %dma_start3A_222 = arith.constant 0 : i32
      %dma_start3A_223 = tpu.memref_slice %arg5[%add3A_174, %dma_start3A_222] : memref<10240x128xf32, #tpu.memory_space<vmem_shared>> -> memref<80x128xf32, #tpu.memory_space<vmem_shared>>
      tpu.enqueue_dma source(%arg6 : memref<80x128xf32, #tpu.memory_space<vmem>>) target(%dma_start3A_223 : memref<80x128xf32, #tpu.memory_space<vmem_shared>>) target_semaphore(%run_scoped3A : memref<!tpu.dma_semaphore, #tpu.memory_space<semaphore_mem>>)
      %dma_wait3A_224 = arith.constant 0 : i32
      %dma_wait3A_225 = tpu.memref_slice %arg5[%add3A_174, %dma_wait3A_224] : memref<10240x128xf32, #tpu.memory_space<vmem_shared>> -> memref<80x128xf32, #tpu.memory_space<vmem_shared>>
      %dma_wait3A_226 = arith.constant 0 : i32
      %dma_wait3A_227 = tpu.memref_slice %arg5[%add3A_174, %dma_wait3A_226] : memref<10240x128xf32, #tpu.memory_space<vmem_shared>> -> memref<80x128xf32, #tpu.memory_space<vmem_shared>>
      tpu.wait_dma2 semaphore(%run_scoped3A : memref<!tpu.dma_semaphore, #tpu.memory_space<semaphore_mem>>) src(%arg6 : memref<80x128xf32, #tpu.memory_space<vmem>>) dst(%dma_wait3A_227 : memref<80x128xf32, #tpu.memory_space<vmem_shared>>)
      tpu.yield
    }) : () -> ()
    %mul3A_175 = arith.constant 640 : i32
    %mul3A_176 = arith.muli %arg1, %mul3A_175 : i32
    %add3A_177 = arith.constant 160 : i32
    %add3A_178 = arith.addi %mul3A_176, %add3A_177 : i32
    "tpu.region"() ({
      %run_scoped3A = tpu.sem_alloc : memref<!tpu.dma_semaphore, #tpu.memory_space<semaphore_mem>>
      %dma_start3A = arith.constant 0 : i32
      %dma_start3A_221 = tpu.memref_slice %arg5[%add3A_178, %dma_start3A] : memref<10240x128xf32, #tpu.memory_space<vmem_shared>> -> memref<80x128xf32, #tpu.memory_space<vmem_shared>>
      %dma_start3A_222 = arith.constant 0 : i32
      %dma_start3A_223 = tpu.memref_slice %arg5[%add3A_178, %dma_start3A_222] : memref<10240x128xf32, #tpu.memory_space<vmem_shared>> -> memref<80x128xf32, #tpu.memory_space<vmem_shared>>
      tpu.enqueue_dma source(%arg6 : memref<80x128xf32, #tpu.memory_space<vmem>>) target(%dma_start3A_223 : memref<80x128xf32, #tpu.memory_space<vmem_shared>>) target_semaphore(%run_scoped3A : memref<!tpu.dma_semaphore, #tpu.memory_space<semaphore_mem>>)
      %dma_wait3A_224 = arith.constant 0 : i32
      %dma_wait3A_225 = tpu.memref_slice %arg5[%add3A_178, %dma_wait3A_224] : memref<10240x128xf32, #tpu.memory_space<vmem_shared>> -> memref<80x128xf32, #tpu.memory_space<vmem_shared>>
      %dma_wait3A_226 = arith.constant 0 : i32
      %dma_wait3A_227 = tpu.memref_slice %arg5[%add3A_178, %dma_wait3A_226] : memref<10240x128xf32, #tpu.memory_space<vmem_shared>> -> memref<80x128xf32, #tpu.memory_space<vmem_shared>>
      tpu.wait_dma2 semaphore(%run_scoped3A : memref<!tpu.dma_semaphore, #tpu.memory_space<semaphore_mem>>) src(%arg6 : memref<80x128xf32, #tpu.memory_space<vmem>>) dst(%dma_wait3A_227 : memref<80x128xf32, #tpu.memory_space<vmem_shared>>)
      tpu.yield
    }) : () -> ()
    %mul3A_179 = arith.constant 640 : i32
    %mul3A_180 = arith.muli %arg1, %mul3A_179 : i32
    %add3A_181 = arith.constant 240 : i32
    %add3A_182 = arith.addi %mul3A_180, %add3A_181 : i32
    "tpu.region"() ({
      %run_scoped3A = tpu.sem_alloc : memref<!tpu.dma_semaphore, #tpu.memory_space<semaphore_mem>>
      %dma_start3A = arith.constant 0 : i32
      %dma_start3A_221 = tpu.memref_slice %arg5[%add3A_182, %dma_start3A] : memref<10240x128xf32, #tpu.memory_space<vmem_shared>> -> memref<80x128xf32, #tpu.memory_space<vmem_shared>>
      %dma_start3A_222 = arith.constant 0 : i32
      %dma_start3A_223 = tpu.memref_slice %arg5[%add3A_182, %dma_start3A_222] : memref<10240x128xf32, #tpu.memory_space<vmem_shared>> -> memref<80x128xf32, #tpu.memory_space<vmem_shared>>
      tpu.enqueue_dma source(%arg6 : memref<80x128xf32, #tpu.memory_space<vmem>>) target(%dma_start3A_223 : memref<80x128xf32, #tpu.memory_space<vmem_shared>>) target_semaphore(%run_scoped3A : memref<!tpu.dma_semaphore, #tpu.memory_space<semaphore_mem>>)
      %dma_wait3A_224 = arith.constant 0 : i32
      %dma_wait3A_225 = tpu.memref_slice %arg5[%add3A_182, %dma_wait3A_224] : memref<10240x128xf32, #tpu.memory_space<vmem_shared>> -> memref<80x128xf32, #tpu.memory_space<vmem_shared>>
      %dma_wait3A_226 = arith.constant 0 : i32
      %dma_wait3A_227 = tpu.memref_slice %arg5[%add3A_182, %dma_wait3A_226] : memref<10240x128xf32, #tpu.memory_space<vmem_shared>> -> memref<80x128xf32, #tpu.memory_space<vmem_shared>>
      tpu.wait_dma2 semaphore(%run_scoped3A : memref<!tpu.dma_semaphore, #tpu.memory_space<semaphore_mem>>) src(%arg6 : memref<80x128xf32, #tpu.memory_space<vmem>>) dst(%dma_wait3A_227 : memref<80x128xf32, #tpu.memory_space<vmem_shared>>)
      tpu.yield
    }) : () -> ()
    %mul3A_183 = arith.constant 640 : i32
    %mul3A_184 = arith.muli %arg1, %mul3A_183 : i32
    %add3A_185 = arith.constant 320 : i32
    %add3A_186 = arith.addi %mul3A_184, %add3A_185 : i32
    "tpu.region"() ({
      %run_scoped3A = tpu.sem_alloc : memref<!tpu.dma_semaphore, #tpu.memory_space<semaphore_mem>>
      %dma_start3A = arith.constant 0 : i32
      %dma_start3A_221 = tpu.memref_slice %arg5[%add3A_186, %dma_start3A] : memref<10240x128xf32, #tpu.memory_space<vmem_shared>> -> memref<80x128xf32, #tpu.memory_space<vmem_shared>>
      %dma_start3A_222 = arith.constant 0 : i32
      %dma_start3A_223 = tpu.memref_slice %arg5[%add3A_186, %dma_start3A_222] : memref<10240x128xf32, #tpu.memory_space<vmem_shared>> -> memref<80x128xf32, #tpu.memory_space<vmem_shared>>
      tpu.enqueue_dma source(%arg6 : memref<80x128xf32, #tpu.memory_space<vmem>>) target(%dma_start3A_223 : memref<80x128xf32, #tpu.memory_space<vmem_shared>>) target_semaphore(%run_scoped3A : memref<!tpu.dma_semaphore, #tpu.memory_space<semaphore_mem>>)
      %dma_wait3A_224 = arith.constant 0 : i32
      %dma_wait3A_225 = tpu.memref_slice %arg5[%add3A_186, %dma_wait3A_224] : memref<10240x128xf32, #tpu.memory_space<vmem_shared>> -> memref<80x128xf32, #tpu.memory_space<vmem_shared>>
      %dma_wait3A_226 = arith.constant 0 : i32
      %dma_wait3A_227 = tpu.memref_slice %arg5[%add3A_186, %dma_wait3A_226] : memref<10240x128xf32, #tpu.memory_space<vmem_shared>> -> memref<80x128xf32, #tpu.memory_space<vmem_shared>>
      tpu.wait_dma2 semaphore(%run_scoped3A : memref<!tpu.dma_semaphore, #tpu.memory_space<semaphore_mem>>) src(%arg6 : memref<80x128xf32, #tpu.memory_space<vmem>>) dst(%dma_wait3A_227 : memref<80x128xf32, #tpu.memory_space<vmem_shared>>)
      tpu.yield
    }) : () -> ()
    %mul3A_187 = arith.constant 640 : i32
    %mul3A_188 = arith.muli %arg1, %mul3A_187 : i32
    %add3A_189 = arith.constant 400 : i32
    %add3A_190 = arith.addi %mul3A_188, %add3A_189 : i32
    "tpu.region"() ({
      %run_scoped3A = tpu.sem_alloc : memref<!tpu.dma_semaphore, #tpu.memory_space<semaphore_mem>>
      %dma_start3A = arith.constant 0 : i32
      %dma_start3A_221 = tpu.memref_slice %arg5[%add3A_190, %dma_start3A] : memref<10240x128xf32, #tpu.memory_space<vmem_shared>> -> memref<80x128xf32, #tpu.memory_space<vmem_shared>>
      %dma_start3A_222 = arith.constant 0 : i32
      %dma_start3A_223 = tpu.memref_slice %arg5[%add3A_190, %dma_start3A_222] : memref<10240x128xf32, #tpu.memory_space<vmem_shared>> -> memref<80x128xf32, #tpu.memory_space<vmem_shared>>
      tpu.enqueue_dma source(%arg6 : memref<80x128xf32, #tpu.memory_space<vmem>>) target(%dma_start3A_223 : memref<80x128xf32, #tpu.memory_space<vmem_shared>>) target_semaphore(%run_scoped3A : memref<!tpu.dma_semaphore, #tpu.memory_space<semaphore_mem>>)
      %dma_wait3A_224 = arith.constant 0 : i32
      %dma_wait3A_225 = tpu.memref_slice %arg5[%add3A_190, %dma_wait3A_224] : memref<10240x128xf32, #tpu.memory_space<vmem_shared>> -> memref<80x128xf32, #tpu.memory_space<vmem_shared>>
      %dma_wait3A_226 = arith.constant 0 : i32
      %dma_wait3A_227 = tpu.memref_slice %arg5[%add3A_190, %dma_wait3A_226] : memref<10240x128xf32, #tpu.memory_space<vmem_shared>> -> memref<80x128xf32, #tpu.memory_space<vmem_shared>>
      tpu.wait_dma2 semaphore(%run_scoped3A : memref<!tpu.dma_semaphore, #tpu.memory_space<semaphore_mem>>) src(%arg6 : memref<80x128xf32, #tpu.memory_space<vmem>>) dst(%dma_wait3A_227 : memref<80x128xf32, #tpu.memory_space<vmem_shared>>)
      tpu.yield
    }) : () -> ()
    %mul3A_191 = arith.constant 640 : i32
    %mul3A_192 = arith.muli %arg1, %mul3A_191 : i32
    %add3A_193 = arith.constant 480 : i32
    %add3A_194 = arith.addi %mul3A_192, %add3A_193 : i32
    "tpu.region"() ({
      %run_scoped3A = tpu.sem_alloc : memref<!tpu.dma_semaphore, #tpu.memory_space<semaphore_mem>>
      %dma_start3A = arith.constant 0 : i32
      %dma_start3A_221 = tpu.memref_slice %arg5[%add3A_194, %dma_start3A] : memref<10240x128xf32, #tpu.memory_space<vmem_shared>> -> memref<80x128xf32, #tpu.memory_space<vmem_shared>>
      %dma_start3A_222 = arith.constant 0 : i32
      %dma_start3A_223 = tpu.memref_slice %arg5[%add3A_194, %dma_start3A_222] : memref<10240x128xf32, #tpu.memory_space<vmem_shared>> -> memref<80x128xf32, #tpu.memory_space<vmem_shared>>
      tpu.enqueue_dma source(%arg6 : memref<80x128xf32, #tpu.memory_space<vmem>>) target(%dma_start3A_223 : memref<80x128xf32, #tpu.memory_space<vmem_shared>>) target_semaphore(%run_scoped3A : memref<!tpu.dma_semaphore, #tpu.memory_space<semaphore_mem>>)
      %dma_wait3A_224 = arith.constant 0 : i32
      %dma_wait3A_225 = tpu.memref_slice %arg5[%add3A_194, %dma_wait3A_224] : memref<10240x128xf32, #tpu.memory_space<vmem_shared>> -> memref<80x128xf32, #tpu.memory_space<vmem_shared>>
      %dma_wait3A_226 = arith.constant 0 : i32
      %dma_wait3A_227 = tpu.memref_slice %arg5[%add3A_194, %dma_wait3A_226] : memref<10240x128xf32, #tpu.memory_space<vmem_shared>> -> memref<80x128xf32, #tpu.memory_space<vmem_shared>>
      tpu.wait_dma2 semaphore(%run_scoped3A : memref<!tpu.dma_semaphore, #tpu.memory_space<semaphore_mem>>) src(%arg6 : memref<80x128xf32, #tpu.memory_space<vmem>>) dst(%dma_wait3A_227 : memref<80x128xf32, #tpu.memory_space<vmem_shared>>)
      tpu.yield
    }) : () -> ()
    %mul3A_195 = arith.constant 640 : i32
    %mul3A_196 = arith.muli %arg1, %mul3A_195 : i32
    %add3A_197 = arith.constant 560 : i32
    %add3A_198 = arith.addi %mul3A_196, %add3A_197 : i32
    "tpu.region"() ({
      %run_scoped3A = tpu.sem_alloc : memref<!tpu.dma_semaphore, #tpu.memory_space<semaphore_mem>>
      %dma_start3A = arith.constant 0 : i32
      %dma_start3A_221 = tpu.memref_slice %arg5[%add3A_198, %dma_start3A] : memref<10240x128xf32, #tpu.memory_space<vmem_shared>> -> memref<80x128xf32, #tpu.memory_space<vmem_shared>>
      %dma_start3A_222 = arith.constant 0 : i32
      %dma_start3A_223 = tpu.memref_slice %arg5[%add3A_198, %dma_start3A_222] : memref<10240x128xf32, #tpu.memory_space<vmem_shared>> -> memref<80x128xf32, #tpu.memory_space<vmem_shared>>
      tpu.enqueue_dma source(%arg6 : memref<80x128xf32, #tpu.memory_space<vmem>>) target(%dma_start3A_223 : memref<80x128xf32, #tpu.memory_space<vmem_shared>>) target_semaphore(%run_scoped3A : memref<!tpu.dma_semaphore, #tpu.memory_space<semaphore_mem>>)
      %dma_wait3A_224 = arith.constant 0 : i32
      %dma_wait3A_225 = tpu.memref_slice %arg5[%add3A_198, %dma_wait3A_224] : memref<10240x128xf32, #tpu.memory_space<vmem_shared>> -> memref<80x128xf32, #tpu.memory_space<vmem_shared>>
      %dma_wait3A_226 = arith.constant 0 : i32
      %dma_wait3A_227 = tpu.memref_slice %arg5[%add3A_198, %dma_wait3A_226] : memref<10240x128xf32, #tpu.memory_space<vmem_shared>> -> memref<80x128xf32, #tpu.memory_space<vmem_shared>>
      tpu.wait_dma2 semaphore(%run_scoped3A : memref<!tpu.dma_semaphore, #tpu.memory_space<semaphore_mem>>) src(%arg6 : memref<80x128xf32, #tpu.memory_space<vmem>>) dst(%dma_wait3A_227 : memref<80x128xf32, #tpu.memory_space<vmem_shared>>)
      tpu.yield
    }) : () -> ()
    %barrier3A_199 = arith.constant 0 : index
    tpu.barrier barrier_id(%barrier3A_199)
    %scan3A_200 = arith.constant 0 : i32
    %scan3A_201 = arith.constant 0 : i32
    %scan3A_202 = arith.constant 22 : i32
    %scan3A_203 = arith.addi %scan3A_201, %scan3A_202 : i32
    %scan3A_204 = arith.constant 1 : i32
    scf.for %scan3A_221 = %scan3A_201 to %scan3A_203 step %scan3A_204  : i32 {
      %mul3A_222 = arith.constant 5280 : i32
      %mul3A_223 = arith.muli %add3A, %mul3A_222 : i32
      %mul3A_224 = arith.constant 2 : i32
      %mul3A_225 = arith.muli %scan3A_221, %mul3A_224 : i32
      %add3A_226 = arith.constant 0 : i32
      %add3A_227 = arith.addi %mul3A_225, %add3A_226 : i32
      %mul3A_228 = arith.constant 120 : i32
      %mul3A_229 = arith.muli %add3A_227, %mul3A_228 : i32
      %add3A_230 = arith.addi %mul3A_223, %mul3A_229 : i32
      %multiple_of3A = tpu.assume_multiple %add3A_230, 8 : i32
      %gt3A = arith.constant 0 : i32
      %gt3A_231 = arith.cmpi sgt, %scan3A_221, %gt3A : i32
      %convert_element_type3A = arith.extui %gt3A_231 : i1 to i32
      %cond3A = arith.constant 0 : i32
      %cond3A_232 = arith.cmpi ne, %convert_element_type3A, %cond3A : i32
      scf.if %cond3A_232 {
        %dma_wait3A_253 = arith.constant 0 : i32
        %dma_wait3A_254 = arith.constant 0 : i32
        %dma_wait3A_255 = tpu.memref_slice %arg5[%dma_wait3A_253, %dma_wait3A_254] : memref<10240x128xf32, #tpu.memory_space<vmem_shared>> -> memref<10240x128xf32, #tpu.memory_space<vmem_shared>>
        tpu.wait_indirect_dma semaphore(%arg11 : memref<!tpu.dma_semaphore, #tpu.memory_space<semaphore_mem>>) src(%arg7 : memref<120x128xf32, #tpu.memory_space<vmem>>) dst(%dma_wait3A_255 : memref<10240x128xf32, #tpu.memory_space<vmem_shared>>)
      } else {
      }
      "tpu.region"() ({
        %run_scoped3A = tpu.sem_alloc : memref<!tpu.dma_semaphore, #tpu.memory_space<semaphore_mem>>
        %dma_start3A_253 = arith.constant 384 : i32
        %dma_start3A_254 = tpu.memref_slice %arg2[%multiple_of3A, %dma_start3A_253] : memref<168960x512xf32, #tpu.memory_space<hbm>> -> memref<120x128xf32, #tpu.memory_space<hbm>>
        %dma_start3A_255 = arith.constant 384 : i32
        %dma_start3A_256 = tpu.memref_slice %arg2[%multiple_of3A, %dma_start3A_255] : memref<168960x512xf32, #tpu.memory_space<hbm>> -> memref<120x128xf32, #tpu.memory_space<hbm>>
        tpu.enqueue_dma source(%dma_start3A_256 : memref<120x128xf32, #tpu.memory_space<hbm>>) target(%arg7 : memref<120x128xf32, #tpu.memory_space<vmem>>) target_semaphore(%run_scoped3A : memref<!tpu.dma_semaphore, #tpu.memory_space<semaphore_mem>>)
        %dma_wait3A_257 = arith.constant 384 : i32
        %dma_wait3A_258 = tpu.memref_slice %arg2[%multiple_of3A, %dma_wait3A_257] : memref<168960x512xf32, #tpu.memory_space<hbm>> -> memref<120x128xf32, #tpu.memory_space<hbm>>
        %dma_wait3A_259 = arith.constant 384 : i32
        %dma_wait3A_260 = tpu.memref_slice %arg2[%multiple_of3A, %dma_wait3A_259] : memref<168960x512xf32, #tpu.memory_space<hbm>> -> memref<120x128xf32, #tpu.memory_space<hbm>>
        tpu.wait_dma2 semaphore(%run_scoped3A : memref<!tpu.dma_semaphore, #tpu.memory_space<semaphore_mem>>) src(%dma_wait3A_260 : memref<120x128xf32, #tpu.memory_space<hbm>>) dst(%arg7 : memref<120x128xf32, #tpu.memory_space<vmem>>)
        tpu.yield
      }) : () -> ()
      "tpu.region"() ({
        %run_scoped3A = tpu.sem_alloc : memref<!tpu.dma_semaphore, #tpu.memory_space<semaphore_mem>>
        %dma_start3A_253 = tpu.memref_slice %arg3[%multiple_of3A] : memref<168960xi32, #tpu.memory_space<hbm>> -> memref<120xi32, #tpu.memory_space<hbm>>
        %dma_start3A_254 = tpu.memref_slice %arg3[%multiple_of3A] : memref<168960xi32, #tpu.memory_space<hbm>> -> memref<120xi32, #tpu.memory_space<hbm>>
        tpu.enqueue_dma source(%dma_start3A_254 : memref<120xi32, #tpu.memory_space<hbm>>) target(%arg9 : memref<120xi32, #tpu.memory_space<vmem>>) target_semaphore(%run_scoped3A : memref<!tpu.dma_semaphore, #tpu.memory_space<semaphore_mem>>)
        %dma_wait3A_255 = tpu.memref_slice %arg3[%multiple_of3A] : memref<168960xi32, #tpu.memory_space<hbm>> -> memref<120xi32, #tpu.memory_space<hbm>>
        %dma_wait3A_256 = tpu.memref_slice %arg3[%multiple_of3A] : memref<168960xi32, #tpu.memory_space<hbm>> -> memref<120xi32, #tpu.memory_space<hbm>>
        tpu.wait_dma2 semaphore(%run_scoped3A : memref<!tpu.dma_semaphore, #tpu.memory_space<semaphore_mem>>) src(%dma_wait3A_256 : memref<120xi32, #tpu.memory_space<hbm>>) dst(%arg9 : memref<120xi32, #tpu.memory_space<vmem>>)
        tpu.yield
      }) : () -> ()
      %dma_start3A = arith.constant 0 : i32
      %dma_start3A_233 = arith.constant 0 : i32
      %dma_start3A_234 = tpu.memref_slice %arg5[%dma_start3A, %dma_start3A_233] : memref<10240x128xf32, #tpu.memory_space<vmem_shared>> -> memref<10240x128xf32, #tpu.memory_space<vmem_shared>>
      tpu.enqueue_indirect_dma source(%arg7 : memref<120x128xf32, #tpu.memory_space<vmem>>) target(%dma_start3A_234 : memref<10240x128xf32, #tpu.memory_space<vmem_shared>>) offsets(%arg9 : memref<120xi32, #tpu.memory_space<vmem>>) semaphore(%arg11 : memref<!tpu.dma_semaphore, #tpu.memory_space<semaphore_mem>>) {add = true}
      %mul3A_235 = arith.constant 5280 : i32
      %mul3A_236 = arith.muli %add3A, %mul3A_235 : i32
      %mul3A_237 = arith.constant 2 : i32
      %mul3A_238 = arith.muli %scan3A_221, %mul3A_237 : i32
      %add3A_239 = arith.constant 1 : i32
      %add3A_240 = arith.addi %mul3A_238, %add3A_239 : i32
      %mul3A_241 = arith.constant 120 : i32
      %mul3A_242 = arith.muli %add3A_240, %mul3A_241 : i32
      %add3A_243 = arith.addi %mul3A_236, %mul3A_242 : i32
      %multiple_of3A_244 = tpu.assume_multiple %add3A_243, 8 : i32
      %gt3A_245 = arith.constant 0 : i32
      %gt3A_246 = arith.cmpi sgt, %scan3A_221, %gt3A_245 : i32
      %convert_element_type3A_247 = arith.extui %gt3A_246 : i1 to i32
      %cond3A_248 = arith.constant 0 : i32
      %cond3A_249 = arith.cmpi ne, %convert_element_type3A_247, %cond3A_248 : i32
      scf.if %cond3A_249 {
        %dma_wait3A_253 = arith.constant 0 : i32
        %dma_wait3A_254 = arith.constant 0 : i32
        %dma_wait3A_255 = tpu.memref_slice %arg5[%dma_wait3A_253, %dma_wait3A_254] : memref<10240x128xf32, #tpu.memory_space<vmem_shared>> -> memref<10240x128xf32, #tpu.memory_space<vmem_shared>>
        tpu.wait_indirect_dma semaphore(%arg12 : memref<!tpu.dma_semaphore, #tpu.memory_space<semaphore_mem>>) src(%arg8 : memref<120x128xf32, #tpu.memory_space<vmem>>) dst(%dma_wait3A_255 : memref<10240x128xf32, #tpu.memory_space<vmem_shared>>)
      } else {
      }
      "tpu.region"() ({
        %run_scoped3A = tpu.sem_alloc : memref<!tpu.dma_semaphore, #tpu.memory_space<semaphore_mem>>
        %dma_start3A_253 = arith.constant 384 : i32
        %dma_start3A_254 = tpu.memref_slice %arg2[%multiple_of3A_244, %dma_start3A_253] : memref<168960x512xf32, #tpu.memory_space<hbm>> -> memref<120x128xf32, #tpu.memory_space<hbm>>
        %dma_start3A_255 = arith.constant 384 : i32
        %dma_start3A_256 = tpu.memref_slice %arg2[%multiple_of3A_244, %dma_start3A_255] : memref<168960x512xf32, #tpu.memory_space<hbm>> -> memref<120x128xf32, #tpu.memory_space<hbm>>
        tpu.enqueue_dma source(%dma_start3A_256 : memref<120x128xf32, #tpu.memory_space<hbm>>) target(%arg8 : memref<120x128xf32, #tpu.memory_space<vmem>>) target_semaphore(%run_scoped3A : memref<!tpu.dma_semaphore, #tpu.memory_space<semaphore_mem>>)
        %dma_wait3A_257 = arith.constant 384 : i32
        %dma_wait3A_258 = tpu.memref_slice %arg2[%multiple_of3A_244, %dma_wait3A_257] : memref<168960x512xf32, #tpu.memory_space<hbm>> -> memref<120x128xf32, #tpu.memory_space<hbm>>
        %dma_wait3A_259 = arith.constant 384 : i32
        %dma_wait3A_260 = tpu.memref_slice %arg2[%multiple_of3A_244, %dma_wait3A_259] : memref<168960x512xf32, #tpu.memory_space<hbm>> -> memref<120x128xf32, #tpu.memory_space<hbm>>
        tpu.wait_dma2 semaphore(%run_scoped3A : memref<!tpu.dma_semaphore, #tpu.memory_space<semaphore_mem>>) src(%dma_wait3A_260 : memref<120x128xf32, #tpu.memory_space<hbm>>) dst(%arg8 : memref<120x128xf32, #tpu.memory_space<vmem>>)
        tpu.yield
      }) : () -> ()
      "tpu.region"() ({
        %run_scoped3A = tpu.sem_alloc : memref<!tpu.dma_semaphore, #tpu.memory_space<semaphore_mem>>
        %dma_start3A_253 = tpu.memref_slice %arg3[%multiple_of3A_244] : memref<168960xi32, #tpu.memory_space<hbm>> -> memref<120xi32, #tpu.memory_space<hbm>>
        %dma_start3A_254 = tpu.memref_slice %arg3[%multiple_of3A_244] : memref<168960xi32, #tpu.memory_space<hbm>> -> memref<120xi32, #tpu.memory_space<hbm>>
        tpu.enqueue_dma source(%dma_start3A_254 : memref<120xi32, #tpu.memory_space<hbm>>) target(%arg10 : memref<120xi32, #tpu.memory_space<vmem>>) target_semaphore(%run_scoped3A : memref<!tpu.dma_semaphore, #tpu.memory_space<semaphore_mem>>)
        %dma_wait3A_255 = tpu.memref_slice %arg3[%multiple_of3A_244] : memref<168960xi32, #tpu.memory_space<hbm>> -> memref<120xi32, #tpu.memory_space<hbm>>
        %dma_wait3A_256 = tpu.memref_slice %arg3[%multiple_of3A_244] : memref<168960xi32, #tpu.memory_space<hbm>> -> memref<120xi32, #tpu.memory_space<hbm>>
        tpu.wait_dma2 semaphore(%run_scoped3A : memref<!tpu.dma_semaphore, #tpu.memory_space<semaphore_mem>>) src(%dma_wait3A_256 : memref<120xi32, #tpu.memory_space<hbm>>) dst(%arg10 : memref<120xi32, #tpu.memory_space<vmem>>)
        tpu.yield
      }) : () -> ()
      %dma_start3A_250 = arith.constant 0 : i32
      %dma_start3A_251 = arith.constant 0 : i32
      %dma_start3A_252 = tpu.memref_slice %arg5[%dma_start3A_250, %dma_start3A_251] : memref<10240x128xf32, #tpu.memory_space<vmem_shared>> -> memref<10240x128xf32, #tpu.memory_space<vmem_shared>>
      tpu.enqueue_indirect_dma source(%arg8 : memref<120x128xf32, #tpu.memory_space<vmem>>) target(%dma_start3A_252 : memref<10240x128xf32, #tpu.memory_space<vmem_shared>>) offsets(%arg10 : memref<120xi32, #tpu.memory_space<vmem>>) semaphore(%arg12 : memref<!tpu.dma_semaphore, #tpu.memory_space<semaphore_mem>>) {add = true}
    }
    %scan3A_205 = arith.constant 22 : i32
    %dma_wait3A_206 = arith.constant 0 : i32
    %dma_wait3A_207 = arith.constant 0 : i32
    %dma_wait3A_208 = tpu.memref_slice %arg5[%dma_wait3A_206, %dma_wait3A_207] : memref<10240x128xf32, #tpu.memory_space<vmem_shared>> -> memref<10240x128xf32, #tpu.memory_space<vmem_shared>>
    tpu.wait_indirect_dma semaphore(%arg11 : memref<!tpu.dma_semaphore, #tpu.memory_space<semaphore_mem>>) src(%arg7 : memref<120x128xf32, #tpu.memory_space<vmem>>) dst(%dma_wait3A_208 : memref<10240x128xf32, #tpu.memory_space<vmem_shared>>)
    %dma_wait3A_209 = arith.constant 0 : i32
    %dma_wait3A_210 = arith.constant 0 : i32
    %dma_wait3A_211 = tpu.memref_slice %arg5[%dma_wait3A_209, %dma_wait3A_210] : memref<10240x128xf32, #tpu.memory_space<vmem_shared>> -> memref<10240x128xf32, #tpu.memory_space<vmem_shared>>
    tpu.wait_indirect_dma semaphore(%arg12 : memref<!tpu.dma_semaphore, #tpu.memory_space<semaphore_mem>>) src(%arg8 : memref<120x128xf32, #tpu.memory_space<vmem>>) dst(%dma_wait3A_211 : memref<10240x128xf32, #tpu.memory_space<vmem_shared>>)
    %barrier3A_212 = arith.constant 0 : index
    tpu.barrier barrier_id(%barrier3A_212)
    %mul3A_213 = arith.constant 640 : i32
    %mul3A_214 = arith.muli %arg1, %mul3A_213 : i32
    %mul3A_215 = arith.constant 4 : i32
    %mul3A_216 = arith.muli %arg0, %mul3A_215 : i32
    %add3A_217 = arith.constant 3 : i32
    %add3A_218 = arith.addi %mul3A_216, %add3A_217 : i32
    %mul3A_219 = arith.constant 640 : i32
    %mul3A_220 = arith.muli %arg1, %mul3A_219 : i32
    "tpu.region"() ({
      %run_scoped3A = tpu.sem_alloc : memref<!tpu.dma_semaphore, #tpu.memory_space<semaphore_mem>>
      %dma_start3A = arith.constant 0 : i32
      %dma_start3A_221 = tpu.memref_slice %arg4[%add3A_218, %mul3A_220, %dma_start3A] : memref<8x10240x128xf32, #tpu.memory_space<hbm>> -> memref<1x640x128xf32, #tpu.memory_space<hbm>>
      %dma_start3A_222 = tpu.memref_squeeze %dma_start3A_221 : memref<1x640x128xf32, #tpu.memory_space<hbm>> -> memref<640x128xf32, #tpu.memory_space<hbm>>
      %dma_start3A_223 = arith.constant 0 : i32
      %dma_start3A_224 = tpu.memref_slice %arg5[%mul3A_214, %dma_start3A_223] : memref<10240x128xf32, #tpu.memory_space<vmem_shared>> -> memref<640x128xf32, #tpu.memory_space<vmem_shared>>
      tpu.enqueue_dma source(%dma_start3A_224 : memref<640x128xf32, #tpu.memory_space<vmem_shared>>) target(%dma_start3A_222 : memref<640x128xf32, #tpu.memory_space<hbm>>) target_semaphore(%run_scoped3A : memref<!tpu.dma_semaphore, #tpu.memory_space<semaphore_mem>>)
      %dma_wait3A_225 = arith.constant 0 : i32
      %dma_wait3A_226 = tpu.memref_slice %arg4[%add3A_218, %mul3A_220, %dma_wait3A_225] : memref<8x10240x128xf32, #tpu.memory_space<hbm>> -> memref<1x640x128xf32, #tpu.memory_space<hbm>>
      %dma_wait3A_227 = tpu.memref_squeeze %dma_wait3A_226 : memref<1x640x128xf32, #tpu.memory_space<hbm>> -> memref<640x128xf32, #tpu.memory_space<hbm>>
      %dma_wait3A_228 = arith.constant 0 : i32
      %dma_wait3A_229 = tpu.memref_slice %arg5[%mul3A_214, %dma_wait3A_228] : memref<10240x128xf32, #tpu.memory_space<vmem_shared>> -> memref<640x128xf32, #tpu.memory_space<vmem_shared>>
      tpu.wait_dma2 semaphore(%run_scoped3A : memref<!tpu.dma_semaphore, #tpu.memory_space<semaphore_mem>>) src(%dma_wait3A_229 : memref<640x128xf32, #tpu.memory_space<vmem_shared>>) dst(%dma_wait3A_227 : memref<640x128xf32, #tpu.memory_space<hbm>>)
      tpu.yield
    }) : () -> ()
    return
  }
}

#map = affine_map<(d0, d1) -> (0, 0)>
#map1 = affine_map<(d0, d1) -> (0)>
#map2 = affine_map<(d0, d1) -> (0, 0, 0)>
module attributes {stable_mosaic.version = 14 : i64} {
  func.func @_sc_denom_body(%arg0: i32, %arg1: i32, %arg2: memref<168960x128xf32, #tpu.memory_space<hbm>>, %arg3: memref<168960xi32, #tpu.memory_space<hbm>>, %arg4: memref<2x10240x128xf32, #tpu.memory_space<hbm>>, %arg5: memref<10240x128xf32, #tpu.memory_space<vmem_shared>>, %arg6: memref<120x128xf32, #tpu.memory_space<vmem>>, %arg7: memref<120x128xf32, #tpu.memory_space<vmem>>, %arg8: memref<120xi32, #tpu.memory_space<vmem>>, %arg9: memref<120xi32, #tpu.memory_space<vmem>>, %arg10: memref<!tpu.dma_semaphore, #tpu.memory_space<semaphore_mem>>, %arg11: memref<!tpu.dma_semaphore, #tpu.memory_space<semaphore_mem>>) attributes {dimension_semantics = [#tpu.dimension_semantics<core_parallel>, #tpu.dimension_semantics<subcore_parallel>], iteration_bounds = array<i64: 2, 16>, scalar_prefetch = 0 : i64, scratch_operands = 7 : i64, tpu.core_type = #tpu.core_type<sc_vector_subcore>, window_params = [{transform_indices = #map}, {transform_indices = #map1}, {transform_indices = #map2}]} {
    %mul3A = arith.constant 16 : i32
    %mul3A_0 = arith.muli %arg0, %mul3A : i32
    %add3A = arith.addi %mul3A_0, %arg1 : i32
    %broadcast_in_dim3A = arith.constant 0.000000e+00 : f32
    %broadcast_in_dim3A_1 = vector.broadcast %broadcast_in_dim3A : f32 to vector<16xf32>
    %scan3A = arith.constant 0 : i32
    %scan3A_2 = arith.constant 0 : i32
    %scan3A_3 = arith.constant 80 : i32
    %scan3A_4 = arith.addi %scan3A_2, %scan3A_3 : i32
    %scan3A_5 = arith.constant 1 : i32
    scf.for %scan3A_55 = %scan3A_2 to %scan3A_4 step %scan3A_5  : i32 {
      %swap3A = arith.index_cast %scan3A_55 : i32 to index
      %swap3A_56 = arith.constant 0 : index
      %swap3A_57 = tpu.vector_load %arg6[%swap3A, %swap3A_56] {strides = array<i32>} : memref<120x128xf32, #tpu.memory_space<vmem>>, vector<1x16xf32>,
      %swap3A_58 = vector.shape_cast %swap3A_57 : vector<1x16xf32> to vector<16xf32>
      %swap3A_59 = vector.shape_cast %broadcast_in_dim3A_1 : vector<16xf32> to vector<1x16xf32>
      tpu.vector_store %arg6[%swap3A, %swap3A_56], %swap3A_59 {strides = array<i32>} : memref<120x128xf32, #tpu.memory_space<vmem>>, vector<1x16xf32>,
      %swap3A_60 = arith.index_cast %scan3A_55 : i32 to index
      %swap3A_61 = arith.constant 16 : index
      %swap3A_62 = tpu.vector_load %arg6[%swap3A_60, %swap3A_61] {strides = array<i32>} : memref<120x128xf32, #tpu.memory_space<vmem>>, vector<1x16xf32>,
      %swap3A_63 = vector.shape_cast %swap3A_62 : vector<1x16xf32> to vector<16xf32>
      %swap3A_64 = vector.shape_cast %broadcast_in_dim3A_1 : vector<16xf32> to vector<1x16xf32>
      tpu.vector_store %arg6[%swap3A_60, %swap3A_61], %swap3A_64 {strides = array<i32>} : memref<120x128xf32, #tpu.memory_space<vmem>>, vector<1x16xf32>,
      %swap3A_65 = arith.index_cast %scan3A_55 : i32 to index
      %swap3A_66 = arith.constant 32 : index
      %swap3A_67 = tpu.vector_load %arg6[%swap3A_65, %swap3A_66] {strides = array<i32>} : memref<120x128xf32, #tpu.memory_space<vmem>>, vector<1x16xf32>,
      %swap3A_68 = vector.shape_cast %swap3A_67 : vector<1x16xf32> to vector<16xf32>
      %swap3A_69 = vector.shape_cast %broadcast_in_dim3A_1 : vector<16xf32> to vector<1x16xf32>
      tpu.vector_store %arg6[%swap3A_65, %swap3A_66], %swap3A_69 {strides = array<i32>} : memref<120x128xf32, #tpu.memory_space<vmem>>, vector<1x16xf32>,
      %swap3A_70 = arith.index_cast %scan3A_55 : i32 to index
      %swap3A_71 = arith.constant 48 : index
      %swap3A_72 = tpu.vector_load %arg6[%swap3A_70, %swap3A_71] {strides = array<i32>} : memref<120x128xf32, #tpu.memory_space<vmem>>, vector<1x16xf32>,
      %swap3A_73 = vector.shape_cast %swap3A_72 : vector<1x16xf32> to vector<16xf32>
      %swap3A_74 = vector.shape_cast %broadcast_in_dim3A_1 : vector<16xf32> to vector<1x16xf32>
      tpu.vector_store %arg6[%swap3A_70, %swap3A_71], %swap3A_74 {strides = array<i32>} : memref<120x128xf32, #tpu.memory_space<vmem>>, vector<1x16xf32>,
      %swap3A_75 = arith.index_cast %scan3A_55 : i32 to index
      %swap3A_76 = arith.constant 64 : index
      %swap3A_77 = tpu.vector_load %arg6[%swap3A_75, %swap3A_76] {strides = array<i32>} : memref<120x128xf32, #tpu.memory_space<vmem>>, vector<1x16xf32>,
      %swap3A_78 = vector.shape_cast %swap3A_77 : vector<1x16xf32> to vector<16xf32>
      %swap3A_79 = vector.shape_cast %broadcast_in_dim3A_1 : vector<16xf32> to vector<1x16xf32>
      tpu.vector_store %arg6[%swap3A_75, %swap3A_76], %swap3A_79 {strides = array<i32>} : memref<120x128xf32, #tpu.memory_space<vmem>>, vector<1x16xf32>,
      %swap3A_80 = arith.index_cast %scan3A_55 : i32 to index
      %swap3A_81 = arith.constant 80 : index
      %swap3A_82 = tpu.vector_load %arg6[%swap3A_80, %swap3A_81] {strides = array<i32>} : memref<120x128xf32, #tpu.memory_space<vmem>>, vector<1x16xf32>,
      %swap3A_83 = vector.shape_cast %swap3A_82 : vector<1x16xf32> to vector<16xf32>
      %swap3A_84 = vector.shape_cast %broadcast_in_dim3A_1 : vector<16xf32> to vector<1x16xf32>
      tpu.vector_store %arg6[%swap3A_80, %swap3A_81], %swap3A_84 {strides = array<i32>} : memref<120x128xf32, #tpu.memory_space<vmem>>, vector<1x16xf32>,
      %swap3A_85 = arith.index_cast %scan3A_55 : i32 to index
      %swap3A_86 = arith.constant 96 : index
      %swap3A_87 = tpu.vector_load %arg6[%swap3A_85, %swap3A_86] {strides = array<i32>} : memref<120x128xf32, #tpu.memory_space<vmem>>, vector<1x16xf32>,
      %swap3A_88 = vector.shape_cast %swap3A_87 : vector<1x16xf32> to vector<16xf32>
      %swap3A_89 = vector.shape_cast %broadcast_in_dim3A_1 : vector<16xf32> to vector<1x16xf32>
      tpu.vector_store %arg6[%swap3A_85, %swap3A_86], %swap3A_89 {strides = array<i32>} : memref<120x128xf32, #tpu.memory_space<vmem>>, vector<1x16xf32>,
      %swap3A_90 = arith.index_cast %scan3A_55 : i32 to index
      %swap3A_91 = arith.constant 112 : index
      %swap3A_92 = tpu.vector_load %arg6[%swap3A_90, %swap3A_91] {strides = array<i32>} : memref<120x128xf32, #tpu.memory_space<vmem>>, vector<1x16xf32>,
      %swap3A_93 = vector.shape_cast %swap3A_92 : vector<1x16xf32> to vector<16xf32>
      %swap3A_94 = vector.shape_cast %broadcast_in_dim3A_1 : vector<16xf32> to vector<1x16xf32>
      tpu.vector_store %arg6[%swap3A_90, %swap3A_91], %swap3A_94 {strides = array<i32>} : memref<120x128xf32, #tpu.memory_space<vmem>>, vector<1x16xf32>,
    }
    %scan3A_6 = arith.constant 80 : i32
    %mul3A_7 = arith.constant 640 : i32
    %mul3A_8 = arith.muli %arg1, %mul3A_7 : i32
    %add3A_9 = arith.constant 0 : i32
    %add3A_10 = arith.addi %mul3A_8, %add3A_9 : i32
    "tpu.region"() ({
      %run_scoped3A = tpu.sem_alloc : memref<!tpu.dma_semaphore, #tpu.memory_space<semaphore_mem>>
      %dma_start3A = arith.constant 0 : i32
      %dma_start3A_55 = arith.constant 0 : i32
      %dma_start3A_56 = tpu.memref_slice %arg6[%dma_start3A, %dma_start3A_55] : memref<120x128xf32, #tpu.memory_space<vmem>> -> memref<80x128xf32, #tpu.memory_space<vmem>>
      %dma_start3A_57 = arith.constant 0 : i32
      %dma_start3A_58 = tpu.memref_slice %arg5[%add3A_10, %dma_start3A_57] : memref<10240x128xf32, #tpu.memory_space<vmem_shared>> -> memref<80x128xf32, #tpu.memory_space<vmem_shared>>
      %dma_start3A_59 = arith.constant 0 : i32
      %dma_start3A_60 = tpu.memref_slice %arg5[%add3A_10, %dma_start3A_59] : memref<10240x128xf32, #tpu.memory_space<vmem_shared>> -> memref<80x128xf32, #tpu.memory_space<vmem_shared>>
      %dma_start3A_61 = arith.constant 0 : i32
      %dma_start3A_62 = arith.constant 0 : i32
      %dma_start3A_63 = tpu.memref_slice %arg6[%dma_start3A_61, %dma_start3A_62] : memref<120x128xf32, #tpu.memory_space<vmem>> -> memref<80x128xf32, #tpu.memory_space<vmem>>
      tpu.enqueue_dma source(%dma_start3A_63 : memref<80x128xf32, #tpu.memory_space<vmem>>) target(%dma_start3A_60 : memref<80x128xf32, #tpu.memory_space<vmem_shared>>) target_semaphore(%run_scoped3A : memref<!tpu.dma_semaphore, #tpu.memory_space<semaphore_mem>>)
      %dma_wait3A_64 = arith.constant 0 : i32
      %dma_wait3A_65 = arith.constant 0 : i32
      %dma_wait3A_66 = tpu.memref_slice %arg6[%dma_wait3A_64, %dma_wait3A_65] : memref<120x128xf32, #tpu.memory_space<vmem>> -> memref<80x128xf32, #tpu.memory_space<vmem>>
      %dma_wait3A_67 = arith.constant 0 : i32
      %dma_wait3A_68 = tpu.memref_slice %arg5[%add3A_10, %dma_wait3A_67] : memref<10240x128xf32, #tpu.memory_space<vmem_shared>> -> memref<80x128xf32, #tpu.memory_space<vmem_shared>>
      %dma_wait3A_69 = arith.constant 0 : i32
      %dma_wait3A_70 = tpu.memref_slice %arg5[%add3A_10, %dma_wait3A_69] : memref<10240x128xf32, #tpu.memory_space<vmem_shared>> -> memref<80x128xf32, #tpu.memory_space<vmem_shared>>
      %dma_wait3A_71 = arith.constant 0 : i32
      %dma_wait3A_72 = arith.constant 0 : i32
      %dma_wait3A_73 = tpu.memref_slice %arg6[%dma_wait3A_71, %dma_wait3A_72] : memref<120x128xf32, #tpu.memory_space<vmem>> -> memref<80x128xf32, #tpu.memory_space<vmem>>
      tpu.wait_dma2 semaphore(%run_scoped3A : memref<!tpu.dma_semaphore, #tpu.memory_space<semaphore_mem>>) src(%dma_wait3A_73 : memref<80x128xf32, #tpu.memory_space<vmem>>) dst(%dma_wait3A_70 : memref<80x128xf32, #tpu.memory_space<vmem_shared>>)
      tpu.yield
    }) : () -> ()
    %mul3A_11 = arith.constant 640 : i32
    %mul3A_12 = arith.muli %arg1, %mul3A_11 : i32
    %add3A_13 = arith.constant 80 : i32
    %add3A_14 = arith.addi %mul3A_12, %add3A_13 : i32
    "tpu.region"() ({
      %run_scoped3A = tpu.sem_alloc : memref<!tpu.dma_semaphore, #tpu.memory_space<semaphore_mem>>
      %dma_start3A = arith.constant 0 : i32
      %dma_start3A_55 = arith.constant 0 : i32
      %dma_start3A_56 = tpu.memref_slice %arg6[%dma_start3A, %dma_start3A_55] : memref<120x128xf32, #tpu.memory_space<vmem>> -> memref<80x128xf32, #tpu.memory_space<vmem>>
      %dma_start3A_57 = arith.constant 0 : i32
      %dma_start3A_58 = tpu.memref_slice %arg5[%add3A_14, %dma_start3A_57] : memref<10240x128xf32, #tpu.memory_space<vmem_shared>> -> memref<80x128xf32, #tpu.memory_space<vmem_shared>>
      %dma_start3A_59 = arith.constant 0 : i32
      %dma_start3A_60 = tpu.memref_slice %arg5[%add3A_14, %dma_start3A_59] : memref<10240x128xf32, #tpu.memory_space<vmem_shared>> -> memref<80x128xf32, #tpu.memory_space<vmem_shared>>
      %dma_start3A_61 = arith.constant 0 : i32
      %dma_start3A_62 = arith.constant 0 : i32
      %dma_start3A_63 = tpu.memref_slice %arg6[%dma_start3A_61, %dma_start3A_62] : memref<120x128xf32, #tpu.memory_space<vmem>> -> memref<80x128xf32, #tpu.memory_space<vmem>>
      tpu.enqueue_dma source(%dma_start3A_63 : memref<80x128xf32, #tpu.memory_space<vmem>>) target(%dma_start3A_60 : memref<80x128xf32, #tpu.memory_space<vmem_shared>>) target_semaphore(%run_scoped3A : memref<!tpu.dma_semaphore, #tpu.memory_space<semaphore_mem>>)
      %dma_wait3A_64 = arith.constant 0 : i32
      %dma_wait3A_65 = arith.constant 0 : i32
      %dma_wait3A_66 = tpu.memref_slice %arg6[%dma_wait3A_64, %dma_wait3A_65] : memref<120x128xf32, #tpu.memory_space<vmem>> -> memref<80x128xf32, #tpu.memory_space<vmem>>
      %dma_wait3A_67 = arith.constant 0 : i32
      %dma_wait3A_68 = tpu.memref_slice %arg5[%add3A_14, %dma_wait3A_67] : memref<10240x128xf32, #tpu.memory_space<vmem_shared>> -> memref<80x128xf32, #tpu.memory_space<vmem_shared>>
      %dma_wait3A_69 = arith.constant 0 : i32
      %dma_wait3A_70 = tpu.memref_slice %arg5[%add3A_14, %dma_wait3A_69] : memref<10240x128xf32, #tpu.memory_space<vmem_shared>> -> memref<80x128xf32, #tpu.memory_space<vmem_shared>>
      %dma_wait3A_71 = arith.constant 0 : i32
      %dma_wait3A_72 = arith.constant 0 : i32
      %dma_wait3A_73 = tpu.memref_slice %arg6[%dma_wait3A_71, %dma_wait3A_72] : memref<120x128xf32, #tpu.memory_space<vmem>> -> memref<80x128xf32, #tpu.memory_space<vmem>>
      tpu.wait_dma2 semaphore(%run_scoped3A : memref<!tpu.dma_semaphore, #tpu.memory_space<semaphore_mem>>) src(%dma_wait3A_73 : memref<80x128xf32, #tpu.memory_space<vmem>>) dst(%dma_wait3A_70 : memref<80x128xf32, #tpu.memory_space<vmem_shared>>)
      tpu.yield
    }) : () -> ()
    %mul3A_15 = arith.constant 640 : i32
    %mul3A_16 = arith.muli %arg1, %mul3A_15 : i32
    %add3A_17 = arith.constant 160 : i32
    %add3A_18 = arith.addi %mul3A_16, %add3A_17 : i32
    "tpu.region"() ({
      %run_scoped3A = tpu.sem_alloc : memref<!tpu.dma_semaphore, #tpu.memory_space<semaphore_mem>>
      %dma_start3A = arith.constant 0 : i32
      %dma_start3A_55 = arith.constant 0 : i32
      %dma_start3A_56 = tpu.memref_slice %arg6[%dma_start3A, %dma_start3A_55] : memref<120x128xf32, #tpu.memory_space<vmem>> -> memref<80x128xf32, #tpu.memory_space<vmem>>
      %dma_start3A_57 = arith.constant 0 : i32
      %dma_start3A_58 = tpu.memref_slice %arg5[%add3A_18, %dma_start3A_57] : memref<10240x128xf32, #tpu.memory_space<vmem_shared>> -> memref<80x128xf32, #tpu.memory_space<vmem_shared>>
      %dma_start3A_59 = arith.constant 0 : i32
      %dma_start3A_60 = tpu.memref_slice %arg5[%add3A_18, %dma_start3A_59] : memref<10240x128xf32, #tpu.memory_space<vmem_shared>> -> memref<80x128xf32, #tpu.memory_space<vmem_shared>>
      %dma_start3A_61 = arith.constant 0 : i32
      %dma_start3A_62 = arith.constant 0 : i32
      %dma_start3A_63 = tpu.memref_slice %arg6[%dma_start3A_61, %dma_start3A_62] : memref<120x128xf32, #tpu.memory_space<vmem>> -> memref<80x128xf32, #tpu.memory_space<vmem>>
      tpu.enqueue_dma source(%dma_start3A_63 : memref<80x128xf32, #tpu.memory_space<vmem>>) target(%dma_start3A_60 : memref<80x128xf32, #tpu.memory_space<vmem_shared>>) target_semaphore(%run_scoped3A : memref<!tpu.dma_semaphore, #tpu.memory_space<semaphore_mem>>)
      %dma_wait3A_64 = arith.constant 0 : i32
      %dma_wait3A_65 = arith.constant 0 : i32
      %dma_wait3A_66 = tpu.memref_slice %arg6[%dma_wait3A_64, %dma_wait3A_65] : memref<120x128xf32, #tpu.memory_space<vmem>> -> memref<80x128xf32, #tpu.memory_space<vmem>>
      %dma_wait3A_67 = arith.constant 0 : i32
      %dma_wait3A_68 = tpu.memref_slice %arg5[%add3A_18, %dma_wait3A_67] : memref<10240x128xf32, #tpu.memory_space<vmem_shared>> -> memref<80x128xf32, #tpu.memory_space<vmem_shared>>
      %dma_wait3A_69 = arith.constant 0 : i32
      %dma_wait3A_70 = tpu.memref_slice %arg5[%add3A_18, %dma_wait3A_69] : memref<10240x128xf32, #tpu.memory_space<vmem_shared>> -> memref<80x128xf32, #tpu.memory_space<vmem_shared>>
      %dma_wait3A_71 = arith.constant 0 : i32
      %dma_wait3A_72 = arith.constant 0 : i32
      %dma_wait3A_73 = tpu.memref_slice %arg6[%dma_wait3A_71, %dma_wait3A_72] : memref<120x128xf32, #tpu.memory_space<vmem>> -> memref<80x128xf32, #tpu.memory_space<vmem>>
      tpu.wait_dma2 semaphore(%run_scoped3A : memref<!tpu.dma_semaphore, #tpu.memory_space<semaphore_mem>>) src(%dma_wait3A_73 : memref<80x128xf32, #tpu.memory_space<vmem>>) dst(%dma_wait3A_70 : memref<80x128xf32, #tpu.memory_space<vmem_shared>>)
      tpu.yield
    }) : () -> ()
    %mul3A_19 = arith.constant 640 : i32
    %mul3A_20 = arith.muli %arg1, %mul3A_19 : i32
    %add3A_21 = arith.constant 240 : i32
    %add3A_22 = arith.addi %mul3A_20, %add3A_21 : i32
    "tpu.region"() ({
      %run_scoped3A = tpu.sem_alloc : memref<!tpu.dma_semaphore, #tpu.memory_space<semaphore_mem>>
      %dma_start3A = arith.constant 0 : i32
      %dma_start3A_55 = arith.constant 0 : i32
      %dma_start3A_56 = tpu.memref_slice %arg6[%dma_start3A, %dma_start3A_55] : memref<120x128xf32, #tpu.memory_space<vmem>> -> memref<80x128xf32, #tpu.memory_space<vmem>>
      %dma_start3A_57 = arith.constant 0 : i32
      %dma_start3A_58 = tpu.memref_slice %arg5[%add3A_22, %dma_start3A_57] : memref<10240x128xf32, #tpu.memory_space<vmem_shared>> -> memref<80x128xf32, #tpu.memory_space<vmem_shared>>
      %dma_start3A_59 = arith.constant 0 : i32
      %dma_start3A_60 = tpu.memref_slice %arg5[%add3A_22, %dma_start3A_59] : memref<10240x128xf32, #tpu.memory_space<vmem_shared>> -> memref<80x128xf32, #tpu.memory_space<vmem_shared>>
      %dma_start3A_61 = arith.constant 0 : i32
      %dma_start3A_62 = arith.constant 0 : i32
      %dma_start3A_63 = tpu.memref_slice %arg6[%dma_start3A_61, %dma_start3A_62] : memref<120x128xf32, #tpu.memory_space<vmem>> -> memref<80x128xf32, #tpu.memory_space<vmem>>
      tpu.enqueue_dma source(%dma_start3A_63 : memref<80x128xf32, #tpu.memory_space<vmem>>) target(%dma_start3A_60 : memref<80x128xf32, #tpu.memory_space<vmem_shared>>) target_semaphore(%run_scoped3A : memref<!tpu.dma_semaphore, #tpu.memory_space<semaphore_mem>>)
      %dma_wait3A_64 = arith.constant 0 : i32
      %dma_wait3A_65 = arith.constant 0 : i32
      %dma_wait3A_66 = tpu.memref_slice %arg6[%dma_wait3A_64, %dma_wait3A_65] : memref<120x128xf32, #tpu.memory_space<vmem>> -> memref<80x128xf32, #tpu.memory_space<vmem>>
      %dma_wait3A_67 = arith.constant 0 : i32
      %dma_wait3A_68 = tpu.memref_slice %arg5[%add3A_22, %dma_wait3A_67] : memref<10240x128xf32, #tpu.memory_space<vmem_shared>> -> memref<80x128xf32, #tpu.memory_space<vmem_shared>>
      %dma_wait3A_69 = arith.constant 0 : i32
      %dma_wait3A_70 = tpu.memref_slice %arg5[%add3A_22, %dma_wait3A_69] : memref<10240x128xf32, #tpu.memory_space<vmem_shared>> -> memref<80x128xf32, #tpu.memory_space<vmem_shared>>
      %dma_wait3A_71 = arith.constant 0 : i32
      %dma_wait3A_72 = arith.constant 0 : i32
      %dma_wait3A_73 = tpu.memref_slice %arg6[%dma_wait3A_71, %dma_wait3A_72] : memref<120x128xf32, #tpu.memory_space<vmem>> -> memref<80x128xf32, #tpu.memory_space<vmem>>
      tpu.wait_dma2 semaphore(%run_scoped3A : memref<!tpu.dma_semaphore, #tpu.memory_space<semaphore_mem>>) src(%dma_wait3A_73 : memref<80x128xf32, #tpu.memory_space<vmem>>) dst(%dma_wait3A_70 : memref<80x128xf32, #tpu.memory_space<vmem_shared>>)
      tpu.yield
    }) : () -> ()
    %mul3A_23 = arith.constant 640 : i32
    %mul3A_24 = arith.muli %arg1, %mul3A_23 : i32
    %add3A_25 = arith.constant 320 : i32
    %add3A_26 = arith.addi %mul3A_24, %add3A_25 : i32
    "tpu.region"() ({
      %run_scoped3A = tpu.sem_alloc : memref<!tpu.dma_semaphore, #tpu.memory_space<semaphore_mem>>
      %dma_start3A = arith.constant 0 : i32
      %dma_start3A_55 = arith.constant 0 : i32
      %dma_start3A_56 = tpu.memref_slice %arg6[%dma_start3A, %dma_start3A_55] : memref<120x128xf32, #tpu.memory_space<vmem>> -> memref<80x128xf32, #tpu.memory_space<vmem>>
      %dma_start3A_57 = arith.constant 0 : i32
      %dma_start3A_58 = tpu.memref_slice %arg5[%add3A_26, %dma_start3A_57] : memref<10240x128xf32, #tpu.memory_space<vmem_shared>> -> memref<80x128xf32, #tpu.memory_space<vmem_shared>>
      %dma_start3A_59 = arith.constant 0 : i32
      %dma_start3A_60 = tpu.memref_slice %arg5[%add3A_26, %dma_start3A_59] : memref<10240x128xf32, #tpu.memory_space<vmem_shared>> -> memref<80x128xf32, #tpu.memory_space<vmem_shared>>
      %dma_start3A_61 = arith.constant 0 : i32
      %dma_start3A_62 = arith.constant 0 : i32
      %dma_start3A_63 = tpu.memref_slice %arg6[%dma_start3A_61, %dma_start3A_62] : memref<120x128xf32, #tpu.memory_space<vmem>> -> memref<80x128xf32, #tpu.memory_space<vmem>>
      tpu.enqueue_dma source(%dma_start3A_63 : memref<80x128xf32, #tpu.memory_space<vmem>>) target(%dma_start3A_60 : memref<80x128xf32, #tpu.memory_space<vmem_shared>>) target_semaphore(%run_scoped3A : memref<!tpu.dma_semaphore, #tpu.memory_space<semaphore_mem>>)
      %dma_wait3A_64 = arith.constant 0 : i32
      %dma_wait3A_65 = arith.constant 0 : i32
      %dma_wait3A_66 = tpu.memref_slice %arg6[%dma_wait3A_64, %dma_wait3A_65] : memref<120x128xf32, #tpu.memory_space<vmem>> -> memref<80x128xf32, #tpu.memory_space<vmem>>
      %dma_wait3A_67 = arith.constant 0 : i32
      %dma_wait3A_68 = tpu.memref_slice %arg5[%add3A_26, %dma_wait3A_67] : memref<10240x128xf32, #tpu.memory_space<vmem_shared>> -> memref<80x128xf32, #tpu.memory_space<vmem_shared>>
      %dma_wait3A_69 = arith.constant 0 : i32
      %dma_wait3A_70 = tpu.memref_slice %arg5[%add3A_26, %dma_wait3A_69] : memref<10240x128xf32, #tpu.memory_space<vmem_shared>> -> memref<80x128xf32, #tpu.memory_space<vmem_shared>>
      %dma_wait3A_71 = arith.constant 0 : i32
      %dma_wait3A_72 = arith.constant 0 : i32
      %dma_wait3A_73 = tpu.memref_slice %arg6[%dma_wait3A_71, %dma_wait3A_72] : memref<120x128xf32, #tpu.memory_space<vmem>> -> memref<80x128xf32, #tpu.memory_space<vmem>>
      tpu.wait_dma2 semaphore(%run_scoped3A : memref<!tpu.dma_semaphore, #tpu.memory_space<semaphore_mem>>) src(%dma_wait3A_73 : memref<80x128xf32, #tpu.memory_space<vmem>>) dst(%dma_wait3A_70 : memref<80x128xf32, #tpu.memory_space<vmem_shared>>)
      tpu.yield
    }) : () -> ()
    %mul3A_27 = arith.constant 640 : i32
    %mul3A_28 = arith.muli %arg1, %mul3A_27 : i32
    %add3A_29 = arith.constant 400 : i32
    %add3A_30 = arith.addi %mul3A_28, %add3A_29 : i32
    "tpu.region"() ({
      %run_scoped3A = tpu.sem_alloc : memref<!tpu.dma_semaphore, #tpu.memory_space<semaphore_mem>>
      %dma_start3A = arith.constant 0 : i32
      %dma_start3A_55 = arith.constant 0 : i32
      %dma_start3A_56 = tpu.memref_slice %arg6[%dma_start3A, %dma_start3A_55] : memref<120x128xf32, #tpu.memory_space<vmem>> -> memref<80x128xf32, #tpu.memory_space<vmem>>
      %dma_start3A_57 = arith.constant 0 : i32
      %dma_start3A_58 = tpu.memref_slice %arg5[%add3A_30, %dma_start3A_57] : memref<10240x128xf32, #tpu.memory_space<vmem_shared>> -> memref<80x128xf32, #tpu.memory_space<vmem_shared>>
      %dma_start3A_59 = arith.constant 0 : i32
      %dma_start3A_60 = tpu.memref_slice %arg5[%add3A_30, %dma_start3A_59] : memref<10240x128xf32, #tpu.memory_space<vmem_shared>> -> memref<80x128xf32, #tpu.memory_space<vmem_shared>>
      %dma_start3A_61 = arith.constant 0 : i32
      %dma_start3A_62 = arith.constant 0 : i32
      %dma_start3A_63 = tpu.memref_slice %arg6[%dma_start3A_61, %dma_start3A_62] : memref<120x128xf32, #tpu.memory_space<vmem>> -> memref<80x128xf32, #tpu.memory_space<vmem>>
      tpu.enqueue_dma source(%dma_start3A_63 : memref<80x128xf32, #tpu.memory_space<vmem>>) target(%dma_start3A_60 : memref<80x128xf32, #tpu.memory_space<vmem_shared>>) target_semaphore(%run_scoped3A : memref<!tpu.dma_semaphore, #tpu.memory_space<semaphore_mem>>)
      %dma_wait3A_64 = arith.constant 0 : i32
      %dma_wait3A_65 = arith.constant 0 : i32
      %dma_wait3A_66 = tpu.memref_slice %arg6[%dma_wait3A_64, %dma_wait3A_65] : memref<120x128xf32, #tpu.memory_space<vmem>> -> memref<80x128xf32, #tpu.memory_space<vmem>>
      %dma_wait3A_67 = arith.constant 0 : i32
      %dma_wait3A_68 = tpu.memref_slice %arg5[%add3A_30, %dma_wait3A_67] : memref<10240x128xf32, #tpu.memory_space<vmem_shared>> -> memref<80x128xf32, #tpu.memory_space<vmem_shared>>
      %dma_wait3A_69 = arith.constant 0 : i32
      %dma_wait3A_70 = tpu.memref_slice %arg5[%add3A_30, %dma_wait3A_69] : memref<10240x128xf32, #tpu.memory_space<vmem_shared>> -> memref<80x128xf32, #tpu.memory_space<vmem_shared>>
      %dma_wait3A_71 = arith.constant 0 : i32
      %dma_wait3A_72 = arith.constant 0 : i32
      %dma_wait3A_73 = tpu.memref_slice %arg6[%dma_wait3A_71, %dma_wait3A_72] : memref<120x128xf32, #tpu.memory_space<vmem>> -> memref<80x128xf32, #tpu.memory_space<vmem>>
      tpu.wait_dma2 semaphore(%run_scoped3A : memref<!tpu.dma_semaphore, #tpu.memory_space<semaphore_mem>>) src(%dma_wait3A_73 : memref<80x128xf32, #tpu.memory_space<vmem>>) dst(%dma_wait3A_70 : memref<80x128xf32, #tpu.memory_space<vmem_shared>>)
      tpu.yield
    }) : () -> ()
    %mul3A_31 = arith.constant 640 : i32
    %mul3A_32 = arith.muli %arg1, %mul3A_31 : i32
    %add3A_33 = arith.constant 480 : i32
    %add3A_34 = arith.addi %mul3A_32, %add3A_33 : i32
    "tpu.region"() ({
      %run_scoped3A = tpu.sem_alloc : memref<!tpu.dma_semaphore, #tpu.memory_space<semaphore_mem>>
      %dma_start3A = arith.constant 0 : i32
      %dma_start3A_55 = arith.constant 0 : i32
      %dma_start3A_56 = tpu.memref_slice %arg6[%dma_start3A, %dma_start3A_55] : memref<120x128xf32, #tpu.memory_space<vmem>> -> memref<80x128xf32, #tpu.memory_space<vmem>>
      %dma_start3A_57 = arith.constant 0 : i32
      %dma_start3A_58 = tpu.memref_slice %arg5[%add3A_34, %dma_start3A_57] : memref<10240x128xf32, #tpu.memory_space<vmem_shared>> -> memref<80x128xf32, #tpu.memory_space<vmem_shared>>
      %dma_start3A_59 = arith.constant 0 : i32
      %dma_start3A_60 = tpu.memref_slice %arg5[%add3A_34, %dma_start3A_59] : memref<10240x128xf32, #tpu.memory_space<vmem_shared>> -> memref<80x128xf32, #tpu.memory_space<vmem_shared>>
      %dma_start3A_61 = arith.constant 0 : i32
      %dma_start3A_62 = arith.constant 0 : i32
      %dma_start3A_63 = tpu.memref_slice %arg6[%dma_start3A_61, %dma_start3A_62] : memref<120x128xf32, #tpu.memory_space<vmem>> -> memref<80x128xf32, #tpu.memory_space<vmem>>
      tpu.enqueue_dma source(%dma_start3A_63 : memref<80x128xf32, #tpu.memory_space<vmem>>) target(%dma_start3A_60 : memref<80x128xf32, #tpu.memory_space<vmem_shared>>) target_semaphore(%run_scoped3A : memref<!tpu.dma_semaphore, #tpu.memory_space<semaphore_mem>>)
      %dma_wait3A_64 = arith.constant 0 : i32
      %dma_wait3A_65 = arith.constant 0 : i32
      %dma_wait3A_66 = tpu.memref_slice %arg6[%dma_wait3A_64, %dma_wait3A_65] : memref<120x128xf32, #tpu.memory_space<vmem>> -> memref<80x128xf32, #tpu.memory_space<vmem>>
      %dma_wait3A_67 = arith.constant 0 : i32
      %dma_wait3A_68 = tpu.memref_slice %arg5[%add3A_34, %dma_wait3A_67] : memref<10240x128xf32, #tpu.memory_space<vmem_shared>> -> memref<80x128xf32, #tpu.memory_space<vmem_shared>>
      %dma_wait3A_69 = arith.constant 0 : i32
      %dma_wait3A_70 = tpu.memref_slice %arg5[%add3A_34, %dma_wait3A_69] : memref<10240x128xf32, #tpu.memory_space<vmem_shared>> -> memref<80x128xf32, #tpu.memory_space<vmem_shared>>
      %dma_wait3A_71 = arith.constant 0 : i32
      %dma_wait3A_72 = arith.constant 0 : i32
      %dma_wait3A_73 = tpu.memref_slice %arg6[%dma_wait3A_71, %dma_wait3A_72] : memref<120x128xf32, #tpu.memory_space<vmem>> -> memref<80x128xf32, #tpu.memory_space<vmem>>
      tpu.wait_dma2 semaphore(%run_scoped3A : memref<!tpu.dma_semaphore, #tpu.memory_space<semaphore_mem>>) src(%dma_wait3A_73 : memref<80x128xf32, #tpu.memory_space<vmem>>) dst(%dma_wait3A_70 : memref<80x128xf32, #tpu.memory_space<vmem_shared>>)
      tpu.yield
    }) : () -> ()
    %mul3A_35 = arith.constant 640 : i32
    %mul3A_36 = arith.muli %arg1, %mul3A_35 : i32
    %add3A_37 = arith.constant 560 : i32
    %add3A_38 = arith.addi %mul3A_36, %add3A_37 : i32
    "tpu.region"() ({
      %run_scoped3A = tpu.sem_alloc : memref<!tpu.dma_semaphore, #tpu.memory_space<semaphore_mem>>
      %dma_start3A = arith.constant 0 : i32
      %dma_start3A_55 = arith.constant 0 : i32
      %dma_start3A_56 = tpu.memref_slice %arg6[%dma_start3A, %dma_start3A_55] : memref<120x128xf32, #tpu.memory_space<vmem>> -> memref<80x128xf32, #tpu.memory_space<vmem>>
      %dma_start3A_57 = arith.constant 0 : i32
      %dma_start3A_58 = tpu.memref_slice %arg5[%add3A_38, %dma_start3A_57] : memref<10240x128xf32, #tpu.memory_space<vmem_shared>> -> memref<80x128xf32, #tpu.memory_space<vmem_shared>>
      %dma_start3A_59 = arith.constant 0 : i32
      %dma_start3A_60 = tpu.memref_slice %arg5[%add3A_38, %dma_start3A_59] : memref<10240x128xf32, #tpu.memory_space<vmem_shared>> -> memref<80x128xf32, #tpu.memory_space<vmem_shared>>
      %dma_start3A_61 = arith.constant 0 : i32
      %dma_start3A_62 = arith.constant 0 : i32
      %dma_start3A_63 = tpu.memref_slice %arg6[%dma_start3A_61, %dma_start3A_62] : memref<120x128xf32, #tpu.memory_space<vmem>> -> memref<80x128xf32, #tpu.memory_space<vmem>>
      tpu.enqueue_dma source(%dma_start3A_63 : memref<80x128xf32, #tpu.memory_space<vmem>>) target(%dma_start3A_60 : memref<80x128xf32, #tpu.memory_space<vmem_shared>>) target_semaphore(%run_scoped3A : memref<!tpu.dma_semaphore, #tpu.memory_space<semaphore_mem>>)
      %dma_wait3A_64 = arith.constant 0 : i32
      %dma_wait3A_65 = arith.constant 0 : i32
      %dma_wait3A_66 = tpu.memref_slice %arg6[%dma_wait3A_64, %dma_wait3A_65] : memref<120x128xf32, #tpu.memory_space<vmem>> -> memref<80x128xf32, #tpu.memory_space<vmem>>
      %dma_wait3A_67 = arith.constant 0 : i32
      %dma_wait3A_68 = tpu.memref_slice %arg5[%add3A_38, %dma_wait3A_67] : memref<10240x128xf32, #tpu.memory_space<vmem_shared>> -> memref<80x128xf32, #tpu.memory_space<vmem_shared>>
      %dma_wait3A_69 = arith.constant 0 : i32
      %dma_wait3A_70 = tpu.memref_slice %arg5[%add3A_38, %dma_wait3A_69] : memref<10240x128xf32, #tpu.memory_space<vmem_shared>> -> memref<80x128xf32, #tpu.memory_space<vmem_shared>>
      %dma_wait3A_71 = arith.constant 0 : i32
      %dma_wait3A_72 = arith.constant 0 : i32
      %dma_wait3A_73 = tpu.memref_slice %arg6[%dma_wait3A_71, %dma_wait3A_72] : memref<120x128xf32, #tpu.memory_space<vmem>> -> memref<80x128xf32, #tpu.memory_space<vmem>>
      tpu.wait_dma2 semaphore(%run_scoped3A : memref<!tpu.dma_semaphore, #tpu.memory_space<semaphore_mem>>) src(%dma_wait3A_73 : memref<80x128xf32, #tpu.memory_space<vmem>>) dst(%dma_wait3A_70 : memref<80x128xf32, #tpu.memory_space<vmem_shared>>)
      tpu.yield
    }) : () -> ()
    %barrier3A = arith.constant 0 : index
    tpu.barrier barrier_id(%barrier3A)
    %scan3A_39 = arith.constant 0 : i32
    %scan3A_40 = arith.constant 0 : i32
    %scan3A_41 = arith.constant 22 : i32
    %scan3A_42 = arith.addi %scan3A_40, %scan3A_41 : i32
    %scan3A_43 = arith.constant 1 : i32
    scf.for %scan3A_55 = %scan3A_40 to %scan3A_42 step %scan3A_43  : i32 {
      %mul3A_56 = arith.constant 5280 : i32
      %mul3A_57 = arith.muli %add3A, %mul3A_56 : i32
      %mul3A_58 = arith.constant 2 : i32
      %mul3A_59 = arith.muli %scan3A_55, %mul3A_58 : i32
      %add3A_60 = arith.constant 0 : i32
      %add3A_61 = arith.addi %mul3A_59, %add3A_60 : i32
      %mul3A_62 = arith.constant 120 : i32
      %mul3A_63 = arith.muli %add3A_61, %mul3A_62 : i32
      %add3A_64 = arith.addi %mul3A_57, %mul3A_63 : i32
      %multiple_of3A = tpu.assume_multiple %add3A_64, 8 : i32
      %gt3A = arith.constant 0 : i32
      %gt3A_65 = arith.cmpi sgt, %scan3A_55, %gt3A : i32
      %convert_element_type3A = arith.extui %gt3A_65 : i1 to i32
      %cond3A = arith.constant 0 : i32
      %cond3A_66 = arith.cmpi ne, %convert_element_type3A, %cond3A : i32
      scf.if %cond3A_66 {
        %dma_wait3A_87 = arith.constant 0 : i32
        %dma_wait3A_88 = arith.constant 0 : i32
        %dma_wait3A_89 = tpu.memref_slice %arg5[%dma_wait3A_87, %dma_wait3A_88] : memref<10240x128xf32, #tpu.memory_space<vmem_shared>> -> memref<10240x128xf32, #tpu.memory_space<vmem_shared>>
        tpu.wait_indirect_dma semaphore(%arg10 : memref<!tpu.dma_semaphore, #tpu.memory_space<semaphore_mem>>) src(%arg6 : memref<120x128xf32, #tpu.memory_space<vmem>>) dst(%dma_wait3A_89 : memref<10240x128xf32, #tpu.memory_space<vmem_shared>>)
      } else {
      }
      "tpu.region"() ({
        %run_scoped3A = tpu.sem_alloc : memref<!tpu.dma_semaphore, #tpu.memory_space<semaphore_mem>>
        %dma_start3A_87 = arith.constant 0 : i32
        %dma_start3A_88 = tpu.memref_slice %arg2[%multiple_of3A, %dma_start3A_87] : memref<168960x128xf32, #tpu.memory_space<hbm>> -> memref<120x128xf32, #tpu.memory_space<hbm>>
        %dma_start3A_89 = arith.constant 0 : i32
        %dma_start3A_90 = tpu.memref_slice %arg2[%multiple_of3A, %dma_start3A_89] : memref<168960x128xf32, #tpu.memory_space<hbm>> -> memref<120x128xf32, #tpu.memory_space<hbm>>
        tpu.enqueue_dma source(%dma_start3A_90 : memref<120x128xf32, #tpu.memory_space<hbm>>) target(%arg6 : memref<120x128xf32, #tpu.memory_space<vmem>>) target_semaphore(%run_scoped3A : memref<!tpu.dma_semaphore, #tpu.memory_space<semaphore_mem>>)
        %dma_wait3A_91 = arith.constant 0 : i32
        %dma_wait3A_92 = tpu.memref_slice %arg2[%multiple_of3A, %dma_wait3A_91] : memref<168960x128xf32, #tpu.memory_space<hbm>> -> memref<120x128xf32, #tpu.memory_space<hbm>>
        %dma_wait3A_93 = arith.constant 0 : i32
        %dma_wait3A_94 = tpu.memref_slice %arg2[%multiple_of3A, %dma_wait3A_93] : memref<168960x128xf32, #tpu.memory_space<hbm>> -> memref<120x128xf32, #tpu.memory_space<hbm>>
        tpu.wait_dma2 semaphore(%run_scoped3A : memref<!tpu.dma_semaphore, #tpu.memory_space<semaphore_mem>>) src(%dma_wait3A_94 : memref<120x128xf32, #tpu.memory_space<hbm>>) dst(%arg6 : memref<120x128xf32, #tpu.memory_space<vmem>>)
        tpu.yield
      }) : () -> ()
      "tpu.region"() ({
        %run_scoped3A = tpu.sem_alloc : memref<!tpu.dma_semaphore, #tpu.memory_space<semaphore_mem>>
        %dma_start3A_87 = tpu.memref_slice %arg3[%multiple_of3A] : memref<168960xi32, #tpu.memory_space<hbm>> -> memref<120xi32, #tpu.memory_space<hbm>>
        %dma_start3A_88 = tpu.memref_slice %arg3[%multiple_of3A] : memref<168960xi32, #tpu.memory_space<hbm>> -> memref<120xi32, #tpu.memory_space<hbm>>
        tpu.enqueue_dma source(%dma_start3A_88 : memref<120xi32, #tpu.memory_space<hbm>>) target(%arg8 : memref<120xi32, #tpu.memory_space<vmem>>) target_semaphore(%run_scoped3A : memref<!tpu.dma_semaphore, #tpu.memory_space<semaphore_mem>>)
        %dma_wait3A_89 = tpu.memref_slice %arg3[%multiple_of3A] : memref<168960xi32, #tpu.memory_space<hbm>> -> memref<120xi32, #tpu.memory_space<hbm>>
        %dma_wait3A_90 = tpu.memref_slice %arg3[%multiple_of3A] : memref<168960xi32, #tpu.memory_space<hbm>> -> memref<120xi32, #tpu.memory_space<hbm>>
        tpu.wait_dma2 semaphore(%run_scoped3A : memref<!tpu.dma_semaphore, #tpu.memory_space<semaphore_mem>>) src(%dma_wait3A_90 : memref<120xi32, #tpu.memory_space<hbm>>) dst(%arg8 : memref<120xi32, #tpu.memory_space<vmem>>)
        tpu.yield
      }) : () -> ()
      %dma_start3A = arith.constant 0 : i32
      %dma_start3A_67 = arith.constant 0 : i32
      %dma_start3A_68 = tpu.memref_slice %arg5[%dma_start3A, %dma_start3A_67] : memref<10240x128xf32, #tpu.memory_space<vmem_shared>> -> memref<10240x128xf32, #tpu.memory_space<vmem_shared>>
      tpu.enqueue_indirect_dma source(%arg6 : memref<120x128xf32, #tpu.memory_space<vmem>>) target(%dma_start3A_68 : memref<10240x128xf32, #tpu.memory_space<vmem_shared>>) offsets(%arg8 : memref<120xi32, #tpu.memory_space<vmem>>) semaphore(%arg10 : memref<!tpu.dma_semaphore, #tpu.memory_space<semaphore_mem>>) {add = true}
      %mul3A_69 = arith.constant 5280 : i32
      %mul3A_70 = arith.muli %add3A, %mul3A_69 : i32
      %mul3A_71 = arith.constant 2 : i32
      %mul3A_72 = arith.muli %scan3A_55, %mul3A_71 : i32
      %add3A_73 = arith.constant 1 : i32
      %add3A_74 = arith.addi %mul3A_72, %add3A_73 : i32
      %mul3A_75 = arith.constant 120 : i32
      %mul3A_76 = arith.muli %add3A_74, %mul3A_75 : i32
      %add3A_77 = arith.addi %mul3A_70, %mul3A_76 : i32
      %multiple_of3A_78 = tpu.assume_multiple %add3A_77, 8 : i32
      %gt3A_79 = arith.constant 0 : i32
      %gt3A_80 = arith.cmpi sgt, %scan3A_55, %gt3A_79 : i32
      %convert_element_type3A_81 = arith.extui %gt3A_80 : i1 to i32
      %cond3A_82 = arith.constant 0 : i32
      %cond3A_83 = arith.cmpi ne, %convert_element_type3A_81, %cond3A_82 : i32
      scf.if %cond3A_83 {
        %dma_wait3A_87 = arith.constant 0 : i32
        %dma_wait3A_88 = arith.constant 0 : i32
        %dma_wait3A_89 = tpu.memref_slice %arg5[%dma_wait3A_87, %dma_wait3A_88] : memref<10240x128xf32, #tpu.memory_space<vmem_shared>> -> memref<10240x128xf32, #tpu.memory_space<vmem_shared>>
        tpu.wait_indirect_dma semaphore(%arg11 : memref<!tpu.dma_semaphore, #tpu.memory_space<semaphore_mem>>) src(%arg7 : memref<120x128xf32, #tpu.memory_space<vmem>>) dst(%dma_wait3A_89 : memref<10240x128xf32, #tpu.memory_space<vmem_shared>>)
      } else {
      }
      "tpu.region"() ({
        %run_scoped3A = tpu.sem_alloc : memref<!tpu.dma_semaphore, #tpu.memory_space<semaphore_mem>>
        %dma_start3A_87 = arith.constant 0 : i32
        %dma_start3A_88 = tpu.memref_slice %arg2[%multiple_of3A_78, %dma_start3A_87] : memref<168960x128xf32, #tpu.memory_space<hbm>> -> memref<120x128xf32, #tpu.memory_space<hbm>>
        %dma_start3A_89 = arith.constant 0 : i32
        %dma_start3A_90 = tpu.memref_slice %arg2[%multiple_of3A_78, %dma_start3A_89] : memref<168960x128xf32, #tpu.memory_space<hbm>> -> memref<120x128xf32, #tpu.memory_space<hbm>>
        tpu.enqueue_dma source(%dma_start3A_90 : memref<120x128xf32, #tpu.memory_space<hbm>>) target(%arg7 : memref<120x128xf32, #tpu.memory_space<vmem>>) target_semaphore(%run_scoped3A : memref<!tpu.dma_semaphore, #tpu.memory_space<semaphore_mem>>)
        %dma_wait3A_91 = arith.constant 0 : i32
        %dma_wait3A_92 = tpu.memref_slice %arg2[%multiple_of3A_78, %dma_wait3A_91] : memref<168960x128xf32, #tpu.memory_space<hbm>> -> memref<120x128xf32, #tpu.memory_space<hbm>>
        %dma_wait3A_93 = arith.constant 0 : i32
        %dma_wait3A_94 = tpu.memref_slice %arg2[%multiple_of3A_78, %dma_wait3A_93] : memref<168960x128xf32, #tpu.memory_space<hbm>> -> memref<120x128xf32, #tpu.memory_space<hbm>>
        tpu.wait_dma2 semaphore(%run_scoped3A : memref<!tpu.dma_semaphore, #tpu.memory_space<semaphore_mem>>) src(%dma_wait3A_94 : memref<120x128xf32, #tpu.memory_space<hbm>>) dst(%arg7 : memref<120x128xf32, #tpu.memory_space<vmem>>)
        tpu.yield
      }) : () -> ()
      "tpu.region"() ({
        %run_scoped3A = tpu.sem_alloc : memref<!tpu.dma_semaphore, #tpu.memory_space<semaphore_mem>>
        %dma_start3A_87 = tpu.memref_slice %arg3[%multiple_of3A_78] : memref<168960xi32, #tpu.memory_space<hbm>> -> memref<120xi32, #tpu.memory_space<hbm>>
        %dma_start3A_88 = tpu.memref_slice %arg3[%multiple_of3A_78] : memref<168960xi32, #tpu.memory_space<hbm>> -> memref<120xi32, #tpu.memory_space<hbm>>
        tpu.enqueue_dma source(%dma_start3A_88 : memref<120xi32, #tpu.memory_space<hbm>>) target(%arg9 : memref<120xi32, #tpu.memory_space<vmem>>) target_semaphore(%run_scoped3A : memref<!tpu.dma_semaphore, #tpu.memory_space<semaphore_mem>>)
        %dma_wait3A_89 = tpu.memref_slice %arg3[%multiple_of3A_78] : memref<168960xi32, #tpu.memory_space<hbm>> -> memref<120xi32, #tpu.memory_space<hbm>>
        %dma_wait3A_90 = tpu.memref_slice %arg3[%multiple_of3A_78] : memref<168960xi32, #tpu.memory_space<hbm>> -> memref<120xi32, #tpu.memory_space<hbm>>
        tpu.wait_dma2 semaphore(%run_scoped3A : memref<!tpu.dma_semaphore, #tpu.memory_space<semaphore_mem>>) src(%dma_wait3A_90 : memref<120xi32, #tpu.memory_space<hbm>>) dst(%arg9 : memref<120xi32, #tpu.memory_space<vmem>>)
        tpu.yield
      }) : () -> ()
      %dma_start3A_84 = arith.constant 0 : i32
      %dma_start3A_85 = arith.constant 0 : i32
      %dma_start3A_86 = tpu.memref_slice %arg5[%dma_start3A_84, %dma_start3A_85] : memref<10240x128xf32, #tpu.memory_space<vmem_shared>> -> memref<10240x128xf32, #tpu.memory_space<vmem_shared>>
      tpu.enqueue_indirect_dma source(%arg7 : memref<120x128xf32, #tpu.memory_space<vmem>>) target(%dma_start3A_86 : memref<10240x128xf32, #tpu.memory_space<vmem_shared>>) offsets(%arg9 : memref<120xi32, #tpu.memory_space<vmem>>) semaphore(%arg11 : memref<!tpu.dma_semaphore, #tpu.memory_space<semaphore_mem>>) {add = true}
    }
    %scan3A_44 = arith.constant 22 : i32
    %dma_wait3A = arith.constant 0 : i32
    %dma_wait3A_45 = arith.constant 0 : i32
    %dma_wait3A_46 = tpu.memref_slice %arg5[%dma_wait3A, %dma_wait3A_45] : memref<10240x128xf32, #tpu.memory_space<vmem_shared>> -> memref<10240x128xf32, #tpu.memory_space<vmem_shared>>
    tpu.wait_indirect_dma semaphore(%arg10 : memref<!tpu.dma_semaphore, #tpu.memory_space<semaphore_mem>>) src(%arg6 : memref<120x128xf32, #tpu.memory_space<vmem>>) dst(%dma_wait3A_46 : memref<10240x128xf32, #tpu.memory_space<vmem_shared>>)
    %dma_wait3A_47 = arith.constant 0 : i32
    %dma_wait3A_48 = arith.constant 0 : i32
    %dma_wait3A_49 = tpu.memref_slice %arg5[%dma_wait3A_47, %dma_wait3A_48] : memref<10240x128xf32, #tpu.memory_space<vmem_shared>> -> memref<10240x128xf32, #tpu.memory_space<vmem_shared>>
    tpu.wait_indirect_dma semaphore(%arg11 : memref<!tpu.dma_semaphore, #tpu.memory_space<semaphore_mem>>) src(%arg7 : memref<120x128xf32, #tpu.memory_space<vmem>>) dst(%dma_wait3A_49 : memref<10240x128xf32, #tpu.memory_space<vmem_shared>>)
    %barrier3A_50 = arith.constant 0 : index
    tpu.barrier barrier_id(%barrier3A_50)
    %mul3A_51 = arith.constant 640 : i32
    %mul3A_52 = arith.muli %arg1, %mul3A_51 : i32
    %mul3A_53 = arith.constant 640 : i32
    %mul3A_54 = arith.muli %arg1, %mul3A_53 : i32
    "tpu.region"() ({
      %run_scoped3A = tpu.sem_alloc : memref<!tpu.dma_semaphore, #tpu.memory_space<semaphore_mem>>
      %dma_start3A = arith.constant 0 : i32
      %dma_start3A_55 = tpu.memref_slice %arg4[%arg0, %mul3A_54, %dma_start3A] : memref<2x10240x128xf32, #tpu.memory_space<hbm>> -> memref<1x640x128xf32, #tpu.memory_space<hbm>>
      %dma_start3A_56 = tpu.memref_squeeze %dma_start3A_55 : memref<1x640x128xf32, #tpu.memory_space<hbm>> -> memref<640x128xf32, #tpu.memory_space<hbm>>
      %dma_start3A_57 = arith.constant 0 : i32
      %dma_start3A_58 = tpu.memref_slice %arg5[%mul3A_52, %dma_start3A_57] : memref<10240x128xf32, #tpu.memory_space<vmem_shared>> -> memref<640x128xf32, #tpu.memory_space<vmem_shared>>
      tpu.enqueue_dma source(%dma_start3A_58 : memref<640x128xf32, #tpu.memory_space<vmem_shared>>) target(%dma_start3A_56 : memref<640x128xf32, #tpu.memory_space<hbm>>) target_semaphore(%run_scoped3A : memref<!tpu.dma_semaphore, #tpu.memory_space<semaphore_mem>>)
      %dma_wait3A_59 = arith.constant 0 : i32
      %dma_wait3A_60 = tpu.memref_slice %arg4[%arg0, %mul3A_54, %dma_wait3A_59] : memref<2x10240x128xf32, #tpu.memory_space<hbm>> -> memref<1x640x128xf32, #tpu.memory_space<hbm>>
      %dma_wait3A_61 = tpu.memref_squeeze %dma_wait3A_60 : memref<1x640x128xf32, #tpu.memory_space<hbm>> -> memref<640x128xf32, #tpu.memory_space<hbm>>
      %dma_wait3A_62 = arith.constant 0 : i32
      %dma_wait3A_63 = tpu.memref_slice %arg5[%mul3A_52, %dma_wait3A_62] : memref<10240x128xf32, #tpu.memory_space<vmem_shared>> -> memref<640x128xf32, #tpu.memory_space<vmem_shared>>
      tpu.wait_dma2 semaphore(%run_scoped3A : memref<!tpu.dma_semaphore, #tpu.memory_space<semaphore_mem>>) src(%dma_wait3A_63 : memref<640x128xf32, #tpu.memory_space<vmem_shared>>) dst(%dma_wait3A_61 : memref<640x128xf32, #tpu.memory_space<hbm>>)
      tpu.yield
    }) : () -> ()
    return
  }
}

module attributes {stable_mosaic.version = 14 : i64} {
  func.func @_dense_body(%arg0: i32, %arg1: memref<1000x256xf32, #tpu.memory_space<vmem>>, %arg2: memref<1000x256xf32, #tpu.memory_space<vmem>>, %arg3: memref<256x128xf32, #tpu.memory_space<vmem>>, %arg4: memref<1x128xf32, #tpu.memory_space<vmem>>, %arg5: memref<256x128xf32, #tpu.memory_space<vmem>>, %arg6: memref<1x128xf32, #tpu.memory_space<vmem>>, %arg7: memref<128x512xf32, #tpu.memory_space<vmem>>, %arg8: memref<1x512xf32, #tpu.memory_space<vmem>>, %arg9: memref<128x512xf32, #tpu.memory_space<vmem>>, %arg10: memref<1x512xf32, #tpu.memory_space<vmem>>, %arg11: memref<1000x128xf32, #tpu.memory_space<vmem>>, %arg12: memref<1000x256xi32, #tpu.memory_space<vmem>>, %arg13: memref<1000x256xi32, #tpu.memory_space<vmem>>) attributes {dimension_semantics = [#tpu.dimension_semantics<arbitrary>], iteration_bounds = array<i64: 10>, scalar_prefetch = 0 : i64, scratch_operands = 0 : i64, tpu.core_type = #tpu.core_type<tc>, window_params = [{transform_indices = @transform_0, window_bounds = array<i64: 1000, 256>}, {transform_indices = @transform_1, window_bounds = array<i64: 1000, 256>}, {pipeline_mode = #tpu.pipeline_mode<synchronous>, transform_indices = @transform_2, window_bounds = array<i64: 256, 128>}, {pipeline_mode = #tpu.pipeline_mode<synchronous>, transform_indices = @transform_3, window_bounds = array<i64: 1, 128>}, {pipeline_mode = #tpu.pipeline_mode<synchronous>, transform_indices = @transform_4, window_bounds = array<i64: 256, 128>}, {pipeline_mode = #tpu.pipeline_mode<synchronous>, transform_indices = @transform_5, window_bounds = array<i64: 1, 128>}, {pipeline_mode = #tpu.pipeline_mode<synchronous>, transform_indices = @transform_6, window_bounds = array<i64: 128, 512>}, {pipeline_mode = #tpu.pipeline_mode<synchronous>, transform_indices = @transform_7, window_bounds = array<i64: 1, 512>}, {pipeline_mode = #tpu.pipeline_mode<synchronous>, transform_indices = @transform_8, window_bounds = array<i64: 128, 512>}, {pipeline_mode = #tpu.pipeline_mode<synchronous>, transform_indices = @transform_9, window_bounds = array<i64: 1, 512>}, {transform_indices = @transform_10, window_bounds = array<i64: 1000, 128>}, {transform_indices = @transform_11, window_bounds = array<i64: 1000, 256>}, {transform_indices = @transform_12, window_bounds = array<i64: 1000, 256>}]} {
    %get3A = arith.constant 0 : index
    %get3A_0 = arith.constant 0 : index
    %get3A_1 = vector.load %arg1[%get3A, %get3A_0] : memref<1000x256xf32, #tpu.memory_space<vmem>>, vector<1000x256xf32>
    %get3A_2 = arith.constant 0 : index
    %get3A_3 = arith.constant 0 : index
    %get3A_4 = vector.load %arg3[%get3A_2, %get3A_3] : memref<256x128xf32, #tpu.memory_space<vmem>>, vector<256x128xf32>
    %dot_general3A = arith.constant dense<0.000000e+00> : vector<1000x128xf32>
    %dot_general3A_5 = tpu.matmul %get3A_1, %get3A_4, %dot_general3A {dimension_numbers = #tpu.dot_dimension_numbers<[1], [0], [0], [1], [0, 0, 1, 1], [], []>, transpose_lhs_hint = false} : vector<1000x256xf32>, vector<256x128xf32>, vector<1000x128xf32> -> vector<1000x128xf32>
    %get3A_6 = arith.constant 0 : index
    %get3A_7 = arith.constant 0 : index
    %get3A_8 = vector.load %arg4[%get3A_6, %get3A_7] : memref<1x128xf32, #tpu.memory_space<vmem>>, vector<1x128xf32>
    %add3A = vector.broadcast %get3A_8 : vector<1x128xf32> to vector<1000x128xf32>
    %add3A_9 = arith.addf %dot_general3A_5, %add3A : vector<1000x128xf32>
    %max3A = arith.constant 0.000000e+00 : f32
    %max3A_10 = vector.broadcast %max3A : f32 to vector<1000x128xf32>
    %max3A_11 = arith.maximumf %add3A_9, %max3A_10 : vector<1000x128xf32>
    %get3A_12 = arith.constant 0 : index
    %get3A_13 = arith.constant 0 : index
    %get3A_14 = vector.load %arg2[%get3A_12, %get3A_13] : memref<1000x256xf32, #tpu.memory_space<vmem>>, vector<1000x256xf32>
    %get3A_15 = arith.constant 0 : index
    %get3A_16 = arith.constant 0 : index
    %get3A_17 = vector.load %arg5[%get3A_15, %get3A_16] : memref<256x128xf32, #tpu.memory_space<vmem>>, vector<256x128xf32>
    %dot_general3A_18 = arith.constant dense<0.000000e+00> : vector<1000x128xf32>
    %dot_general3A_19 = tpu.matmul %get3A_14, %get3A_17, %dot_general3A_18 {dimension_numbers = #tpu.dot_dimension_numbers<[1], [0], [0], [1], [0, 0, 1, 1], [], []>, transpose_lhs_hint = false} : vector<1000x256xf32>, vector<256x128xf32>, vector<1000x128xf32> -> vector<1000x128xf32>
    %get3A_20 = arith.constant 0 : index
    %get3A_21 = arith.constant 0 : index
    %get3A_22 = vector.load %arg6[%get3A_20, %get3A_21] : memref<1x128xf32, #tpu.memory_space<vmem>>, vector<1x128xf32>
    %add3A_23 = vector.broadcast %get3A_22 : vector<1x128xf32> to vector<1000x128xf32>
    %add3A_24 = arith.addf %dot_general3A_19, %add3A_23 : vector<1000x128xf32>
    %max3A_25 = arith.constant 0.000000e+00 : f32
    %max3A_26 = vector.broadcast %max3A_25 : f32 to vector<1000x128xf32>
    %max3A_27 = arith.maximumf %add3A_24, %max3A_26 : vector<1000x128xf32>
    %swap3A = arith.constant 0 : index
    %swap3A_28 = arith.constant 0 : index
    %swap3A_29 = vector.load %arg11[%swap3A, %swap3A_28] : memref<1000x128xf32, #tpu.memory_space<vmem>>, vector<1000x128xf32>
    tpu.vector_store %arg11[%swap3A, %swap3A_28], %max3A_27 {strides = array<i32>} : memref<1000x128xf32, #tpu.memory_space<vmem>>, vector<1000x128xf32>,
    %get3A_30 = arith.constant 0 : index
    %get3A_31 = arith.constant 0 : index
    %get3A_32 = vector.load %arg7[%get3A_30, %get3A_31] : memref<128x512xf32, #tpu.memory_space<vmem>>, vector<128x512xf32>
    %dot_general3A_33 = arith.constant dense<0.000000e+00> : vector<1000x512xf32>
    %dot_general3A_34 = tpu.matmul %max3A_11, %get3A_32, %dot_general3A_33 {dimension_numbers = #tpu.dot_dimension_numbers<[1], [0], [0], [1], [0, 0, 1, 1], [], []>, transpose_lhs_hint = false} : vector<1000x128xf32>, vector<128x512xf32>, vector<1000x512xf32> -> vector<1000x512xf32>
    %get3A_35 = arith.constant 0 : index
    %get3A_36 = arith.constant 0 : index
    %get3A_37 = vector.load %arg8[%get3A_35, %get3A_36] : memref<1x512xf32, #tpu.memory_space<vmem>>, vector<1x512xf32>
    %add3A_38 = vector.broadcast %get3A_37 : vector<1x512xf32> to vector<1000x512xf32>
    %add3A_39 = arith.addf %dot_general3A_34, %add3A_38 : vector<1000x512xf32>
    %get3A_40 = arith.constant 0 : index
    %get3A_41 = arith.constant 0 : index
    %get3A_42 = vector.load %arg9[%get3A_40, %get3A_41] : memref<128x512xf32, #tpu.memory_space<vmem>>, vector<128x512xf32>
    %dot_general3A_43 = arith.constant dense<0.000000e+00> : vector<1000x512xf32>
    %dot_general3A_44 = tpu.matmul %max3A_27, %get3A_42, %dot_general3A_43 {dimension_numbers = #tpu.dot_dimension_numbers<[1], [0], [0], [1], [0, 0, 1, 1], [], []>, transpose_lhs_hint = false} : vector<1000x128xf32>, vector<128x512xf32>, vector<1000x512xf32> -> vector<1000x512xf32>
    %get3A_45 = arith.constant 0 : index
    %get3A_46 = arith.constant 0 : index
    %get3A_47 = vector.load %arg10[%get3A_45, %get3A_46] : memref<1x512xf32, #tpu.memory_space<vmem>>, vector<1x512xf32>
    %add3A_48 = vector.broadcast %get3A_47 : vector<1x512xf32> to vector<1000x512xf32>
    %add3A_49 = arith.addf %dot_general3A_44, %add3A_48 : vector<1000x512xf32>
    %slice3A = vector.extract_strided_slice %add3A_39 {offsets = [0, 0], sizes = [1000, 256], strides = [1, 1]} : vector<1000x512xf32> to vector<1000x256xf32>
    %bitcast_convert_type3A = tpu.bitcast %slice3A : vector<1000x256xf32> -> vector<1000x256xi32>
    %slice3A_50 = vector.extract_strided_slice %add3A_39 {offsets = [0, 256], sizes = [1000, 256], strides = [1, 1]} : vector<1000x512xf32> to vector<1000x256xf32>
    %bitcast_convert_type3A_51 = tpu.bitcast %slice3A_50 : vector<1000x256xf32> -> vector<1000x256xi32>
    %add3A_52 = arith.constant 32768 : i32
    %add3A_53 = vector.broadcast %add3A_52 : i32 to vector<1000x256xi32>
    %add3A_54 = arith.addi %bitcast_convert_type3A, %add3A_53 : vector<1000x256xi32>
    %and3A = arith.constant -65536 : i32
    %and3A_55 = vector.broadcast %and3A : i32 to vector<1000x256xi32>
    %and3A_56 = arith.andi %add3A_54, %and3A_55 : vector<1000x256xi32>
    %add3A_57 = arith.constant 32768 : i32
    %add3A_58 = vector.broadcast %add3A_57 : i32 to vector<1000x256xi32>
    %add3A_59 = arith.addi %bitcast_convert_type3A_51, %add3A_58 : vector<1000x256xi32>
    %shift_right_logical3A = arith.constant 16 : i32
    %shift_right_logical3A_60 = vector.broadcast %shift_right_logical3A : i32 to vector<1000x256xi32>
    %shift_right_logical3A_61 = arith.shrui %add3A_59, %shift_right_logical3A_60 : vector<1000x256xi32>
    %or3A = arith.ori %and3A_56, %shift_right_logical3A_61 : vector<1000x256xi32>
    %swap3A_62 = arith.constant 0 : index
    %swap3A_63 = arith.constant 0 : index
    %swap3A_64 = vector.load %arg12[%swap3A_62, %swap3A_63] : memref<1000x256xi32, #tpu.memory_space<vmem>>, vector<1000x256xi32>
    tpu.vector_store %arg12[%swap3A_62, %swap3A_63], %or3A {strides = array<i32>} : memref<1000x256xi32, #tpu.memory_space<vmem>>, vector<1000x256xi32>,
    %slice3A_65 = vector.extract_strided_slice %add3A_49 {offsets = [0, 0], sizes = [1000, 256], strides = [1, 1]} : vector<1000x512xf32> to vector<1000x256xf32>
    %bitcast_convert_type3A_66 = tpu.bitcast %slice3A_65 : vector<1000x256xf32> -> vector<1000x256xi32>
    %slice3A_67 = vector.extract_strided_slice %add3A_49 {offsets = [0, 256], sizes = [1000, 256], strides = [1, 1]} : vector<1000x512xf32> to vector<1000x256xf32>
    %bitcast_convert_type3A_68 = tpu.bitcast %slice3A_67 : vector<1000x256xf32> -> vector<1000x256xi32>
    %add3A_69 = arith.constant 32768 : i32
    %add3A_70 = vector.broadcast %add3A_69 : i32 to vector<1000x256xi32>
    %add3A_71 = arith.addi %bitcast_convert_type3A_66, %add3A_70 : vector<1000x256xi32>
    %and3A_72 = arith.constant -65536 : i32
    %and3A_73 = vector.broadcast %and3A_72 : i32 to vector<1000x256xi32>
    %and3A_74 = arith.andi %add3A_71, %and3A_73 : vector<1000x256xi32>
    %add3A_75 = arith.constant 32768 : i32
    %add3A_76 = vector.broadcast %add3A_75 : i32 to vector<1000x256xi32>
    %add3A_77 = arith.addi %bitcast_convert_type3A_68, %add3A_76 : vector<1000x256xi32>
    %shift_right_logical3A_78 = arith.constant 16 : i32
    %shift_right_logical3A_79 = vector.broadcast %shift_right_logical3A_78 : i32 to vector<1000x256xi32>
    %shift_right_logical3A_80 = arith.shrui %add3A_77, %shift_right_logical3A_79 : vector<1000x256xi32>
    %or3A_81 = arith.ori %and3A_74, %shift_right_logical3A_80 : vector<1000x256xi32>
    %swap3A_82 = arith.constant 0 : index
    %swap3A_83 = arith.constant 0 : index
    %swap3A_84 = vector.load %arg13[%swap3A_82, %swap3A_83] : memref<1000x256xi32, #tpu.memory_space<vmem>>, vector<1000x256xi32>
    tpu.vector_store %arg13[%swap3A_82, %swap3A_83], %or3A_81 {strides = array<i32>} : memref<1000x256xi32, #tpu.memory_space<vmem>>, vector<1000x256xi32>,
    return
  }
  func.func @transform_0(%arg0: i32) -> (i32, i32) {
    %c0_i32 = arith.constant 0 : i32
    %c0_i32_0 = arith.constant 0 : i32
    return %arg0, %c0_i32 : i32, i32
  }
  func.func @transform_1(%arg0: i32) -> (i32, i32) {
    %c0_i32 = arith.constant 0 : i32
    %c0_i32_0 = arith.constant 0 : i32
    return %arg0, %c0_i32 : i32, i32
  }
  func.func @transform_2(%arg0: i32) -> (i32, i32) {
    %c0_i32 = arith.constant 0 : i32
    %c0_i32_0 = arith.constant 0 : i32
    %c0_i32_1 = arith.constant 0 : i32
    return %c0_i32, %c0_i32_0 : i32, i32
  }
  func.func @transform_3(%arg0: i32) -> (i32, i32) {
    %c0_i32 = arith.constant 0 : i32
    %c0_i32_0 = arith.constant 0 : i32
    %c0_i32_1 = arith.constant 0 : i32
    return %c0_i32, %c0_i32_0 : i32, i32
  }
  func.func @transform_4(%arg0: i32) -> (i32, i32) {
    %c0_i32 = arith.constant 0 : i32
    %c0_i32_0 = arith.constant 0 : i32
    %c0_i32_1 = arith.constant 0 : i32
    return %c0_i32, %c0_i32_0 : i32, i32
  }
  func.func @transform_5(%arg0: i32) -> (i32, i32) {
    %c0_i32 = arith.constant 0 : i32
    %c0_i32_0 = arith.constant 0 : i32
    %c0_i32_1 = arith.constant 0 : i32
    return %c0_i32, %c0_i32_0 : i32, i32
  }
  func.func @transform_6(%arg0: i32) -> (i32, i32) {
    %c0_i32 = arith.constant 0 : i32
    %c0_i32_0 = arith.constant 0 : i32
    %c0_i32_1 = arith.constant 0 : i32
    return %c0_i32, %c0_i32_0 : i32, i32
  }
  func.func @transform_7(%arg0: i32) -> (i32, i32) {
    %c0_i32 = arith.constant 0 : i32
    %c0_i32_0 = arith.constant 0 : i32
    %c0_i32_1 = arith.constant 0 : i32
    return %c0_i32, %c0_i32_0 : i32, i32
  }
  func.func @transform_8(%arg0: i32) -> (i32, i32) {
    %c0_i32 = arith.constant 0 : i32
    %c0_i32_0 = arith.constant 0 : i32
    %c0_i32_1 = arith.constant 0 : i32
    return %c0_i32, %c0_i32_0 : i32, i32
  }
  func.func @transform_9(%arg0: i32) -> (i32, i32) {
    %c0_i32 = arith.constant 0 : i32
    %c0_i32_0 = arith.constant 0 : i32
    %c0_i32_1 = arith.constant 0 : i32
    return %c0_i32, %c0_i32_0 : i32, i32
  }
  func.func @transform_10(%arg0: i32) -> (i32, i32) {
    %c0_i32 = arith.constant 0 : i32
    %c0_i32_0 = arith.constant 0 : i32
    return %arg0, %c0_i32 : i32, i32
  }
  func.func @transform_11(%arg0: i32) -> (i32, i32) {
    %c0_i32 = arith.constant 0 : i32
    %c0_i32_0 = arith.constant 0 : i32
    return %arg0, %c0_i32 : i32, i32
  }
  func.func @transform_12(%arg0: i32) -> (i32, i32) {
    %c0_i32 = arith.constant 0 : i32
    %c0_i32_0 = arith.constant 0 : i32
    return %arg0, %c0_i32 : i32, i32
  }
}

module attributes {stable_mosaic.version = 14 : i64} {
  func.func @_final_body(%arg0: i32, %arg1: memref<1000x128xf32, #tpu.memory_space<vmem>>, %arg2: memref<8x1000x128xf32, #tpu.memory_space<vmem>>, %arg3: memref<2x1000x128xf32, #tpu.memory_space<vmem>>, %arg4: memref<1x512xf32, #tpu.memory_space<vmem>>, %arg5: memref<1000x640xf32, #tpu.memory_space<vmem>>) attributes {dimension_semantics = [#tpu.dimension_semantics<arbitrary>], iteration_bounds = array<i64: 10>, scalar_prefetch = 0 : i64, scratch_operands = 0 : i64, tpu.core_type = #tpu.core_type<tc>, window_params = [{transform_indices = @transform_0, window_bounds = array<i64: 1000, 128>}, {transform_indices = @transform_1, window_bounds = array<i64: 8, 1000, 128>}, {transform_indices = @transform_2, window_bounds = array<i64: 2, 1000, 128>}, {pipeline_mode = #tpu.pipeline_mode<synchronous>, transform_indices = @transform_3, window_bounds = array<i64: 1, 512>}, {transform_indices = @transform_4, window_bounds = array<i64: 1000, 640>}]} {
    %get3A = arith.constant 0 : index
    %get3A_0 = arith.constant 0 : index
    %get3A_1 = vector.load %arg1[%get3A, %get3A_0] : memref<1000x128xf32, #tpu.memory_space<vmem>>, vector<1000x128xf32>
    %get3A_2 = arith.constant 0 : index
    %get3A_3 = arith.constant 0 : index
    %get3A_4 = arith.constant 0 : index
    %get3A_5 = vector.load %arg2[%get3A_2, %get3A_3, %get3A_4] : memref<8x1000x128xf32, #tpu.memory_space<vmem>>, vector<1x1000x128xf32>
    %get3A_6 = vector.shape_cast %get3A_5 : vector<1x1000x128xf32> to vector<1000x128xf32>
    %get3A_7 = arith.constant 4 : index
    %get3A_8 = arith.constant 0 : index
    %get3A_9 = arith.constant 0 : index
    %get3A_10 = vector.load %arg2[%get3A_7, %get3A_8, %get3A_9] : memref<8x1000x128xf32, #tpu.memory_space<vmem>>, vector<1x1000x128xf32>
    %get3A_11 = vector.shape_cast %get3A_10 : vector<1x1000x128xf32> to vector<1000x128xf32>
    %add3A = arith.addf %get3A_6, %get3A_11 : vector<1000x128xf32>
    %get3A_12 = arith.constant 0 : index
    %get3A_13 = arith.constant 0 : index
    %get3A_14 = arith.constant 0 : index
    %get3A_15 = vector.load %arg3[%get3A_12, %get3A_13, %get3A_14] : memref<2x1000x128xf32, #tpu.memory_space<vmem>>, vector<1x1000x1xf32>
    %get3A_16 = vector.shape_cast %get3A_15 : vector<1x1000x1xf32> to vector<1000x1xf32>
    %get3A_17 = arith.constant 1 : index
    %get3A_18 = arith.constant 0 : index
    %get3A_19 = arith.constant 0 : index
    %get3A_20 = vector.load %arg3[%get3A_17, %get3A_18, %get3A_19] : memref<2x1000x128xf32, #tpu.memory_space<vmem>>, vector<1x1000x1xf32>
    %get3A_21 = vector.shape_cast %get3A_20 : vector<1x1000x1xf32> to vector<1000x1xf32>
    %add3A_22 = arith.addf %get3A_16, %get3A_21 : vector<1000x1xf32>
    %add3A_23 = arith.constant 1.000000e-16 : f32
    %add3A_24 = vector.broadcast %add3A_23 : f32 to vector<1000x1xf32>
    %add3A_25 = arith.addf %add3A_22, %add3A_24 : vector<1000x1xf32>
    %div3A = vector.broadcast %add3A_25 : vector<1000x1xf32> to vector<1000x128xf32>
    %div3A_26 = arith.divf %add3A, %div3A : vector<1000x128xf32>
    %get3A_27 = arith.constant 0 : index
    %get3A_28 = arith.constant 0 : index
    %get3A_29 = vector.load %arg4[%get3A_27, %get3A_28] : memref<1x512xf32, #tpu.memory_space<vmem>>, vector<1x128xf32>
    %add3A_30 = vector.broadcast %get3A_29 : vector<1x128xf32> to vector<1000x128xf32>
    %add3A_31 = arith.addf %div3A_26, %add3A_30 : vector<1000x128xf32>
    %max3A = arith.constant 0.000000e+00 : f32
    %max3A_32 = vector.broadcast %max3A : f32 to vector<1000x128xf32>
    %max3A_33 = arith.maximumf %add3A_31, %max3A_32 : vector<1000x128xf32>
    %get3A_34 = arith.constant 1 : index
    %get3A_35 = arith.constant 0 : index
    %get3A_36 = arith.constant 0 : index
    %get3A_37 = vector.load %arg2[%get3A_34, %get3A_35, %get3A_36] : memref<8x1000x128xf32, #tpu.memory_space<vmem>>, vector<1x1000x128xf32>
    %get3A_38 = vector.shape_cast %get3A_37 : vector<1x1000x128xf32> to vector<1000x128xf32>
    %get3A_39 = arith.constant 5 : index
    %get3A_40 = arith.constant 0 : index
    %get3A_41 = arith.constant 0 : index
    %get3A_42 = vector.load %arg2[%get3A_39, %get3A_40, %get3A_41] : memref<8x1000x128xf32, #tpu.memory_space<vmem>>, vector<1x1000x128xf32>
    %get3A_43 = vector.shape_cast %get3A_42 : vector<1x1000x128xf32> to vector<1000x128xf32>
    %add3A_44 = arith.addf %get3A_38, %get3A_43 : vector<1000x128xf32>
    %get3A_45 = arith.constant 0 : index
    %get3A_46 = arith.constant 0 : index
    %get3A_47 = arith.constant 1 : index
    %get3A_48 = vector.load %arg3[%get3A_45, %get3A_46, %get3A_47] : memref<2x1000x128xf32, #tpu.memory_space<vmem>>, vector<1x1000x1xf32>
    %get3A_49 = vector.shape_cast %get3A_48 : vector<1x1000x1xf32> to vector<1000x1xf32>
    %get3A_50 = arith.constant 1 : index
    %get3A_51 = arith.constant 0 : index
    %get3A_52 = arith.constant 1 : index
    %get3A_53 = vector.load %arg3[%get3A_50, %get3A_51, %get3A_52] : memref<2x1000x128xf32, #tpu.memory_space<vmem>>, vector<1x1000x1xf32>
    %get3A_54 = vector.shape_cast %get3A_53 : vector<1x1000x1xf32> to vector<1000x1xf32>
    %add3A_55 = arith.addf %get3A_49, %get3A_54 : vector<1000x1xf32>
    %add3A_56 = arith.constant 1.000000e-16 : f32
    %add3A_57 = vector.broadcast %add3A_56 : f32 to vector<1000x1xf32>
    %add3A_58 = arith.addf %add3A_55, %add3A_57 : vector<1000x1xf32>
    %div3A_59 = vector.broadcast %add3A_58 : vector<1000x1xf32> to vector<1000x128xf32>
    %div3A_60 = arith.divf %add3A_44, %div3A_59 : vector<1000x128xf32>
    %get3A_61 = arith.constant 0 : index
    %get3A_62 = arith.constant 128 : index
    %get3A_63 = vector.load %arg4[%get3A_61, %get3A_62] : memref<1x512xf32, #tpu.memory_space<vmem>>, vector<1x128xf32>
    %add3A_64 = vector.broadcast %get3A_63 : vector<1x128xf32> to vector<1000x128xf32>
    %add3A_65 = arith.addf %div3A_60, %add3A_64 : vector<1000x128xf32>
    %max3A_66 = arith.constant 0.000000e+00 : f32
    %max3A_67 = vector.broadcast %max3A_66 : f32 to vector<1000x128xf32>
    %max3A_68 = arith.maximumf %add3A_65, %max3A_67 : vector<1000x128xf32>
    %get3A_69 = arith.constant 2 : index
    %get3A_70 = arith.constant 0 : index
    %get3A_71 = arith.constant 0 : index
    %get3A_72 = vector.load %arg2[%get3A_69, %get3A_70, %get3A_71] : memref<8x1000x128xf32, #tpu.memory_space<vmem>>, vector<1x1000x128xf32>
    %get3A_73 = vector.shape_cast %get3A_72 : vector<1x1000x128xf32> to vector<1000x128xf32>
    %get3A_74 = arith.constant 6 : index
    %get3A_75 = arith.constant 0 : index
    %get3A_76 = arith.constant 0 : index
    %get3A_77 = vector.load %arg2[%get3A_74, %get3A_75, %get3A_76] : memref<8x1000x128xf32, #tpu.memory_space<vmem>>, vector<1x1000x128xf32>
    %get3A_78 = vector.shape_cast %get3A_77 : vector<1x1000x128xf32> to vector<1000x128xf32>
    %add3A_79 = arith.addf %get3A_73, %get3A_78 : vector<1000x128xf32>
    %get3A_80 = arith.constant 0 : index
    %get3A_81 = arith.constant 0 : index
    %get3A_82 = arith.constant 2 : index
    %get3A_83 = vector.load %arg3[%get3A_80, %get3A_81, %get3A_82] : memref<2x1000x128xf32, #tpu.memory_space<vmem>>, vector<1x1000x1xf32>
    %get3A_84 = vector.shape_cast %get3A_83 : vector<1x1000x1xf32> to vector<1000x1xf32>
    %get3A_85 = arith.constant 1 : index
    %get3A_86 = arith.constant 0 : index
    %get3A_87 = arith.constant 2 : index
    %get3A_88 = vector.load %arg3[%get3A_85, %get3A_86, %get3A_87] : memref<2x1000x128xf32, #tpu.memory_space<vmem>>, vector<1x1000x1xf32>
    %get3A_89 = vector.shape_cast %get3A_88 : vector<1x1000x1xf32> to vector<1000x1xf32>
    %add3A_90 = arith.addf %get3A_84, %get3A_89 : vector<1000x1xf32>
    %add3A_91 = arith.constant 1.000000e-16 : f32
    %add3A_92 = vector.broadcast %add3A_91 : f32 to vector<1000x1xf32>
    %add3A_93 = arith.addf %add3A_90, %add3A_92 : vector<1000x1xf32>
    %div3A_94 = vector.broadcast %add3A_93 : vector<1000x1xf32> to vector<1000x128xf32>
    %div3A_95 = arith.divf %add3A_79, %div3A_94 : vector<1000x128xf32>
    %get3A_96 = arith.constant 0 : index
    %get3A_97 = arith.constant 256 : index
    %get3A_98 = vector.load %arg4[%get3A_96, %get3A_97] : memref<1x512xf32, #tpu.memory_space<vmem>>, vector<1x128xf32>
    %add3A_99 = vector.broadcast %get3A_98 : vector<1x128xf32> to vector<1000x128xf32>
    %add3A_100 = arith.addf %div3A_95, %add3A_99 : vector<1000x128xf32>
    %max3A_101 = arith.constant 0.000000e+00 : f32
    %max3A_102 = vector.broadcast %max3A_101 : f32 to vector<1000x128xf32>
    %max3A_103 = arith.maximumf %add3A_100, %max3A_102 : vector<1000x128xf32>
    %get3A_104 = arith.constant 3 : index
    %get3A_105 = arith.constant 0 : index
    %get3A_106 = arith.constant 0 : index
    %get3A_107 = vector.load %arg2[%get3A_104, %get3A_105, %get3A_106] : memref<8x1000x128xf32, #tpu.memory_space<vmem>>, vector<1x1000x128xf32>
    %get3A_108 = vector.shape_cast %get3A_107 : vector<1x1000x128xf32> to vector<1000x128xf32>
    %get3A_109 = arith.constant 7 : index
    %get3A_110 = arith.constant 0 : index
    %get3A_111 = arith.constant 0 : index
    %get3A_112 = vector.load %arg2[%get3A_109, %get3A_110, %get3A_111] : memref<8x1000x128xf32, #tpu.memory_space<vmem>>, vector<1x1000x128xf32>
    %get3A_113 = vector.shape_cast %get3A_112 : vector<1x1000x128xf32> to vector<1000x128xf32>
    %add3A_114 = arith.addf %get3A_108, %get3A_113 : vector<1000x128xf32>
    %get3A_115 = arith.constant 0 : index
    %get3A_116 = arith.constant 0 : index
    %get3A_117 = arith.constant 3 : index
    %get3A_118 = vector.load %arg3[%get3A_115, %get3A_116, %get3A_117] : memref<2x1000x128xf32, #tpu.memory_space<vmem>>, vector<1x1000x1xf32>
    %get3A_119 = vector.shape_cast %get3A_118 : vector<1x1000x1xf32> to vector<1000x1xf32>
    %get3A_120 = arith.constant 1 : index
    %get3A_121 = arith.constant 0 : index
    %get3A_122 = arith.constant 3 : index
    %get3A_123 = vector.load %arg3[%get3A_120, %get3A_121, %get3A_122] : memref<2x1000x128xf32, #tpu.memory_space<vmem>>, vector<1x1000x1xf32>
    %get3A_124 = vector.shape_cast %get3A_123 : vector<1x1000x1xf32> to vector<1000x1xf32>
    %add3A_125 = arith.addf %get3A_119, %get3A_124 : vector<1000x1xf32>
    %add3A_126 = arith.constant 1.000000e-16 : f32
    %add3A_127 = vector.broadcast %add3A_126 : f32 to vector<1000x1xf32>
    %add3A_128 = arith.addf %add3A_125, %add3A_127 : vector<1000x1xf32>
    %div3A_129 = vector.broadcast %add3A_128 : vector<1000x1xf32> to vector<1000x128xf32>
    %div3A_130 = arith.divf %add3A_114, %div3A_129 : vector<1000x128xf32>
    %get3A_131 = arith.constant 0 : index
    %get3A_132 = arith.constant 384 : index
    %get3A_133 = vector.load %arg4[%get3A_131, %get3A_132] : memref<1x512xf32, #tpu.memory_space<vmem>>, vector<1x128xf32>
    %add3A_134 = vector.broadcast %get3A_133 : vector<1x128xf32> to vector<1000x128xf32>
    %add3A_135 = arith.addf %div3A_130, %add3A_134 : vector<1000x128xf32>
    %max3A_136 = arith.constant 0.000000e+00 : f32
    %max3A_137 = vector.broadcast %max3A_136 : f32 to vector<1000x128xf32>
    %max3A_138 = arith.maximumf %add3A_135, %max3A_137 : vector<1000x128xf32>
    %concatenate3A = tpu.concatenate %get3A_1, %max3A_33, %max3A_68, %max3A_103, %max3A_138 in 1 : vector<1000x128xf32>, vector<1000x128xf32>, vector<1000x128xf32>, vector<1000x128xf32>, vector<1000x128xf32> -> vector<1000x640xf32>
    %swap3A = arith.constant 0 : index
    %swap3A_139 = arith.constant 0 : index
    %swap3A_140 = vector.load %arg5[%swap3A, %swap3A_139] : memref<1000x640xf32, #tpu.memory_space<vmem>>, vector<1000x640xf32>
    tpu.vector_store %arg5[%swap3A, %swap3A_139], %concatenate3A {strides = array<i32>} : memref<1000x640xf32, #tpu.memory_space<vmem>>, vector<1000x640xf32>,
    return
  }
  func.func @transform_0(%arg0: i32) -> (i32, i32) {
    %c0_i32 = arith.constant 0 : i32
    %c0_i32_0 = arith.constant 0 : i32
    return %arg0, %c0_i32 : i32, i32
  }
  func.func @transform_1(%arg0: i32) -> (i32, i32, i32) {
    %c0_i32 = arith.constant 0 : i32
    %c0_i32_0 = arith.constant 0 : i32
    %c0_i32_1 = arith.constant 0 : i32
    return %c0_i32, %arg0, %c0_i32_0 : i32, i32, i32
  }
  func.func @transform_2(%arg0: i32) -> (i32, i32, i32) {
    %c0_i32 = arith.constant 0 : i32
    %c0_i32_0 = arith.constant 0 : i32
    %c0_i32_1 = arith.constant 0 : i32
    return %c0_i32, %arg0, %c0_i32_0 : i32, i32, i32
  }
  func.func @transform_3(%arg0: i32) -> (i32, i32) {
    %c0_i32 = arith.constant 0 : i32
    %c0_i32_0 = arith.constant 0 : i32
    %c0_i32_1 = arith.constant 0 : i32
    return %c0_i32, %c0_i32_0 : i32, i32
  }
  func.func @transform_4(%arg0: i32) -> (i32, i32) {
    %c0_i32 = arith.constant 0 : i32
    %c0_i32_0 = arith.constant 0 : i32
    return %arg0, %c0_i32 : i32, i32
  }
}

module attributes {stable_mosaic.version = 14 : i64} {
  func.func @_alpha_body(%arg0: i32, %arg1: memref<960x256xi32, #tpu.memory_space<vmem>>, %arg2: memref<960x256xi32, #tpu.memory_space<vmem>>, %arg3: memref<4x128xf32, #tpu.memory_space<vmem>>, %arg4: memref<960x128xf32, #tpu.memory_space<vmem>>, %arg5: memref<960x512xf32, #tpu.memory_space<vmem>>) attributes {dimension_semantics = [#tpu.dimension_semantics<arbitrary>], iteration_bounds = array<i64: 176>, scalar_prefetch = 0 : i64, scratch_operands = 0 : i64, tpu.core_type = #tpu.core_type<tc>, window_params = [{transform_indices = @transform_0, window_bounds = array<i64: 960, 256>}, {transform_indices = @transform_1, window_bounds = array<i64: 960, 256>}, {pipeline_mode = #tpu.pipeline_mode<synchronous>, transform_indices = @transform_2, window_bounds = array<i64: 4, 128>}, {transform_indices = @transform_3, window_bounds = array<i64: 960, 128>}, {transform_indices = @transform_4, window_bounds = array<i64: 960, 512>}]} {
    %get3A = arith.constant 0 : index
    %get3A_0 = arith.constant 0 : index
    %get3A_1 = vector.load %arg1[%get3A, %get3A_0] : memref<960x256xi32, #tpu.memory_space<vmem>>, vector<960x256xi32>
    %and3A = arith.constant -65536 : i32
    %and3A_2 = vector.broadcast %and3A : i32 to vector<960x256xi32>
    %and3A_3 = arith.andi %get3A_1, %and3A_2 : vector<960x256xi32>
    %bitcast_convert_type3A = tpu.bitcast %and3A_3 : vector<960x256xi32> -> vector<960x256xf32>
    %shift_left3A = arith.constant 16 : i32
    %shift_left3A_4 = vector.broadcast %shift_left3A : i32 to vector<960x256xi32>
    %shift_left3A_5 = arith.shli %get3A_1, %shift_left3A_4 : vector<960x256xi32>
    %bitcast_convert_type3A_6 = tpu.bitcast %shift_left3A_5 : vector<960x256xi32> -> vector<960x256xf32>
    %concatenate3A = tpu.concatenate %bitcast_convert_type3A, %bitcast_convert_type3A_6 in 1 : vector<960x256xf32>, vector<960x256xf32> -> vector<960x512xf32>
    %get3A_7 = arith.constant 0 : index
    %get3A_8 = arith.constant 0 : index
    %get3A_9 = vector.load %arg2[%get3A_7, %get3A_8] : memref<960x256xi32, #tpu.memory_space<vmem>>, vector<960x256xi32>
    %and3A_10 = arith.constant -65536 : i32
    %and3A_11 = vector.broadcast %and3A_10 : i32 to vector<960x256xi32>
    %and3A_12 = arith.andi %get3A_9, %and3A_11 : vector<960x256xi32>
    %bitcast_convert_type3A_13 = tpu.bitcast %and3A_12 : vector<960x256xi32> -> vector<960x256xf32>
    %shift_left3A_14 = arith.constant 16 : i32
    %shift_left3A_15 = vector.broadcast %shift_left3A_14 : i32 to vector<960x256xi32>
    %shift_left3A_16 = arith.shli %get3A_9, %shift_left3A_15 : vector<960x256xi32>
    %bitcast_convert_type3A_17 = tpu.bitcast %shift_left3A_16 : vector<960x256xi32> -> vector<960x256xf32>
    %concatenate3A_18 = tpu.concatenate %bitcast_convert_type3A_13, %bitcast_convert_type3A_17 in 1 : vector<960x256xf32>, vector<960x256xf32> -> vector<960x512xf32>
    %mul3A = arith.constant 960 : i32
    %mul3A_19 = arith.muli %arg0, %mul3A : i32
    %iota3A = tpu.iota {dimensions = array<i32: 0>} : vector<960x1xi32>
    %add3A = vector.broadcast %mul3A_19 : i32 to vector<960x1xi32>
    %add3A_20 = arith.addi %add3A, %iota3A : vector<960x1xi32>
    %lt3A = arith.constant 160000 : i32
    %lt3A_21 = vector.broadcast %lt3A : i32 to vector<960x1xi32>
    %lt3A_22 = arith.cmpi slt, %add3A_20, %lt3A_21 : vector<960x1xi32>
    %slice3A = vector.extract_strided_slice %concatenate3A {offsets = [0, 0], sizes = [960, 128], strides = [1, 1]} : vector<960x512xf32> to vector<960x128xf32>
    %slice3A_23 = vector.extract_strided_slice %concatenate3A_18 {offsets = [0, 0], sizes = [960, 128], strides = [1, 1]} : vector<960x512xf32> to vector<960x128xf32>
    %add3A_24 = arith.addf %slice3A, %slice3A_23 : vector<960x128xf32>
    %gt3A = arith.constant 0.000000e+00 : f32
    %gt3A_25 = vector.broadcast %gt3A : f32 to vector<960x128xf32>
    %gt3A_26 = arith.cmpf ogt, %add3A_24, %gt3A_25 : vector<960x128xf32>
    %mul3A_27 = arith.constant 2.000000e-01 : f32
    %mul3A_28 = vector.broadcast %mul3A_27 : f32 to vector<960x128xf32>
    %mul3A_29 = arith.mulf %mul3A_28, %add3A_24 : vector<960x128xf32>
    %select_n3A = arith.select %gt3A_26, %add3A_24, %mul3A_29 : vector<960x128xi1>, vector<960x128xf32>
    %get3A_30 = arith.constant 0 : index
    %get3A_31 = arith.constant 0 : index
    %get3A_32 = vector.load %arg3[%get3A_30, %get3A_31] : memref<4x128xf32, #tpu.memory_space<vmem>>, vector<1x128xf32>
    %get3A_33 = vector.shape_cast %get3A_32 : vector<1x128xf32> to vector<128xf32>
    %broadcast_in_dim3A = vector.shape_cast %get3A_33 : vector<128xf32> to vector<1x128xf32>
    %mul3A_34 = vector.broadcast %broadcast_in_dim3A : vector<1x128xf32> to vector<960x128xf32>
    %mul3A_35 = arith.mulf %select_n3A, %mul3A_34 : vector<960x128xf32>
    %reduce_sum3A = arith.constant dense<0.000000e+00> : vector<960xf32>
    %reduce_sum3A_36 = vector.multi_reduction <add>, %mul3A_35, %reduce_sum3A [1] : vector<960x128xf32> to vector<960xf32>
    %broadcast_in_dim3A_37 = vector.shape_cast %reduce_sum3A_36 : vector<960xf32> to vector<960x1xf32>
    %exp3A = math.exp %broadcast_in_dim3A_37 : vector<960x1xf32>
    %jit3A = arith.constant 0.000000e+00 : f32
    %broadcast_in_dim3A_38 = vector.broadcast %jit3A : f32 to vector<960x1xf32>
    %select_n3A_39 = arith.select %lt3A_22, %exp3A, %broadcast_in_dim3A_38 : vector<960x1xi1>, vector<960x1xf32>
    %mul3A_40 = vector.broadcast %select_n3A_39 : vector<960x1xf32> to vector<960x128xf32>
    %mul3A_41 = arith.mulf %slice3A, %mul3A_40 : vector<960x128xf32>
    %slice3A_42 = vector.extract_strided_slice %concatenate3A {offsets = [0, 128], sizes = [960, 128], strides = [1, 1]} : vector<960x512xf32> to vector<960x128xf32>
    %slice3A_43 = vector.extract_strided_slice %concatenate3A_18 {offsets = [0, 128], sizes = [960, 128], strides = [1, 1]} : vector<960x512xf32> to vector<960x128xf32>
    %add3A_44 = arith.addf %slice3A_42, %slice3A_43 : vector<960x128xf32>
    %gt3A_45 = arith.constant 0.000000e+00 : f32
    %gt3A_46 = vector.broadcast %gt3A_45 : f32 to vector<960x128xf32>
    %gt3A_47 = arith.cmpf ogt, %add3A_44, %gt3A_46 : vector<960x128xf32>
    %mul3A_48 = arith.constant 2.000000e-01 : f32
    %mul3A_49 = vector.broadcast %mul3A_48 : f32 to vector<960x128xf32>
    %mul3A_50 = arith.mulf %mul3A_49, %add3A_44 : vector<960x128xf32>
    %select_n3A_51 = arith.select %gt3A_47, %add3A_44, %mul3A_50 : vector<960x128xi1>, vector<960x128xf32>
    %get3A_52 = arith.constant 1 : index
    %get3A_53 = arith.constant 0 : index
    %get3A_54 = vector.load %arg3[%get3A_52, %get3A_53] : memref<4x128xf32, #tpu.memory_space<vmem>>, vector<1x128xf32>
    %get3A_55 = vector.shape_cast %get3A_54 : vector<1x128xf32> to vector<128xf32>
    %broadcast_in_dim3A_56 = vector.shape_cast %get3A_55 : vector<128xf32> to vector<1x128xf32>
    %mul3A_57 = vector.broadcast %broadcast_in_dim3A_56 : vector<1x128xf32> to vector<960x128xf32>
    %mul3A_58 = arith.mulf %select_n3A_51, %mul3A_57 : vector<960x128xf32>
    %reduce_sum3A_59 = arith.constant dense<0.000000e+00> : vector<960xf32>
    %reduce_sum3A_60 = vector.multi_reduction <add>, %mul3A_58, %reduce_sum3A_59 [1] : vector<960x128xf32> to vector<960xf32>
    %broadcast_in_dim3A_61 = vector.shape_cast %reduce_sum3A_60 : vector<960xf32> to vector<960x1xf32>
    %exp3A_62 = math.exp %broadcast_in_dim3A_61 : vector<960x1xf32>
    %jit3A_63 = arith.constant 0.000000e+00 : f32
    %broadcast_in_dim3A_64 = vector.broadcast %jit3A_63 : f32 to vector<960x1xf32>
    %select_n3A_65 = arith.select %lt3A_22, %exp3A_62, %broadcast_in_dim3A_64 : vector<960x1xi1>, vector<960x1xf32>
    %mul3A_66 = vector.broadcast %select_n3A_65 : vector<960x1xf32> to vector<960x128xf32>
    %mul3A_67 = arith.mulf %slice3A_42, %mul3A_66 : vector<960x128xf32>
    %slice3A_68 = vector.extract_strided_slice %concatenate3A {offsets = [0, 256], sizes = [960, 128], strides = [1, 1]} : vector<960x512xf32> to vector<960x128xf32>
    %slice3A_69 = vector.extract_strided_slice %concatenate3A_18 {offsets = [0, 256], sizes = [960, 128], strides = [1, 1]} : vector<960x512xf32> to vector<960x128xf32>
    %add3A_70 = arith.addf %slice3A_68, %slice3A_69 : vector<960x128xf32>
    %gt3A_71 = arith.constant 0.000000e+00 : f32
    %gt3A_72 = vector.broadcast %gt3A_71 : f32 to vector<960x128xf32>
    %gt3A_73 = arith.cmpf ogt, %add3A_70, %gt3A_72 : vector<960x128xf32>
    %mul3A_74 = arith.constant 2.000000e-01 : f32
    %mul3A_75 = vector.broadcast %mul3A_74 : f32 to vector<960x128xf32>
    %mul3A_76 = arith.mulf %mul3A_75, %add3A_70 : vector<960x128xf32>
    %select_n3A_77 = arith.select %gt3A_73, %add3A_70, %mul3A_76 : vector<960x128xi1>, vector<960x128xf32>
    %get3A_78 = arith.constant 2 : index
    %get3A_79 = arith.constant 0 : index
    %get3A_80 = vector.load %arg3[%get3A_78, %get3A_79] : memref<4x128xf32, #tpu.memory_space<vmem>>, vector<1x128xf32>
    %get3A_81 = vector.shape_cast %get3A_80 : vector<1x128xf32> to vector<128xf32>
    %broadcast_in_dim3A_82 = vector.shape_cast %get3A_81 : vector<128xf32> to vector<1x128xf32>
    %mul3A_83 = vector.broadcast %broadcast_in_dim3A_82 : vector<1x128xf32> to vector<960x128xf32>
    %mul3A_84 = arith.mulf %select_n3A_77, %mul3A_83 : vector<960x128xf32>
    %reduce_sum3A_85 = arith.constant dense<0.000000e+00> : vector<960xf32>
    %reduce_sum3A_86 = vector.multi_reduction <add>, %mul3A_84, %reduce_sum3A_85 [1] : vector<960x128xf32> to vector<960xf32>
    %broadcast_in_dim3A_87 = vector.shape_cast %reduce_sum3A_86 : vector<960xf32> to vector<960x1xf32>
    %exp3A_88 = math.exp %broadcast_in_dim3A_87 : vector<960x1xf32>
    %jit3A_89 = arith.constant 0.000000e+00 : f32
    %broadcast_in_dim3A_90 = vector.broadcast %jit3A_89 : f32 to vector<960x1xf32>
    %select_n3A_91 = arith.select %lt3A_22, %exp3A_88, %broadcast_in_dim3A_90 : vector<960x1xi1>, vector<960x1xf32>
    %mul3A_92 = vector.broadcast %select_n3A_91 : vector<960x1xf32> to vector<960x128xf32>
    %mul3A_93 = arith.mulf %slice3A_68, %mul3A_92 : vector<960x128xf32>
    %slice3A_94 = vector.extract_strided_slice %concatenate3A {offsets = [0, 384], sizes = [960, 128], strides = [1, 1]} : vector<960x512xf32> to vector<960x128xf32>
    %slice3A_95 = vector.extract_strided_slice %concatenate3A_18 {offsets = [0, 384], sizes = [960, 128], strides = [1, 1]} : vector<960x512xf32> to vector<960x128xf32>
    %add3A_96 = arith.addf %slice3A_94, %slice3A_95 : vector<960x128xf32>
    %gt3A_97 = arith.constant 0.000000e+00 : f32
    %gt3A_98 = vector.broadcast %gt3A_97 : f32 to vector<960x128xf32>
    %gt3A_99 = arith.cmpf ogt, %add3A_96, %gt3A_98 : vector<960x128xf32>
    %mul3A_100 = arith.constant 2.000000e-01 : f32
    %mul3A_101 = vector.broadcast %mul3A_100 : f32 to vector<960x128xf32>
    %mul3A_102 = arith.mulf %mul3A_101, %add3A_96 : vector<960x128xf32>
    %select_n3A_103 = arith.select %gt3A_99, %add3A_96, %mul3A_102 : vector<960x128xi1>, vector<960x128xf32>
    %get3A_104 = arith.constant 3 : index
    %get3A_105 = arith.constant 0 : index
    %get3A_106 = vector.load %arg3[%get3A_104, %get3A_105] : memref<4x128xf32, #tpu.memory_space<vmem>>, vector<1x128xf32>
    %get3A_107 = vector.shape_cast %get3A_106 : vector<1x128xf32> to vector<128xf32>
    %broadcast_in_dim3A_108 = vector.shape_cast %get3A_107 : vector<128xf32> to vector<1x128xf32>
    %mul3A_109 = vector.broadcast %broadcast_in_dim3A_108 : vector<1x128xf32> to vector<960x128xf32>
    %mul3A_110 = arith.mulf %select_n3A_103, %mul3A_109 : vector<960x128xf32>
    %reduce_sum3A_111 = arith.constant dense<0.000000e+00> : vector<960xf32>
    %reduce_sum3A_112 = vector.multi_reduction <add>, %mul3A_110, %reduce_sum3A_111 [1] : vector<960x128xf32> to vector<960xf32>
    %broadcast_in_dim3A_113 = vector.shape_cast %reduce_sum3A_112 : vector<960xf32> to vector<960x1xf32>
    %exp3A_114 = math.exp %broadcast_in_dim3A_113 : vector<960x1xf32>
    %jit3A_115 = arith.constant 0.000000e+00 : f32
    %broadcast_in_dim3A_116 = vector.broadcast %jit3A_115 : f32 to vector<960x1xf32>
    %select_n3A_117 = arith.select %lt3A_22, %exp3A_114, %broadcast_in_dim3A_116 : vector<960x1xi1>, vector<960x1xf32>
    %mul3A_118 = vector.broadcast %select_n3A_117 : vector<960x1xf32> to vector<960x128xf32>
    %mul3A_119 = arith.mulf %slice3A_94, %mul3A_118 : vector<960x128xf32>
    %broadcast_in_dim3A_120 = arith.constant 0.000000e+00 : f32
    %broadcast_in_dim3A_121 = vector.broadcast %broadcast_in_dim3A_120 : f32 to vector<960x124xf32>
    %concatenate3A_122 = tpu.concatenate %select_n3A_39, %select_n3A_65, %select_n3A_91, %select_n3A_117, %broadcast_in_dim3A_121 in 1 : vector<960x1xf32>, vector<960x1xf32>, vector<960x1xf32>, vector<960x1xf32>, vector<960x124xf32> -> vector<960x128xf32>
    %swap3A = arith.constant 0 : index
    %swap3A_123 = arith.constant 0 : index
    %swap3A_124 = vector.load %arg4[%swap3A, %swap3A_123] : memref<960x128xf32, #tpu.memory_space<vmem>>, vector<960x128xf32>
    tpu.vector_store %arg4[%swap3A, %swap3A_123], %concatenate3A_122 {strides = array<i32>} : memref<960x128xf32, #tpu.memory_space<vmem>>, vector<960x128xf32>,
    %concatenate3A_125 = tpu.concatenate %mul3A_41, %mul3A_67, %mul3A_93, %mul3A_119 in 1 : vector<960x128xf32>, vector<960x128xf32>, vector<960x128xf32>, vector<960x128xf32> -> vector<960x512xf32>
    %swap3A_126 = arith.constant 0 : index
    %swap3A_127 = arith.constant 0 : index
    %swap3A_128 = vector.load %arg5[%swap3A_126, %swap3A_127] : memref<960x512xf32, #tpu.memory_space<vmem>>, vector<960x512xf32>
    tpu.vector_store %arg5[%swap3A_126, %swap3A_127], %concatenate3A_125 {strides = array<i32>} : memref<960x512xf32, #tpu.memory_space<vmem>>, vector<960x512xf32>,
    return
  }
  func.func @transform_0(%arg0: i32) -> (i32, i32) {
    %c0_i32 = arith.constant 0 : i32
    %c0_i32_0 = arith.constant 0 : i32
    return %arg0, %c0_i32 : i32, i32
  }
  func.func @transform_1(%arg0: i32) -> (i32, i32) {
    %c0_i32 = arith.constant 0 : i32
    %c0_i32_0 = arith.constant 0 : i32
    return %arg0, %c0_i32 : i32, i32
  }
  func.func @transform_2(%arg0: i32) -> (i32, i32) {
    %c0_i32 = arith.constant 0 : i32
    %c0_i32_0 = arith.constant 0 : i32
    %c0_i32_1 = arith.constant 0 : i32
    return %c0_i32, %c0_i32_0 : i32, i32
  }
  func.func @transform_3(%arg0: i32) -> (i32, i32) {
    %c0_i32 = arith.constant 0 : i32
    %c0_i32_0 = arith.constant 0 : i32
    return %arg0, %c0_i32 : i32, i32
  }
  func.func @transform_4(%arg0: i32) -> (i32, i32) {
    %c0_i32 = arith.constant 0 : i32
    %c0_i32_0 = arith.constant 0 : i32
    return %arg0, %c0_i32 : i32, i32
  }
}

</mosaic_0001>

<sc_bundles>
// kernel: kernel.11.cloned.1.call-start
scs
__scs_entry_jumppad:
0x0: {  	(pc) =	sbr.rel $0x88, $3  }
0x1: {  	(tag) =	ssettag $0x0;
	lr =	simm.s32 $0x1  }
0x2: {  	[smem:$0x3F94] =	sst lr;
	_ =	strace $0xD0000000  }
0x3: {  	_ = 	snop  }
0x4: {  	_ = 	snop  }
0x5: {  	_ = 	snop  }
0x6: {  	_ = 	snop  }
0x7: {  	_ = 	snop  }
__scs_overlays_trampoline_lowered:
0x8: {  	[smem:$0x3FA3] =	sst s0  }
0x9: {  	[smem:$0x3FA4] =	sst s1  }
0xa: {  	[smem:$0x3FA5] =	sst s2  }
0xb: {  	[smem:$0x3FA6] =	sst s3  }
0xc: {  	[smem:$0x3FA7] =	sst s4  }
0xd: {  	[smem:$0x3FA8] =	sst s5  }
0xe: {  	[smem:$0x3FA9] =	sst s6  }
0xf: {  	[smem:$0x3FAA] =	sst s7  }
0x10: {  	[smem:$0x3FAB] =	sst s8  }
0x11: {  	[smem:$0x3FAC] =	sst s9;
	s0 =	simm.s32 @!p0 $0x0  }
0x12: {  	s1 =	sld [smem:$0x3F92];
	s0 =	simm.s32 @p0 $0x1  }
0x13: {  	[smem:$0x3FAD] =	sst s0;
	s0 =	simm.s32 @!p1 $0x0  }
0x14: {  	s2 =	sld [smem:$0x3F91];
	s0 =	simm.s32 @p1 $0x1  }
0x15: {  	[smem:$0x3FAE] =	sst s0;
	s0 =	simm.s32 @!p2 $0x0  }
0x16: {  	s3 =	sld [smem:$0x3FDB];
	s0 =	simm.s32 @p2 $0x1  }
0x17: {  	s4 =	simm.s32 $0x1BF5;
	[smem:$0x3FB0] =	sst s0  }
0x18: {  	s0 =	sld [smem:$0x3F93];
	_ =	swait.ge [sflag:s4], $0x0  }
0x19: {  	s7 =	sld [smem:$0x3F94]  }
0x1a: {  	s8 =	sadd.s32 $0xFFFFE003, lr  }
0x1b: {  	s9 =	sadd.s32 $0xFFFFFEF7, lr;
	s5 =	simm.s32 $0xFFFFFFFF;
	p2 =	slt.u32 s8, $0xFFFFF086  }
0x1c: {  	p1 =	slt.u32 s9, $0xF7A;
	s5 =	simm.s32 @!p2 $0x0  }
0x1d: {  	s5 =	simm.s32 @p1 $0x1;
	p0 =	seq.s32 s7, s2  }
0x1e: {  	s7 =	smul.u32 @!p0 $0xF7A, s2;
	p2 =	seq.s32 @!p0 s5, $0x0  }
0x1f: {  	s9 =	smul.u32 $0xF7A, s1;
	s8 =	simm.s32 @!p0 $0x1BF5;
	p2 =	por !p2, p0  }
0x20: {  	[sflag:s8] =	ssyncset.s32 @!p0 $0xFFFFF086;
	s6 =	sadd.s32 @!p0 s3, s7;
	s7 =	simm.s32 @!p0 $0x108  }
0x21: {  	s3 =	sadd.s32 s3, s9;
	s6 =	sadd.s32 @!p0 $0x88, s6;
	s7 =	simm.s32 @p2 $0x1082  }
0x22: {  	[simem:s7], [sflag:s8] =	dma.local @!p0 [hbm:s6], $0xF7A  }
0x23: {  	s9 =	sor.u32 $0xD0000000, s2;
	s6 =	simm.s32 $0x108;
	_ =	swait.ge @!p0 [sflag:s8], $0x0  }
0x24: {  	s3 =	sadd.s32 $0x88, s3;
	s6 =	simm.s32 @!p1 $0x1082;
	[sflag:s4] =	ssyncset.s32 $0xFFFFF086  }
0x25: {  	[simem:s6], [sflag:s4] =	dma.local [hbm:s3], $0xF7A  }
0x26: {  	[smem:$0x3F94] =	sst s1;
	(tag) =	ssettag s2;
	_ =	strace s9  }
0x27: {  	s1 =	sld [smem:$0x3FA4]  }
0x28: {  	s2 =	sld [smem:$0x3FA5]  }
0x29: {  	s4 =	sld [smem:$0x3FA7]  }
0x2a: {  	p0 =	seq.s32 s5, $0x0;
	s5 =	sld [smem:$0x3FA8]  }
0x2b: {  	s6 =	sld [smem:$0x3FA9]  }
0x2c: {  	s7 =	sld [smem:$0x3FAA]  }
0x2d: {  	s3 =	simm.s32 $0x108;
	s8 =	sld [smem:$0x3FAB]  }
0x2e: {  	s3 =	simm.s32 @!p0 $0x1082;
	s9 =	sld [smem:$0x3FAC]  }
0x2f: {  	lr =	sadd.s32 s0, s3;
	s0 =	sld [smem:$0x3FA3]  }
0x30: {  	s3 =	sld [smem:$0x3FA6]  }
0x31: {  	[smem:$0x3FAF] =	sst s10  }
0x32: {  	s10 =	sld [smem:$0x3FAD];
	_ =	sdelay $0x3  }
0x33: {  	p0 =	seq.s32 s10, $0x1;
	s10 =	sld [smem:$0x3FAF];
	_ =	sdelay $0x3  }
0x34: {  	[smem:$0x3FAF] =	sst s10  }
0x35: {  	s10 =	sld [smem:$0x3FAE];
	_ =	sdelay $0x3  }
0x36: {  	p1 =	seq.s32 s10, $0x1;
	s10 =	sld [smem:$0x3FAF];
	_ =	sdelay $0x3  }
0x37: {  	[smem:$0x3FAF] =	sst s10  }
0x38: {  	s10 =	sld [smem:$0x3FB0]  }
0x39: {  	_ = 	snop;
	(pc) =	sbr.ind lr, $3  }
0x3a: {  	_ = 	snop  }
0x3b: {  	_ = 	snop  }
0x3c: {  	p2 =	seq.s32 s10, $0x1;
	s10 =	sld [smem:$0x3FAF]  }
0x3d: {  	_ =	shalt  }
0x3e: {  	_ =	shalt  }
0x3f: {  	_ =	shalt  }
0x40: {  	_ =	shalt  }
0x41: {  	_ =	shalt  }
0x42: {  	_ =	shalt  }
0x43: {  	_ =	shalt  }
0x44: {  	_ =	shalt  }
0x45: {  	_ =	shalt  }
0x46: {  	_ =	shalt  }
0x47: {  	_ =	shalt  }
0x48: {  	_ =	shalt  }
0x49: {  	_ =	shalt  }
0x4a: {  	_ =	shalt  }
0x4b: {  	_ =	shalt  }
0x4c: {  	_ =	shalt  }
0x4d: {  	_ =	shalt  }
0x4e: {  	_ =	shalt  }
0x4f: {  	_ =	shalt  }
0x50: {  	_ =	shalt  }
0x51: {  	_ =	shalt  }
0x52: {  	_ =	shalt  }
0x53: {  	_ =	shalt  }
0x54: {  	_ =	shalt  }
0x55: {  	_ =	shalt  }
0x56: {  	_ =	shalt  }
0x57: {  	_ =	shalt  }
0x58: {  	_ =	shalt  }
0x59: {  	_ =	shalt  }
0x5a: {  	_ =	shalt  }
0x5b: {  	_ =	shalt  }
0x5c: {  	_ =	shalt  }
0x5d: {  	_ =	shalt  }
0x5e: {  	_ =	shalt  }
0x5f: {  	_ =	shalt  }
0x60: {  	_ =	shalt  }
0x61: {  	_ =	shalt  }
0x62: {  	_ =	shalt  }
0x63: {  	_ =	shalt  }
0x64: {  	_ =	shalt  }
0x65: {  	_ =	shalt  }
0x66: {  	_ =	shalt  }
0x67: {  	_ =	shalt  }
0x68: {  	_ =	shalt  }
0x69: {  	_ =	shalt  }
0x6a: {  	_ =	shalt  }
0x6b: {  	_ =	shalt  }
0x6c: {  	_ =	shalt  }
0x6d: {  	_ =	shalt  }
0x6e: {  	_ =	shalt  }
0x6f: {  	_ =	shalt  }
0x70: {  	_ =	shalt  }
0x71: {  	_ =	shalt  }
0x72: {  	_ =	shalt  }
0x73: {  	_ =	shalt  }
0x74: {  	_ =	shalt  }
0x75: {  	_ =	shalt  }
0x76: {  	_ =	shalt  }
0x77: {  	_ =	shalt  }
0x78: {  	_ =	shalt  }
0x79: {  	_ =	shalt  }
0x7a: {  	_ =	shalt  }
0x7b: {  	_ =	shalt  }
0x7c: {  	_ =	shalt  }
0x7d: {  	_ =	shalt  }
0x7e: {  	_ =	shalt  }
0x7f: {  	_ =	shalt  }
0x80: {  	_ =	shalt  }
0x81: {  	_ =	shalt  }
0x82: {  	_ =	shalt  }
0x83: {  	_ =	shalt  }
0x84: {  	_ =	shalt  }
0x85: {  	_ =	shalt  }
0x86: {  	_ =	shalt  }
0x87: {  	_ =	shalt  }
.Lfunc_end0:
.L_simem_size_0:
called_computation.1_lowered:
.L_overlay_start_0:
0x88: {  	s2 =	sld [smem:$0x3FD9]  }
0x89: {  	s3 =	sld [smem:$0x3FFE];
	_ =	sdelay $0x1  }
0x8a: {  	s1 =	srdreg.scid  }
0x8b: {  	s0 =	sand.u32 $0x1, s1  }
0x8c: {  	s17 =	sshll.u32 s0, $0xA;
	s2 =	sadd.s32 s3, s2  }
0x8d: {  	s2 =	sadd.s32 s2, s17  }
0x8e: {  	[smem:$0x3FBB] =	sst s2  }
0x8f: {  	_ = 	snop  }
0x90: {  	s2 =	sld [smem:$0x3FD0];
	(tm) =	ssettm $0x1  }
0x91: {  	s18 =	sld [smem:$0x3FFB];
	_ =	sdelay $0x3  }
0x92: {  	_ =	strace s18  }
0x93: {  	s3 =	sld [smem:$0x3FFC];
	_ =	sdelay $0x3  }
0x94: {  	_ =	strace s3  }
0x95: {  	s3 =	sld [smem:$0x3FFD];
	_ =	sdelay $0x3  }
0x96: {  	_ =	strace s3  }
0x97: {  	_ =	strace $0x8FFFFFFF  }
0x98: {  	s19 =	sld [smem:$0x3FDB];
	_ =	sdelay $0x1  }
0x99: {  	s4 =	simm.s32 $_scs_section_size  }
0x9a: {  	s5 =	simm.s32 $_size__tile_overlayer_lowered;
	s6 =	simm.s32 $_tile_overlayer_lowered  }
0x9b: {  	s22 =	simm.s32 $0x1BFF;
	s21 =	sshll.u32 s6, $0x1;
	s3 =	sadd.s32 s4, s19  }
0x9c: {  	s7 =	simm.s32 $0x0;
	s20 =	sshll.u32 s5, $0x1;
	s5 =	sadd.s32 s21, s3  }
0x9d: {  	[timem:s7], [sflag:s22] =	dma.local [hbm:s5], s20  }
0x9e: {  	_ =	swait.ge [sflag:s22], s20  }
0x9f: {  	s4 =	ssub.s32 $0x0, s20;
	[sflag:s22] =	ssyncset.done $0x0  }
0xa0: {  	[sflag:s22] =	ssyncadd.s32 s4;
	_ =	sdelay $0x1  }
0xa1: {  	s23 =	simm.s32 $0x1B8B  }
0xa2: {  	_ =	swait.ge [sflag:s23], $0x1  }
0xa3: {  	[sflag:s23] =	ssyncset.done $0x0  }
0xa4: {  	s25 =	simm.s32 $0x1B8E;
	s24 =	sld [smem:$0x3FFE];
	[sflag:s23] =	ssyncadd.s32 $0xFFFFFFFF  }
0xa5: {  	s26 =	simm.s32 $execute0_lowered;
	[smem:$0x3FD2] =	sst s25  }
0xa6: {  	s5 =	sshll.u32 s26, $0x1;
	_ =	strace $0x80000049;
	[dreg:$0x1] =	wrdreg $0xFFFFFFFF  }
0xa7: {  	s28 =	simm.s32 $_size_execute0_lowered;
	s3 =	sadd.s32 s3, s5;
	[dreg:$0x0] =	wrdreg $0x0  }
0xa8: {  	s5 =	sshll.u32 s28, $0x1;
	[dreg:$0x2] =	wrdreg s3  }
0xa9: {  	[dreg:$0x3] =	wrdreg s5  }
0xaa: {  	[dreg:$0x4] =	wrdreg $0xC0  }
0xab: {  	_ =	task [dreg:s7], $0x5FFFF  }
0xac: {  	[dreg:$0x1] =	wrdreg $0xFFFFFFFF  }
0xad: {  	[dreg:$0x0] =	wrdreg $0x60  }
0xae: {  	[dreg:$0x2] =	wrdreg s24  }
0xaf: {  	[dreg:$0x3] =	wrdreg s2  }
0xb0: {  	[dreg:$0x4] =	wrdreg $0x0  }
0xb1: {  	[dreg:$0x5] =	wrdreg $0x9  }
0xb2: {  	_ =	task.clear_ibuf [dreg:s7], $0x6FFFF;
	_ =	strace $0x90000049  }
0xb3: {  	s29 =	simm.s32 $0x9;
	_ =	strace $0x8000004B  }
0xb4: {  	_ =	swait.ge [sflag:s29], $0x1  }
0xb5: {  	[sflag:s29] =	ssyncadd.s32 $0xFFFFFFFF  }
0xb6: {  	_ =	strace $0x9000004B  }
0xb7: {  	_ =	sfence  }
0xb8: {  	s30 =	sld [smem:$0x0];
	_ =	sdelay $0x2  }
0xb9: {  	s31 =	sshll.u32 s1, $0xD;
	s1 =	sshrl.u32 s1, $0x2  }
0xba: {  	s3 =	sand.u32 $0x4000, s31;
	s1 =	sadd.s32 s1, s30  }
0xbb: {  	s0 =	sor.u32 s3, s0;
	s1 =	sshll.u32 s1, $0x11  }
0xbc: {  	s0 =	sor.u32 s1, s0  }
0xbd: {  	s0 =	sadd.s32 $0x8F2B, s0  }
0xbe: {  	[sflag:s0] =	ssyncadd.remote.s32 $0x1  }
0xbf: {  	_ =	sfence.sel $0xFFFF  }
0xc0: {  	[dreg:$0x0] =	wrdreg $0xFFFFFFFF;
	(pc) =	sbr.abs _section_cstart, $3  }
0xc1: {  	[dreg:$0x1] =	wrdreg $0xFFFFFFFF  }
0xc2: {  	_ =	task.clear_ibuf [dreg:s7], $0x2FFFF;
	_ =	strace $0x9FFFFFFF  }
0xc3: {  	(tm) =	ssettm $0x7FFFFFFF  }
tec
execute0_lowered:
.L_overlay_start_1:
0x0: {  	(tag) =	ssettag $0x1  }
0x1: {  	s0 =	rddreg [dreg:$0x0]  }
0x2: {  	s1 =	rddreg [dreg:$0x1]  }
0x3: {  	s2 =	rddreg [dreg:$0x2]  }
0x4: {  	s3 =	simm.s32 $0x0;
	s4 =	srdreg.scid;
	s8 =	stileid.u32  }
0x5: {  	s28 =	simm.s32 $0x1B880;
	s29 =	simm.s32 $0x1;
	s5 =	smul.u32 $0x50000, s8  }
0x6: {  	s30 =	simm.s32 $0x2;
	s6 =	sand.u32 $0x1, s4;
	s25 =	smul.u32 $0x14A00, s8  }
0x7: {  	s31 =	simm.s32 $0x0;
	s18 =	sadd.s32 $0xAD2E00, s0;
	s14 =	smul.u32 $0x140000, s6  }
0x8: {  	s4 =	sadd.s32 $0x8600, s0;
	s7 =	ssub.s32 $0x2, s6;
	s22 =	smul.u32 $0x14A00, s6  }
0x9: {  	s16 =	sshll.u32 s6, $0x4;
	s6 =	smul.u32 $0x14A000, s6;
	s15 =	sshrl.u32 s7, $0x1  }
0xa: {  	s13 =	sor.u32 s8, s16;
	s0 =	ssub.s32 s7, s15;
	s15 =	smul.u32 $0x14000, s8  }
0xb: {  	[smem:$0x7FF] =	sst s3;
	s5 =	sshrl.u32 s5, $0x2;
	s16 =	smul.u32 $0x14A0, s13  }
0xc: {  	_ =	strace $0x8000004A;
	s5 =	sadd.s32 s5, s2;
	s21 =	smul.u32 $0x14A00, s13  }
0xd: {  	s6 =	sadd.s32 s6, s18;
	s17 =	sadd.s32 $0x2800, s5;
	s19 =	sadd.s32 $0x5000, s5  }
0xe: {  	s20 =	sadd.s32 $0x7800, s5;
	s9 =	sadd.s32 $0xA000, s5;
	[dreg:$0x4] =	wrdreg s17  }
0xf: {  	s10 =	sadd.s32 $0xC800, s5;
	s11 =	sadd.s32 $0xF000, s5;
	[dreg:$0x5] =	wrdreg s19  }
0x10: {  	s12 =	sadd.s32 $0x11800, s5;
	[dreg:$0x6] =	wrdreg s20;
	s14 =	sadd.s32 s15, s14  }
0x11: {  	s19 =	sadd.s32 $0x78, s16;
	s15 =	sadd.s32 s18, s21;
	s23 =	sshrl.u32 s16, $0x3  }
0x12: {  	s20 =	smul.u32 $0x14A0, s8;
	s14 =	sshrl.u32 s14, $0x3;
	s16 =	sadd.s32 s4, s23  }
0x13: {  	s24 =	sshll.u32 s19, $0x4;
	s19 =	sshrl.u32 s19, $0x3;
	s23 =	simm.s32 $0x3  }
0x14: {  	s13 =	sadd.s32 s1, s14;
	s14 =	smax.u32 s0, $0x1;
	s17 =	sadd.s32 s18, s24  }
0x15: {  	s0 =	sadd.s32 s20, s22;
	s18 =	sadd.s32 s4, s19;
	s1 =	sadd.s32 s25, s6  }
0x16: {  	s22 =	simm.s32 $0x14000;
	s24 =	simm.s32 $0x1B800;
	s20 =	sadd.s32 $0x168, s0  }
0x17: {  	s25 =	simm.s32 $0x78;
	s19 =	sadd.s32 $0x1680, s1;
	s26 =	sshrl.u32 s20, $0x3  }
0x18: {  	v0 =	vimm.f32 $0.0e+00;
	s21 =	sadd.s32 $0xF0, s0;
	s20 =	sadd.s32 s26, s4;
	s26 =	simm.s32 $0x17C00  }
.LBB2_1:
0x19: {  	s0 =	simm.s32 $0x0;
	s1 =	simm.s32 $0x200  }
.LBB2_2:
0x1a: {  	p0 =	sne.s32 s1, $0x9E00;
	[tilespmem:s0+$0x14070] =	vst v0  }
0x1b: {  	[tilespmem:s0+$0x14000] =	vst v0  }
0x1c: {  	[tilespmem:s0+$0x14010] =	vst v0  }
.Ltmp0:
0x1d: {  	[tilespmem:s0+$0x14020] =	vst v0;
	(pc) =	sbr.rel @p0 .LBB2_2-.Ltmp0, $4  }
0x1e: {  	[tilespmem:s0+$0x14030] =	vst v0  }
0x1f: {  	[tilespmem:s0+$0x14040] =	vst v0  }
0x20: {  	[tilespmem:s0+$0x14050] =	vst v0  }
0x21: {  	[tilespmem:s0+$0x14060] =	vst v0;
	s0 =	sshra.s32 s1, $0x2;
	s1 =	sadd.s32 $0x200, s1  }
0x22: {  	[tilespmem:s0+$0x14070] =	vst v0  }
0x23: {  	[tilespmem:s0+$0x14000] =	vst v0  }
0x24: {  	[tilespmem:s0+$0x14010] =	vst v0  }
0x25: {  	[tilespmem:s0+$0x14020] =	vst v0  }
0x26: {  	[tilespmem:s0+$0x14030] =	vst v0  }
0x27: {  	[tilespmem:s0+$0x14040] =	vst v0  }
0x28: {  	[tilespmem:s0+$0x14050] =	vst v0  }
0x29: {  	[tilespmem:s0+$0x14060] =	vst v0  }
0x2a: {  	[spmem:s5] =	stream.linear.scatter [tilespmem:s22], [sflag:$0x3], $0x2800, $0x38;
	[tilespmem:$0x1B900] =	vst v63  }
0x2b: {  	_ =	swait.ge [sflag:s23], $0x2800  }
0x2c: {  	[sflag:s23] =	ssyncset.done $0x0  }
0x2d: {  	s6 =	rddreg [dreg:$0x4];
	[sflag:s23] =	ssyncadd.s32 $0xFFFFD800  }
0x2e: {  	[spmem:s6] =	stream.linear.scatter [tilespmem:s22], [sflag:$0x3], $0x2800, $0x38;
	[tilespmem:$0x1B900] =	vst v63  }
0x2f: {  	_ =	swait.ge [sflag:s23], $0x2800  }
0x30: {  	[sflag:s23] =	ssyncset.done $0x0  }
0x31: {  	s7 =	rddreg [dreg:$0x5];
	[sflag:s23] =	ssyncadd.s32 $0xFFFFD800  }
0x32: {  	[spmem:s7] =	stream.linear.scatter [tilespmem:s22], [sflag:$0x3], $0x2800, $0x38;
	[tilespmem:$0x1B900] =	vst v63  }
0x33: {  	_ =	swait.ge [sflag:s23], $0x2800  }
0x34: {  	[sflag:s23] =	ssyncset.done $0x0  }
0x35: {  	s8 =	rddreg [dreg:$0x6];
	[sflag:s23] =	ssyncadd.s32 $0xFFFFD800  }
0x36: {  	[spmem:s8] =	stream.linear.scatter [tilespmem:s22], [sflag:$0x3], $0x2800, $0x38;
	[tilespmem:$0x1B900] =	vst v63  }
0x37: {  	_ =	swait.ge [sflag:s23], $0x2800  }
0x38: {  	[sflag:s23] =	ssyncset.done $0x0  }
0x39: {  	[sflag:s23] =	ssyncadd.s32 $0xFFFFD800  }
0x3a: {  	[spmem:s9] =	stream.linear.scatter [tilespmem:s22], [sflag:$0x3], $0x2800, $0x38;
	[tilespmem:$0x1B900] =	vst v63  }
0x3b: {  	_ =	swait.ge [sflag:s23], $0x2800  }
0x3c: {  	[sflag:s23] =	ssyncset.done $0x0  }
0x3d: {  	[sflag:s23] =	ssyncadd.s32 $0xFFFFD800  }
0x3e: {  	[spmem:s10] =	stream.linear.scatter [tilespmem:s22], [sflag:$0x3], $0x2800, $0x38;
	[tilespmem:$0x1B900] =	vst v63  }
0x3f: {  	_ =	swait.ge [sflag:s23], $0x2800  }
0x40: {  	[sflag:s23] =	ssyncset.done $0x0  }
0x41: {  	[sflag:s23] =	ssyncadd.s32 $0xFFFFD800  }
0x42: {  	[spmem:s11] =	stream.linear.scatter [tilespmem:s22], [sflag:$0x3], $0x2800, $0x38;
	[tilespmem:$0x1B900] =	vst v63  }
0x43: {  	_ =	swait.ge [sflag:s23], $0x2800  }
0x44: {  	[sflag:s23] =	ssyncset.done $0x0  }
0x45: {  	[sflag:s23] =	ssyncadd.s32 $0xFFFFD800  }
0x46: {  	[spmem:s12] =	stream.linear.scatter [tilespmem:s22], [sflag:$0x3], $0x2800, $0x38;
	[tilespmem:$0x1B900] =	vst v63  }
0x47: {  	_ =	swait.ge [sflag:s23], $0x2800  }
0x48: {  	[sflag:s23] =	ssyncset.done $0x0  }
0x49: {  	[sflag:s23] =	ssyncadd.s32 $0xFFFFD800  }
0x4a: {  	s1 =	simm.s32 $0x0;
	[bflag:$0x0] =	sbarrier.arrive $0xFFFF  }
0x4b: {  	[tilespmem:s22], [sflag:$0x3] =	stream.linear.gather [hbm4b:s15+s1], $0x3C00, $0x38;
	[tilespmem:$0x1B900] =	vst v63  }
0x4c: {  	_ =	swait.ge [sflag:s23], $0x3C00  }
0x4d: {  	[sflag:s23] =	ssyncset.done $0x0  }
0x4e: {  	[sflag:s23] =	ssyncadd.s32 $0xFFFFC400  }
0x4f: {  	[tilespmem:s24], [sflag:$0x3] =	stream.linear.gather [hbm4b:s16+s1], $0x78, $0x38;
	[tilespmem:$0x1B900] =	vst v63  }
0x50: {  	_ =	swait.ge [sflag:s23], $0x78  }
0x51: {  	[sflag:s23] =	ssyncset.done $0x0  }
0x52: {  	[sflag:s23] =	ssyncadd.s32 $0xFFFFFF88  }
0x53: {  	[spmem:s2] =	stream.indirect.scatter.add.f32 [tilespmem:s22], [sflag:$0x1], $0x80, s24, s25, $0xb8;
	[tilespmem:$0x1B900] =	vst v63  }
0x54: {  	_ = 	snop  }
0x55: {  	[tilespmem:s26], [sflag:$0x3] =	stream.linear.gather [hbm4b:s17+s1], $0x3C00, $0x38;
	[tilespmem:$0x1B900] =	vst v63  }
0x56: {  	_ =	swait.ge [sflag:s23], $0x3C00  }
0x57: {  	[sflag:s23] =	ssyncset.done $0x0  }
0x58: {  	[sflag:s23] =	ssyncadd.s32 $0xFFFFC400  }
0x59: {  	[tilespmem:s28], [sflag:$0x3] =	stream.linear.gather [hbm4b:s18+s1], $0x78, $0x38;
	[tilespmem:$0x1B900] =	vst v63  }
0x5a: {  	_ =	swait.ge [sflag:s23], $0x78  }
0x5b: {  	[sflag:s23] =	ssyncset.done $0x0  }
0x5c: {  	[sflag:s23] =	ssyncadd.s32 $0xFFFFFF88  }
0x5d: {  	[spmem:s2] =	stream.indirect.scatter.add.f32 [tilespmem:s26], [sflag:$0x2], $0x80, s28, s25, $0xb8;
	[tilespmem:$0x1B900] =	vst v63  }
0x5e: {  	_ =	swait.ge [sflag:s29], $0x3C00  }
0x5f: {  	[sflag:s29] =	ssyncset.done $0x0  }
0x60: {  	s6 =	sadd.s32 $0xFFFFF880, s19;
	[sflag:s29] =	ssyncadd.s32 $0xFFFFC400  }
0x61: {  	[tilespmem:s22], [sflag:$0x3] =	stream.linear.gather [hbm4b:s6+s3], $0x3C00, $0x38;
	[tilespmem:$0x1B900] =	vst v63  }
0x62: {  	_ =	swait.ge [sflag:s23], $0x3C00  }
0x63: {  	s7 =	sshrl.u32 s21, $0x3;
	[sflag:s23] =	ssyncset.done $0x0  }
0x64: {  	s0 =	sadd.s32 s4, s7;
	[sflag:s23] =	ssyncadd.s32 $0xFFFFC400  }
0x65: {  	[tilespmem:s24], [sflag:$0x3] =	stream.linear.gather [hbm4b:s0+s3], $0x78, $0x38;
	[tilespmem:$0x1B900] =	vst v63  }
0x66: {  	_ =	swait.ge [sflag:s23], $0x78  }
0x67: {  	[sflag:s23] =	ssyncset.done $0x0  }
0x68: {  	[sflag:s23] =	ssyncadd.s32 $0xFFFFFF88  }
0x69: {  	[spmem:s2] =	stream.indirect.scatter.add.f32 [tilespmem:s22], [sflag:$0x1], $0x80, s24, s25, $0xb8;
	[tilespmem:$0x1B900] =	vst v63  }
0x6a: {  	_ =	swait.ge [sflag:s30], $0x3C00  }
0x6b: {  	[sflag:s30] =	ssyncset.done $0x0  }
0x6c: {  	[sflag:s30] =	ssyncadd.s32 $0xFFFFC400  }
0x6d: {  	[tilespmem:s26], [sflag:$0x3] =	stream.linear.gather [hbm4b:s19+s3], $0x3C00, $0x38;
	[tilespmem:$0x1B900] =	vst v63  }
0x6e: {  	_ =	swait.ge [sflag:s23], $0x3C00  }
0x6f: {  	[sflag:s23] =	ssyncset.done $0x0  }
0x70: {  	s8 =	sadd.s32 $0x0, s20;
	[sflag:s23] =	ssyncadd.s32 $0xFFFFC400  }
0x71: {  	[tilespmem:s28], [sflag:$0x3] =	stream.linear.gather [hbm4b:s8+s3], $0x78, $0x38;
	[tilespmem:$0x1B900] =	vst v63  }
0x72: {  	_ =	swait.ge [sflag:s23], $0x78  }
0x73: {  	s1 =	sadd.s32 $0xF00, s19;
	[sflag:s23] =	ssyncset.done $0x0  }
0x74: {  	s6 =	sadd.s32 $0xF0, s21;
	s0 =	simm.s32 $0x1E;
	[sflag:s23] =	ssyncadd.s32 $0xFFFFFF88  }
.LBB2_4:
0x75: {  	[spmem:s2] =	stream.indirect.scatter.add.f32 [tilespmem:s26], [sflag:$0x2], $0x80, s28, s25, $0xb8;
	[tilespmem:$0x1B900] =	vst v63  }
0x76: {  	s7 =	smov.u32 s0  }
0x77: {  	p0 =	sne.s32 s0, $0x258;
	s0 =	sadd.s32 $0x1E, s0;
	_ =	swait.ge [sflag:s29], $0x3C00  }
0x78: {  	[sflag:s29] =	ssyncset.done $0x0  }
0x79: {  	s8 =	sadd.s32 $0xFFFFF880, s1;
	[sflag:s29] =	ssyncadd.s32 $0xFFFFC400  }
0x7a: {  	[tilespmem:s22], [sflag:$0x3] =	stream.linear.gather [hbm4b:s8+s3], $0x3C00, $0x38;
	[tilespmem:$0x1B900] =	vst v63  }
0x7b: {  	_ =	swait.ge [sflag:s23], $0x3C00  }
0x7c: {  	s8 =	sshrl.u32 s6, $0x3;
	[sflag:s23] =	ssyncset.done $0x0  }
0x7d: {  	s8 =	sadd.s32 s4, s8;
	[sflag:s23] =	ssyncadd.s32 $0xFFFFC400  }
0x7e: {  	[tilespmem:s24], [sflag:$0x3] =	stream.linear.gather [hbm4b:s8+s3], $0x78, $0x38;
	[tilespmem:$0x1B900] =	vst v63  }
0x7f: {  	_ =	swait.ge [sflag:s23], $0x78  }
0x80: {  	[sflag:s23] =	ssyncset.done $0x0  }
0x81: {  	[sflag:s23] =	ssyncadd.s32 $0xFFFFFF88  }
0x82: {  	[spmem:s2] =	stream.indirect.scatter.add.f32 [tilespmem:s22], [sflag:$0x1], $0x80, s24, s25, $0xb8;
	[tilespmem:$0x1B900] =	vst v63  }
0x83: {  	_ =	swait.ge [sflag:s30], $0x3C00  }
0x84: {  	[sflag:s30] =	ssyncset.done $0x0  }
0x85: {  	[sflag:s30] =	ssyncadd.s32 $0xFFFFC400  }
0x86: {  	[tilespmem:s26], [sflag:$0x3] =	stream.linear.gather [hbm4b:s1+s3], $0x3C00, $0x38;
	[tilespmem:$0x1B900] =	vst v63  }
0x87: {  	_ =	swait.ge [sflag:s23], $0x3C00  }
0x88: {  	[sflag:s23] =	ssyncset.done $0x0  }
.Ltmp1:
0x89: {  	s7 =	sadd.s32 s7, s20;
	[sflag:s23] =	ssyncadd.s32 $0xFFFFC400;
	(pc) =	sbr.rel @p0 .LBB2_4-.Ltmp1, $4  }
0x8a: {  	[tilespmem:s28], [sflag:$0x3] =	stream.linear.gather [hbm4b:s7+s3], $0x78, $0x38;
	[tilespmem:$0x1B900] =	vst v63  }
0x8b: {  	_ =	swait.ge [sflag:s23], $0x78  }
0x8c: {  	[sflag:s23] =	ssyncset.done $0x0  }
0x8d: {  	s6 =	sadd.s32 $0xF0, s6;
	s1 =	sadd.s32 $0xF00, s1;
	[sflag:s23] =	ssyncadd.s32 $0xFFFFFF88  }
0x8e: {  	[spmem:s2] =	stream.indirect.scatter.add.f32 [tilespmem:s26], [sflag:$0x2], $0x80, s28, s25, $0xb8;
	[tilespmem:$0x1B900] =	vst v63  }
0x8f: {  	_ =	swait.ge [sflag:s29], $0x3C00  }
0x90: {  	[sflag:s29] =	ssyncset.done $0x0  }
0x91: {  	[sflag:s29] =	ssyncadd.s32 $0xFFFFC400  }
0x92: {  	s0 =	stileid.u32;
	_ =	swait.ge [sflag:s30], $0x3C00  }
0x93: {  	s1 =	sshrl.u32 s5, $0x3;
	s31 =	sadd.s32 $0x1, s31;
	[sflag:s30] =	ssyncset.done $0x0  }
0x94: {  	s0 =	sshll.u32 s0, $0x6;
	p0 =	sne.s32 s31, s14;
	[sflag:s30] =	ssyncadd.s32 $0xFFFFC400  }
.Ltmp2:
0x95: {  	s0 =	sor.u32 $0x1C03, s0;
	[bflag:$0x0] =	sbarrier.arrive $0xFFFF;
	(pc) =	sbr.rel @p0 .LBB2_1-.Ltmp2, $4  }
0x96: {  	[hbm:s13], [sflag:s0] =	dma.local [spmem:s1], $0x2800  }
0x97: {  	_ =	swait.ge [sflag:s23], $0x2800  }
0x98: {  	[sflag:s23] =	ssyncset.done $0x0  }
0x99: {  	[sflag:s23] =	ssyncadd.s32 $0xFFFFD800  }
0x9a: {  	_ =	sfence.sel $0x180000  }
0x9b: {  	[bflag:$0x0] =	sbarrier.arrive $0xFFFF  }
0x9c: {  	_ =	strace $0x9000004A  }
0x9d: {  	s0 =	stileid.u32;
	[bflag:$0x2] =	sbarrier.arrive $0xFFFF  }
0x9e: {  	p0 =	sne.s32 s0, $0x0;
	s0 =	rddreg [dreg:$0x3]  }
0x9f: {  	s0 =	sadd.s32 @!p0 $0x100000, s0  }
0xa0: {  	[sflag:s0] =	ssyncadd.tile.s32 @!p0 $0x1;
	_ =	shalt  }
.Lfunc_end2:
_tile_overlayer_lowered:
.L_overlay_start_2:
0xa1: {  	(tag) =	ssettag $0x2  }
0xa2: {  	s0 =	rddreg [dreg:$0x0];
	s2 =	stileid.u32  }
0xa3: {  	s1 =	rddreg [dreg:$0x1];
	p0 =	sne.s32 s2, $0x0  }
0xa4: {  	s3 =	rddreg [dreg:$0x2];
	[bflag:$0x3] =	sbarrier.arrive $0xFFFF;
	s2 =	simm.s32 @!p0 $0x1C03  }
0xa5: {  	[timem:s3], [sflag:s2] =	dma.local @!p0 [hbm:s0], s1  }
0xa6: {  	s0 =	simm.s32 @!p0 $0x3  }
0xa7: {  	_ =	swait.ge @!p0 [sflag:s0], s1  }
0xa8: {  	s1 =	ssub.s32 @!p0 $0x0, s1;
	[sflag:s0] =	ssyncset.done @!p0 $0x0  }
0xa9: {  	[sflag:s0] =	ssyncadd.s32 @!p0 s1  }
0xaa: {  	[bflag:$0x3] =	sbarrier.arrive $0xFFFF  }
0xab: {  	_ =	shalt  }

// kernel: kernel.14.cloned.1.call-start
scs
__scs_entry_jumppad:
0x0: {  	(pc) =	sbr.rel $0x88, $3  }
0x1: {  	(tag) =	ssettag $0x0;
	lr =	simm.s32 $0x1  }
0x2: {  	[smem:$0x3F94] =	sst lr;
	_ =	strace $0xD0000000  }
0x3: {  	_ = 	snop  }
0x4: {  	_ = 	snop  }
0x5: {  	_ = 	snop  }
0x6: {  	_ = 	snop  }
0x7: {  	_ = 	snop  }
__scs_overlays_trampoline_lowered:
0x8: {  	[smem:$0x3FA3] =	sst s0  }
0x9: {  	[smem:$0x3FA4] =	sst s1  }
0xa: {  	[smem:$0x3FA5] =	sst s2  }
0xb: {  	[smem:$0x3FA6] =	sst s3  }
0xc: {  	[smem:$0x3FA7] =	sst s4  }
0xd: {  	[smem:$0x3FA8] =	sst s5  }
0xe: {  	[smem:$0x3FA9] =	sst s6  }
0xf: {  	[smem:$0x3FAA] =	sst s7  }
0x10: {  	[smem:$0x3FAB] =	sst s8  }
0x11: {  	[smem:$0x3FAC] =	sst s9;
	s0 =	simm.s32 @!p0 $0x0  }
0x12: {  	s1 =	sld [smem:$0x3F92];
	s0 =	simm.s32 @p0 $0x1  }
0x13: {  	[smem:$0x3FAD] =	sst s0;
	s0 =	simm.s32 @!p1 $0x0  }
0x14: {  	s2 =	sld [smem:$0x3F91];
	s0 =	simm.s32 @p1 $0x1  }
0x15: {  	[smem:$0x3FAE] =	sst s0;
	s0 =	simm.s32 @!p2 $0x0  }
0x16: {  	s3 =	sld [smem:$0x3FDB];
	s0 =	simm.s32 @p2 $0x1  }
0x17: {  	s4 =	simm.s32 $0x1BF5;
	[smem:$0x3FB0] =	sst s0  }
0x18: {  	s0 =	sld [smem:$0x3F93];
	_ =	swait.ge [sflag:s4], $0x0  }
0x19: {  	s7 =	sld [smem:$0x3F94]  }
0x1a: {  	s8 =	sadd.s32 $0xFFFFE003, lr  }
0x1b: {  	s9 =	sadd.s32 $0xFFFFFEF7, lr;
	s5 =	simm.s32 $0xFFFFFFFF;
	p2 =	slt.u32 s8, $0xFFFFF086  }
0x1c: {  	p1 =	slt.u32 s9, $0xF7A;
	s5 =	simm.s32 @!p2 $0x0  }
0x1d: {  	s5 =	simm.s32 @p1 $0x1;
	p0 =	seq.s32 s7, s2  }
0x1e: {  	s7 =	smul.u32 @!p0 $0xF7A, s2;
	p2 =	seq.s32 @!p0 s5, $0x0  }
0x1f: {  	s9 =	smul.u32 $0xF7A, s1;
	s8 =	simm.s32 @!p0 $0x1BF5;
	p2 =	por !p2, p0  }
0x20: {  	[sflag:s8] =	ssyncset.s32 @!p0 $0xFFFFF086;
	s6 =	sadd.s32 @!p0 s3, s7;
	s7 =	simm.s32 @!p0 $0x108  }
0x21: {  	s3 =	sadd.s32 s3, s9;
	s6 =	sadd.s32 @!p0 $0x88, s6;
	s7 =	simm.s32 @p2 $0x1082  }
0x22: {  	[simem:s7], [sflag:s8] =	dma.local @!p0 [hbm:s6], $0xF7A  }
0x23: {  	s9 =	sor.u32 $0xD0000000, s2;
	s6 =	simm.s32 $0x108;
	_ =	swait.ge @!p0 [sflag:s8], $0x0  }
0x24: {  	s3 =	sadd.s32 $0x88, s3;
	s6 =	simm.s32 @!p1 $0x1082;
	[sflag:s4] =	ssyncset.s32 $0xFFFFF086  }
0x25: {  	[simem:s6], [sflag:s4] =	dma.local [hbm:s3], $0xF7A  }
0x26: {  	[smem:$0x3F94] =	sst s1;
	(tag) =	ssettag s2;
	_ =	strace s9  }
0x27: {  	s1 =	sld [smem:$0x3FA4]  }
0x28: {  	s2 =	sld [smem:$0x3FA5]  }
0x29: {  	s4 =	sld [smem:$0x3FA7]  }
0x2a: {  	p0 =	seq.s32 s5, $0x0;
	s5 =	sld [smem:$0x3FA8]  }
0x2b: {  	s6 =	sld [smem:$0x3FA9]  }
0x2c: {  	s7 =	sld [smem:$0x3FAA]  }
0x2d: {  	s3 =	simm.s32 $0x108;
	s8 =	sld [smem:$0x3FAB]  }
0x2e: {  	s3 =	simm.s32 @!p0 $0x1082;
	s9 =	sld [smem:$0x3FAC]  }
0x2f: {  	lr =	sadd.s32 s0, s3;
	s0 =	sld [smem:$0x3FA3]  }
0x30: {  	s3 =	sld [smem:$0x3FA6]  }
0x31: {  	[smem:$0x3FAF] =	sst s10  }
0x32: {  	s10 =	sld [smem:$0x3FAD];
	_ =	sdelay $0x3  }
0x33: {  	p0 =	seq.s32 s10, $0x1;
	s10 =	sld [smem:$0x3FAF];
	_ =	sdelay $0x3  }
0x34: {  	[smem:$0x3FAF] =	sst s10  }
0x35: {  	s10 =	sld [smem:$0x3FAE];
	_ =	sdelay $0x3  }
0x36: {  	p1 =	seq.s32 s10, $0x1;
	s10 =	sld [smem:$0x3FAF];
	_ =	sdelay $0x3  }
0x37: {  	[smem:$0x3FAF] =	sst s10  }
0x38: {  	s10 =	sld [smem:$0x3FB0]  }
0x39: {  	_ = 	snop;
	(pc) =	sbr.ind lr, $3  }
0x3a: {  	_ = 	snop  }
0x3b: {  	_ = 	snop  }
0x3c: {  	p2 =	seq.s32 s10, $0x1;
	s10 =	sld [smem:$0x3FAF]  }
0x3d: {  	_ =	shalt  }
0x3e: {  	_ =	shalt  }
0x3f: {  	_ =	shalt  }
0x40: {  	_ =	shalt  }
0x41: {  	_ =	shalt  }
0x42: {  	_ =	shalt  }
0x43: {  	_ =	shalt  }
0x44: {  	_ =	shalt  }
0x45: {  	_ =	shalt  }
0x46: {  	_ =	shalt  }
0x47: {  	_ =	shalt  }
0x48: {  	_ =	shalt  }
0x49: {  	_ =	shalt  }
0x4a: {  	_ =	shalt  }
0x4b: {  	_ =	shalt  }
0x4c: {  	_ =	shalt  }
0x4d: {  	_ =	shalt  }
0x4e: {  	_ =	shalt  }
0x4f: {  	_ =	shalt  }
0x50: {  	_ =	shalt  }
0x51: {  	_ =	shalt  }
0x52: {  	_ =	shalt  }
0x53: {  	_ =	shalt  }
0x54: {  	_ =	shalt  }
0x55: {  	_ =	shalt  }
0x56: {  	_ =	shalt  }
0x57: {  	_ =	shalt  }
0x58: {  	_ =	shalt  }
0x59: {  	_ =	shalt  }
0x5a: {  	_ =	shalt  }
0x5b: {  	_ =	shalt  }
0x5c: {  	_ =	shalt  }
0x5d: {  	_ =	shalt  }
0x5e: {  	_ =	shalt  }
0x5f: {  	_ =	shalt  }
0x60: {  	_ =	shalt  }
0x61: {  	_ =	shalt  }
0x62: {  	_ =	shalt  }
0x63: {  	_ =	shalt  }
0x64: {  	_ =	shalt  }
0x65: {  	_ =	shalt  }
0x66: {  	_ =	shalt  }
0x67: {  	_ =	shalt  }
0x68: {  	_ =	shalt  }
0x69: {  	_ =	shalt  }
0x6a: {  	_ =	shalt  }
0x6b: {  	_ =	shalt  }
0x6c: {  	_ =	shalt  }
0x6d: {  	_ =	shalt  }
0x6e: {  	_ =	shalt  }
0x6f: {  	_ =	shalt  }
0x70: {  	_ =	shalt  }
0x71: {  	_ =	shalt  }
0x72: {  	_ =	shalt  }
0x73: {  	_ =	shalt  }
0x74: {  	_ =	shalt  }
0x75: {  	_ =	shalt  }
0x76: {  	_ =	shalt  }
0x77: {  	_ =	shalt  }
0x78: {  	_ =	shalt  }
0x79: {  	_ =	shalt  }
0x7a: {  	_ =	shalt  }
0x7b: {  	_ =	shalt  }
0x7c: {  	_ =	shalt  }
0x7d: {  	_ =	shalt  }
0x7e: {  	_ =	shalt  }
0x7f: {  	_ =	shalt  }
0x80: {  	_ =	shalt  }
0x81: {  	_ =	shalt  }
0x82: {  	_ =	shalt  }
0x83: {  	_ =	shalt  }
0x84: {  	_ =	shalt  }
0x85: {  	_ =	shalt  }
0x86: {  	_ =	shalt  }
0x87: {  	_ =	shalt  }
.Lfunc_end0:
.L_simem_size_0:
called_computation.2_lowered:
.L_overlay_start_0:
0x88: {  	s2 =	sld [smem:$0x3FD9]  }
0x89: {  	s3 =	sld [smem:$0x3FFE];
	_ =	sdelay $0x1  }
0x8a: {  	s1 =	srdreg.scid  }
0x8b: {  	s0 =	sand.u32 $0x1, s1  }
0x8c: {  	s17 =	sshll.u32 s0, $0xA;
	s2 =	sadd.s32 s3, s2  }
0x8d: {  	s2 =	sadd.s32 s2, s17  }
0x8e: {  	[smem:$0x3FBB] =	sst s2  }
0x8f: {  	_ = 	snop  }
0x90: {  	(tm) =	ssettm $0x1  }
0x91: {  	s18 =	sld [smem:$0x3FFB];
	_ =	sdelay $0x3  }
0x92: {  	_ =	strace s18  }
0x93: {  	s2 =	sld [smem:$0x3FFC];
	_ =	sdelay $0x3  }
0x94: {  	_ =	strace s2  }
0x95: {  	s2 =	sld [smem:$0x3FFD];
	_ =	sdelay $0x3  }
0x96: {  	_ =	strace s2  }
0x97: {  	_ =	strace $0x8FFFFFFF  }
0x98: {  	s19 =	sld [smem:$0x3FDB];
	_ =	sdelay $0x1  }
0x99: {  	s20 =	simm.s32 $_scs_section_size  }
0x9a: {  	s4 =	simm.s32 $_size__tile_overlayer_lowered;
	s5 =	simm.s32 $_tile_overlayer_lowered  }
0x9b: {  	s6 =	simm.s32 $0x1BFF;
	s21 =	sshll.u32 s5, $0x1;
	s3 =	sadd.s32 s20, s19  }
0x9c: {  	s22 =	simm.s32 $0x0;
	s4 =	sshll.u32 s4, $0x1;
	s5 =	sadd.s32 s21, s3  }
0x9d: {  	[timem:s22], [sflag:s6] =	dma.local [hbm:s5], s4  }
0x9e: {  	_ =	swait.ge [sflag:s6], s4  }
0x9f: {  	s4 =	ssub.s32 $0x0, s4;
	[sflag:s6] =	ssyncset.done $0x0  }
0xa0: {  	[sflag:s6] =	ssyncadd.s32 s4;
	_ =	sdelay $0x1  }
0xa1: {  	s23 =	simm.s32 $0x1B8B  }
0xa2: {  	_ =	swait.ge [sflag:s23], $0x1  }
0xa3: {  	[sflag:s23] =	ssyncset.done $0x0  }
0xa4: {  	[sflag:s23] =	ssyncadd.s32 $0xFFFFFFFF  }
0xa5: {  	s4 =	sld [smem:$0x0]  }
0xa6: {  	s5 =	sand.u32 $0xFFFFFFFE, s1  }
0xa7: {  	p0 =	sne.s32 s1, s5  }
0xa8: {  	s5 =	sshll.u32 @p0 s5, $0xE  }
0xa9: {  	s5 =	sadd.s32 @p0 $0x11B8D, s5;
	s6 =	sshll.u32 @p0 s4, $0x11  }
0xaa: {  	s5 =	sor.u32 @p0 s6, s5  }
0xab: {  	[sflag:s5] =	ssyncadd.remote.s32 @p0 $0x1;
	_ =	sdelay $0x1  }
0xac: {  	s5 =	simm.s32 @p0 $0x1B8D  }
0xad: {  	_ =	swait.eq @p0 [sflag:s5], $0x1  }
0xae: {  	[sflag:s5] =	ssyncadd.s32 @p0 $0xFFFFFFFF  }
0xaf: {  	s6 =	sshll.u32 @!p0 s1, $0xE  }
0xb0: {  	s6 =	sor.u32 @!p0 $0x4000, s6;
	s5 =	simm.s32 @!p0 $0x1B8D  }
0xb1: {  	s4 =	sshll.u32 @!p0 s4, $0x11;
	s6 =	sadd.s32 @!p0 $0x11B8D, s6;
	_ =	swait.eq @!p0 [sflag:s5], $0x1  }
0xb2: {  	s4 =	sor.u32 @!p0 s4, s6;
	[sflag:s5] =	ssyncadd.s32 @!p0 $0xFFFFFFFF  }
0xb3: {  	s25 =	simm.s32 $0x1B8E;
	s24 =	sld [smem:$0x3FFE];
	[sflag:s4] =	ssyncadd.remote.s32 @!p0 $0x1  }
0xb4: {  	s26 =	simm.s32 $execute0_lowered;
	[smem:$0x3FD2] =	sst s25  }
0xb5: {  	s5 =	sshll.u32 s26, $0x1;
	_ =	strace $0x8000004C;
	[dreg:$0x1] =	wrdreg $0xFFFFFFFF  }
0xb6: {  	s28 =	simm.s32 $_size_execute0_lowered;
	s3 =	sadd.s32 s3, s5;
	[dreg:$0x0] =	wrdreg $0x0  }
0xb7: {  	s5 =	sshll.u32 s28, $0x1;
	[dreg:$0x2] =	wrdreg s3  }
0xb8: {  	[dreg:$0x3] =	wrdreg s5  }
0xb9: {  	[dreg:$0x4] =	wrdreg $0xC0  }
0xba: {  	_ =	task [dreg:s22], $0x5FFFF  }
0xbb: {  	[dreg:$0x1] =	wrdreg $0xFFFFFFFF  }
0xbc: {  	[dreg:$0x0] =	wrdreg $0x60  }
0xbd: {  	[dreg:$0x2] =	wrdreg s24  }
0xbe: {  	[dreg:$0x3] =	wrdreg $0x0  }
0xbf: {  	[dreg:$0x4] =	wrdreg $0xA  }
0xc0: {  	_ =	task.clear_ibuf [dreg:s22], $0x5FFFF;
	_ =	strace $0x9000004C  }
0xc1: {  	s29 =	simm.s32 $0xA;
	_ =	strace $0x8000004E  }
0xc2: {  	_ =	swait.ge [sflag:s29], $0x1  }
0xc3: {  	[sflag:s29] =	ssyncadd.s32 $0xFFFFFFFF  }
0xc4: {  	_ =	strace $0x9000004E  }
0xc5: {  	_ =	sfence  }
0xc6: {  	s30 =	sld [smem:$0x0];
	_ =	sdelay $0x2  }
0xc7: {  	s31 =	sshll.u32 s1, $0xD;
	s1 =	sshrl.u32 s1, $0x2  }
0xc8: {  	s4 =	sand.u32 $0x4000, s31;
	s1 =	sadd.s32 s1, s30  }
0xc9: {  	s0 =	sor.u32 s4, s0;
	s1 =	sshll.u32 s1, $0x11  }
0xca: {  	s0 =	sor.u32 s1, s0  }
0xcb: {  	s0 =	sadd.s32 $0x8F2B, s0  }
0xcc: {  	[sflag:s0] =	ssyncadd.remote.s32 $0x1  }
0xcd: {  	_ =	sfence.sel $0xFFFF  }
0xce: {  	[dreg:$0x0] =	wrdreg $0xFFFFFFFF;
	(pc) =	sbr.abs _section_cstart, $3  }
0xcf: {  	[dreg:$0x1] =	wrdreg $0xFFFFFFFF  }
0xd0: {  	_ =	task.clear_ibuf [dreg:s22], $0x2FFFF;
	_ =	strace $0x9FFFFFFF  }
0xd1: {  	(tm) =	ssettm $0x7FFFFFFF  }
tec
execute0_lowered:
.L_overlay_start_1:
0x0: {  	(tag) =	ssettag $0x1  }
0x1: {  	s0 =	rddreg [dreg:$0x0]  }
0x2: {  	s2 =	rddreg [dreg:$0x1];
	s14 =	stileid.u32  }
0x3: {  	s3 =	simm.s32 $0x0;
	s1 =	srdreg.scid;
	s5 =	smul.u32 $0x14000, s14  }
0x4: {  	[smem:$0x7FF] =	sst s3;
	s7 =	sadd.s32 $0xD66E00, s0;
	s8 =	smul.u32 $0x50000, s14  }
0x5: {  	s1 =	sand.u32 $0x1, s1;
	s21 =	sadd.s32 $0xD66E80, s0;
	s26 =	smul.u32 $0xA5000, s14  }
0x6: {  	s4 =	sadd.s32 $0x8600, s0;
	s22 =	sadd.s32 $0xD66F00, s0;
	s6 =	smul.u32 $0x500000, s1  }
0x7: {  	s18 =	sshll.u32 s14, $0x1;
	s30 =	smul.u32 $0x2940, s14;
	_ =	strace $0x8000004D  }
0x8: {  	s9 =	ssub.s32 $0x2, s1;
	s5 =	sadd.s32 s5, s6;
	s6 =	sor.u32 s1, s18  }
0x9: {  	s10 =	sshrl.u32 s9, $0x1;
	s8 =	sshrl.u32 s8, $0x2;
	s11 =	smul.u32 $0x14A0, s6  }
0xa: {  	s9 =	ssub.s32 s9, s10;
	s5 =	sshrl.u32 s5, $0x3;
	s6 =	smul.u32 $0x52800, s6  }
0xb: {  	s9 =	smax.u32 s9, $0x1;
	s12 =	sadd.s32 s5, s0;
	s5 =	sadd.s32 s8, s2  }
0xc: {  	s0 =	sadd.s32 $0xD66F80, s0;
	[dreg:$0x7] =	wrdreg s9;
	s9 =	simm.s32 $0x400  }
0xd: {  	s19 =	sadd.s32 $0x78, s11;
	s20 =	sadd.s32 $0x82E00, s12;
	s13 =	sadd.s32 $0xAAE00, s12  }
0xe: {  	s15 =	sadd.s32 $0xD2E00, s12;
	s12 =	sadd.s32 $0xFAE00, s12;
	[dreg:$0x3] =	wrdreg s20  }
0xf: {  	s23 =	sadd.s32 s7, s6;
	s24 =	sshrl.u32 s11, $0x3;
	[dreg:$0x4] =	wrdreg s13  }
0x10: {  	s14 =	sadd.s32 s6, s21;
	s16 =	sadd.s32 s6, s22;
	[dreg:$0x5] =	wrdreg s15  }
0x11: {  	s6 =	sadd.s32 s6, s0;
	s31 =	sadd.s32 $0xA000, s5;
	[dreg:$0x6] =	wrdreg s12  }
0x12: {  	s11 =	simm.s32 $0x16800;
	[dreg:$0x8] =	wrdreg s23;
	s29 =	sadd.s32 s4, s24  }
0x13: {  	s25 =	sshll.u32 s19, $0x6;
	[dreg:$0xb] =	wrdreg s14;
	s15 =	smul.u32 $0x14A0, s1  }
0x14: {  	s8 =	sshrl.u32 s19, $0x3;
	s1 =	smul.u32 $0x52800, s1;
	[dreg:$0xd] =	wrdreg s16  }
0x15: {  	[dreg:$0xf] =	wrdreg s6;
	s6 =	sadd.s32 $0x11800, s5;
	s28 =	sadd.s32 s7, s25  }
0x16: {  	s13 =	simm.s32 $0x1E000;
	s8 =	sadd.s32 s4, s8;
	[dreg:$0x9] =	wrdreg s28  }
0x17: {  	s16 =	simm.s32 $0x1A400;
	s10 =	sadd.s32 s25, s21;
	[dreg:$0xa] =	wrdreg s8  }
0x18: {  	s7 =	sadd.s32 s26, s7;
	s17 =	sadd.s32 s25, s22;
	[dreg:$0xc] =	wrdreg s10  }
0x19: {  	s0 =	sadd.s32 s25, s0;
	s26 =	sadd.s32 $0x2800, s5;
	[dreg:$0xe] =	wrdreg s17  }
0x1a: {  	s8 =	sadd.s32 s15, s30;
	s1 =	sadd.s32 s1, s7;
	[dreg:$0x10] =	wrdreg s0  }
0x1b: {  	[dreg:$0x15] =	wrdreg s26;
	s28 =	sadd.s32 $0x5000, s5;
	s30 =	sadd.s32 $0x7800, s5  }
0x1c: {  	s0 =	sadd.s32 $0xC800, s5;
	s7 =	simm.s32 $0x14000;
	s10 =	simm.s32 $0x1000  }
0x1d: {  	s15 =	simm.s32 $0x78;
	s17 =	simm.s32 $0x1E080;
	[dreg:$0x16] =	wrdreg s28  }
0x1e: {  	s18 =	sadd.s32 $0x168, s8;
	s19 =	sadd.s32 $0x5A00, s1;
	[dreg:$0x17] =	wrdreg s30  }
0x1f: {  	s23 =	sadd.s32 $0xF0, s8;
	s21 =	sadd.s32 $0x5A80, s1;
	[dreg:$0x11] =	wrdreg s19  }
0x20: {  	s24 =	sadd.s32 $0x5B00, s1;
	s25 =	sadd.s32 $0x5B80, s1;
	[dreg:$0x12] =	wrdreg s21  }
0x21: {  	s1 =	sadd.s32 $0xF000, s5;
	s8 =	simm.s32 $0x3;
	[dreg:$0x13] =	wrdreg s24  }
0x22: {  	s20 =	sshrl.u32 s18, $0x3;
	[dreg:$0x14] =	wrdreg s25;
	s18 =	simm.s32 $0x1  }
0x23: {  	v0 =	vimm.f32 $0.0e+00;
	s19 =	simm.s32 $0x2;
	s22 =	sadd.s32 s20, s4;
	s20 =	simm.s32 $0x0  }
.LBB2_1:
0x24: {  	s12 =	simm.s32 $0x0;
	s14 =	simm.s32 $0x200  }
.LBB2_2:
0x25: {  	p0 =	sne.s32 s14, $0x9E00;
	[tilespmem:s12+$0x14070] =	vst v0  }
0x26: {  	[tilespmem:s12+$0x14000] =	vst v0  }
0x27: {  	[tilespmem:s12+$0x14010] =	vst v0  }
.Ltmp0:
0x28: {  	[tilespmem:s12+$0x14020] =	vst v0;
	(pc) =	sbr.rel @p0 .LBB2_2-.Ltmp0, $4  }
0x29: {  	[tilespmem:s12+$0x14030] =	vst v0  }
0x2a: {  	[tilespmem:s12+$0x14040] =	vst v0  }
0x2b: {  	[tilespmem:s12+$0x14050] =	vst v0  }
0x2c: {  	[tilespmem:s12+$0x14060] =	vst v0;
	s12 =	sshra.s32 s14, $0x2;
	s14 =	sadd.s32 $0x200, s14  }
0x2d: {  	[tilespmem:s12+$0x14070] =	vst v0  }
0x2e: {  	[tilespmem:s12+$0x14000] =	vst v0  }
0x2f: {  	[tilespmem:s12+$0x14010] =	vst v0  }
0x30: {  	[tilespmem:s12+$0x14020] =	vst v0  }
0x31: {  	[tilespmem:s12+$0x14030] =	vst v0  }
0x32: {  	[tilespmem:s12+$0x14040] =	vst v0  }
0x33: {  	[tilespmem:s12+$0x14050] =	vst v0  }
0x34: {  	[tilespmem:s12+$0x14060] =	vst v0  }
0x35: {  	[spmem:s5] =	stream.linear.scatter [tilespmem:s7], [sflag:$0x3], $0x2800, $0x38;
	[tilespmem:$0x1E100] =	vst v63  }
0x36: {  	_ =	swait.ge [sflag:s8], $0x2800  }
0x37: {  	[sflag:s8] =	ssyncset.done $0x0  }
0x38: {  	s26 =	rddreg [dreg:$0x15];
	[sflag:s8] =	ssyncadd.s32 $0xFFFFD800  }
0x39: {  	[spmem:s26] =	stream.linear.scatter [tilespmem:s7], [sflag:$0x3], $0x2800, $0x38;
	[tilespmem:$0x1E100] =	vst v63  }
0x3a: {  	_ =	swait.ge [sflag:s8], $0x2800  }
0x3b: {  	[sflag:s8] =	ssyncset.done $0x0  }
0x3c: {  	s28 =	rddreg [dreg:$0x16];
	[sflag:s8] =	ssyncadd.s32 $0xFFFFD800  }
0x3d: {  	[spmem:s28] =	stream.linear.scatter [tilespmem:s7], [sflag:$0x3], $0x2800, $0x38;
	[tilespmem:$0x1E100] =	vst v63  }
0x3e: {  	_ =	swait.ge [sflag:s8], $0x2800  }
0x3f: {  	[sflag:s8] =	ssyncset.done $0x0  }
0x40: {  	s30 =	rddreg [dreg:$0x17];
	[sflag:s8] =	ssyncadd.s32 $0xFFFFD800  }
0x41: {  	[spmem:s30] =	stream.linear.scatter [tilespmem:s7], [sflag:$0x3], $0x2800, $0x38;
	[tilespmem:$0x1E100] =	vst v63  }
0x42: {  	_ =	swait.ge [sflag:s8], $0x2800  }
0x43: {  	[sflag:s8] =	ssyncset.done $0x0  }
0x44: {  	[sflag:s8] =	ssyncadd.s32 $0xFFFFD800  }
0x45: {  	[spmem:s31] =	stream.linear.scatter [tilespmem:s7], [sflag:$0x3], $0x2800, $0x38;
	[tilespmem:$0x1E100] =	vst v63  }
0x46: {  	_ =	swait.ge [sflag:s8], $0x2800  }
0x47: {  	[sflag:s8] =	ssyncset.done $0x0  }
0x48: {  	[sflag:s8] =	ssyncadd.s32 $0xFFFFD800  }
0x49: {  	[spmem:s0] =	stream.linear.scatter [tilespmem:s7], [sflag:$0x3], $0x2800, $0x38;
	[tilespmem:$0x1E100] =	vst v63  }
0x4a: {  	_ =	swait.ge [sflag:s8], $0x2800  }
0x4b: {  	[sflag:s8] =	ssyncset.done $0x0  }
0x4c: {  	[sflag:s8] =	ssyncadd.s32 $0xFFFFD800  }
0x4d: {  	[spmem:s1] =	stream.linear.scatter [tilespmem:s7], [sflag:$0x3], $0x2800, $0x38;
	[tilespmem:$0x1E100] =	vst v63  }
0x4e: {  	_ =	swait.ge [sflag:s8], $0x2800  }
0x4f: {  	[sflag:s8] =	ssyncset.done $0x0  }
0x50: {  	[sflag:s8] =	ssyncadd.s32 $0xFFFFD800  }
0x51: {  	[spmem:s6] =	stream.linear.scatter [tilespmem:s7], [sflag:$0x3], $0x2800, $0x38;
	[tilespmem:$0x1E100] =	vst v63  }
0x52: {  	_ =	swait.ge [sflag:s8], $0x2800  }
0x53: {  	[sflag:s8] =	ssyncset.done $0x0  }
0x54: {  	[sflag:s8] =	ssyncadd.s32 $0xFFFFD800  }
0x55: {  	[bflag:$0x0] =	sbarrier.arrive $0xFFFF  }
0x56: {  	s14 =	rddreg [dreg:$0x8]  }
0x57: {  	[tilespmem:s11], [sflag:$0x3] =	stream.strided.gather [hbm4b:s14+s9], $0x3C00, s10, s9, $0x38;
	[tilespmem:$0x1E100] =	vst v63  }
0x58: {  	_ =	swait.ge [sflag:s8], $0x3C00  }
0x59: {  	[sflag:s8] =	ssyncset.done $0x0  }
0x5a: {  	s21 =	simm.s32 $0x0;
	[sflag:s8] =	ssyncadd.s32 $0xFFFFC400  }
0x5b: {  	[tilespmem:s13], [sflag:$0x3] =	stream.linear.gather [hbm4b:s29+s21], $0x78, $0x38;
	[tilespmem:$0x1E100] =	vst v63  }
0x5c: {  	_ =	swait.ge [sflag:s8], $0x78  }
0x5d: {  	[sflag:s8] =	ssyncset.done $0x0  }
0x5e: {  	[sflag:s8] =	ssyncadd.s32 $0xFFFFFF88  }
0x5f: {  	[spmem:s2] =	stream.indirect.scatter.add.f32 [tilespmem:s11], [sflag:$0x1], $0x80, s13, s15, $0xb8;
	[tilespmem:$0x1E100] =	vst v63  }
0x60: {  	s14 =	rddreg [dreg:$0x9]  }
0x61: {  	[tilespmem:s16], [sflag:$0x3] =	stream.strided.gather [hbm4b:s14+s9], $0x3C00, s10, s9, $0x38;
	[tilespmem:$0x1E100] =	vst v63  }
0x62: {  	_ =	swait.ge [sflag:s8], $0x3C00  }
0x63: {  	[sflag:s8] =	ssyncset.done $0x0  }
0x64: {  	s24 =	rddreg [dreg:$0xa];
	[sflag:s8] =	ssyncadd.s32 $0xFFFFC400  }
0x65: {  	[tilespmem:s17], [sflag:$0x3] =	stream.linear.gather [hbm4b:s24+s21], $0x78, $0x38;
	[tilespmem:$0x1E100] =	vst v63  }
0x66: {  	_ =	swait.ge [sflag:s8], $0x78  }
0x67: {  	[sflag:s8] =	ssyncset.done $0x0  }
0x68: {  	[sflag:s8] =	ssyncadd.s32 $0xFFFFFF88  }
0x69: {  	[spmem:s2] =	stream.indirect.scatter.add.f32 [tilespmem:s16], [sflag:$0x2], $0x80, s17, s15, $0xb8;
	[tilespmem:$0x1E100] =	vst v63  }
0x6a: {  	_ =	swait.ge [sflag:s18], $0x3C00  }
0x6b: {  	[sflag:s18] =	ssyncset.done $0x0;
	s25 =	rddreg [dreg:$0x11]  }
0x6c: {  	[sflag:s18] =	ssyncadd.s32 $0xFFFFC400;
	s26 =	sadd.s32 $0xFFFFE200, s25  }
0x6d: {  	[tilespmem:s11], [sflag:$0x3] =	stream.strided.gather [hbm4b:s26+s9], $0x3C00, s10, s9, $0x38;
	[tilespmem:$0x1E100] =	vst v63  }
0x6e: {  	_ =	swait.ge [sflag:s8], $0x3C00  }
0x6f: {  	s28 =	sshrl.u32 s23, $0x3;
	[sflag:s8] =	ssyncset.done $0x0  }
0x70: {  	s21 =	sadd.s32 s4, s28;
	[sflag:s8] =	ssyncadd.s32 $0xFFFFC400  }
0x71: {  	[tilespmem:s13], [sflag:$0x3] =	stream.linear.gather [hbm4b:s21+s3], $0x78, $0x38;
	[tilespmem:$0x1E100] =	vst v63  }
0x72: {  	_ =	swait.ge [sflag:s8], $0x78  }
0x73: {  	[sflag:s8] =	ssyncset.done $0x0  }
0x74: {  	[sflag:s8] =	ssyncadd.s32 $0xFFFFFF88  }
0x75: {  	[spmem:s2] =	stream.indirect.scatter.add.f32 [tilespmem:s11], [sflag:$0x1], $0x80, s13, s15, $0xb8;
	[tilespmem:$0x1E100] =	vst v63  }
0x76: {  	_ =	swait.ge [sflag:s19], $0x3C00  }
0x77: {  	[sflag:s19] =	ssyncset.done $0x0  }
0x78: {  	[sflag:s19] =	ssyncadd.s32 $0xFFFFC400  }
0x79: {  	[tilespmem:s16], [sflag:$0x3] =	stream.strided.gather [hbm4b:s25+s9], $0x3C00, s10, s9, $0x38;
	[tilespmem:$0x1E100] =	vst v63  }
0x7a: {  	_ =	swait.ge [sflag:s8], $0x3C00  }
0x7b: {  	[sflag:s8] =	ssyncset.done $0x0  }
0x7c: {  	s30 =	sadd.s32 $0x0, s22;
	[sflag:s8] =	ssyncadd.s32 $0xFFFFC400  }
0x7d: {  	[tilespmem:s17], [sflag:$0x3] =	stream.linear.gather [hbm4b:s30+s3], $0x78, $0x38;
	[tilespmem:$0x1E100] =	vst v63  }
0x7e: {  	_ =	swait.ge [sflag:s8], $0x78  }
0x7f: {  	s12 =	sadd.s32 $0xF0, s23;
	[sflag:s8] =	ssyncset.done $0x0  }
0x80: {  	s24 =	simm.s32 $0x1E;
	s25 =	sadd.s32 $0x3C00, s25;
	[sflag:s8] =	ssyncadd.s32 $0xFFFFFF88  }
.LBB2_4:
0x81: {  	[spmem:s2] =	stream.indirect.scatter.add.f32 [tilespmem:s16], [sflag:$0x2], $0x80, s17, s15, $0xb8;
	[tilespmem:$0x1E100] =	vst v63  }
0x82: {  	s14 =	smov.u32 s24  }
0x83: {  	p0 =	sne.s32 s24, $0x258;
	s24 =	sadd.s32 $0x1E, s24;
	_ =	swait.ge [sflag:s18], $0x3C00  }
0x84: {  	[sflag:s18] =	ssyncset.done $0x0  }
0x85: {  	s26 =	sadd.s32 $0xFFFFE200, s25;
	[sflag:s18] =	ssyncadd.s32 $0xFFFFC400  }
0x86: {  	[tilespmem:s11], [sflag:$0x3] =	stream.strided.gather [hbm4b:s26+s9], $0x3C00, s10, s9, $0x38;
	[tilespmem:$0x1E100] =	vst v63  }
0x87: {  	_ =	swait.ge [sflag:s8], $0x3C00  }
0x88: {  	s26 =	sshrl.u32 s12, $0x3;
	[sflag:s8] =	ssyncset.done $0x0  }
0x89: {  	s26 =	sadd.s32 s4, s26;
	[sflag:s8] =	ssyncadd.s32 $0xFFFFC400  }
0x8a: {  	[tilespmem:s13], [sflag:$0x3] =	stream.linear.gather [hbm4b:s26+s3], $0x78, $0x38;
	[tilespmem:$0x1E100] =	vst v63  }
0x8b: {  	_ =	swait.ge [sflag:s8], $0x78  }
0x8c: {  	[sflag:s8] =	ssyncset.done $0x0  }
0x8d: {  	[sflag:s8] =	ssyncadd.s32 $0xFFFFFF88  }
0x8e: {  	[spmem:s2] =	stream.indirect.scatter.add.f32 [tilespmem:s11], [sflag:$0x1], $0x80, s13, s15, $0xb8;
	[tilespmem:$0x1E100] =	vst v63  }
0x8f: {  	_ =	swait.ge [sflag:s19], $0x3C00  }
0x90: {  	[sflag:s19] =	ssyncset.done $0x0  }
0x91: {  	[sflag:s19] =	ssyncadd.s32 $0xFFFFC400  }
0x92: {  	[tilespmem:s16], [sflag:$0x3] =	stream.strided.gather [hbm4b:s25+s9], $0x3C00, s10, s9, $0x38;
	[tilespmem:$0x1E100] =	vst v63  }
0x93: {  	_ =	swait.ge [sflag:s8], $0x3C00  }
0x94: {  	[sflag:s8] =	ssyncset.done $0x0  }
.Ltmp1:
0x95: {  	s14 =	sadd.s32 s14, s22;
	[sflag:s8] =	ssyncadd.s32 $0xFFFFC400;
	(pc) =	sbr.rel @p0 .LBB2_4-.Ltmp1, $4  }
0x96: {  	[tilespmem:s17], [sflag:$0x3] =	stream.linear.gather [hbm4b:s14+s3], $0x78, $0x38;
	[tilespmem:$0x1E100] =	vst v63  }
0x97: {  	_ =	swait.ge [sflag:s8], $0x78  }
0x98: {  	[sflag:s8] =	ssyncset.done $0x0  }
0x99: {  	s12 =	sadd.s32 $0xF0, s12;
	s25 =	sadd.s32 $0x3C00, s25;
	[sflag:s8] =	ssyncadd.s32 $0xFFFFFF88  }
0x9a: {  	[spmem:s2] =	stream.indirect.scatter.add.f32 [tilespmem:s16], [sflag:$0x2], $0x80, s17, s15, $0xb8;
	[tilespmem:$0x1E100] =	vst v63  }
0x9b: {  	_ =	swait.ge [sflag:s18], $0x3C00  }
0x9c: {  	[sflag:s18] =	ssyncset.done $0x0  }
0x9d: {  	[sflag:s18] =	ssyncadd.s32 $0xFFFFC400  }
0x9e: {  	_ =	swait.ge [sflag:s19], $0x3C00  }
0x9f: {  	[sflag:s19] =	ssyncset.done $0x0  }
0xa0: {  	s12 =	stileid.u32;
	[sflag:s19] =	ssyncadd.s32 $0xFFFFC400  }
0xa1: {  	s12 =	sshll.u32 s12, $0x6;
	[bflag:$0x0] =	sbarrier.arrive $0xFFFF  }
0xa2: {  	s25 =	sshrl.u32 s5, $0x3;
	s24 =	sor.u32 $0x1C03, s12;
	s14 =	rddreg [dreg:$0x3]  }
0xa3: {  	[hbm:s14], [sflag:s24] =	dma.local [spmem:s25], $0x2800  }
0xa4: {  	_ =	swait.ge [sflag:s8], $0x2800  }
0xa5: {  	[sflag:s8] =	ssyncset.done $0x0  }
0xa6: {  	[sflag:s8] =	ssyncadd.s32 $0xFFFFD800  }
0xa7: {  	[spmem:s5] =	stream.linear.scatter [tilespmem:s7], [sflag:$0x3], $0x2800, $0x38;
	[tilespmem:$0x1E100] =	vst v63  }
0xa8: {  	_ =	swait.ge [sflag:s8], $0x2800  }
0xa9: {  	[sflag:s8] =	ssyncset.done $0x0  }
0xaa: {  	s26 =	rddreg [dreg:$0x15];
	[sflag:s8] =	ssyncadd.s32 $0xFFFFD800  }
0xab: {  	[spmem:s26] =	stream.linear.scatter [tilespmem:s7], [sflag:$0x3], $0x2800, $0x38;
	[tilespmem:$0x1E100] =	vst v63  }
0xac: {  	_ =	swait.ge [sflag:s8], $0x2800  }
0xad: {  	[sflag:s8] =	ssyncset.done $0x0  }
0xae: {  	s28 =	rddreg [dreg:$0x16];
	[sflag:s8] =	ssyncadd.s32 $0xFFFFD800  }
0xaf: {  	[spmem:s28] =	stream.linear.scatter [tilespmem:s7], [sflag:$0x3], $0x2800, $0x38;
	[tilespmem:$0x1E100] =	vst v63  }
0xb0: {  	_ =	swait.ge [sflag:s8], $0x2800  }
0xb1: {  	[sflag:s8] =	ssyncset.done $0x0  }
0xb2: {  	s14 =	rddreg [dreg:$0x17];
	[sflag:s8] =	ssyncadd.s32 $0xFFFFD800  }
0xb3: {  	[spmem:s14] =	stream.linear.scatter [tilespmem:s7], [sflag:$0x3], $0x2800, $0x38;
	[tilespmem:$0x1E100] =	vst v63  }
0xb4: {  	_ =	swait.ge [sflag:s8], $0x2800  }
0xb5: {  	[sflag:s8] =	ssyncset.done $0x0  }
0xb6: {  	[sflag:s8] =	ssyncadd.s32 $0xFFFFD800  }
0xb7: {  	[spmem:s31] =	stream.linear.scatter [tilespmem:s7], [sflag:$0x3], $0x2800, $0x38;
	[tilespmem:$0x1E100] =	vst v63  }
0xb8: {  	_ =	swait.ge [sflag:s8], $0x2800  }
0xb9: {  	[sflag:s8] =	ssyncset.done $0x0  }
0xba: {  	[sflag:s8] =	ssyncadd.s32 $0xFFFFD800  }
0xbb: {  	[spmem:s0] =	stream.linear.scatter [tilespmem:s7], [sflag:$0x3], $0x2800, $0x38;
	[tilespmem:$0x1E100] =	vst v63  }
0xbc: {  	_ =	swait.ge [sflag:s8], $0x2800  }
0xbd: {  	[sflag:s8] =	ssyncset.done $0x0  }
0xbe: {  	[sflag:s8] =	ssyncadd.s32 $0xFFFFD800  }
0xbf: {  	[spmem:s1] =	stream.linear.scatter [tilespmem:s7], [sflag:$0x3], $0x2800, $0x38;
	[tilespmem:$0x1E100] =	vst v63  }
0xc0: {  	_ =	swait.ge [sflag:s8], $0x2800  }
0xc1: {  	[sflag:s8] =	ssyncset.done $0x0  }
0xc2: {  	[sflag:s8] =	ssyncadd.s32 $0xFFFFD800  }
0xc3: {  	[spmem:s6] =	stream.linear.scatter [tilespmem:s7], [sflag:$0x3], $0x2800, $0x38;
	[tilespmem:$0x1E100] =	vst v63  }
0xc4: {  	_ =	swait.ge [sflag:s8], $0x2800  }
0xc5: {  	[sflag:s8] =	ssyncset.done $0x0  }
0xc6: {  	[sflag:s8] =	ssyncadd.s32 $0xFFFFD800  }
0xc7: {  	[bflag:$0x0] =	sbarrier.arrive $0xFFFF  }
0xc8: {  	s26 =	rddreg [dreg:$0xb]  }
0xc9: {  	[tilespmem:s11], [sflag:$0x3] =	stream.strided.gather [hbm4b:s26+s9], $0x3C00, s10, s9, $0x38;
	[tilespmem:$0x1E100] =	vst v63  }
0xca: {  	_ =	swait.ge [sflag:s8], $0x3C00  }
0xcb: {  	[sflag:s8] =	ssyncset.done $0x0  }
0xcc: {  	s28 =	simm.s32 $0x0;
	[sflag:s8] =	ssyncadd.s32 $0xFFFFC400  }
0xcd: {  	[tilespmem:s13], [sflag:$0x3] =	stream.linear.gather [hbm4b:s29+s28], $0x78, $0x38;
	[tilespmem:$0x1E100] =	vst v63  }
0xce: {  	_ =	swait.ge [sflag:s8], $0x78  }
0xcf: {  	[sflag:s8] =	ssyncset.done $0x0  }
0xd0: {  	[sflag:s8] =	ssyncadd.s32 $0xFFFFFF88  }
0xd1: {  	[spmem:s2] =	stream.indirect.scatter.add.f32 [tilespmem:s11], [sflag:$0x1], $0x80, s13, s15, $0xb8;
	[tilespmem:$0x1E100] =	vst v63  }
0xd2: {  	s14 =	rddreg [dreg:$0xc]  }
0xd3: {  	[tilespmem:s16], [sflag:$0x3] =	stream.strided.gather [hbm4b:s14+s9], $0x3C00, s10, s9, $0x38;
	[tilespmem:$0x1E100] =	vst v63  }
0xd4: {  	_ =	swait.ge [sflag:s8], $0x3C00  }
0xd5: {  	[sflag:s8] =	ssyncset.done $0x0  }
0xd6: {  	s26 =	rddreg [dreg:$0xa];
	[sflag:s8] =	ssyncadd.s32 $0xFFFFC400  }
0xd7: {  	[tilespmem:s17], [sflag:$0x3] =	stream.linear.gather [hbm4b:s26+s28], $0x78, $0x38;
	[tilespmem:$0x1E100] =	vst v63  }
0xd8: {  	_ =	swait.ge [sflag:s8], $0x78  }
0xd9: {  	[sflag:s8] =	ssyncset.done $0x0  }
0xda: {  	[sflag:s8] =	ssyncadd.s32 $0xFFFFFF88  }
0xdb: {  	[spmem:s2] =	stream.indirect.scatter.add.f32 [tilespmem:s16], [sflag:$0x2], $0x80, s17, s15, $0xb8;
	[tilespmem:$0x1E100] =	vst v63  }
0xdc: {  	_ =	swait.ge [sflag:s18], $0x3C00  }
0xdd: {  	[sflag:s18] =	ssyncset.done $0x0;
	s14 =	rddreg [dreg:$0x12]  }
0xde: {  	[sflag:s18] =	ssyncadd.s32 $0xFFFFC400;
	s28 =	sadd.s32 $0xFFFFE200, s14  }
0xdf: {  	[tilespmem:s11], [sflag:$0x3] =	stream.strided.gather [hbm4b:s28+s9], $0x3C00, s10, s9, $0x38;
	[tilespmem:$0x1E100] =	vst v63  }
0xe0: {  	_ =	swait.ge [sflag:s8], $0x3C00  }
0xe1: {  	[sflag:s8] =	ssyncset.done $0x0  }
0xe2: {  	[sflag:s8] =	ssyncadd.s32 $0xFFFFC400  }
0xe3: {  	[tilespmem:s13], [sflag:$0x3] =	stream.linear.gather [hbm4b:s21+s3], $0x78, $0x38;
	[tilespmem:$0x1E100] =	vst v63  }
0xe4: {  	_ =	swait.ge [sflag:s8], $0x78  }
0xe5: {  	[sflag:s8] =	ssyncset.done $0x0  }
0xe6: {  	[sflag:s8] =	ssyncadd.s32 $0xFFFFFF88  }
0xe7: {  	[spmem:s2] =	stream.indirect.scatter.add.f32 [tilespmem:s11], [sflag:$0x1], $0x80, s13, s15, $0xb8;
	[tilespmem:$0x1E100] =	vst v63  }
0xe8: {  	_ =	swait.ge [sflag:s19], $0x3C00  }
0xe9: {  	[sflag:s19] =	ssyncset.done $0x0  }
0xea: {  	[sflag:s19] =	ssyncadd.s32 $0xFFFFC400  }
0xeb: {  	[tilespmem:s16], [sflag:$0x3] =	stream.strided.gather [hbm4b:s14+s9], $0x3C00, s10, s9, $0x38;
	[tilespmem:$0x1E100] =	vst v63  }
0xec: {  	_ =	swait.ge [sflag:s8], $0x3C00  }
0xed: {  	[sflag:s8] =	ssyncset.done $0x0  }
0xee: {  	s30 =	smov.u32 s29;
	s29 =	sadd.s32 $0x0, s22;
	[sflag:s8] =	ssyncadd.s32 $0xFFFFC400  }
0xef: {  	[tilespmem:s17], [sflag:$0x3] =	stream.linear.gather [hbm4b:s29+s3], $0x78, $0x38;
	[tilespmem:$0x1E100] =	vst v63  }
0xf0: {  	_ =	swait.ge [sflag:s8], $0x78  }
0xf1: {  	s26 =	simm.s32 $0x1E;
	[sflag:s8] =	ssyncset.done $0x0  }
0xf2: {  	s12 =	sadd.s32 $0x3C00, s14;
	s14 =	sadd.s32 $0xF0, s23;
	[sflag:s8] =	ssyncadd.s32 $0xFFFFFF88  }
.LBB2_6:
0xf3: {  	[spmem:s2] =	stream.indirect.scatter.add.f32 [tilespmem:s16], [sflag:$0x2], $0x80, s17, s15, $0xb8;
	[tilespmem:$0x1E100] =	vst v63  }
0xf4: {  	s28 =	smov.u32 s26  }
0xf5: {  	p0 =	sne.s32 s26, $0x258;
	s26 =	sadd.s32 $0x1E, s26;
	_ =	swait.ge [sflag:s18], $0x3C00  }
0xf6: {  	[sflag:s18] =	ssyncset.done $0x0  }
0xf7: {  	s29 =	sadd.s32 $0xFFFFE200, s12;
	[sflag:s18] =	ssyncadd.s32 $0xFFFFC400  }
0xf8: {  	[tilespmem:s11], [sflag:$0x3] =	stream.strided.gather [hbm4b:s29+s9], $0x3C00, s10, s9, $0x38;
	[tilespmem:$0x1E100] =	vst v63  }
0xf9: {  	_ =	swait.ge [sflag:s8], $0x3C00  }
0xfa: {  	s29 =	sshrl.u32 s14, $0x3;
	[sflag:s8] =	ssyncset.done $0x0  }
0xfb: {  	s29 =	sadd.s32 s4, s29;
	[sflag:s8] =	ssyncadd.s32 $0xFFFFC400  }
0xfc: {  	[tilespmem:s13], [sflag:$0x3] =	stream.linear.gather [hbm4b:s29+s3], $0x78, $0x38;
	[tilespmem:$0x1E100] =	vst v63  }
0xfd: {  	_ =	swait.ge [sflag:s8], $0x78  }
0xfe: {  	[sflag:s8] =	ssyncset.done $0x0  }
0xff: {  	[sflag:s8] =	ssyncadd.s32 $0xFFFFFF88  }
0x100: {  	[spmem:s2] =	stream.indirect.scatter.add.f32 [tilespmem:s11], [sflag:$0x1], $0x80, s13, s15, $0xb8;
	[tilespmem:$0x1E100] =	vst v63  }
0x101: {  	_ =	swait.ge [sflag:s19], $0x3C00  }
0x102: {  	[sflag:s19] =	ssyncset.done $0x0  }
0x103: {  	[sflag:s19] =	ssyncadd.s32 $0xFFFFC400  }
0x104: {  	[tilespmem:s16], [sflag:$0x3] =	stream.strided.gather [hbm4b:s12+s9], $0x3C00, s10, s9, $0x38;
	[tilespmem:$0x1E100] =	vst v63  }
0x105: {  	_ =	swait.ge [sflag:s8], $0x3C00  }
0x106: {  	[sflag:s8] =	ssyncset.done $0x0  }
.Ltmp2:
0x107: {  	s28 =	sadd.s32 s28, s22;
	[sflag:s8] =	ssyncadd.s32 $0xFFFFC400;
	(pc) =	sbr.rel @p0 .LBB2_6-.Ltmp2, $4  }
0x108: {  	[tilespmem:s17], [sflag:$0x3] =	stream.linear.gather [hbm4b:s28+s3], $0x78, $0x38;
	[tilespmem:$0x1E100] =	vst v63  }
0x109: {  	_ =	swait.ge [sflag:s8], $0x78  }
0x10a: {  	[sflag:s8] =	ssyncset.done $0x0  }
0x10b: {  	s14 =	sadd.s32 $0xF0, s14;
	s12 =	sadd.s32 $0x3C00, s12;
	[sflag:s8] =	ssyncadd.s32 $0xFFFFFF88  }
0x10c: {  	[spmem:s2] =	stream.indirect.scatter.add.f32 [tilespmem:s16], [sflag:$0x2], $0x80, s17, s15, $0xb8;
	[tilespmem:$0x1E100] =	vst v63  }
0x10d: {  	_ =	swait.ge [sflag:s18], $0x3C00  }
0x10e: {  	[sflag:s18] =	ssyncset.done $0x0  }
0x10f: {  	[sflag:s18] =	ssyncadd.s32 $0xFFFFC400  }
0x110: {  	_ =	swait.ge [sflag:s19], $0x3C00  }
0x111: {  	[sflag:s19] =	ssyncset.done $0x0  }
0x112: {  	[sflag:s19] =	ssyncadd.s32 $0xFFFFC400  }
0x113: {  	[bflag:$0x0] =	sbarrier.arrive $0xFFFF  }
0x114: {  	s12 =	rddreg [dreg:$0x4]  }
0x115: {  	[hbm:s12], [sflag:s24] =	dma.local [spmem:s25], $0x2800  }
0x116: {  	_ =	swait.ge [sflag:s8], $0x2800  }
0x117: {  	[sflag:s8] =	ssyncset.done $0x0  }
0x118: {  	[sflag:s8] =	ssyncadd.s32 $0xFFFFD800  }
0x119: {  	[spmem:s5] =	stream.linear.scatter [tilespmem:s7], [sflag:$0x3], $0x2800, $0x38;
	[tilespmem:$0x1E100] =	vst v63  }
0x11a: {  	_ =	swait.ge [sflag:s8], $0x2800  }
0x11b: {  	[sflag:s8] =	ssyncset.done $0x0  }
0x11c: {  	s29 =	rddreg [dreg:$0x15];
	[sflag:s8] =	ssyncadd.s32 $0xFFFFD800  }
0x11d: {  	[spmem:s29] =	stream.linear.scatter [tilespmem:s7], [sflag:$0x3], $0x2800, $0x38;
	[tilespmem:$0x1E100] =	vst v63  }
0x11e: {  	_ =	swait.ge [sflag:s8], $0x2800  }
0x11f: {  	[sflag:s8] =	ssyncset.done $0x0  }
0x120: {  	s14 =	rddreg [dreg:$0x16];
	[sflag:s8] =	ssyncadd.s32 $0xFFFFD800  }
0x121: {  	[spmem:s14] =	stream.linear.scatter [tilespmem:s7], [sflag:$0x3], $0x2800, $0x38;
	[tilespmem:$0x1E100] =	vst v63  }
0x122: {  	_ =	swait.ge [sflag:s8], $0x2800  }
0x123: {  	[sflag:s8] =	ssyncset.done $0x0  }
0x124: {  	s26 =	rddreg [dreg:$0x17];
	[sflag:s8] =	ssyncadd.s32 $0xFFFFD800  }
0x125: {  	[spmem:s26] =	stream.linear.scatter [tilespmem:s7], [sflag:$0x3], $0x2800, $0x38;
	[tilespmem:$0x1E100] =	vst v63  }
0x126: {  	_ =	swait.ge [sflag:s8], $0x2800  }
0x127: {  	[sflag:s8] =	ssyncset.done $0x0  }
0x128: {  	[sflag:s8] =	ssyncadd.s32 $0xFFFFD800  }
0x129: {  	[spmem:s31] =	stream.linear.scatter [tilespmem:s7], [sflag:$0x3], $0x2800, $0x38;
	[tilespmem:$0x1E100] =	vst v63  }
0x12a: {  	_ =	swait.ge [sflag:s8], $0x2800  }
0x12b: {  	[sflag:s8] =	ssyncset.done $0x0  }
0x12c: {  	[sflag:s8] =	ssyncadd.s32 $0xFFFFD800  }
0x12d: {  	[spmem:s0] =	stream.linear.scatter [tilespmem:s7], [sflag:$0x3], $0x2800, $0x38;
	[tilespmem:$0x1E100] =	vst v63  }
0x12e: {  	_ =	swait.ge [sflag:s8], $0x2800  }
0x12f: {  	[sflag:s8] =	ssyncset.done $0x0  }
0x130: {  	[sflag:s8] =	ssyncadd.s32 $0xFFFFD800  }
0x131: {  	[spmem:s1] =	stream.linear.scatter [tilespmem:s7], [sflag:$0x3], $0x2800, $0x38;
	[tilespmem:$0x1E100] =	vst v63  }
0x132: {  	_ =	swait.ge [sflag:s8], $0x2800  }
0x133: {  	[sflag:s8] =	ssyncset.done $0x0  }
0x134: {  	[sflag:s8] =	ssyncadd.s32 $0xFFFFD800  }
0x135: {  	[spmem:s6] =	stream.linear.scatter [tilespmem:s7], [sflag:$0x3], $0x2800, $0x38;
	[tilespmem:$0x1E100] =	vst v63  }
0x136: {  	_ =	swait.ge [sflag:s8], $0x2800  }
0x137: {  	[sflag:s8] =	ssyncset.done $0x0  }
0x138: {  	[sflag:s8] =	ssyncadd.s32 $0xFFFFD800  }
0x139: {  	[bflag:$0x0] =	sbarrier.arrive $0xFFFF  }
0x13a: {  	s28 =	rddreg [dreg:$0xd]  }
0x13b: {  	[tilespmem:s11], [sflag:$0x3] =	stream.strided.gather [hbm4b:s28+s9], $0x3C00, s10, s9, $0x38;
	[tilespmem:$0x1E100] =	vst v63  }
0x13c: {  	_ =	swait.ge [sflag:s8], $0x3C00  }
0x13d: {  	[sflag:s8] =	ssyncset.done $0x0  }
0x13e: {  	s29 =	simm.s32 $0x0;
	[sflag:s8] =	ssyncadd.s32 $0xFFFFC400  }
0x13f: {  	[tilespmem:s13], [sflag:$0x3] =	stream.linear.gather [hbm4b:s30+s29], $0x78, $0x38;
	[tilespmem:$0x1E100] =	vst v63  }
0x140: {  	_ =	swait.ge [sflag:s8], $0x78  }
0x141: {  	[sflag:s8] =	ssyncset.done $0x0  }
0x142: {  	[sflag:s8] =	ssyncadd.s32 $0xFFFFFF88  }
0x143: {  	[spmem:s2] =	stream.indirect.scatter.add.f32 [tilespmem:s11], [sflag:$0x1], $0x80, s13, s15, $0xb8;
	[tilespmem:$0x1E100] =	vst v63  }
0x144: {  	s14 =	rddreg [dreg:$0xe]  }
0x145: {  	[tilespmem:s16], [sflag:$0x3] =	stream.strided.gather [hbm4b:s14+s9], $0x3C00, s10, s9, $0x38;
	[tilespmem:$0x1E100] =	vst v63  }
0x146: {  	_ =	swait.ge [sflag:s8], $0x3C00  }
0x147: {  	[sflag:s8] =	ssyncset.done $0x0  }
0x148: {  	s26 =	rddreg [dreg:$0xa];
	[sflag:s8] =	ssyncadd.s32 $0xFFFFC400  }
0x149: {  	[tilespmem:s17], [sflag:$0x3] =	stream.linear.gather [hbm4b:s26+s29], $0x78, $0x38;
	[tilespmem:$0x1E100] =	vst v63  }
0x14a: {  	_ =	swait.ge [sflag:s8], $0x78  }
0x14b: {  	[sflag:s8] =	ssyncset.done $0x0  }
0x14c: {  	[sflag:s8] =	ssyncadd.s32 $0xFFFFFF88  }
0x14d: {  	[spmem:s2] =	stream.indirect.scatter.add.f32 [tilespmem:s16], [sflag:$0x2], $0x80, s17, s15, $0xb8;
	[tilespmem:$0x1E100] =	vst v63  }
0x14e: {  	_ =	swait.ge [sflag:s18], $0x3C00  }
0x14f: {  	[sflag:s18] =	ssyncset.done $0x0;
	s14 =	rddreg [dreg:$0x13]  }
0x150: {  	[sflag:s18] =	ssyncadd.s32 $0xFFFFC400;
	s28 =	sadd.s32 $0xFFFFE200, s14  }
0x151: {  	[tilespmem:s11], [sflag:$0x3] =	stream.strided.gather [hbm4b:s28+s9], $0x3C00, s10, s9, $0x38;
	[tilespmem:$0x1E100] =	vst v63  }
0x152: {  	_ =	swait.ge [sflag:s8], $0x3C00  }
0x153: {  	[sflag:s8] =	ssyncset.done $0x0  }
0x154: {  	[sflag:s8] =	ssyncadd.s32 $0xFFFFC400  }
0x155: {  	[tilespmem:s13], [sflag:$0x3] =	stream.linear.gather [hbm4b:s21+s3], $0x78, $0x38;
	[tilespmem:$0x1E100] =	vst v63  }
0x156: {  	_ =	swait.ge [sflag:s8], $0x78  }
0x157: {  	[sflag:s8] =	ssyncset.done $0x0  }
0x158: {  	[sflag:s8] =	ssyncadd.s32 $0xFFFFFF88  }
0x159: {  	[spmem:s2] =	stream.indirect.scatter.add.f32 [tilespmem:s11], [sflag:$0x1], $0x80, s13, s15, $0xb8;
	[tilespmem:$0x1E100] =	vst v63  }
0x15a: {  	_ =	swait.ge [sflag:s19], $0x3C00  }
0x15b: {  	[sflag:s19] =	ssyncset.done $0x0  }
0x15c: {  	[sflag:s19] =	ssyncadd.s32 $0xFFFFC400  }
0x15d: {  	[tilespmem:s16], [sflag:$0x3] =	stream.strided.gather [hbm4b:s14+s9], $0x3C00, s10, s9, $0x38;
	[tilespmem:$0x1E100] =	vst v63  }
0x15e: {  	_ =	swait.ge [sflag:s8], $0x3C00  }
0x15f: {  	[sflag:s8] =	ssyncset.done $0x0  }
0x160: {  	s29 =	sadd.s32 $0x0, s22;
	[sflag:s8] =	ssyncadd.s32 $0xFFFFC400  }
0x161: {  	[tilespmem:s17], [sflag:$0x3] =	stream.linear.gather [hbm4b:s29+s3], $0x78, $0x38;
	[tilespmem:$0x1E100] =	vst v63  }
0x162: {  	_ =	swait.ge [sflag:s8], $0x78  }
0x163: {  	s26 =	simm.s32 $0x1E;
	[sflag:s8] =	ssyncset.done $0x0  }
0x164: {  	s12 =	sadd.s32 $0x3C00, s14;
	s14 =	sadd.s32 $0xF0, s23;
	[sflag:s8] =	ssyncadd.s32 $0xFFFFFF88  }
.LBB2_8:
0x165: {  	[spmem:s2] =	stream.indirect.scatter.add.f32 [tilespmem:s16], [sflag:$0x2], $0x80, s17, s15, $0xb8;
	[tilespmem:$0x1E100] =	vst v63  }
0x166: {  	s28 =	smov.u32 s26  }
0x167: {  	p0 =	sne.s32 s26, $0x258;
	s26 =	sadd.s32 $0x1E, s26;
	_ =	swait.ge [sflag:s18], $0x3C00  }
0x168: {  	[sflag:s18] =	ssyncset.done $0x0  }
0x169: {  	s29 =	sadd.s32 $0xFFFFE200, s12;
	[sflag:s18] =	ssyncadd.s32 $0xFFFFC400  }
0x16a: {  	[tilespmem:s11], [sflag:$0x3] =	stream.strided.gather [hbm4b:s29+s9], $0x3C00, s10, s9, $0x38;
	[tilespmem:$0x1E100] =	vst v63  }
0x16b: {  	_ =	swait.ge [sflag:s8], $0x3C00  }
0x16c: {  	s29 =	sshrl.u32 s14, $0x3;
	[sflag:s8] =	ssyncset.done $0x0  }
0x16d: {  	s29 =	sadd.s32 s4, s29;
	[sflag:s8] =	ssyncadd.s32 $0xFFFFC400  }
0x16e: {  	[tilespmem:s13], [sflag:$0x3] =	stream.linear.gather [hbm4b:s29+s3], $0x78, $0x38;
	[tilespmem:$0x1E100] =	vst v63  }
0x16f: {  	_ =	swait.ge [sflag:s8], $0x78  }
0x170: {  	[sflag:s8] =	ssyncset.done $0x0  }
0x171: {  	[sflag:s8] =	ssyncadd.s32 $0xFFFFFF88  }
0x172: {  	[spmem:s2] =	stream.indirect.scatter.add.f32 [tilespmem:s11], [sflag:$0x1], $0x80, s13, s15, $0xb8;
	[tilespmem:$0x1E100] =	vst v63  }
0x173: {  	_ =	swait.ge [sflag:s19], $0x3C00  }
0x174: {  	[sflag:s19] =	ssyncset.done $0x0  }
0x175: {  	[sflag:s19] =	ssyncadd.s32 $0xFFFFC400  }
0x176: {  	[tilespmem:s16], [sflag:$0x3] =	stream.strided.gather [hbm4b:s12+s9], $0x3C00, s10, s9, $0x38;
	[tilespmem:$0x1E100] =	vst v63  }
0x177: {  	_ =	swait.ge [sflag:s8], $0x3C00  }
0x178: {  	[sflag:s8] =	ssyncset.done $0x0  }
.Ltmp3:
0x179: {  	s28 =	sadd.s32 s28, s22;
	[sflag:s8] =	ssyncadd.s32 $0xFFFFC400;
	(pc) =	sbr.rel @p0 .LBB2_8-.Ltmp3, $4  }
0x17a: {  	[tilespmem:s17], [sflag:$0x3] =	stream.linear.gather [hbm4b:s28+s3], $0x78, $0x38;
	[tilespmem:$0x1E100] =	vst v63  }
0x17b: {  	_ =	swait.ge [sflag:s8], $0x78  }
0x17c: {  	[sflag:s8] =	ssyncset.done $0x0  }
0x17d: {  	s14 =	sadd.s32 $0xF0, s14;
	s12 =	sadd.s32 $0x3C00, s12;
	[sflag:s8] =	ssyncadd.s32 $0xFFFFFF88  }
0x17e: {  	[spmem:s2] =	stream.indirect.scatter.add.f32 [tilespmem:s16], [sflag:$0x2], $0x80, s17, s15, $0xb8;
	[tilespmem:$0x1E100] =	vst v63  }
0x17f: {  	_ =	swait.ge [sflag:s18], $0x3C00  }
0x180: {  	[sflag:s18] =	ssyncset.done $0x0  }
0x181: {  	[sflag:s18] =	ssyncadd.s32 $0xFFFFC400  }
0x182: {  	_ =	swait.ge [sflag:s19], $0x3C00  }
0x183: {  	[sflag:s19] =	ssyncset.done $0x0  }
0x184: {  	[sflag:s19] =	ssyncadd.s32 $0xFFFFC400  }
0x185: {  	[bflag:$0x0] =	sbarrier.arrive $0xFFFF  }
0x186: {  	s12 =	rddreg [dreg:$0x5]  }
0x187: {  	[hbm:s12], [sflag:s24] =	dma.local [spmem:s25], $0x2800  }
0x188: {  	_ =	swait.ge [sflag:s8], $0x2800  }
0x189: {  	[sflag:s8] =	ssyncset.done $0x0  }
0x18a: {  	[sflag:s8] =	ssyncadd.s32 $0xFFFFD800  }
0x18b: {  	[spmem:s5] =	stream.linear.scatter [tilespmem:s7], [sflag:$0x3], $0x2800, $0x38;
	[tilespmem:$0x1E100] =	vst v63  }
0x18c: {  	_ =	swait.ge [sflag:s8], $0x2800  }
0x18d: {  	[sflag:s8] =	ssyncset.done $0x0  }
0x18e: {  	s26 =	rddreg [dreg:$0x15];
	[sflag:s8] =	ssyncadd.s32 $0xFFFFD800  }
0x18f: {  	[spmem:s26] =	stream.linear.scatter [tilespmem:s7], [sflag:$0x3], $0x2800, $0x38;
	[tilespmem:$0x1E100] =	vst v63  }
0x190: {  	_ =	swait.ge [sflag:s8], $0x2800  }
0x191: {  	[sflag:s8] =	ssyncset.done $0x0  }
0x192: {  	s28 =	rddreg [dreg:$0x16];
	[sflag:s8] =	ssyncadd.s32 $0xFFFFD800  }
0x193: {  	[spmem:s28] =	stream.linear.scatter [tilespmem:s7], [sflag:$0x3], $0x2800, $0x38;
	[tilespmem:$0x1E100] =	vst v63  }
0x194: {  	_ =	swait.ge [sflag:s8], $0x2800  }
0x195: {  	[sflag:s8] =	ssyncset.done $0x0  }
0x196: {  	s14 =	rddreg [dreg:$0x17];
	[sflag:s8] =	ssyncadd.s32 $0xFFFFD800  }
0x197: {  	[spmem:s14] =	stream.linear.scatter [tilespmem:s7], [sflag:$0x3], $0x2800, $0x38;
	[tilespmem:$0x1E100] =	vst v63  }
0x198: {  	_ =	swait.ge [sflag:s8], $0x2800  }
0x199: {  	[sflag:s8] =	ssyncset.done $0x0  }
0x19a: {  	[sflag:s8] =	ssyncadd.s32 $0xFFFFD800  }
0x19b: {  	[spmem:s31] =	stream.linear.scatter [tilespmem:s7], [sflag:$0x3], $0x2800, $0x38;
	[tilespmem:$0x1E100] =	vst v63  }
0x19c: {  	_ =	swait.ge [sflag:s8], $0x2800  }
0x19d: {  	[sflag:s8] =	ssyncset.done $0x0  }
0x19e: {  	[sflag:s8] =	ssyncadd.s32 $0xFFFFD800  }
0x19f: {  	[spmem:s0] =	stream.linear.scatter [tilespmem:s7], [sflag:$0x3], $0x2800, $0x38;
	[tilespmem:$0x1E100] =	vst v63  }
0x1a0: {  	_ =	swait.ge [sflag:s8], $0x2800  }
0x1a1: {  	[sflag:s8] =	ssyncset.done $0x0  }
0x1a2: {  	[sflag:s8] =	ssyncadd.s32 $0xFFFFD800  }
0x1a3: {  	[spmem:s1] =	stream.linear.scatter [tilespmem:s7], [sflag:$0x3], $0x2800, $0x38;
	[tilespmem:$0x1E100] =	vst v63  }
0x1a4: {  	_ =	swait.ge [sflag:s8], $0x2800  }
0x1a5: {  	[sflag:s8] =	ssyncset.done $0x0  }
0x1a6: {  	[sflag:s8] =	ssyncadd.s32 $0xFFFFD800  }
0x1a7: {  	[spmem:s6] =	stream.linear.scatter [tilespmem:s7], [sflag:$0x3], $0x2800, $0x38;
	[tilespmem:$0x1E100] =	vst v63  }
0x1a8: {  	_ =	swait.ge [sflag:s8], $0x2800  }
0x1a9: {  	[sflag:s8] =	ssyncset.done $0x0  }
0x1aa: {  	[sflag:s8] =	ssyncadd.s32 $0xFFFFD800  }
0x1ab: {  	[bflag:$0x0] =	sbarrier.arrive $0xFFFF  }
0x1ac: {  	s26 =	rddreg [dreg:$0xf]  }
0x1ad: {  	[tilespmem:s11], [sflag:$0x3] =	stream.strided.gather [hbm4b:s26+s9], $0x3C00, s10, s9, $0x38;
	[tilespmem:$0x1E100] =	vst v63  }
0x1ae: {  	_ =	swait.ge [sflag:s8], $0x3C00  }
0x1af: {  	[sflag:s8] =	ssyncset.done $0x0  }
0x1b0: {  	s28 =	simm.s32 $0x0;
	[sflag:s8] =	ssyncadd.s32 $0xFFFFC400  }
0x1b1: {  	[tilespmem:s13], [sflag:$0x3] =	stream.linear.gather [hbm4b:s30+s28], $0x78, $0x38;
	[tilespmem:$0x1E100] =	vst v63  }
0x1b2: {  	_ =	swait.ge [sflag:s8], $0x78  }
0x1b3: {  	[sflag:s8] =	ssyncset.done $0x0  }
0x1b4: {  	[sflag:s8] =	ssyncadd.s32 $0xFFFFFF88  }
0x1b5: {  	[spmem:s2] =	stream.indirect.scatter.add.f32 [tilespmem:s11], [sflag:$0x1], $0x80, s13, s15, $0xb8;
	[tilespmem:$0x1E100] =	vst v63  }
0x1b6: {  	s14 =	rddreg [dreg:$0x10]  }
0x1b7: {  	[tilespmem:s16], [sflag:$0x3] =	stream.strided.gather [hbm4b:s14+s9], $0x3C00, s10, s9, $0x38;
	[tilespmem:$0x1E100] =	vst v63  }
0x1b8: {  	_ =	swait.ge [sflag:s8], $0x3C00  }
0x1b9: {  	[sflag:s8] =	ssyncset.done $0x0  }
0x1ba: {  	s29 =	smov.u32 s30;
	s30 =	rddreg [dreg:$0xa];
	[sflag:s8] =	ssyncadd.s32 $0xFFFFC400  }
0x1bb: {  	[tilespmem:s17], [sflag:$0x3] =	stream.linear.gather [hbm4b:s30+s28], $0x78, $0x38;
	[tilespmem:$0x1E100] =	vst v63  }
0x1bc: {  	_ =	swait.ge [sflag:s8], $0x78  }
0x1bd: {  	[sflag:s8] =	ssyncset.done $0x0  }
0x1be: {  	[sflag:s8] =	ssyncadd.s32 $0xFFFFFF88  }
0x1bf: {  	[spmem:s2] =	stream.indirect.scatter.add.f32 [tilespmem:s16], [sflag:$0x2], $0x80, s17, s15, $0xb8;
	[tilespmem:$0x1E100] =	vst v63  }
0x1c0: {  	_ =	swait.ge [sflag:s18], $0x3C00  }
0x1c1: {  	[sflag:s18] =	ssyncset.done $0x0;
	s26 =	rddreg [dreg:$0x14]  }
0x1c2: {  	[sflag:s18] =	ssyncadd.s32 $0xFFFFC400;
	s28 =	sadd.s32 $0xFFFFE200, s26  }
0x1c3: {  	[tilespmem:s11], [sflag:$0x3] =	stream.strided.gather [hbm4b:s28+s9], $0x3C00, s10, s9, $0x38;
	[tilespmem:$0x1E100] =	vst v63  }
0x1c4: {  	_ =	swait.ge [sflag:s8], $0x3C00  }
0x1c5: {  	[sflag:s8] =	ssyncset.done $0x0  }
0x1c6: {  	[sflag:s8] =	ssyncadd.s32 $0xFFFFC400  }
0x1c7: {  	[tilespmem:s13], [sflag:$0x3] =	stream.linear.gather [hbm4b:s21+s3], $0x78, $0x38;
	[tilespmem:$0x1E100] =	vst v63  }
0x1c8: {  	_ =	swait.ge [sflag:s8], $0x78  }
0x1c9: {  	[sflag:s8] =	ssyncset.done $0x0  }
0x1ca: {  	[sflag:s8] =	ssyncadd.s32 $0xFFFFFF88  }
0x1cb: {  	[spmem:s2] =	stream.indirect.scatter.add.f32 [tilespmem:s11], [sflag:$0x1], $0x80, s13, s15, $0xb8;
	[tilespmem:$0x1E100] =	vst v63  }
0x1cc: {  	_ =	swait.ge [sflag:s19], $0x3C00  }
0x1cd: {  	[sflag:s19] =	ssyncset.done $0x0  }
0x1ce: {  	[sflag:s19] =	ssyncadd.s32 $0xFFFFC400  }
0x1cf: {  	[tilespmem:s16], [sflag:$0x3] =	stream.strided.gather [hbm4b:s26+s9], $0x3C00, s10, s9, $0x38;
	[tilespmem:$0x1E100] =	vst v63  }
0x1d0: {  	_ =	swait.ge [sflag:s8], $0x3C00  }
0x1d1: {  	[sflag:s8] =	ssyncset.done $0x0  }
0x1d2: {  	s30 =	sadd.s32 $0x0, s22;
	[sflag:s8] =	ssyncadd.s32 $0xFFFFC400  }
0x1d3: {  	[tilespmem:s17], [sflag:$0x3] =	stream.linear.gather [hbm4b:s30+s3], $0x78, $0x38;
	[tilespmem:$0x1E100] =	vst v63  }
0x1d4: {  	_ =	swait.ge [sflag:s8], $0x78  }
0x1d5: {  	s14 =	sadd.s32 $0xF0, s23;
	[sflag:s8] =	ssyncset.done $0x0  }
0x1d6: {  	s12 =	sadd.s32 $0x3C00, s26;
	s21 =	simm.s32 $0x1E;
	[sflag:s8] =	ssyncadd.s32 $0xFFFFFF88  }
.LBB2_10:
0x1d7: {  	[spmem:s2] =	stream.indirect.scatter.add.f32 [tilespmem:s16], [sflag:$0x2], $0x80, s17, s15, $0xb8;
	[tilespmem:$0x1E100] =	vst v63  }
0x1d8: {  	s26 =	smov.u32 s21  }
0x1d9: {  	p0 =	sne.s32 s21, $0x258;
	s21 =	sadd.s32 $0x1E, s21;
	_ =	swait.ge [sflag:s18], $0x3C00  }
0x1da: {  	[sflag:s18] =	ssyncset.done $0x0  }
0x1db: {  	s28 =	sadd.s32 $0xFFFFE200, s12;
	[sflag:s18] =	ssyncadd.s32 $0xFFFFC400  }
0x1dc: {  	[tilespmem:s11], [sflag:$0x3] =	stream.strided.gather [hbm4b:s28+s9], $0x3C00, s10, s9, $0x38;
	[tilespmem:$0x1E100] =	vst v63  }
0x1dd: {  	_ =	swait.ge [sflag:s8], $0x3C00  }
0x1de: {  	s28 =	sshrl.u32 s14, $0x3;
	[sflag:s8] =	ssyncset.done $0x0  }
0x1df: {  	s28 =	sadd.s32 s4, s28;
	[sflag:s8] =	ssyncadd.s32 $0xFFFFC400  }
0x1e0: {  	[tilespmem:s13], [sflag:$0x3] =	stream.linear.gather [hbm4b:s28+s3], $0x78, $0x38;
	[tilespmem:$0x1E100] =	vst v63  }
0x1e1: {  	_ =	swait.ge [sflag:s8], $0x78  }
0x1e2: {  	[sflag:s8] =	ssyncset.done $0x0  }
0x1e3: {  	[sflag:s8] =	ssyncadd.s32 $0xFFFFFF88  }
0x1e4: {  	[spmem:s2] =	stream.indirect.scatter.add.f32 [tilespmem:s11], [sflag:$0x1], $0x80, s13, s15, $0xb8;
	[tilespmem:$0x1E100] =	vst v63  }
0x1e5: {  	_ =	swait.ge [sflag:s19], $0x3C00  }
0x1e6: {  	[sflag:s19] =	ssyncset.done $0x0  }
0x1e7: {  	[sflag:s19] =	ssyncadd.s32 $0xFFFFC400  }
0x1e8: {  	[tilespmem:s16], [sflag:$0x3] =	stream.strided.gather [hbm4b:s12+s9], $0x3C00, s10, s9, $0x38;
	[tilespmem:$0x1E100] =	vst v63  }
0x1e9: {  	_ =	swait.ge [sflag:s8], $0x3C00  }
0x1ea: {  	[sflag:s8] =	ssyncset.done $0x0  }
.Ltmp4:
0x1eb: {  	s26 =	sadd.s32 s26, s22;
	[sflag:s8] =	ssyncadd.s32 $0xFFFFC400;
	(pc) =	sbr.rel @p0 .LBB2_10-.Ltmp4, $4  }
0x1ec: {  	[tilespmem:s17], [sflag:$0x3] =	stream.linear.gather [hbm4b:s26+s3], $0x78, $0x38;
	[tilespmem:$0x1E100] =	vst v63  }
0x1ed: {  	_ =	swait.ge [sflag:s8], $0x78  }
0x1ee: {  	[sflag:s8] =	ssyncset.done $0x0  }
0x1ef: {  	s14 =	sadd.s32 $0xF0, s14;
	s12 =	sadd.s32 $0x3C00, s12;
	[sflag:s8] =	ssyncadd.s32 $0xFFFFFF88  }
0x1f0: {  	[spmem:s2] =	stream.indirect.scatter.add.f32 [tilespmem:s16], [sflag:$0x2], $0x80, s17, s15, $0xb8;
	[tilespmem:$0x1E100] =	vst v63  }
0x1f1: {  	_ =	swait.ge [sflag:s18], $0x3C00  }
0x1f2: {  	[sflag:s18] =	ssyncset.done $0x0  }
0x1f3: {  	[sflag:s18] =	ssyncadd.s32 $0xFFFFC400  }
0x1f4: {  	_ =	swait.ge [sflag:s19], $0x3C00  }
0x1f5: {  	[sflag:s19] =	ssyncset.done $0x0  }
0x1f6: {  	[sflag:s19] =	ssyncadd.s32 $0xFFFFC400  }
0x1f7: {  	[bflag:$0x0] =	sbarrier.arrive $0xFFFF  }
0x1f8: {  	s12 =	rddreg [dreg:$0x6]  }
0x1f9: {  	[hbm:s12], [sflag:s24] =	dma.local [spmem:s25], $0x2800  }
0x1fa: {  	_ =	swait.ge [sflag:s8], $0x2800  }
0x1fb: {  	s20 =	sadd.s32 $0x1, s20;
	s30 =	rddreg [dreg:$0x7]  }
0x1fc: {  	p0 =	sne.s32 s20, s30  }
.Ltmp5:
0x1fd: {  	_ = 	snop;
	(pc) =	sbr.rel @p0 .LBB2_1-.Ltmp5, $3  }
0x1fe: {  	_ =	sdelay $0x1  }
0x1ff: {  	[sflag:s8] =	ssyncset.done $0x0  }
0x200: {  	[sflag:s8] =	ssyncadd.s32 $0xFFFFD800  }
0x201: {  	_ =	sfence.sel $0x180000  }
0x202: {  	[bflag:$0x0] =	sbarrier.arrive $0xFFFF  }
0x203: {  	_ =	strace $0x9000004D  }
0x204: {  	s0 =	stileid.u32;
	[bflag:$0x2] =	sbarrier.arrive $0xFFFF  }
0x205: {  	p0 =	sne.s32 s0, $0x0;
	s0 =	rddreg [dreg:$0x2]  }
0x206: {  	s0 =	sadd.s32 @!p0 $0x100000, s0  }
0x207: {  	[sflag:s0] =	ssyncadd.tile.s32 @!p0 $0x1;
	_ =	shalt  }
.Lfunc_end2:
_tile_overlayer_lowered:
.L_overlay_start_2:
0x208: {  	(tag) =	ssettag $0x2  }
0x209: {  	s0 =	rddreg [dreg:$0x0];
	s2 =	stileid.u32  }
0x20a: {  	s1 =	rddreg [dreg:$0x1];
	p0 =	sne.s32 s2, $0x0  }
0x20b: {  	s3 =	rddreg [dreg:$0x2];
	[bflag:$0x3] =	sbarrier.arrive $0xFFFF;
	s2 =	simm.s32 @!p0 $0x1C03  }
0x20c: {  	[timem:s3], [sflag:s2] =	dma.local @!p0 [hbm:s0], s1  }
0x20d: {  	s0 =	simm.s32 @!p0 $0x3  }
0x20e: {  	_ =	swait.ge @!p0 [sflag:s0], s1  }
0x20f: {  	s1 =	ssub.s32 @!p0 $0x0, s1;
	[sflag:s0] =	ssyncset.done @!p0 $0x0  }
0x210: {  	[sflag:s0] =	ssyncadd.s32 @!p0 s1  }
0x211: {  	[bflag:$0x3] =	sbarrier.arrive $0xFFFF  }
0x212: {  	_ =	shalt  }

// kernel: kernel.8.cloned.1.call-start
scs
__scs_entry_jumppad:
0x0: {  	(pc) =	sbr.rel $0x88, $3  }
0x1: {  	(tag) =	ssettag $0x0;
	lr =	simm.s32 $0x1  }
0x2: {  	[smem:$0x3F94] =	sst lr;
	_ =	strace $0xD0000000  }
0x3: {  	_ = 	snop  }
0x4: {  	_ = 	snop  }
0x5: {  	_ = 	snop  }
0x6: {  	_ = 	snop  }
0x7: {  	_ = 	snop  }
__scs_overlays_trampoline_lowered:
0x8: {  	[smem:$0x3FA3] =	sst s0  }
0x9: {  	[smem:$0x3FA4] =	sst s1  }
0xa: {  	[smem:$0x3FA5] =	sst s2  }
0xb: {  	[smem:$0x3FA6] =	sst s3  }
0xc: {  	[smem:$0x3FA7] =	sst s4  }
0xd: {  	[smem:$0x3FA8] =	sst s5  }
0xe: {  	[smem:$0x3FA9] =	sst s6  }
0xf: {  	[smem:$0x3FAA] =	sst s7  }
0x10: {  	[smem:$0x3FAB] =	sst s8  }
0x11: {  	[smem:$0x3FAC] =	sst s9;
	s0 =	simm.s32 @!p0 $0x0  }
0x12: {  	s1 =	sld [smem:$0x3F92];
	s0 =	simm.s32 @p0 $0x1  }
0x13: {  	[smem:$0x3FAD] =	sst s0;
	s0 =	simm.s32 @!p1 $0x0  }
0x14: {  	s2 =	sld [smem:$0x3F91];
	s0 =	simm.s32 @p1 $0x1  }
0x15: {  	[smem:$0x3FAE] =	sst s0;
	s0 =	simm.s32 @!p2 $0x0  }
0x16: {  	s3 =	sld [smem:$0x3FDB];
	s0 =	simm.s32 @p2 $0x1  }
0x17: {  	s4 =	simm.s32 $0x1BF5;
	[smem:$0x3FB0] =	sst s0  }
0x18: {  	s0 =	sld [smem:$0x3F93];
	_ =	swait.ge [sflag:s4], $0x0  }
0x19: {  	s7 =	sld [smem:$0x3F94]  }
0x1a: {  	s8 =	sadd.s32 $0xFFFFE003, lr  }
0x1b: {  	s9 =	sadd.s32 $0xFFFFFEF7, lr;
	s5 =	simm.s32 $0xFFFFFFFF;
	p2 =	slt.u32 s8, $0xFFFFF086  }
0x1c: {  	p1 =	slt.u32 s9, $0xF7A;
	s5 =	simm.s32 @!p2 $0x0  }
0x1d: {  	s5 =	simm.s32 @p1 $0x1;
	p0 =	seq.s32 s7, s2  }
0x1e: {  	s7 =	smul.u32 @!p0 $0xF7A, s2;
	p2 =	seq.s32 @!p0 s5, $0x0  }
0x1f: {  	s9 =	smul.u32 $0xF7A, s1;
	s8 =	simm.s32 @!p0 $0x1BF5;
	p2 =	por !p2, p0  }
0x20: {  	[sflag:s8] =	ssyncset.s32 @!p0 $0xFFFFF086;
	s6 =	sadd.s32 @!p0 s3, s7;
	s7 =	simm.s32 @!p0 $0x108  }
0x21: {  	s3 =	sadd.s32 s3, s9;
	s6 =	sadd.s32 @!p0 $0x88, s6;
	s7 =	simm.s32 @p2 $0x1082  }
0x22: {  	[simem:s7], [sflag:s8] =	dma.local @!p0 [hbm:s6], $0xF7A  }
0x23: {  	s9 =	sor.u32 $0xD0000000, s2;
	s6 =	simm.s32 $0x108;
	_ =	swait.ge @!p0 [sflag:s8], $0x0  }
0x24: {  	s3 =	sadd.s32 $0x88, s3;
	s6 =	simm.s32 @!p1 $0x1082;
	[sflag:s4] =	ssyncset.s32 $0xFFFFF086  }
0x25: {  	[simem:s6], [sflag:s4] =	dma.local [hbm:s3], $0xF7A  }
0x26: {  	[smem:$0x3F94] =	sst s1;
	(tag) =	ssettag s2;
	_ =	strace s9  }
0x27: {  	s1 =	sld [smem:$0x3FA4]  }
0x28: {  	s2 =	sld [smem:$0x3FA5]  }
0x29: {  	s4 =	sld [smem:$0x3FA7]  }
0x2a: {  	p0 =	seq.s32 s5, $0x0;
	s5 =	sld [smem:$0x3FA8]  }
0x2b: {  	s6 =	sld [smem:$0x3FA9]  }
0x2c: {  	s7 =	sld [smem:$0x3FAA]  }
0x2d: {  	s3 =	simm.s32 $0x108;
	s8 =	sld [smem:$0x3FAB]  }
0x2e: {  	s3 =	simm.s32 @!p0 $0x1082;
	s9 =	sld [smem:$0x3FAC]  }
0x2f: {  	lr =	sadd.s32 s0, s3;
	s0 =	sld [smem:$0x3FA3]  }
0x30: {  	s3 =	sld [smem:$0x3FA6]  }
0x31: {  	[smem:$0x3FAF] =	sst s10  }
0x32: {  	s10 =	sld [smem:$0x3FAD];
	_ =	sdelay $0x3  }
0x33: {  	p0 =	seq.s32 s10, $0x1;
	s10 =	sld [smem:$0x3FAF];
	_ =	sdelay $0x3  }
0x34: {  	[smem:$0x3FAF] =	sst s10  }
0x35: {  	s10 =	sld [smem:$0x3FAE];
	_ =	sdelay $0x3  }
0x36: {  	p1 =	seq.s32 s10, $0x1;
	s10 =	sld [smem:$0x3FAF];
	_ =	sdelay $0x3  }
0x37: {  	[smem:$0x3FAF] =	sst s10  }
0x38: {  	s10 =	sld [smem:$0x3FB0]  }
0x39: {  	_ = 	snop;
	(pc) =	sbr.ind lr, $3  }
0x3a: {  	_ = 	snop  }
0x3b: {  	_ = 	snop  }
0x3c: {  	p2 =	seq.s32 s10, $0x1;
	s10 =	sld [smem:$0x3FAF]  }
0x3d: {  	_ =	shalt  }
0x3e: {  	_ =	shalt  }
0x3f: {  	_ =	shalt  }
0x40: {  	_ =	shalt  }
0x41: {  	_ =	shalt  }
0x42: {  	_ =	shalt  }
0x43: {  	_ =	shalt  }
0x44: {  	_ =	shalt  }
0x45: {  	_ =	shalt  }
0x46: {  	_ =	shalt  }
0x47: {  	_ =	shalt  }
0x48: {  	_ =	shalt  }
0x49: {  	_ =	shalt  }
0x4a: {  	_ =	shalt  }
0x4b: {  	_ =	shalt  }
0x4c: {  	_ =	shalt  }
0x4d: {  	_ =	shalt  }
0x4e: {  	_ =	shalt  }
0x4f: {  	_ =	shalt  }
0x50: {  	_ =	shalt  }
0x51: {  	_ =	shalt  }
0x52: {  	_ =	shalt  }
0x53: {  	_ =	shalt  }
0x54: {  	_ =	shalt  }
0x55: {  	_ =	shalt  }
0x56: {  	_ =	shalt  }
0x57: {  	_ =	shalt  }
0x58: {  	_ =	shalt  }
0x59: {  	_ =	shalt  }
0x5a: {  	_ =	shalt  }
0x5b: {  	_ =	shalt  }
0x5c: {  	_ =	shalt  }
0x5d: {  	_ =	shalt  }
0x5e: {  	_ =	shalt  }
0x5f: {  	_ =	shalt  }
0x60: {  	_ =	shalt  }
0x61: {  	_ =	shalt  }
0x62: {  	_ =	shalt  }
0x63: {  	_ =	shalt  }
0x64: {  	_ =	shalt  }
0x65: {  	_ =	shalt  }
0x66: {  	_ =	shalt  }
0x67: {  	_ =	shalt  }
0x68: {  	_ =	shalt  }
0x69: {  	_ =	shalt  }
0x6a: {  	_ =	shalt  }
0x6b: {  	_ =	shalt  }
0x6c: {  	_ =	shalt  }
0x6d: {  	_ =	shalt  }
0x6e: {  	_ =	shalt  }
0x6f: {  	_ =	shalt  }
0x70: {  	_ =	shalt  }
0x71: {  	_ =	shalt  }
0x72: {  	_ =	shalt  }
0x73: {  	_ =	shalt  }
0x74: {  	_ =	shalt  }
0x75: {  	_ =	shalt  }
0x76: {  	_ =	shalt  }
0x77: {  	_ =	shalt  }
0x78: {  	_ =	shalt  }
0x79: {  	_ =	shalt  }
0x7a: {  	_ =	shalt  }
0x7b: {  	_ =	shalt  }
0x7c: {  	_ =	shalt  }
0x7d: {  	_ =	shalt  }
0x7e: {  	_ =	shalt  }
0x7f: {  	_ =	shalt  }
0x80: {  	_ =	shalt  }
0x81: {  	_ =	shalt  }
0x82: {  	_ =	shalt  }
0x83: {  	_ =	shalt  }
0x84: {  	_ =	shalt  }
0x85: {  	_ =	shalt  }
0x86: {  	_ =	shalt  }
0x87: {  	_ =	shalt  }
.Lfunc_end0:
.L_simem_size_0:
called_computation_lowered:
.L_overlay_start_0:
0x88: {  	s2 =	sld [smem:$0x3FD9]  }
0x89: {  	s3 =	sld [smem:$0x3FFE];
	_ =	sdelay $0x1  }
0x8a: {  	s1 =	srdreg.scid  }
0x8b: {  	s0 =	sand.u32 $0x1, s1  }
0x8c: {  	s17 =	sshll.u32 s0, $0xA;
	s2 =	sadd.s32 s3, s2  }
0x8d: {  	s2 =	sadd.s32 s2, s17  }
0x8e: {  	[smem:$0x3FBB] =	sst s2  }
0x8f: {  	_ = 	snop  }
0x90: {  	s2 =	sld [smem:$0x3FD0];
	(tm) =	ssettm $0x1  }
0x91: {  	s18 =	sld [smem:$0x3FFB];
	_ =	sdelay $0x3  }
0x92: {  	_ =	strace s18  }
0x93: {  	s3 =	sld [smem:$0x3FFC];
	_ =	sdelay $0x3  }
0x94: {  	_ =	strace s3  }
0x95: {  	s3 =	sld [smem:$0x3FFD];
	_ =	sdelay $0x3  }
0x96: {  	_ =	strace s3  }
0x97: {  	_ =	strace $0x8FFFFFFF  }
0x98: {  	s19 =	sld [smem:$0x3FDB];
	_ =	sdelay $0x1  }
0x99: {  	s4 =	simm.s32 $_scs_section_size  }
0x9a: {  	s5 =	simm.s32 $_size__tile_overlayer_lowered;
	s6 =	simm.s32 $_tile_overlayer_lowered  }
0x9b: {  	s22 =	simm.s32 $0x1BFF;
	s21 =	sshll.u32 s6, $0x1;
	s3 =	sadd.s32 s4, s19  }
0x9c: {  	s7 =	simm.s32 $0x0;
	s20 =	sshll.u32 s5, $0x1;
	s5 =	sadd.s32 s21, s3  }
0x9d: {  	[timem:s7], [sflag:s22] =	dma.local [hbm:s5], s20  }
0x9e: {  	_ =	swait.ge [sflag:s22], s20  }
0x9f: {  	s4 =	ssub.s32 $0x0, s20;
	[sflag:s22] =	ssyncset.done $0x0  }
0xa0: {  	[sflag:s22] =	ssyncadd.s32 s4;
	_ =	sdelay $0x1  }
0xa1: {  	s23 =	simm.s32 $0x1B8B  }
0xa2: {  	_ =	swait.ge [sflag:s23], $0x1  }
0xa3: {  	[sflag:s23] =	ssyncset.done $0x0  }
0xa4: {  	s25 =	simm.s32 $0x1B8E;
	s24 =	sld [smem:$0x3FFE];
	[sflag:s23] =	ssyncadd.s32 $0xFFFFFFFF  }
0xa5: {  	s26 =	simm.s32 $execute0_lowered;
	[smem:$0x3FD2] =	sst s25  }
0xa6: {  	s5 =	sshll.u32 s26, $0x1;
	_ =	strace $0x80000046;
	[dreg:$0x1] =	wrdreg $0xFFFFFFFF  }
0xa7: {  	s28 =	simm.s32 $_size_execute0_lowered;
	s3 =	sadd.s32 s3, s5;
	[dreg:$0x0] =	wrdreg $0x0  }
0xa8: {  	s5 =	sshll.u32 s28, $0x1;
	[dreg:$0x2] =	wrdreg s3  }
0xa9: {  	[dreg:$0x3] =	wrdreg s5  }
0xaa: {  	[dreg:$0x4] =	wrdreg $0xC0  }
0xab: {  	_ =	task [dreg:s7], $0x5FFFF  }
0xac: {  	[dreg:$0x1] =	wrdreg $0xFFFFFFFF  }
0xad: {  	[dreg:$0x0] =	wrdreg $0x60  }
0xae: {  	[dreg:$0x2] =	wrdreg s24  }
0xaf: {  	[dreg:$0x3] =	wrdreg s2  }
0xb0: {  	[dreg:$0x4] =	wrdreg $0x9  }
0xb1: {  	_ =	task.clear_ibuf [dreg:s7], $0x5FFFF;
	_ =	strace $0x90000046  }
0xb2: {  	s29 =	simm.s32 $0x9;
	_ =	strace $0x80000048  }
0xb3: {  	_ =	swait.ge [sflag:s29], $0x1  }
0xb4: {  	[sflag:s29] =	ssyncadd.s32 $0xFFFFFFFF  }
0xb5: {  	_ =	strace $0x90000048  }
0xb6: {  	_ =	sfence  }
0xb7: {  	s30 =	sld [smem:$0x0];
	_ =	sdelay $0x2  }
0xb8: {  	s31 =	sshll.u32 s1, $0xD;
	s1 =	sshrl.u32 s1, $0x2  }
0xb9: {  	s3 =	sand.u32 $0x4000, s31;
	s1 =	sadd.s32 s1, s30  }
0xba: {  	s0 =	sor.u32 s3, s0;
	s1 =	sshll.u32 s1, $0x11  }
0xbb: {  	s0 =	sor.u32 s1, s0  }
0xbc: {  	s0 =	sadd.s32 $0x8F2B, s0  }
0xbd: {  	[sflag:s0] =	ssyncadd.remote.s32 $0x1  }
0xbe: {  	_ =	sfence.sel $0xFFFF  }
0xbf: {  	[dreg:$0x0] =	wrdreg $0xFFFFFFFF;
	(pc) =	sbr.abs _section_cstart, $3  }
0xc0: {  	[dreg:$0x1] =	wrdreg $0xFFFFFFFF  }
0xc1: {  	_ =	task.clear_ibuf [dreg:s7], $0x2FFFF;
	_ =	strace $0x9FFFFFFF  }
0xc2: {  	(tm) =	ssettm $0x7FFFFFFF  }
0xc3: {  	_ =	shalt  }
tec
execute0_lowered:
.L_overlay_start_1:
0x0: {  	(tag) =	ssettag $0x1  }
0x1: {  	s0 =	srdreg.scid;
	s5 =	rddreg [dreg:$0x0]  }
0x2: {  	s4 =	stileid.u32;
	s2 =	rddreg [dreg:$0x1];
	s3 =	simm.s32 $0x0  }
0x3: {  	s7 =	simm.s32 $0x3200;
	s15 =	simm.s32 $0x3A00;
	s16 =	simm.s32 $0x4200  }
0x4: {  	s18 =	simm.s32 $0x4A00;
	s19 =	simm.s32 $0x5200;
	[smem:$0x7FF] =	sst s3  }
0x5: {  	s20 =	simm.s32 $0x5A00;
	_ =	strace $0x80000047;
	[dreg:$0x3] =	wrdreg s7  }
0x6: {  	s21 =	simm.s32 $0x6200;
	s22 =	simm.s32 $0x6A00;
	[dreg:$0x4] =	wrdreg s15  }
0x7: {  	s23 =	simm.s32 $0x7200;
	s24 =	simm.s32 $0x7A00;
	[dreg:$0x5] =	wrdreg s16  }
0x8: {  	s10 =	simm.s32 $0x5;
	s25 =	simm.s32 $0x8200;
	[dreg:$0x6] =	wrdreg s18  }
0x9: {  	s26 =	simm.s32 $0x8A00;
	s12 =	simm.s32 $0x2A00;
	[dreg:$0x7] =	wrdreg s19  }
0xa: {  	s13 =	simm.s32 $0x9200;
	s28 =	simm.s32 $0x10200;
	[dreg:$0x8] =	wrdreg s20  }
0xb: {  	s29 =	simm.s32 $0x10A00;
	s30 =	simm.s32 $0x11200;
	[dreg:$0x9] =	wrdreg s21  }
0xc: {  	s31 =	simm.s32 $0x1;
	s0 =	sand.u32 $0x1, s0;
	[dreg:$0xa] =	wrdreg s22  }
0xd: {  	s1 =	sshll.u32 s4, $0x1;
	s6 =	smul.u32 $0x52800, s4;
	[dreg:$0xb] =	wrdreg s23  }
0xe: {  	s4 =	sadd.s32 $0xDA00, s5;
	s1 =	sor.u32 s0, s1;
	[dreg:$0xc] =	wrdreg s24  }
0xf: {  	s14 =	ssub.s32 $0x2, s0;
	s0 =	smul.u32 $0x29400, s0;
	[dreg:$0xd] =	wrdreg s25  }
0x10: {  	[dreg:$0xe] =	wrdreg s26;
	s15 =	simm.s32 $0xA200;
	s16 =	simm.s32 $0xAA00  }
0x11: {  	s18 =	simm.s32 $0xBA00;
	s19 =	simm.s32 $0xC200;
	s1 =	smul.u32 $0x14A0, s1  }
0x12: {  	s20 =	simm.s32 $0xCA00;
	s21 =	simm.s32 $0xD200;
	s22 =	simm.s32 $0xDA00  }
0x13: {  	s23 =	simm.s32 $0xE200;
	s24 =	simm.s32 $0xEA00;
	s1 =	sshrl.u32 s1, $0x3  }
0x14: {  	s25 =	simm.s32 $0xF200;
	s26 =	simm.s32 $0xFA00;
	s1 =	sadd.s32 s1, s5  }
0x15: {  	s8 =	sshrl.u32 s14, $0x1;
	s5 =	sadd.s32 s6, s5;
	s17 =	sadd.s32 $0x3200, s1  }
0x16: {  	s6 =	ssub.s32 s14, s8;
	s1 =	sadd.s32 $0x8600, s1;
	[dreg:$0xf] =	wrdreg s17  }
0x17: {  	s6 =	smax.u32 s6, $0x1;
	s0 =	sadd.s32 s0, s5;
	[dreg:$0x10] =	wrdreg s1  }
0x18: {  	v2 =	vlaneseq.u32;
	s14 =	simm.s32 $0x9A00;
	[dreg:$0x11] =	wrdreg s6;
	s5 =	sadd.s32 $0x5AAE00, s0  }
0x19: {  	vm0 =	vmmov $0xffff;
	v1 =	vshrl.u32 v2, $0x3;
	s0 =	sadd.s32 $0x82E00, s0;
	s17 =	simm.s32 $0xB200;
	[dreg:$0x12] =	wrdreg s5  }
0x1a: {  	v0 =	vand.u32 $0x7, v2;
	v2 =	vor.u32 $0x8, v2;
	v1 =	vmul.u32 $0x8, v1;
	s1 =	simm.s32 $0x2;
	[dreg:$0x13] =	wrdreg s0;
	s5 =	simm.s32 $0x0  }
.LBB2_1:
0x1b: {  	s0 =	rddreg [dreg:$0xf]  }
0x1c: {  	[tilespmem:s3], [sflag:$0x5] =	stream.linear.gather [hbm4b:s0+s3], $0x14A0, $0x38;
	[tilespmem:$0x11A00] =	vst v63  }
0x1d: {  	_ =	swait.ge [sflag:s10], $0x14A0  }
0x1e: {  	[sflag:s10] =	ssyncset.done $0x0  }
0x1f: {  	s6 =	simm.s32 $0x1500;
	s11 =	rddreg [dreg:$0x10];
	[sflag:s10] =	ssyncadd.s32 $0xFFFFEB60  }
0x20: {  	[tilespmem:s6], [sflag:$0x5] =	stream.linear.gather [hbm4b:s11+s3], $0x14A0, $0x38;
	[tilespmem:$0x11A00] =	vst v63  }
0x21: {  	_ =	swait.ge [sflag:s10], $0x14A0  }
0x22: {  	[sflag:s10] =	ssyncset.done $0x0;
	s9 =	rddreg [dreg:$0x13]  }
0x23: {  	s7 =	simm.s32 $0x0;
	s8 =	rddreg [dreg:$0x12];
	[sflag:s10] =	ssyncadd.s32 $0xFFFFEB60  }
.LBB2_2:
0x24: {  	p0 =	seq.s32 s7, $0x0  }
0x25: {  	s6 =	simm.s32 @!p0 $0x3  }
0x26: {  	_ =	swait.ge @!p0 [sflag:s6], $0x7800  }
0x27: {  	[sflag:s6] =	ssyncset.done @!p0 $0x0  }
0x28: {  	[sflag:s6] =	ssyncadd.s32 @!p0 $0xFFFF8800;
	s6 =	simm.s32 @!p0 $0x4  }
0x29: {  	_ =	swait.ge @!p0 [sflag:s6], $0x7800  }
0x2a: {  	[sflag:s6] =	ssyncset.done @!p0 $0x0  }
0x2b: {  	[sflag:s6] =	ssyncadd.s32 @!p0 $0xFFFF8800;
	s6 =	sshra.s32 s7, $0x2  }
0x2c: {  	v3 =	vld [tilespmem:s6+$0x0];
	_ =	sdelay $0x4  }
0x2d: {  	v4 =	vshll.u32 v3, $0x1  }
0x2e: {  	v3 =	vand.u32 $0x7, v3;
	v4 =	vand.u32 $0xFFFFFFF0, v4  }
0x2f: {  	v3 =	vor.u32 v3, v4  }
0x30: {  	v4 =	vperm.xlane v3, v0;
	_ =	sdelay $0x1  }
0x31: {  	v3 =	vperm.xlane v3, v2;
	v4 =	vadd.s32 v1, v4;
	_ =	sdelay $0x1  }
0x32: {  	v3 =	vadd.s32 v1, v3;
	_ =	sdelay $0x2  }
0x33: {  	[tilespmem:s12], [sflag:$0x1] =	stream.indirect_vreg.gather [hbm4b:s4+s3], $0x80, v4, vm0, $0xb8;
	[tilespmem:$0x11A00] =	vst v63  }
0x34: {  	s0 =	rddreg [dreg:$0x3]  }
0x35: {  	[tilespmem:s0], [sflag:$0x1] =	stream.indirect_vreg.gather [hbm4b:s4+s3], $0x80, v3, vm0, $0xb8;
	[tilespmem:$0x11A00] =	vst v63  }
0x36: {  	v3 =	vld [tilespmem:s6+$0x10];
	_ =	sdelay $0x4  }
0x37: {  	v49 =	vshll.u32 v3, $0x1  }
0x38: {  	v3 =	vand.u32 $0x7, v3;
	v4 =	vand.u32 $0xFFFFFFF0, v49  }
0x39: {  	v3 =	vor.u32 v3, v4  }
0x3a: {  	v4 =	vperm.xlane v3, v0;
	_ =	sdelay $0x1  }
0x3b: {  	v3 =	vperm.xlane v3, v2;
	v4 =	vadd.s32 v1, v4;
	_ =	sdelay $0x1  }
0x3c: {  	v3 =	vadd.s32 v1, v3;
	_ =	sdelay $0x1  }
0x3d: {  	s0 =	rddreg [dreg:$0x4]  }
0x3e: {  	[tilespmem:s0], [sflag:$0x1] =	stream.indirect_vreg.gather [hbm4b:s4+s3], $0x80, v4, vm0, $0xb8;
	[tilespmem:$0x11A00] =	vst v63  }
0x3f: {  	s11 =	rddreg [dreg:$0x5]  }
0x40: {  	[tilespmem:s11], [sflag:$0x1] =	stream.indirect_vreg.gather [hbm4b:s4+s3], $0x80, v3, vm0, $0xb8;
	[tilespmem:$0x11A00] =	vst v63  }
0x41: {  	v3 =	vld [tilespmem:s6+$0x20];
	_ =	sdelay $0x4  }
0x42: {  	v50 =	vshll.u32 v3, $0x1  }
0x43: {  	v3 =	vand.u32 $0x7, v3;
	v4 =	vand.u32 $0xFFFFFFF0, v50  }
0x44: {  	v3 =	vor.u32 v3, v4  }
0x45: {  	v4 =	vperm.xlane v3, v0;
	_ =	sdelay $0x1  }
0x46: {  	v3 =	vperm.xlane v3, v2;
	v4 =	vadd.s32 v1, v4;
	_ =	sdelay $0x1  }
0x47: {  	v3 =	vadd.s32 v1, v3;
	_ =	sdelay $0x1  }
0x48: {  	s0 =	rddreg [dreg:$0x6]  }
0x49: {  	[tilespmem:s0], [sflag:$0x1] =	stream.indirect_vreg.gather [hbm4b:s4+s3], $0x80, v4, vm0, $0xb8;
	[tilespmem:$0x11A00] =	vst v63  }
0x4a: {  	s11 =	rddreg [dreg:$0x7]  }
0x4b: {  	[tilespmem:s11], [sflag:$0x1] =	stream.indirect_vreg.gather [hbm4b:s4+s3], $0x80, v3, vm0, $0xb8;
	[tilespmem:$0x11A00] =	vst v63  }
0x4c: {  	v3 =	vld [tilespmem:s6+$0x30];
	_ =	sdelay $0x4  }
0x4d: {  	v51 =	vshll.u32 v3, $0x1  }
0x4e: {  	v3 =	vand.u32 $0x7, v3;
	v4 =	vand.u32 $0xFFFFFFF0, v51  }
0x4f: {  	v3 =	vor.u32 v3, v4  }
0x50: {  	v4 =	vperm.xlane v3, v0;
	_ =	sdelay $0x1  }
0x51: {  	v3 =	vperm.xlane v3, v2;
	v4 =	vadd.s32 v1, v4;
	_ =	sdelay $0x1  }
0x52: {  	v3 =	vadd.s32 v1, v3;
	_ =	sdelay $0x1  }
0x53: {  	s0 =	rddreg [dreg:$0x8]  }
0x54: {  	[tilespmem:s0], [sflag:$0x1] =	stream.indirect_vreg.gather [hbm4b:s4+s3], $0x80, v4, vm0, $0xb8;
	[tilespmem:$0x11A00] =	vst v63  }
0x55: {  	s11 =	rddreg [dreg:$0x9]  }
0x56: {  	[tilespmem:s11], [sflag:$0x1] =	stream.indirect_vreg.gather [hbm4b:s4+s3], $0x80, v3, vm0, $0xb8;
	[tilespmem:$0x11A00] =	vst v63  }
0x57: {  	v3 =	vld [tilespmem:s6+$0x40];
	_ =	sdelay $0x4  }
0x58: {  	v52 =	vshll.u32 v3, $0x1  }
0x59: {  	v3 =	vand.u32 $0x7, v3;
	v4 =	vand.u32 $0xFFFFFFF0, v52  }
0x5a: {  	v3 =	vor.u32 v3, v4  }
0x5b: {  	v4 =	vperm.xlane v3, v0;
	_ =	sdelay $0x1  }
0x5c: {  	v3 =	vperm.xlane v3, v2;
	v4 =	vadd.s32 v1, v4;
	_ =	sdelay $0x1  }
0x5d: {  	v3 =	vadd.s32 v1, v3;
	_ =	sdelay $0x1  }
0x5e: {  	s0 =	rddreg [dreg:$0xa]  }
0x5f: {  	[tilespmem:s0], [sflag:$0x1] =	stream.indirect_vreg.gather [hbm4b:s4+s3], $0x80, v4, vm0, $0xb8;
	[tilespmem:$0x11A00] =	vst v63  }
0x60: {  	s11 =	rddreg [dreg:$0xb]  }
0x61: {  	[tilespmem:s11], [sflag:$0x1] =	stream.indirect_vreg.gather [hbm4b:s4+s3], $0x80, v3, vm0, $0xb8;
	[tilespmem:$0x11A00] =	vst v63  }
0x62: {  	v3 =	vld [tilespmem:s6+$0x50];
	_ =	sdelay $0x4  }
0x63: {  	v53 =	vshll.u32 v3, $0x1  }
0x64: {  	v3 =	vand.u32 $0x7, v3;
	v4 =	vand.u32 $0xFFFFFFF0, v53  }
0x65: {  	v3 =	vor.u32 v3, v4  }
0x66: {  	v4 =	vperm.xlane v3, v0;
	_ =	sdelay $0x1  }
0x67: {  	v3 =	vperm.xlane v3, v2;
	v4 =	vadd.s32 v1, v4;
	_ =	sdelay $0x1  }
0x68: {  	v3 =	vadd.s32 v1, v3;
	_ =	sdelay $0x1  }
0x69: {  	s0 =	rddreg [dreg:$0xc]  }
0x6a: {  	[tilespmem:s0], [sflag:$0x1] =	stream.indirect_vreg.gather [hbm4b:s4+s3], $0x80, v4, vm0, $0xb8;
	[tilespmem:$0x11A00] =	vst v63  }
0x6b: {  	s11 =	rddreg [dreg:$0xd]  }
0x6c: {  	[tilespmem:s11], [sflag:$0x1] =	stream.indirect_vreg.gather [hbm4b:s4+s3], $0x80, v3, vm0, $0xb8;
	[tilespmem:$0x11A00] =	vst v63  }
0x6d: {  	v3 =	vld [tilespmem:s6+$0x60];
	_ =	sdelay $0x4  }
0x6e: {  	v54 =	vshll.u32 v3, $0x1  }
0x6f: {  	v3 =	vand.u32 $0x7, v3;
	v4 =	vand.u32 $0xFFFFFFF0, v54  }
0x70: {  	v3 =	vor.u32 v3, v4  }
0x71: {  	v4 =	vperm.xlane v3, v0;
	_ =	sdelay $0x1  }
0x72: {  	v3 =	vperm.xlane v3, v2;
	v4 =	vadd.s32 v1, v4;
	_ =	sdelay $0x1  }
0x73: {  	v3 =	vadd.s32 v1, v3;
	_ =	sdelay $0x1  }
0x74: {  	s11 =	rddreg [dreg:$0xe]  }
0x75: {  	[tilespmem:s11], [sflag:$0x1] =	stream.indirect_vreg.gather [hbm4b:s4+s3], $0x80, v4, vm0, $0xb8;
	[tilespmem:$0x11A00] =	vst v63  }
0x76: {  	_ = 	snop  }
0x77: {  	[tilespmem:s13], [sflag:$0x1] =	stream.indirect_vreg.gather [hbm4b:s4+s3], $0x80, v3, vm0, $0xb8;
	[tilespmem:$0x11A00] =	vst v63  }
0x78: {  	v3 =	vld.msk [tilespmem:s6+$0x70], $0xff;
	_ =	sdelay $0x4  }
0x79: {  	v55 =	vshll.u32 v3, $0x1  }
0x7a: {  	v3 =	vand.u32 $0x7, v3;
	v4 =	vand.u32 $0xFFFFFFF0, v55  }
0x7b: {  	v3 =	vor.u32 v3, v4  }
0x7c: {  	v3 =	vperm.xlane v3, v0;
	_ =	sdelay $0x1  }
0x7d: {  	v3 =	vadd.s32 v1, v3;
	_ =	sdelay $0x4  }
0x7e: {  	[tilespmem:s14], [sflag:$0x1] =	stream.indirect_vreg.gather [hbm4b:s4+s3], $0x80, v3, vm0, $0xb8;
	[tilespmem:$0x11A00] =	vst v63  }
0x7f: {  	v3 =	vld [tilespmem:s6+$0x1500];
	_ =	sdelay $0x4  }
0x80: {  	v56 =	vshll.u32 v3, $0x1  }
0x81: {  	v3 =	vand.u32 $0x7, v3;
	v4 =	vand.u32 $0xFFFFFFF0, v56  }
0x82: {  	v3 =	vor.u32 v3, v4  }
0x83: {  	v4 =	vperm.xlane v3, v0;
	_ =	sdelay $0x1  }
0x84: {  	v3 =	vperm.xlane v3, v2;
	v4 =	vadd.s32 v1, v4;
	_ =	sdelay $0x1  }
0x85: {  	v3 =	vadd.s32 v1, v3;
	_ =	sdelay $0x2  }
0x86: {  	[tilespmem:s15], [sflag:$0x2] =	stream.indirect_vreg.gather [hbm4b:s2+s3], $0x80, v4, vm0, $0xb8;
	[tilespmem:$0x11A00] =	vst v63  }
0x87: {  	_ = 	snop  }
0x88: {  	[tilespmem:s16], [sflag:$0x2] =	stream.indirect_vreg.gather [hbm4b:s2+s3], $0x80, v3, vm0, $0xb8;
	[tilespmem:$0x11A00] =	vst v63  }
0x89: {  	v3 =	vld [tilespmem:s6+$0x1510];
	_ =	sdelay $0x4  }
0x8a: {  	v57 =	vshll.u32 v3, $0x1  }
0x8b: {  	v3 =	vand.u32 $0x7, v3;
	v4 =	vand.u32 $0xFFFFFFF0, v57  }
0x8c: {  	v3 =	vor.u32 v3, v4  }
0x8d: {  	v4 =	vperm.xlane v3, v0;
	_ =	sdelay $0x1  }
0x8e: {  	v3 =	vperm.xlane v3, v2;
	v4 =	vadd.s32 v1, v4;
	_ =	sdelay $0x1  }
0x8f: {  	v3 =	vadd.s32 v1, v3;
	_ =	sdelay $0x2  }
0x90: {  	[tilespmem:s17], [sflag:$0x2] =	stream.indirect_vreg.gather [hbm4b:s2+s3], $0x80, v4, vm0, $0xb8;
	[tilespmem:$0x11A00] =	vst v63  }
0x91: {  	_ = 	snop  }
0x92: {  	[tilespmem:s18], [sflag:$0x2] =	stream.indirect_vreg.gather [hbm4b:s2+s3], $0x80, v3, vm0, $0xb8;
	[tilespmem:$0x11A00] =	vst v63  }
0x93: {  	v3 =	vld [tilespmem:s6+$0x1520];
	_ =	sdelay $0x4  }
0x94: {  	v58 =	vshll.u32 v3, $0x1  }
0x95: {  	v3 =	vand.u32 $0x7, v3;
	v4 =	vand.u32 $0xFFFFFFF0, v58  }
0x96: {  	v3 =	vor.u32 v3, v4  }
0x97: {  	v4 =	vperm.xlane v3, v0;
	_ =	sdelay $0x1  }
0x98: {  	v3 =	vperm.xlane v3, v2;
	v4 =	vadd.s32 v1, v4;
	_ =	sdelay $0x1  }
0x99: {  	v3 =	vadd.s32 v1, v3;
	_ =	sdelay $0x2  }
0x9a: {  	[tilespmem:s19], [sflag:$0x2] =	stream.indirect_vreg.gather [hbm4b:s2+s3], $0x80, v4, vm0, $0xb8;
	[tilespmem:$0x11A00] =	vst v63  }
0x9b: {  	_ = 	snop  }
0x9c: {  	[tilespmem:s20], [sflag:$0x2] =	stream.indirect_vreg.gather [hbm4b:s2+s3], $0x80, v3, vm0, $0xb8;
	[tilespmem:$0x11A00] =	vst v63  }
0x9d: {  	v3 =	vld [tilespmem:s6+$0x1530];
	_ =	sdelay $0x4  }
0x9e: {  	v59 =	vshll.u32 v3, $0x1  }
0x9f: {  	v3 =	vand.u32 $0x7, v3;
	v4 =	vand.u32 $0xFFFFFFF0, v59  }
0xa0: {  	v3 =	vor.u32 v3, v4  }
0xa1: {  	v4 =	vperm.xlane v3, v0;
	_ =	sdelay $0x1  }
0xa2: {  	v3 =	vperm.xlane v3, v2;
	v4 =	vadd.s32 v1, v4;
	_ =	sdelay $0x1  }
0xa3: {  	v3 =	vadd.s32 v1, v3;
	_ =	sdelay $0x2  }
0xa4: {  	[tilespmem:s21], [sflag:$0x2] =	stream.indirect_vreg.gather [hbm4b:s2+s3], $0x80, v4, vm0, $0xb8;
	[tilespmem:$0x11A00] =	vst v63  }
0xa5: {  	_ = 	snop  }
0xa6: {  	[tilespmem:s22], [sflag:$0x2] =	stream.indirect_vreg.gather [hbm4b:s2+s3], $0x80, v3, vm0, $0xb8;
	[tilespmem:$0x11A00] =	vst v63  }
0xa7: {  	v3 =	vld [tilespmem:s6+$0x1540];
	_ =	sdelay $0x4  }
0xa8: {  	v60 =	vshll.u32 v3, $0x1  }
0xa9: {  	v3 =	vand.u32 $0x7, v3;
	v4 =	vand.u32 $0xFFFFFFF0, v60  }
0xaa: {  	v3 =	vor.u32 v3, v4  }
0xab: {  	v4 =	vperm.xlane v3, v0;
	_ =	sdelay $0x1  }
0xac: {  	v3 =	vperm.xlane v3, v2;
	v4 =	vadd.s32 v1, v4;
	_ =	sdelay $0x1  }
0xad: {  	v3 =	vadd.s32 v1, v3;
	_ =	sdelay $0x2  }
0xae: {  	[tilespmem:s23], [sflag:$0x2] =	stream.indirect_vreg.gather [hbm4b:s2+s3], $0x80, v4, vm0, $0xb8;
	[tilespmem:$0x11A00] =	vst v63  }
0xaf: {  	_ = 	snop  }
0xb0: {  	[tilespmem:s24], [sflag:$0x2] =	stream.indirect_vreg.gather [hbm4b:s2+s3], $0x80, v3, vm0, $0xb8;
	[tilespmem:$0x11A00] =	vst v63  }
0xb1: {  	v3 =	vld [tilespmem:s6+$0x1550];
	_ =	sdelay $0x4  }
0xb2: {  	v61 =	vshll.u32 v3, $0x1  }
0xb3: {  	v3 =	vand.u32 $0x7, v3;
	v4 =	vand.u32 $0xFFFFFFF0, v61  }
0xb4: {  	v3 =	vor.u32 v3, v4  }
0xb5: {  	v4 =	vperm.xlane v3, v0;
	_ =	sdelay $0x1  }
0xb6: {  	v3 =	vperm.xlane v3, v2;
	v4 =	vadd.s32 v1, v4;
	_ =	sdelay $0x1  }
0xb7: {  	v3 =	vadd.s32 v1, v3;
	_ =	sdelay $0x2  }
0xb8: {  	[tilespmem:s25], [sflag:$0x2] =	stream.indirect_vreg.gather [hbm4b:s2+s3], $0x80, v4, vm0, $0xb8;
	[tilespmem:$0x11A00] =	vst v63  }
0xb9: {  	_ = 	snop  }
0xba: {  	[tilespmem:s26], [sflag:$0x2] =	stream.indirect_vreg.gather [hbm4b:s2+s3], $0x80, v3, vm0, $0xb8;
	[tilespmem:$0x11A00] =	vst v63  }
0xbb: {  	v3 =	vld [tilespmem:s6+$0x1560];
	_ =	sdelay $0x4  }
0xbc: {  	v62 =	vshll.u32 v3, $0x1  }
0xbd: {  	v3 =	vand.u32 $0x7, v3;
	v4 =	vand.u32 $0xFFFFFFF0, v62  }
0xbe: {  	v3 =	vor.u32 v3, v4  }
0xbf: {  	v4 =	vperm.xlane v3, v0;
	_ =	sdelay $0x1  }
0xc0: {  	v3 =	vperm.xlane v3, v2;
	v4 =	vadd.s32 v1, v4;
	_ =	sdelay $0x1  }
0xc1: {  	v3 =	vadd.s32 v1, v3;
	_ =	sdelay $0x2  }
0xc2: {  	[tilespmem:s28], [sflag:$0x2] =	stream.indirect_vreg.gather [hbm4b:s2+s3], $0x80, v4, vm0, $0xb8;
	[tilespmem:$0x11A00] =	vst v63  }
0xc3: {  	_ = 	snop  }
0xc4: {  	[tilespmem:s29], [sflag:$0x2] =	stream.indirect_vreg.gather [hbm4b:s2+s3], $0x80, v3, vm0, $0xb8;
	[tilespmem:$0x11A00] =	vst v63  }
0xc5: {  	v3 =	vld.msk [tilespmem:s6+$0x1570], $0xff;
	_ =	sdelay $0x4  }
0xc6: {  	v63 =	vshll.u32 v3, $0x1  }
0xc7: {  	v3 =	vand.u32 $0x7, v3;
	v4 =	vand.u32 $0xFFFFFFF0, v63  }
0xc8: {  	v3 =	vor.u32 v3, v4  }
0xc9: {  	v3 =	vperm.xlane v3, v0;
	_ =	sdelay $0x1  }
0xca: {  	v3 =	vadd.s32 v1, v3;
	_ =	sdelay $0x4  }
0xcb: {  	[tilespmem:s30], [sflag:$0x2] =	stream.indirect_vreg.gather [hbm4b:s2+s3], $0x80, v3, vm0, $0xb8;
	[tilespmem:$0x11A00] =	vst v63  }
0xcc: {  	_ =	swait.ge [sflag:s31], $0x7800  }
0xcd: {  	s7 =	sadd.s32 $0x1E0, s7;
	[sflag:s31] =	ssyncset.done $0x0  }
0xce: {  	p0 =	sne.s32 s7, $0x5280;
	[sflag:s31] =	ssyncadd.s32 $0xFFFF8800  }
0xcf: {  	[hbm4b:s9+s3] =	stream.linear.scatter [tilespmem:s12], [sflag:$0x3], $0x7800, $0x38;
	[tilespmem:$0x11A00] =	vst v63  }
.Ltmp0:
0xd0: {  	_ =	swait.ge [sflag:s1], $0x7800;
	(pc) =	sbr.rel @p0 .LBB2_2-.Ltmp0, $4  }
0xd1: {  	[sflag:s1] =	ssyncset.done $0x0  }
0xd2: {  	[sflag:s1] =	ssyncadd.s32 $0xFFFF8800  }
0xd3: {  	[hbm4b:s8+s3] =	stream.linear.scatter [tilespmem:s15], [sflag:$0x4], $0x7800, $0x38;
	[tilespmem:$0x11A00] =	vst v63  }
0xd4: {  	s9 =	sadd.s32 $0xF00, s9;
	s8 =	sadd.s32 $0xF00, s8  }
0xd5: {  	s0 =	simm.s32 $0x3  }
0xd6: {  	_ =	swait.ge [sflag:s0], $0x7800  }
0xd7: {  	[sflag:s0] =	ssyncset.done $0x0  }
0xd8: {  	s6 =	simm.s32 $0x4;
	[sflag:s0] =	ssyncadd.s32 $0xFFFF8800  }
0xd9: {  	_ =	swait.ge [sflag:s6], $0x7800  }
0xda: {  	s5 =	sadd.s32 $0x1, s5;
	s11 =	rddreg [dreg:$0x11]  }
0xdb: {  	p0 =	sne.s32 s5, s11  }
.Ltmp1:
0xdc: {  	_ = 	snop;
	(pc) =	sbr.rel @p0 .LBB2_1-.Ltmp1, $3  }
0xdd: {  	_ =	sdelay $0x1  }
0xde: {  	[sflag:s6] =	ssyncset.done $0x0  }
0xdf: {  	[sflag:s6] =	ssyncadd.s32 $0xFFFF8800  }
0xe0: {  	_ =	sfence.sel $0x180000  }
0xe1: {  	[bflag:$0x0] =	sbarrier.arrive $0xFFFF  }
0xe2: {  	_ =	strace $0x90000047  }
0xe3: {  	s0 =	stileid.u32;
	[bflag:$0x2] =	sbarrier.arrive $0xFFFF  }
0xe4: {  	p0 =	sne.s32 s0, $0x0;
	s0 =	rddreg [dreg:$0x2]  }
0xe5: {  	s0 =	sadd.s32 @!p0 $0x100000, s0  }
0xe6: {  	[sflag:s0] =	ssyncadd.tile.s32 @!p0 $0x1;
	_ =	shalt  }
.Lfunc_end2:
_tile_overlayer_lowered:
.L_overlay_start_2:
0xe7: {  	(tag) =	ssettag $0x2  }
0xe8: {  	s0 =	rddreg [dreg:$0x0];
	s2 =	stileid.u32  }
0xe9: {  	s1 =	rddreg [dreg:$0x1];
	p0 =	sne.s32 s2, $0x0  }
0xea: {  	s3 =	rddreg [dreg:$0x2];
	[bflag:$0x3] =	sbarrier.arrive $0xFFFF;
	s2 =	simm.s32 @!p0 $0x1C05  }
0xeb: {  	[timem:s3], [sflag:s2] =	dma.local @!p0 [hbm:s0], s1  }
0xec: {  	s0 =	simm.s32 @!p0 $0x5  }
0xed: {  	_ =	swait.ge @!p0 [sflag:s0], s1  }
0xee: {  	s1 =	ssub.s32 @!p0 $0x0, s1;
	[sflag:s0] =	ssyncset.done @!p0 $0x0  }
0xef: {  	[sflag:s0] =	ssyncadd.s32 @!p0 s1  }
0xf0: {  	[bflag:$0x3] =	sbarrier.arrive $0xFFFF  }
0xf1: {  	_ =	shalt  }

</sc_bundles>
